<compile_context>
chip_gen: v7x
topology: tpu7x:2x2x1
jax: 0.10.2.dev20260603
libtpu: 0.0.44.dev20260713+nightly
codegen_flags: <defaults>
</compile_context>

<pallas_src>
import functools

import jax
import jax.numpy as jnp
from jax import lax
from jax.experimental import pallas as pl
from jax.experimental.pallas import tpu as pltpu
from jax.experimental.pallas import tpu_sc as plsc

B = 100
NPG = 100
D = 128
N = B * NPG
E = 320000
K1, K2, K3 = 50, 25, 13


_NC = 2
_NS = 16
_NW = _NC * _NS
_EPW = E // _NW
_BK = 128
_NB = _EPW // _BK
_TL = _EPW - _NB * _BK
_CH = 400
_NCH = N // _CH


def _sc_segsum_body(h_hbm, src_hbm, dst_hbm, zeros_hbm, out_hbm,
                    src_all, d0, d1, rows0, rows1, dt, rowst, acc,
                    gsem0, gsem1, dsem0, dsem1, tsem):
    c = lax.axis_index("c")
    s = lax.axis_index("s")
    wid = s * _NC + c
    base = wid * _EPW

    for j in range(2):
        cid = s + j * _NS

        @pl.when(cid < _NCH)
        def _():
            pltpu.sync_copy(zeros_hbm, acc.at[pl.ds(cid * _CH, _CH)])

    pltpu.sync_copy(src_hbm.at[pl.ds(base, _EPW)], src_all)
    plsc.subcore_barrier()

    pltpu.async_copy(h_hbm.at[src_all.at[pl.ds(0, _BK)]], rows0, gsem0)
    pltpu.async_copy(h_hbm.at[src_all.at[pl.ds(_BK, _BK)]], rows1, gsem1)
    pltpu.async_copy(dst_hbm.at[pl.ds(base, _BK)], d0, dsem0)
    pltpu.async_copy(dst_hbm.at[pl.ds(base + _BK, _BK)], d1, dsem1)

    def slot(bid, dv, rows, gsem, dsem):
        pltpu.make_async_copy(dst_hbm.at[pl.ds(base, _BK)], dv, dsem).wait()
        pltpu.make_async_copy(h_hbm.at[src_all.at[pl.ds(0, _BK)]],
                              rows, gsem).wait()
        pltpu.sync_copy(rows, acc.at[dv], add=True)

        @pl.when(bid + 2 < _NB)
        def _():
            nxt = (bid + 2) * _BK
            pltpu.async_copy(h_hbm.at[src_all.at[pl.ds(nxt, _BK)]],
                             rows, gsem)
            pltpu.async_copy(dst_hbm.at[pl.ds(base + nxt, _BK)], dv, dsem)

    def body(jj, carry):
        slot(2 * jj, d0, rows0, gsem0, dsem0)
        slot(2 * jj + 1, d1, rows1, gsem1, dsem1)
        return carry

    lax.fori_loop(0, _NB // 2, body, 0)

    pltpu.async_copy(h_hbm.at[src_all.at[pl.ds(_NB * _BK, _TL)]],
                     rowst, tsem).wait()
    pltpu.sync_copy(dst_hbm.at[pl.ds(base + _NB * _BK, _TL)], dt)
    pltpu.sync_copy(rowst, acc.at[dt], add=True)

    plsc.subcore_barrier()
    for j in range(2):
        cid = s + j * _NS

        @pl.when(cid < _NCH)
        def _():
            pltpu.sync_copy(acc.at[pl.ds(cid * _CH, _CH)],
                            out_hbm.at[c, pl.ds(cid * _CH, _CH)])


@functools.cache
def _sc_segsum_fn():
    return pl.kernel(
        _sc_segsum_body,
        out_type=jax.ShapeDtypeStruct((_NC, N, D), jnp.float32),
        mesh=plsc.VectorSubcoreMesh(core_axis_name="c", subcore_axis_name="s"),
        scratch_types=[
            pltpu.VMEM((_EPW,), jnp.int32),
            pltpu.VMEM((_BK,), jnp.int32),
            pltpu.VMEM((_BK,), jnp.int32),
            pltpu.VMEM((_BK, D), jnp.float32),
            pltpu.VMEM((_BK, D), jnp.float32),
            pltpu.VMEM((_TL,), jnp.int32),
            pltpu.VMEM((_TL, D), jnp.float32),
            pltpu.VMEM_SHARED((N, D), jnp.float32),
            pltpu.SemaphoreType.DMA,
            pltpu.SemaphoreType.DMA,
            pltpu.SemaphoreType.DMA,
            pltpu.SemaphoreType.DMA,
            pltpu.SemaphoreType.DMA,
        ],
    )


def _sc_segsum(h, src, dst, zeros):
    return _sc_segsum_fn()(h, src, dst, zeros)


_GB = 10
_RB = _GB * NPG
_NEG = -3e38


def _block_conv(part_ref, hp_ref, wrel_ref, brel_ref, wroot_ref, q_ref,
                pn_ref):
    aggr = part_ref[0] + part_ref[1]
    t = (jnp.dot(aggr, wrel_ref[...], preferred_element_type=jnp.float32)
         + brel_ref[...]
         + jnp.dot(hp_ref[...], wroot_ref[...],
                   preferred_element_type=jnp.float32))
    h = jnp.maximum(t, 0.0)
    u = jnp.dot(h, q_ref[...], preferred_element_type=jnp.float32)
    score = jnp.tanh(u / pn_ref[0, 0])
    return h, score


def _graph_pool(h, score, og_ref, g, k):
    sc = score[g * NPG:(g + 1) * NPG, 0]
    hg = h[g * NPG:(g + 1) * NPG, :]
    ordk = og_ref[0, g, :]
    alive = ordk < NPG
    s = jnp.where(alive, sc, _NEG)
    a = s[:, None]
    b = s[None, :]
    oi = ordk[:, None]
    oj = ordk[None, :]
    better = (b > a) | ((b == a) & (oj < oi))
    rank = jnp.sum(better.astype(jnp.float32), axis=1).astype(jnp.int32)
    keep = (rank < k) & alive
    m = jnp.where(keep, sc, 0.0)
    hm = hg * m[:, None]
    mx = jnp.max(jnp.where(keep[:, None], hm, _NEG), axis=0)
    mn = jnp.sum(hm, axis=0) / k
    return keep, rank, m, mx, mn


def _tcs_body(part_ref, hp_ref, wrel_ref, brel_ref, wroot_ref, q_ref,
              pn_ref, og_ref, hm_ref, on_ref, r_ref, *, k):
    h, score = _block_conv(part_ref, hp_ref, wrel_ref, brel_ref, wroot_ref,
                           q_ref, pn_ref)
    ms = []
    for g in range(_GB):
        keep, rank, m, mx, mn = _graph_pool(h, score, og_ref, g, k)
        ms.append(m[:, None])
        on_ref[0, g, :] = jnp.where(keep, rank, NPG)
        r_ref[0, g, pl.ds(0, D)] = mx
        r_ref[0, g, pl.ds(D, D)] = mn
    hm_ref[...] = h * jnp.concatenate(ms, axis=0)


def _tcs(part, hprev, wrel, brel, wroot, q, pn, og, k):
    return pl.pallas_call(
        functools.partial(_tcs_body, k=k),
        grid=(N // _RB,),
        in_specs=[
            pl.BlockSpec((_NC, _RB, D), lambda i: (0, i, 0)),
            pl.BlockSpec((_RB, D), lambda i: (i, 0)),
            pl.BlockSpec((D, D), lambda i: (0, 0)),
            pl.BlockSpec((1, D), lambda i: (0, 0)),
            pl.BlockSpec((D, D), lambda i: (0, 0)),
            pl.BlockSpec((D, 1), lambda i: (0, 0)),
            pl.BlockSpec(memory_space=pltpu.SMEM),
            pl.BlockSpec((1, _GB, NPG), lambda i: (i, 0, 0)),
        ],
        out_specs=[
            pl.BlockSpec((_RB, D), lambda i: (i, 0)),
            pl.BlockSpec((1, _GB, NPG), lambda i: (i, 0, 0)),
            pl.BlockSpec((1, _GB, 2 * D), lambda i: (i, 0, 0)),
        ],
        out_shape=[
            jax.ShapeDtypeStruct((N, D), jnp.float32),
            jax.ShapeDtypeStruct((B // _GB, _GB, NPG), jnp.int32),
            jax.ShapeDtypeStruct((B // _GB, _GB, 2 * D), jnp.float32),
        ],
    )(part, hprev, wrel, brel, wroot, q, pn, og)


def _tcf_body(part_ref, hp_ref, wrel_ref, brel_ref, wroot_ref, q_ref,
              pn_ref, og_ref, r1_ref, r2_ref,
              w1_ref, b1_ref, w2_ref, b2_ref, w3_ref, b3_ref, out_ref, *, k):
    h, score = _block_conv(part_ref, hp_ref, wrel_ref, brel_ref, wroot_ref,
                           q_ref, pn_ref)
    for g in range(_GB):
        _, _, _, mx, mn = _graph_pool(h, score, og_ref, g, k)
        rg = pl.ds(g, 1)
        z = (r1_ref[0, rg, :] + r2_ref[0, rg, :]
             + jnp.concatenate([mx[None, :], mn[None, :]], axis=1))
        z = jnp.maximum(jnp.dot(z, w1_ref[...],
                                preferred_element_type=jnp.float32)
                        + b1_ref[...], 0.0)
        z = jnp.maximum(jnp.dot(z, w2_ref[...],
                                preferred_element_type=jnp.float32)
                        + b2_ref[...], 0.0)
        logits = jnp.dot(z, w3_ref[...],
                         preferred_element_type=jnp.float32) + b3_ref[...]
        mxl = jnp.max(logits, axis=1, keepdims=True)
        lse = jnp.log(jnp.sum(jnp.exp(logits - mxl), axis=1, keepdims=True))
        out_ref[0, rg, :] = logits - mxl - lse


def _tcf(part, hprev, wrel, brel, wroot, q, pn, og, r1, r2,
         w1, b1, w2, b2, w3, b3, k):
    return pl.pallas_call(
        functools.partial(_tcf_body, k=k),
        grid=(N // _RB,),
        in_specs=[
            pl.BlockSpec((_NC, _RB, D), lambda i: (0, i, 0)),
            pl.BlockSpec((_RB, D), lambda i: (i, 0)),
            pl.BlockSpec((D, D), lambda i: (0, 0)),
            pl.BlockSpec((1, D), lambda i: (0, 0)),
            pl.BlockSpec((D, D), lambda i: (0, 0)),
            pl.BlockSpec((D, 1), lambda i: (0, 0)),
            pl.BlockSpec(memory_space=pltpu.SMEM),
            pl.BlockSpec((1, _GB, NPG), lambda i: (i, 0, 0)),
            pl.BlockSpec((1, _GB, 2 * D), lambda i: (i, 0, 0)),
            pl.BlockSpec((1, _GB, 2 * D), lambda i: (i, 0, 0)),
            pl.BlockSpec((2 * D, D), lambda i: (0, 0)),
            pl.BlockSpec((1, D), lambda i: (0, 0)),
            pl.BlockSpec((D, 64), lambda i: (0, 0)),
            pl.BlockSpec((1, 64), lambda i: (0, 0)),
            pl.BlockSpec((64, 10), lambda i: (0, 0)),
            pl.BlockSpec((1, 10), lambda i: (0, 0)),
        ],
        out_specs=pl.BlockSpec((1, _GB, 10), lambda i: (i, 0, 0)),
        out_shape=jax.ShapeDtypeStruct((B // _GB, _GB, 10), jnp.float32),
    )(part, hprev, wrel, brel, wroot, q, pn, og, r1, r2,
      w1, b1, w2, b2, w3, b3)



def kernel(x, edge_index, batch, conv1_Wrel, conv1_brel, conv1_Wroot, p1,
           conv2_Wrel, conv2_brel, conv2_Wroot, p2,
           conv3_Wrel, conv3_brel, conv3_Wroot, p3,
           lin1_W, lin1_b, lin2_W, lin2_b, lin3_W, lin3_b):
    src = edge_index[0]
    dst = edge_index[1]
    zeros = jnp.zeros((_CH, D), jnp.float32)
    ord0 = jnp.tile(jnp.arange(NPG, dtype=jnp.int32), B).reshape(
        B // _GB, _GB, NPG)

    def pnorm(p):
        return (jnp.linalg.norm(p) + 1e-16).reshape(1, 1)

    part = _sc_segsum(x, src, dst, zeros)
    hm, ord1, r1 = _tcs(part, x, conv1_Wrel, conv1_brel.reshape(1, D),
                        conv1_Wroot, p1.reshape(D, 1), pnorm(p1), ord0, K1)

    part = _sc_segsum(hm, src, dst, zeros)
    hm, ord2, r2 = _tcs(part, hm, conv2_Wrel, conv2_brel.reshape(1, D),
                        conv2_Wroot, p2.reshape(D, 1), pnorm(p2), ord1, K2)

    part = _sc_segsum(hm, src, dst, zeros)
    out3 = _tcf(part, hm, conv3_Wrel, conv3_brel.reshape(1, D), conv3_Wroot,
                p3.reshape(D, 1), pnorm(p3), ord2, r1, r2,
                lin1_W, lin1_b.reshape(1, D), lin2_W, lin2_b.reshape(1, 64),
                lin3_W, lin3_b.reshape(1, 10), K3)
    return out3.reshape(B, 10)

# --- scband reference (transcript-rebuilt; emitter-appended) ---
"""Pipeline reference for scband-topkpool-8478265442581 (READ-ONLY COPY).

The authoritative reference and input builder live on the scoring server;
editing this copy changes nothing except your own understanding.
"""

import jax, jax.numpy as jnp
import numpy as np

B = 100
NPG = 100
D = 128
NC = 10
RATIO = 0.5
E = 320000
K1 = int(np.ceil(RATIO * NPG))
K2 = int(np.ceil(RATIO * K1))
K3 = int(np.ceil(RATIO * K2))


def setup_inputs(seed: int = 0):
    key = jax.random.key(seed)
    ks = jax.random.split(key, 20)
    N = B * NPG
    x = jax.random.normal(ks[0], (N, D), dtype=jnp.float32)
    g = jax.random.randint(ks[1], (E,), 0, B)
    src = g * NPG + jax.random.randint(ks[2], (E,), 0, NPG)
    dst = g * NPG + jax.random.randint(ks[3], (E,), 0, NPG)
    edge_index = jnp.stack([src, dst]).astype(jnp.int32)
    batch = (jnp.arange(N) // NPG).astype(jnp.int32)

    def w(k, shape):
        return jax.random.normal(k, shape, dtype=jnp.float32) * 0.05

    return {
        'x': x, 'edge_index': edge_index, 'batch': batch,
        'conv1_Wrel': w(ks[4], (D, 128)), 'conv1_brel': jnp.zeros((128,), jnp.float32), 'conv1_Wroot': w(ks[5], (D, 128)),
        'p1': w(ks[6], (128,)),
        'conv2_Wrel': w(ks[7], (128, 128)), 'conv2_brel': jnp.zeros((128,), jnp.float32), 'conv2_Wroot': w(ks[8], (128, 128)),
        'p2': w(ks[9], (128,)),
        'conv3_Wrel': w(ks[10], (128, 128)), 'conv3_brel': jnp.zeros((128,), jnp.float32), 'conv3_Wroot': w(ks[11], (128, 128)),
        'p3': w(ks[12], (128,)),
        'lin1_W': w(ks[13], (256, 128)), 'lin1_b': jnp.zeros((128,), jnp.float32),
        'lin2_W': w(ks[14], (128, 64)), 'lin2_b': jnp.zeros((64,), jnp.float32),
        'lin3_W': w(ks[15], (64, NC)), 'lin3_b': jnp.zeros((NC,), jnp.float32),
    }


def _graph_conv(x, src, dst, valid, Wrel, brel, Wroot):
    # PyG GraphConv: out = lin_rel(sum_{j->i} x_j) + lin_root(x_i)
    N = x.shape[0]
    xp = jnp.concatenate([x, jnp.zeros((1, x.shape[1]), x.dtype)], axis=0)
    s = jnp.where(valid, src, N)
    d = jnp.where(valid, dst, N)
    aggr = jax.ops.segment_sum(xp[s], d, num_segments=N + 1)[:N]
    return aggr @ Wrel + brel + x @ Wroot


def _topk_pool(x, src, dst, valid, p, nb, npg, k):
    # PyG TopKPooling: score = tanh((x.p)/||p||); keep top-k per graph; x = x[perm] * score[perm]
    score = jnp.tanh((x @ p) / (jnp.linalg.norm(p) + 1e-16))
    sg = score.reshape(nb, npg)
    _, idx = jax.lax.top_k(sg, k)
    perm = (jnp.arange(nb)[:, None] * npg + idx).reshape(-1)
    x_new = x[perm] * score[perm][:, None]
    new_id = jnp.full((nb * npg,), -1, dtype=src.dtype)
    new_id = new_id.at[perm].set(jnp.arange(nb * k, dtype=src.dtype))
    sn = new_id[src]
    dn = new_id[dst]
    v = valid & (sn >= 0) & (dn >= 0)
    sn = jnp.where(v, sn, 0)
    dn = jnp.where(v, dn, 0)
    return x_new, sn, dn, v


def _readout(x, nb, k):
    xg = x.reshape(nb, k, x.shape[-1])
    return jnp.concatenate([xg.max(axis=1), xg.mean(axis=1)], axis=1)


def _forward(x, edge_index, conv1_Wrel, conv1_brel, conv1_Wroot, p1, conv2_Wrel, conv2_brel, conv2_Wroot, p2, conv3_Wrel, conv3_brel, conv3_Wroot, p3, lin1_W, lin1_b, lin2_W, lin2_b, lin3_W, lin3_b):
    src = edge_index[0]
    dst = edge_index[1]
    valid = jnp.ones(src.shape, dtype=bool)
    h = jax.nn.relu(_graph_conv(x, src, dst, valid, conv1_Wrel, conv1_brel, conv1_Wroot))
    h, src, dst, valid = _topk_pool(h, src, dst, valid, p1, B, NPG, K1)
    x1 = _readout(h, B, K1)
    h = jax.nn.relu(_graph_conv(h, src, dst, valid, conv2_Wrel, conv2_brel, conv2_Wroot))
    h, src, dst, valid = _topk_pool(h, src, dst, valid, p2, B, K1, K2)
    x2 = _readout(h, B, K2)
    h = jax.nn.relu(_graph_conv(h, src, dst, valid, conv3_Wrel, conv3_brel, conv3_Wroot))
    h, src, dst, valid = _topk_pool(h, src, dst, valid, p3, B, K2, K3)
    x3 = _readout(h, B, K3)
    z = x1 + x2 + x3
    z = jax.nn.relu(z @ lin1_W + lin1_b)
    # dropout: inference mode (identity)
    z = jax.nn.relu(z @ lin2_W + lin2_b)
    return jax.nn.log_softmax(z @ lin3_W + lin3_b, axis=-1)


def reference(x, edge_index, batch, conv1_Wrel, conv1_brel, conv1_Wroot, p1, conv2_Wrel, conv2_brel, conv2_Wroot, p2, conv3_Wrel, conv3_brel, conv3_Wroot, p3, lin1_W, lin1_b, lin2_W, lin2_b, lin3_W, lin3_b):
    # batch is implicitly encoded as i // NPG (equal-size graphs); accepted for signature parity
    return _forward(x, edge_index, conv1_Wrel, conv1_brel, conv1_Wroot, p1, conv2_Wrel, conv2_brel, conv2_Wroot, p2, conv3_Wrel, conv3_brel, conv3_Wroot, p3, lin1_W, lin1_b, lin2_W, lin2_b, lin3_W, lin3_b)

if __name__ == "__main__":
    import jax
    _d = setup_inputs()
    print(jax.jit(kernel)(*tuple(_d.values())))

</pallas_src>

<mosaic_0001>
#map = affine_map<(d0, d1) -> (0, 0)>
#map1 = affine_map<(d0, d1) -> (0)>
#map2 = affine_map<(d0, d1) -> (0, 0, 0)>
module attributes {stable_mosaic.version = 14 : i64} {
  func.func @_sc_segsum_body(%arg0: i32, %arg1: i32, %arg2: memref<10000x128xf32, #tpu.memory_space<hbm>>, %arg3: memref<320000xi32, #tpu.memory_space<hbm>>, %arg4: memref<320000xi32, #tpu.memory_space<hbm>>, %arg5: memref<400x128xf32, #tpu.memory_space<hbm>>, %arg6: memref<2x10000x128xf32, #tpu.memory_space<hbm>>, %arg7: memref<10000xi32, #tpu.memory_space<vmem>>, %arg8: memref<128xi32, #tpu.memory_space<vmem>>, %arg9: memref<128xi32, #tpu.memory_space<vmem>>, %arg10: memref<128x128xf32, #tpu.memory_space<vmem>>, %arg11: memref<128x128xf32, #tpu.memory_space<vmem>>, %arg12: memref<16xi32, #tpu.memory_space<vmem>>, %arg13: memref<16x128xf32, #tpu.memory_space<vmem>>, %arg14: memref<10000x128xf32, #tpu.memory_space<vmem_shared>>, %arg15: memref<!tpu.dma_semaphore, #tpu.memory_space<semaphore_mem>>, %arg16: memref<!tpu.dma_semaphore, #tpu.memory_space<semaphore_mem>>, %arg17: memref<!tpu.dma_semaphore, #tpu.memory_space<semaphore_mem>>, %arg18: memref<!tpu.dma_semaphore, #tpu.memory_space<semaphore_mem>>, %arg19: memref<!tpu.dma_semaphore, #tpu.memory_space<semaphore_mem>>) attributes {dimension_semantics = [#tpu.dimension_semantics<core_parallel>, #tpu.dimension_semantics<subcore_parallel>], iteration_bounds = array<i64: 2, 16>, scalar_prefetch = 0 : i64, scratch_operands = 13 : i64, tpu.core_type = #tpu.core_type<sc_vector_subcore>, window_params = [{transform_indices = #map}, {transform_indices = #map1}, {transform_indices = #map1}, {transform_indices = #map}, {transform_indices = #map2}]} {
    %mul3A = arith.constant 2 : i32
    %mul3A_0 = arith.muli %arg1, %mul3A : i32
    %add3A = arith.addi %mul3A_0, %arg0 : i32
    %mul3A_1 = arith.constant 10000 : i32
    %mul3A_2 = arith.muli %add3A, %mul3A_1 : i32
    %add3A_3 = arith.constant 0 : i32
    %add3A_4 = arith.addi %arg1, %add3A_3 : i32
    %lt3A = arith.constant 25 : i32
    %lt3A_5 = arith.cmpi slt, %add3A_4, %lt3A : i32
    %convert_element_type3A = arith.extui %lt3A_5 : i1 to i32
    %cond3A = arith.constant 0 : i32
    %cond3A_6 = arith.cmpi ne, %convert_element_type3A, %cond3A : i32
    scf.if %cond3A_6 {
      %mul3A_60 = arith.constant 400 : i32
      %mul3A_61 = arith.muli %add3A_4, %mul3A_60 : i32
      "tpu.region"() ({
        %run_scoped3A = tpu.sem_alloc : memref<!tpu.dma_semaphore, #tpu.memory_space<semaphore_mem>>
        %dma_start3A_62 = arith.constant 0 : i32
        %dma_start3A_63 = tpu.memref_slice %arg14[%mul3A_61, %dma_start3A_62] : memref<10000x128xf32, #tpu.memory_space<vmem_shared>> -> memref<400x128xf32, #tpu.memory_space<vmem_shared>>
        tpu.enqueue_dma source(%arg5 : memref<400x128xf32, #tpu.memory_space<hbm>>) target(%dma_start3A_63 : memref<400x128xf32, #tpu.memory_space<vmem_shared>>) target_semaphore(%run_scoped3A : memref<!tpu.dma_semaphore, #tpu.memory_space<semaphore_mem>>)
        %dma_wait3A_64 = arith.constant 0 : i32
        %dma_wait3A_65 = tpu.memref_slice %arg14[%mul3A_61, %dma_wait3A_64] : memref<10000x128xf32, #tpu.memory_space<vmem_shared>> -> memref<400x128xf32, #tpu.memory_space<vmem_shared>>
        tpu.wait_dma2 semaphore(%run_scoped3A : memref<!tpu.dma_semaphore, #tpu.memory_space<semaphore_mem>>) src(%arg5 : memref<400x128xf32, #tpu.memory_space<hbm>>) dst(%dma_wait3A_65 : memref<400x128xf32, #tpu.memory_space<vmem_shared>>)
        tpu.yield
      }) : () -> ()
    } else {
    }
    %add3A_7 = arith.constant 16 : i32
    %add3A_8 = arith.addi %arg1, %add3A_7 : i32
    %lt3A_9 = arith.constant 25 : i32
    %lt3A_10 = arith.cmpi slt, %add3A_8, %lt3A_9 : i32
    %convert_element_type3A_11 = arith.extui %lt3A_10 : i1 to i32
    %cond3A_12 = arith.constant 0 : i32
    %cond3A_13 = arith.cmpi ne, %convert_element_type3A_11, %cond3A_12 : i32
    scf.if %cond3A_13 {
      %mul3A_60 = arith.constant 400 : i32
      %mul3A_61 = arith.muli %add3A_8, %mul3A_60 : i32
      "tpu.region"() ({
        %run_scoped3A = tpu.sem_alloc : memref<!tpu.dma_semaphore, #tpu.memory_space<semaphore_mem>>
        %dma_start3A_62 = arith.constant 0 : i32
        %dma_start3A_63 = tpu.memref_slice %arg14[%mul3A_61, %dma_start3A_62] : memref<10000x128xf32, #tpu.memory_space<vmem_shared>> -> memref<400x128xf32, #tpu.memory_space<vmem_shared>>
        tpu.enqueue_dma source(%arg5 : memref<400x128xf32, #tpu.memory_space<hbm>>) target(%dma_start3A_63 : memref<400x128xf32, #tpu.memory_space<vmem_shared>>) target_semaphore(%run_scoped3A : memref<!tpu.dma_semaphore, #tpu.memory_space<semaphore_mem>>)
        %dma_wait3A_64 = arith.constant 0 : i32
        %dma_wait3A_65 = tpu.memref_slice %arg14[%mul3A_61, %dma_wait3A_64] : memref<10000x128xf32, #tpu.memory_space<vmem_shared>> -> memref<400x128xf32, #tpu.memory_space<vmem_shared>>
        tpu.wait_dma2 semaphore(%run_scoped3A : memref<!tpu.dma_semaphore, #tpu.memory_space<semaphore_mem>>) src(%arg5 : memref<400x128xf32, #tpu.memory_space<hbm>>) dst(%dma_wait3A_65 : memref<400x128xf32, #tpu.memory_space<vmem_shared>>)
        tpu.yield
      }) : () -> ()
    } else {
    }
    "tpu.region"() ({
      %run_scoped3A = tpu.sem_alloc : memref<!tpu.dma_semaphore, #tpu.memory_space<semaphore_mem>>
      %dma_start3A_60 = tpu.memref_slice %arg3[%mul3A_2] : memref<320000xi32, #tpu.memory_space<hbm>> -> memref<10000xi32, #tpu.memory_space<hbm>>
      %dma_start3A_61 = tpu.memref_slice %arg3[%mul3A_2] : memref<320000xi32, #tpu.memory_space<hbm>> -> memref<10000xi32, #tpu.memory_space<hbm>>
      tpu.enqueue_dma source(%dma_start3A_61 : memref<10000xi32, #tpu.memory_space<hbm>>) target(%arg7 : memref<10000xi32, #tpu.memory_space<vmem>>) target_semaphore(%run_scoped3A : memref<!tpu.dma_semaphore, #tpu.memory_space<semaphore_mem>>)
      %dma_wait3A_62 = tpu.memref_slice %arg3[%mul3A_2] : memref<320000xi32, #tpu.memory_space<hbm>> -> memref<10000xi32, #tpu.memory_space<hbm>>
      %dma_wait3A_63 = tpu.memref_slice %arg3[%mul3A_2] : memref<320000xi32, #tpu.memory_space<hbm>> -> memref<10000xi32, #tpu.memory_space<hbm>>
      tpu.wait_dma2 semaphore(%run_scoped3A : memref<!tpu.dma_semaphore, #tpu.memory_space<semaphore_mem>>) src(%dma_wait3A_63 : memref<10000xi32, #tpu.memory_space<hbm>>) dst(%arg7 : memref<10000xi32, #tpu.memory_space<vmem>>)
      tpu.yield
    }) : () -> ()
    %barrier3A = arith.constant 0 : index
    tpu.barrier barrier_id(%barrier3A)
    %dma_start3A = arith.constant 0 : i32
    %dma_start3A_14 = tpu.memref_slice %arg7[%dma_start3A] : memref<10000xi32, #tpu.memory_space<vmem>> -> memref<128xi32, #tpu.memory_space<vmem>>
    %dma_start3A_15 = arith.constant 0 : i32
    %dma_start3A_16 = arith.constant 0 : i32
    %dma_start3A_17 = tpu.memref_slice %arg2[%dma_start3A_15, %dma_start3A_16] : memref<10000x128xf32, #tpu.memory_space<hbm>> -> memref<10000x128xf32, #tpu.memory_space<hbm>>
    tpu.enqueue_indirect_dma source(%dma_start3A_17 : memref<10000x128xf32, #tpu.memory_space<hbm>>) target(%arg10 : memref<128x128xf32, #tpu.memory_space<vmem>>) offsets(%dma_start3A_14 : memref<128xi32, #tpu.memory_space<vmem>>) semaphore(%arg15 : memref<!tpu.dma_semaphore, #tpu.memory_space<semaphore_mem>>)
    %dma_start3A_18 = arith.constant 128 : i32
    %dma_start3A_19 = tpu.memref_slice %arg7[%dma_start3A_18] : memref<10000xi32, #tpu.memory_space<vmem>> -> memref<128xi32, #tpu.memory_space<vmem>>
    %dma_start3A_20 = arith.constant 0 : i32
    %dma_start3A_21 = arith.constant 0 : i32
    %dma_start3A_22 = tpu.memref_slice %arg2[%dma_start3A_20, %dma_start3A_21] : memref<10000x128xf32, #tpu.memory_space<hbm>> -> memref<10000x128xf32, #tpu.memory_space<hbm>>
    tpu.enqueue_indirect_dma source(%dma_start3A_22 : memref<10000x128xf32, #tpu.memory_space<hbm>>) target(%arg11 : memref<128x128xf32, #tpu.memory_space<vmem>>) offsets(%dma_start3A_19 : memref<128xi32, #tpu.memory_space<vmem>>) semaphore(%arg16 : memref<!tpu.dma_semaphore, #tpu.memory_space<semaphore_mem>>)
    %dma_start3A_23 = tpu.memref_slice %arg4[%mul3A_2] : memref<320000xi32, #tpu.memory_space<hbm>> -> memref<128xi32, #tpu.memory_space<hbm>>
    %dma_start3A_24 = tpu.memref_slice %arg4[%mul3A_2] : memref<320000xi32, #tpu.memory_space<hbm>> -> memref<128xi32, #tpu.memory_space<hbm>>
    tpu.enqueue_dma source(%dma_start3A_24 : memref<128xi32, #tpu.memory_space<hbm>>) target(%arg8 : memref<128xi32, #tpu.memory_space<vmem>>) target_semaphore(%arg17 : memref<!tpu.dma_semaphore, #tpu.memory_space<semaphore_mem>>)
    %add3A_25 = arith.constant 128 : i32
    %add3A_26 = arith.addi %mul3A_2, %add3A_25 : i32
    %dma_start3A_27 = tpu.memref_slice %arg4[%add3A_26] : memref<320000xi32, #tpu.memory_space<hbm>> -> memref<128xi32, #tpu.memory_space<hbm>>
    %dma_start3A_28 = tpu.memref_slice %arg4[%add3A_26] : memref<320000xi32, #tpu.memory_space<hbm>> -> memref<128xi32, #tpu.memory_space<hbm>>
    tpu.enqueue_dma source(%dma_start3A_28 : memref<128xi32, #tpu.memory_space<hbm>>) target(%arg9 : memref<128xi32, #tpu.memory_space<vmem>>) target_semaphore(%arg18 : memref<!tpu.dma_semaphore, #tpu.memory_space<semaphore_mem>>)
    %scan3A = arith.constant 0 : i32
    %scan3A_29 = arith.constant 0 : i32
    %scan3A_30 = arith.constant 39 : i32
    %scan3A_31 = arith.addi %scan3A_29, %scan3A_30 : i32
    %scan3A_32 = arith.constant 1 : i32
    scf.for %scan3A_60 = %scan3A_29 to %scan3A_31 step %scan3A_32  : i32 {
      %mul3A_61 = arith.constant 2 : i32
      %mul3A_62 = arith.muli %mul3A_61, %scan3A_60 : i32
      %dma_wait3A_63 = tpu.memref_slice %arg4[%mul3A_2] : memref<320000xi32, #tpu.memory_space<hbm>> -> memref<128xi32, #tpu.memory_space<hbm>>
      %dma_wait3A_64 = tpu.memref_slice %arg4[%mul3A_2] : memref<320000xi32, #tpu.memory_space<hbm>> -> memref<128xi32, #tpu.memory_space<hbm>>
      tpu.wait_dma2 semaphore(%arg17 : memref<!tpu.dma_semaphore, #tpu.memory_space<semaphore_mem>>) src(%dma_wait3A_64 : memref<128xi32, #tpu.memory_space<hbm>>) dst(%arg8 : memref<128xi32, #tpu.memory_space<vmem>>)
      %dma_wait3A_65 = arith.constant 0 : i32
      %dma_wait3A_66 = tpu.memref_slice %arg7[%dma_wait3A_65] : memref<10000xi32, #tpu.memory_space<vmem>> -> memref<128xi32, #tpu.memory_space<vmem>>
      %dma_wait3A_67 = arith.constant 0 : i32
      %dma_wait3A_68 = arith.constant 0 : i32
      %dma_wait3A_69 = tpu.memref_slice %arg2[%dma_wait3A_67, %dma_wait3A_68] : memref<10000x128xf32, #tpu.memory_space<hbm>> -> memref<10000x128xf32, #tpu.memory_space<hbm>>
      tpu.wait_indirect_dma semaphore(%arg15 : memref<!tpu.dma_semaphore, #tpu.memory_space<semaphore_mem>>) src(%dma_wait3A_69 : memref<10000x128xf32, #tpu.memory_space<hbm>>) dst(%arg10 : memref<128x128xf32, #tpu.memory_space<vmem>>)
      "tpu.region"() ({
        %run_scoped3A = tpu.sem_alloc : memref<!tpu.dma_semaphore, #tpu.memory_space<semaphore_mem>>
        %dma_start3A_95 = arith.constant 0 : i32
        %dma_start3A_96 = arith.constant 0 : i32
        %dma_start3A_97 = tpu.memref_slice %arg14[%dma_start3A_95, %dma_start3A_96] : memref<10000x128xf32, #tpu.memory_space<vmem_shared>> -> memref<10000x128xf32, #tpu.memory_space<vmem_shared>>
        tpu.enqueue_indirect_dma source(%arg10 : memref<128x128xf32, #tpu.memory_space<vmem>>) target(%dma_start3A_97 : memref<10000x128xf32, #tpu.memory_space<vmem_shared>>) offsets(%arg8 : memref<128xi32, #tpu.memory_space<vmem>>) semaphore(%run_scoped3A : memref<!tpu.dma_semaphore, #tpu.memory_space<semaphore_mem>>) {add = true}
        %dma_wait3A_98 = arith.constant 0 : i32
        %dma_wait3A_99 = arith.constant 0 : i32
        %dma_wait3A_100 = tpu.memref_slice %arg14[%dma_wait3A_98, %dma_wait3A_99] : memref<10000x128xf32, #tpu.memory_space<vmem_shared>> -> memref<10000x128xf32, #tpu.memory_space<vmem_shared>>
        tpu.wait_indirect_dma semaphore(%run_scoped3A : memref<!tpu.dma_semaphore, #tpu.memory_space<semaphore_mem>>) src(%arg10 : memref<128x128xf32, #tpu.memory_space<vmem>>) dst(%dma_wait3A_100 : memref<10000x128xf32, #tpu.memory_space<vmem_shared>>)
        tpu.yield
      }) : () -> ()
      %add3A_70 = arith.constant 2 : i32
      %add3A_71 = arith.addi %mul3A_62, %add3A_70 : i32
      %lt3A_72 = arith.constant 78 : i32
      %lt3A_73 = arith.cmpi slt, %add3A_71, %lt3A_72 : i32
      %convert_element_type3A_74 = arith.extui %lt3A_73 : i1 to i32
      %cond3A_75 = arith.constant 0 : i32
      %cond3A_76 = arith.cmpi ne, %convert_element_type3A_74, %cond3A_75 : i32
      scf.if %cond3A_76 {
        %add3A_95 = arith.constant 2 : i32
        %add3A_96 = arith.addi %mul3A_62, %add3A_95 : i32
        %mul3A_97 = arith.constant 128 : i32
        %mul3A_98 = arith.muli %add3A_96, %mul3A_97 : i32
        %dma_start3A_99 = tpu.memref_slice %arg7[%mul3A_98] : memref<10000xi32, #tpu.memory_space<vmem>> -> memref<128xi32, #tpu.memory_space<vmem>>
        %dma_start3A_100 = arith.constant 0 : i32
        %dma_start3A_101 = arith.constant 0 : i32
        %dma_start3A_102 = tpu.memref_slice %arg2[%dma_start3A_100, %dma_start3A_101] : memref<10000x128xf32, #tpu.memory_space<hbm>> -> memref<10000x128xf32, #tpu.memory_space<hbm>>
        tpu.enqueue_indirect_dma source(%dma_start3A_102 : memref<10000x128xf32, #tpu.memory_space<hbm>>) target(%arg10 : memref<128x128xf32, #tpu.memory_space<vmem>>) offsets(%dma_start3A_99 : memref<128xi32, #tpu.memory_space<vmem>>) semaphore(%arg15 : memref<!tpu.dma_semaphore, #tpu.memory_space<semaphore_mem>>)
        %add3A_103 = arith.addi %mul3A_2, %mul3A_98 : i32
        %dma_start3A_104 = tpu.memref_slice %arg4[%add3A_103] : memref<320000xi32, #tpu.memory_space<hbm>> -> memref<128xi32, #tpu.memory_space<hbm>>
        %dma_start3A_105 = tpu.memref_slice %arg4[%add3A_103] : memref<320000xi32, #tpu.memory_space<hbm>> -> memref<128xi32, #tpu.memory_space<hbm>>
        tpu.enqueue_dma source(%dma_start3A_105 : memref<128xi32, #tpu.memory_space<hbm>>) target(%arg8 : memref<128xi32, #tpu.memory_space<vmem>>) target_semaphore(%arg17 : memref<!tpu.dma_semaphore, #tpu.memory_space<semaphore_mem>>)
      } else {
      }
      %mul3A_77 = arith.constant 2 : i32
      %mul3A_78 = arith.muli %mul3A_77, %scan3A_60 : i32
      %add3A_79 = arith.constant 1 : i32
      %add3A_80 = arith.addi %mul3A_78, %add3A_79 : i32
      %dma_wait3A_81 = tpu.memref_slice %arg4[%mul3A_2] : memref<320000xi32, #tpu.memory_space<hbm>> -> memref<128xi32, #tpu.memory_space<hbm>>
      %dma_wait3A_82 = tpu.memref_slice %arg4[%mul3A_2] : memref<320000xi32, #tpu.memory_space<hbm>> -> memref<128xi32, #tpu.memory_space<hbm>>
      tpu.wait_dma2 semaphore(%arg18 : memref<!tpu.dma_semaphore, #tpu.memory_space<semaphore_mem>>) src(%dma_wait3A_82 : memref<128xi32, #tpu.memory_space<hbm>>) dst(%arg9 : memref<128xi32, #tpu.memory_space<vmem>>)
      %dma_wait3A_83 = arith.constant 0 : i32
      %dma_wait3A_84 = tpu.memref_slice %arg7[%dma_wait3A_83] : memref<10000xi32, #tpu.memory_space<vmem>> -> memref<128xi32, #tpu.memory_space<vmem>>
      %dma_wait3A_85 = arith.constant 0 : i32
      %dma_wait3A_86 = arith.constant 0 : i32
      %dma_wait3A_87 = tpu.memref_slice %arg2[%dma_wait3A_85, %dma_wait3A_86] : memref<10000x128xf32, #tpu.memory_space<hbm>> -> memref<10000x128xf32, #tpu.memory_space<hbm>>
      tpu.wait_indirect_dma semaphore(%arg16 : memref<!tpu.dma_semaphore, #tpu.memory_space<semaphore_mem>>) src(%dma_wait3A_87 : memref<10000x128xf32, #tpu.memory_space<hbm>>) dst(%arg11 : memref<128x128xf32, #tpu.memory_space<vmem>>)
      "tpu.region"() ({
        %run_scoped3A = tpu.sem_alloc : memref<!tpu.dma_semaphore, #tpu.memory_space<semaphore_mem>>
        %dma_start3A_95 = arith.constant 0 : i32
        %dma_start3A_96 = arith.constant 0 : i32
        %dma_start3A_97 = tpu.memref_slice %arg14[%dma_start3A_95, %dma_start3A_96] : memref<10000x128xf32, #tpu.memory_space<vmem_shared>> -> memref<10000x128xf32, #tpu.memory_space<vmem_shared>>
        tpu.enqueue_indirect_dma source(%arg11 : memref<128x128xf32, #tpu.memory_space<vmem>>) target(%dma_start3A_97 : memref<10000x128xf32, #tpu.memory_space<vmem_shared>>) offsets(%arg9 : memref<128xi32, #tpu.memory_space<vmem>>) semaphore(%run_scoped3A : memref<!tpu.dma_semaphore, #tpu.memory_space<semaphore_mem>>) {add = true}
        %dma_wait3A_98 = arith.constant 0 : i32
        %dma_wait3A_99 = arith.constant 0 : i32
        %dma_wait3A_100 = tpu.memref_slice %arg14[%dma_wait3A_98, %dma_wait3A_99] : memref<10000x128xf32, #tpu.memory_space<vmem_shared>> -> memref<10000x128xf32, #tpu.memory_space<vmem_shared>>
        tpu.wait_indirect_dma semaphore(%run_scoped3A : memref<!tpu.dma_semaphore, #tpu.memory_space<semaphore_mem>>) src(%arg11 : memref<128x128xf32, #tpu.memory_space<vmem>>) dst(%dma_wait3A_100 : memref<10000x128xf32, #tpu.memory_space<vmem_shared>>)
        tpu.yield
      }) : () -> ()
      %add3A_88 = arith.constant 2 : i32
      %add3A_89 = arith.addi %add3A_80, %add3A_88 : i32
      %lt3A_90 = arith.constant 78 : i32
      %lt3A_91 = arith.cmpi slt, %add3A_89, %lt3A_90 : i32
      %convert_element_type3A_92 = arith.extui %lt3A_91 : i1 to i32
      %cond3A_93 = arith.constant 0 : i32
      %cond3A_94 = arith.cmpi ne, %convert_element_type3A_92, %cond3A_93 : i32
      scf.if %cond3A_94 {
        %add3A_95 = arith.constant 2 : i32
        %add3A_96 = arith.addi %add3A_80, %add3A_95 : i32
        %mul3A_97 = arith.constant 128 : i32
        %mul3A_98 = arith.muli %add3A_96, %mul3A_97 : i32
        %dma_start3A_99 = tpu.memref_slice %arg7[%mul3A_98] : memref<10000xi32, #tpu.memory_space<vmem>> -> memref<128xi32, #tpu.memory_space<vmem>>
        %dma_start3A_100 = arith.constant 0 : i32
        %dma_start3A_101 = arith.constant 0 : i32
        %dma_start3A_102 = tpu.memref_slice %arg2[%dma_start3A_100, %dma_start3A_101] : memref<10000x128xf32, #tpu.memory_space<hbm>> -> memref<10000x128xf32, #tpu.memory_space<hbm>>
        tpu.enqueue_indirect_dma source(%dma_start3A_102 : memref<10000x128xf32, #tpu.memory_space<hbm>>) target(%arg11 : memref<128x128xf32, #tpu.memory_space<vmem>>) offsets(%dma_start3A_99 : memref<128xi32, #tpu.memory_space<vmem>>) semaphore(%arg16 : memref<!tpu.dma_semaphore, #tpu.memory_space<semaphore_mem>>)
        %add3A_103 = arith.addi %mul3A_2, %mul3A_98 : i32
        %dma_start3A_104 = tpu.memref_slice %arg4[%add3A_103] : memref<320000xi32, #tpu.memory_space<hbm>> -> memref<128xi32, #tpu.memory_space<hbm>>
        %dma_start3A_105 = tpu.memref_slice %arg4[%add3A_103] : memref<320000xi32, #tpu.memory_space<hbm>> -> memref<128xi32, #tpu.memory_space<hbm>>
        tpu.enqueue_dma source(%dma_start3A_105 : memref<128xi32, #tpu.memory_space<hbm>>) target(%arg9 : memref<128xi32, #tpu.memory_space<vmem>>) target_semaphore(%arg18 : memref<!tpu.dma_semaphore, #tpu.memory_space<semaphore_mem>>)
      } else {
      }
    }
    %scan3A_33 = arith.constant 39 : i32
    %dma_start3A_34 = arith.constant 9984 : i32
    %dma_start3A_35 = tpu.memref_slice %arg7[%dma_start3A_34] : memref<10000xi32, #tpu.memory_space<vmem>> -> memref<16xi32, #tpu.memory_space<vmem>>
    %dma_start3A_36 = arith.constant 0 : i32
    %dma_start3A_37 = arith.constant 0 : i32
    %dma_start3A_38 = tpu.memref_slice %arg2[%dma_start3A_36, %dma_start3A_37] : memref<10000x128xf32, #tpu.memory_space<hbm>> -> memref<10000x128xf32, #tpu.memory_space<hbm>>
    tpu.enqueue_indirect_dma source(%dma_start3A_38 : memref<10000x128xf32, #tpu.memory_space<hbm>>) target(%arg13 : memref<16x128xf32, #tpu.memory_space<vmem>>) offsets(%dma_start3A_35 : memref<16xi32, #tpu.memory_space<vmem>>) semaphore(%arg19 : memref<!tpu.dma_semaphore, #tpu.memory_space<semaphore_mem>>)
    %dma_wait3A = arith.constant 9984 : i32
    %dma_wait3A_39 = tpu.memref_slice %arg7[%dma_wait3A] : memref<10000xi32, #tpu.memory_space<vmem>> -> memref<16xi32, #tpu.memory_space<vmem>>
    %dma_wait3A_40 = arith.constant 0 : i32
    %dma_wait3A_41 = arith.constant 0 : i32
    %dma_wait3A_42 = tpu.memref_slice %arg2[%dma_wait3A_40, %dma_wait3A_41] : memref<10000x128xf32, #tpu.memory_space<hbm>> -> memref<10000x128xf32, #tpu.memory_space<hbm>>
    tpu.wait_indirect_dma semaphore(%arg19 : memref<!tpu.dma_semaphore, #tpu.memory_space<semaphore_mem>>) src(%dma_wait3A_42 : memref<10000x128xf32, #tpu.memory_space<hbm>>) dst(%arg13 : memref<16x128xf32, #tpu.memory_space<vmem>>)
    %add3A_43 = arith.constant 9984 : i32
    %add3A_44 = arith.addi %mul3A_2, %add3A_43 : i32
    "tpu.region"() ({
      %run_scoped3A = tpu.sem_alloc : memref<!tpu.dma_semaphore, #tpu.memory_space<semaphore_mem>>
      %dma_start3A_60 = tpu.memref_slice %arg4[%add3A_44] : memref<320000xi32, #tpu.memory_space<hbm>> -> memref<16xi32, #tpu.memory_space<hbm>>
      %dma_start3A_61 = tpu.memref_slice %arg4[%add3A_44] : memref<320000xi32, #tpu.memory_space<hbm>> -> memref<16xi32, #tpu.memory_space<hbm>>
      tpu.enqueue_dma source(%dma_start3A_61 : memref<16xi32, #tpu.memory_space<hbm>>) target(%arg12 : memref<16xi32, #tpu.memory_space<vmem>>) target_semaphore(%run_scoped3A : memref<!tpu.dma_semaphore, #tpu.memory_space<semaphore_mem>>)
      %dma_wait3A_62 = tpu.memref_slice %arg4[%add3A_44] : memref<320000xi32, #tpu.memory_space<hbm>> -> memref<16xi32, #tpu.memory_space<hbm>>
      %dma_wait3A_63 = tpu.memref_slice %arg4[%add3A_44] : memref<320000xi32, #tpu.memory_space<hbm>> -> memref<16xi32, #tpu.memory_space<hbm>>
      tpu.wait_dma2 semaphore(%run_scoped3A : memref<!tpu.dma_semaphore, #tpu.memory_space<semaphore_mem>>) src(%dma_wait3A_63 : memref<16xi32, #tpu.memory_space<hbm>>) dst(%arg12 : memref<16xi32, #tpu.memory_space<vmem>>)
      tpu.yield
    }) : () -> ()
    "tpu.region"() ({
      %run_scoped3A = tpu.sem_alloc : memref<!tpu.dma_semaphore, #tpu.memory_space<semaphore_mem>>
      %dma_start3A_60 = arith.constant 0 : i32
      %dma_start3A_61 = arith.constant 0 : i32
      %dma_start3A_62 = tpu.memref_slice %arg14[%dma_start3A_60, %dma_start3A_61] : memref<10000x128xf32, #tpu.memory_space<vmem_shared>> -> memref<10000x128xf32, #tpu.memory_space<vmem_shared>>
      tpu.enqueue_indirect_dma source(%arg13 : memref<16x128xf32, #tpu.memory_space<vmem>>) target(%dma_start3A_62 : memref<10000x128xf32, #tpu.memory_space<vmem_shared>>) offsets(%arg12 : memref<16xi32, #tpu.memory_space<vmem>>) semaphore(%run_scoped3A : memref<!tpu.dma_semaphore, #tpu.memory_space<semaphore_mem>>) {add = true}
      %dma_wait3A_63 = arith.constant 0 : i32
      %dma_wait3A_64 = arith.constant 0 : i32
      %dma_wait3A_65 = tpu.memref_slice %arg14[%dma_wait3A_63, %dma_wait3A_64] : memref<10000x128xf32, #tpu.memory_space<vmem_shared>> -> memref<10000x128xf32, #tpu.memory_space<vmem_shared>>
      tpu.wait_indirect_dma semaphore(%run_scoped3A : memref<!tpu.dma_semaphore, #tpu.memory_space<semaphore_mem>>) src(%arg13 : memref<16x128xf32, #tpu.memory_space<vmem>>) dst(%dma_wait3A_65 : memref<10000x128xf32, #tpu.memory_space<vmem_shared>>)
      tpu.yield
    }) : () -> ()
    %barrier3A_45 = arith.constant 0 : index
    tpu.barrier barrier_id(%barrier3A_45)
    %add3A_46 = arith.constant 0 : i32
    %add3A_47 = arith.addi %arg1, %add3A_46 : i32
    %lt3A_48 = arith.constant 25 : i32
    %lt3A_49 = arith.cmpi slt, %add3A_47, %lt3A_48 : i32
    %convert_element_type3A_50 = arith.extui %lt3A_49 : i1 to i32
    %cond3A_51 = arith.constant 0 : i32
    %cond3A_52 = arith.cmpi ne, %convert_element_type3A_50, %cond3A_51 : i32
    scf.if %cond3A_52 {
      %mul3A_60 = arith.constant 400 : i32
      %mul3A_61 = arith.muli %add3A_47, %mul3A_60 : i32
      %mul3A_62 = arith.constant 400 : i32
      %mul3A_63 = arith.muli %add3A_47, %mul3A_62 : i32
      "tpu.region"() ({
        %run_scoped3A = tpu.sem_alloc : memref<!tpu.dma_semaphore, #tpu.memory_space<semaphore_mem>>
        %dma_start3A_64 = arith.constant 0 : i32
        %dma_start3A_65 = tpu.memref_slice %arg6[%arg0, %mul3A_63, %dma_start3A_64] : memref<2x10000x128xf32, #tpu.memory_space<hbm>> -> memref<1x400x128xf32, #tpu.memory_space<hbm>>
        %dma_start3A_66 = tpu.memref_squeeze %dma_start3A_65 : memref<1x400x128xf32, #tpu.memory_space<hbm>> -> memref<400x128xf32, #tpu.memory_space<hbm>>
        %dma_start3A_67 = arith.constant 0 : i32
        %dma_start3A_68 = tpu.memref_slice %arg14[%mul3A_61, %dma_start3A_67] : memref<10000x128xf32, #tpu.memory_space<vmem_shared>> -> memref<400x128xf32, #tpu.memory_space<vmem_shared>>
        tpu.enqueue_dma source(%dma_start3A_68 : memref<400x128xf32, #tpu.memory_space<vmem_shared>>) target(%dma_start3A_66 : memref<400x128xf32, #tpu.memory_space<hbm>>) target_semaphore(%run_scoped3A : memref<!tpu.dma_semaphore, #tpu.memory_space<semaphore_mem>>)
        %dma_wait3A_69 = arith.constant 0 : i32
        %dma_wait3A_70 = tpu.memref_slice %arg6[%arg0, %mul3A_63, %dma_wait3A_69] : memref<2x10000x128xf32, #tpu.memory_space<hbm>> -> memref<1x400x128xf32, #tpu.memory_space<hbm>>
        %dma_wait3A_71 = tpu.memref_squeeze %dma_wait3A_70 : memref<1x400x128xf32, #tpu.memory_space<hbm>> -> memref<400x128xf32, #tpu.memory_space<hbm>>
        %dma_wait3A_72 = arith.constant 0 : i32
        %dma_wait3A_73 = tpu.memref_slice %arg14[%mul3A_61, %dma_wait3A_72] : memref<10000x128xf32, #tpu.memory_space<vmem_shared>> -> memref<400x128xf32, #tpu.memory_space<vmem_shared>>
        tpu.wait_dma2 semaphore(%run_scoped3A : memref<!tpu.dma_semaphore, #tpu.memory_space<semaphore_mem>>) src(%dma_wait3A_73 : memref<400x128xf32, #tpu.memory_space<vmem_shared>>) dst(%dma_wait3A_71 : memref<400x128xf32, #tpu.memory_space<hbm>>)
        tpu.yield
      }) : () -> ()
    } else {
    }
    %add3A_53 = arith.constant 16 : i32
    %add3A_54 = arith.addi %arg1, %add3A_53 : i32
    %lt3A_55 = arith.constant 25 : i32
    %lt3A_56 = arith.cmpi slt, %add3A_54, %lt3A_55 : i32
    %convert_element_type3A_57 = arith.extui %lt3A_56 : i1 to i32
    %cond3A_58 = arith.constant 0 : i32
    %cond3A_59 = arith.cmpi ne, %convert_element_type3A_57, %cond3A_58 : i32
    scf.if %cond3A_59 {
      %mul3A_60 = arith.constant 400 : i32
      %mul3A_61 = arith.muli %add3A_54, %mul3A_60 : i32
      %mul3A_62 = arith.constant 400 : i32
      %mul3A_63 = arith.muli %add3A_54, %mul3A_62 : i32
      "tpu.region"() ({
        %run_scoped3A = tpu.sem_alloc : memref<!tpu.dma_semaphore, #tpu.memory_space<semaphore_mem>>
        %dma_start3A_64 = arith.constant 0 : i32
        %dma_start3A_65 = tpu.memref_slice %arg6[%arg0, %mul3A_63, %dma_start3A_64] : memref<2x10000x128xf32, #tpu.memory_space<hbm>> -> memref<1x400x128xf32, #tpu.memory_space<hbm>>
        %dma_start3A_66 = tpu.memref_squeeze %dma_start3A_65 : memref<1x400x128xf32, #tpu.memory_space<hbm>> -> memref<400x128xf32, #tpu.memory_space<hbm>>
        %dma_start3A_67 = arith.constant 0 : i32
        %dma_start3A_68 = tpu.memref_slice %arg14[%mul3A_61, %dma_start3A_67] : memref<10000x128xf32, #tpu.memory_space<vmem_shared>> -> memref<400x128xf32, #tpu.memory_space<vmem_shared>>
        tpu.enqueue_dma source(%dma_start3A_68 : memref<400x128xf32, #tpu.memory_space<vmem_shared>>) target(%dma_start3A_66 : memref<400x128xf32, #tpu.memory_space<hbm>>) target_semaphore(%run_scoped3A : memref<!tpu.dma_semaphore, #tpu.memory_space<semaphore_mem>>)
        %dma_wait3A_69 = arith.constant 0 : i32
        %dma_wait3A_70 = tpu.memref_slice %arg6[%arg0, %mul3A_63, %dma_wait3A_69] : memref<2x10000x128xf32, #tpu.memory_space<hbm>> -> memref<1x400x128xf32, #tpu.memory_space<hbm>>
        %dma_wait3A_71 = tpu.memref_squeeze %dma_wait3A_70 : memref<1x400x128xf32, #tpu.memory_space<hbm>> -> memref<400x128xf32, #tpu.memory_space<hbm>>
        %dma_wait3A_72 = arith.constant 0 : i32
        %dma_wait3A_73 = tpu.memref_slice %arg14[%mul3A_61, %dma_wait3A_72] : memref<10000x128xf32, #tpu.memory_space<vmem_shared>> -> memref<400x128xf32, #tpu.memory_space<vmem_shared>>
        tpu.wait_dma2 semaphore(%run_scoped3A : memref<!tpu.dma_semaphore, #tpu.memory_space<semaphore_mem>>) src(%dma_wait3A_73 : memref<400x128xf32, #tpu.memory_space<vmem_shared>>) dst(%dma_wait3A_71 : memref<400x128xf32, #tpu.memory_space<hbm>>)
        tpu.yield
      }) : () -> ()
    } else {
    }
    return
  }
}

#map = affine_map<(d0, d1) -> (0, 0)>
#map1 = affine_map<(d0, d1) -> (0)>
#map2 = affine_map<(d0, d1) -> (0, 0, 0)>
module attributes {stable_mosaic.version = 14 : i64} {
  func.func @_sc_segsum_body(%arg0: i32, %arg1: i32, %arg2: memref<10000x128xf32, #tpu.memory_space<hbm>>, %arg3: memref<320000xi32, #tpu.memory_space<hbm>>, %arg4: memref<320000xi32, #tpu.memory_space<hbm>>, %arg5: memref<400x128xf32, #tpu.memory_space<hbm>>, %arg6: memref<2x10000x128xf32, #tpu.memory_space<hbm>>, %arg7: memref<10000xi32, #tpu.memory_space<vmem>>, %arg8: memref<128xi32, #tpu.memory_space<vmem>>, %arg9: memref<128xi32, #tpu.memory_space<vmem>>, %arg10: memref<128x128xf32, #tpu.memory_space<vmem>>, %arg11: memref<128x128xf32, #tpu.memory_space<vmem>>, %arg12: memref<16xi32, #tpu.memory_space<vmem>>, %arg13: memref<16x128xf32, #tpu.memory_space<vmem>>, %arg14: memref<10000x128xf32, #tpu.memory_space<vmem_shared>>, %arg15: memref<!tpu.dma_semaphore, #tpu.memory_space<semaphore_mem>>, %arg16: memref<!tpu.dma_semaphore, #tpu.memory_space<semaphore_mem>>, %arg17: memref<!tpu.dma_semaphore, #tpu.memory_space<semaphore_mem>>, %arg18: memref<!tpu.dma_semaphore, #tpu.memory_space<semaphore_mem>>, %arg19: memref<!tpu.dma_semaphore, #tpu.memory_space<semaphore_mem>>) attributes {dimension_semantics = [#tpu.dimension_semantics<core_parallel>, #tpu.dimension_semantics<subcore_parallel>], iteration_bounds = array<i64: 2, 16>, scalar_prefetch = 0 : i64, scratch_operands = 13 : i64, tpu.core_type = #tpu.core_type<sc_vector_subcore>, window_params = [{transform_indices = #map}, {transform_indices = #map1}, {transform_indices = #map1}, {transform_indices = #map}, {transform_indices = #map2}]} {
    %mul3A = arith.constant 2 : i32
    %mul3A_0 = arith.muli %arg1, %mul3A : i32
    %add3A = arith.addi %mul3A_0, %arg0 : i32
    %mul3A_1 = arith.constant 10000 : i32
    %mul3A_2 = arith.muli %add3A, %mul3A_1 : i32
    %add3A_3 = arith.constant 0 : i32
    %add3A_4 = arith.addi %arg1, %add3A_3 : i32
    %lt3A = arith.constant 25 : i32
    %lt3A_5 = arith.cmpi slt, %add3A_4, %lt3A : i32
    %convert_element_type3A = arith.extui %lt3A_5 : i1 to i32
    %cond3A = arith.constant 0 : i32
    %cond3A_6 = arith.cmpi ne, %convert_element_type3A, %cond3A : i32
    scf.if %cond3A_6 {
      %mul3A_60 = arith.constant 400 : i32
      %mul3A_61 = arith.muli %add3A_4, %mul3A_60 : i32
      "tpu.region"() ({
        %run_scoped3A = tpu.sem_alloc : memref<!tpu.dma_semaphore, #tpu.memory_space<semaphore_mem>>
        %dma_start3A_62 = arith.constant 0 : i32
        %dma_start3A_63 = tpu.memref_slice %arg14[%mul3A_61, %dma_start3A_62] : memref<10000x128xf32, #tpu.memory_space<vmem_shared>> -> memref<400x128xf32, #tpu.memory_space<vmem_shared>>
        tpu.enqueue_dma source(%arg5 : memref<400x128xf32, #tpu.memory_space<hbm>>) target(%dma_start3A_63 : memref<400x128xf32, #tpu.memory_space<vmem_shared>>) target_semaphore(%run_scoped3A : memref<!tpu.dma_semaphore, #tpu.memory_space<semaphore_mem>>)
        %dma_wait3A_64 = arith.constant 0 : i32
        %dma_wait3A_65 = tpu.memref_slice %arg14[%mul3A_61, %dma_wait3A_64] : memref<10000x128xf32, #tpu.memory_space<vmem_shared>> -> memref<400x128xf32, #tpu.memory_space<vmem_shared>>
        tpu.wait_dma2 semaphore(%run_scoped3A : memref<!tpu.dma_semaphore, #tpu.memory_space<semaphore_mem>>) src(%arg5 : memref<400x128xf32, #tpu.memory_space<hbm>>) dst(%dma_wait3A_65 : memref<400x128xf32, #tpu.memory_space<vmem_shared>>)
        tpu.yield
      }) : () -> ()
    } else {
    }
    %add3A_7 = arith.constant 16 : i32
    %add3A_8 = arith.addi %arg1, %add3A_7 : i32
    %lt3A_9 = arith.constant 25 : i32
    %lt3A_10 = arith.cmpi slt, %add3A_8, %lt3A_9 : i32
    %convert_element_type3A_11 = arith.extui %lt3A_10 : i1 to i32
    %cond3A_12 = arith.constant 0 : i32
    %cond3A_13 = arith.cmpi ne, %convert_element_type3A_11, %cond3A_12 : i32
    scf.if %cond3A_13 {
      %mul3A_60 = arith.constant 400 : i32
      %mul3A_61 = arith.muli %add3A_8, %mul3A_60 : i32
      "tpu.region"() ({
        %run_scoped3A = tpu.sem_alloc : memref<!tpu.dma_semaphore, #tpu.memory_space<semaphore_mem>>
        %dma_start3A_62 = arith.constant 0 : i32
        %dma_start3A_63 = tpu.memref_slice %arg14[%mul3A_61, %dma_start3A_62] : memref<10000x128xf32, #tpu.memory_space<vmem_shared>> -> memref<400x128xf32, #tpu.memory_space<vmem_shared>>
        tpu.enqueue_dma source(%arg5 : memref<400x128xf32, #tpu.memory_space<hbm>>) target(%dma_start3A_63 : memref<400x128xf32, #tpu.memory_space<vmem_shared>>) target_semaphore(%run_scoped3A : memref<!tpu.dma_semaphore, #tpu.memory_space<semaphore_mem>>)
        %dma_wait3A_64 = arith.constant 0 : i32
        %dma_wait3A_65 = tpu.memref_slice %arg14[%mul3A_61, %dma_wait3A_64] : memref<10000x128xf32, #tpu.memory_space<vmem_shared>> -> memref<400x128xf32, #tpu.memory_space<vmem_shared>>
        tpu.wait_dma2 semaphore(%run_scoped3A : memref<!tpu.dma_semaphore, #tpu.memory_space<semaphore_mem>>) src(%arg5 : memref<400x128xf32, #tpu.memory_space<hbm>>) dst(%dma_wait3A_65 : memref<400x128xf32, #tpu.memory_space<vmem_shared>>)
        tpu.yield
      }) : () -> ()
    } else {
    }
    "tpu.region"() ({
      %run_scoped3A = tpu.sem_alloc : memref<!tpu.dma_semaphore, #tpu.memory_space<semaphore_mem>>
      %dma_start3A_60 = tpu.memref_slice %arg3[%mul3A_2] : memref<320000xi32, #tpu.memory_space<hbm>> -> memref<10000xi32, #tpu.memory_space<hbm>>
      %dma_start3A_61 = tpu.memref_slice %arg3[%mul3A_2] : memref<320000xi32, #tpu.memory_space<hbm>> -> memref<10000xi32, #tpu.memory_space<hbm>>
      tpu.enqueue_dma source(%dma_start3A_61 : memref<10000xi32, #tpu.memory_space<hbm>>) target(%arg7 : memref<10000xi32, #tpu.memory_space<vmem>>) target_semaphore(%run_scoped3A : memref<!tpu.dma_semaphore, #tpu.memory_space<semaphore_mem>>)
      %dma_wait3A_62 = tpu.memref_slice %arg3[%mul3A_2] : memref<320000xi32, #tpu.memory_space<hbm>> -> memref<10000xi32, #tpu.memory_space<hbm>>
      %dma_wait3A_63 = tpu.memref_slice %arg3[%mul3A_2] : memref<320000xi32, #tpu.memory_space<hbm>> -> memref<10000xi32, #tpu.memory_space<hbm>>
      tpu.wait_dma2 semaphore(%run_scoped3A : memref<!tpu.dma_semaphore, #tpu.memory_space<semaphore_mem>>) src(%dma_wait3A_63 : memref<10000xi32, #tpu.memory_space<hbm>>) dst(%arg7 : memref<10000xi32, #tpu.memory_space<vmem>>)
      tpu.yield
    }) : () -> ()
    %barrier3A = arith.constant 0 : index
    tpu.barrier barrier_id(%barrier3A)
    %dma_start3A = arith.constant 0 : i32
    %dma_start3A_14 = tpu.memref_slice %arg7[%dma_start3A] : memref<10000xi32, #tpu.memory_space<vmem>> -> memref<128xi32, #tpu.memory_space<vmem>>
    %dma_start3A_15 = arith.constant 0 : i32
    %dma_start3A_16 = arith.constant 0 : i32
    %dma_start3A_17 = tpu.memref_slice %arg2[%dma_start3A_15, %dma_start3A_16] : memref<10000x128xf32, #tpu.memory_space<hbm>> -> memref<10000x128xf32, #tpu.memory_space<hbm>>
    tpu.enqueue_indirect_dma source(%dma_start3A_17 : memref<10000x128xf32, #tpu.memory_space<hbm>>) target(%arg10 : memref<128x128xf32, #tpu.memory_space<vmem>>) offsets(%dma_start3A_14 : memref<128xi32, #tpu.memory_space<vmem>>) semaphore(%arg15 : memref<!tpu.dma_semaphore, #tpu.memory_space<semaphore_mem>>)
    %dma_start3A_18 = arith.constant 128 : i32
    %dma_start3A_19 = tpu.memref_slice %arg7[%dma_start3A_18] : memref<10000xi32, #tpu.memory_space<vmem>> -> memref<128xi32, #tpu.memory_space<vmem>>
    %dma_start3A_20 = arith.constant 0 : i32
    %dma_start3A_21 = arith.constant 0 : i32
    %dma_start3A_22 = tpu.memref_slice %arg2[%dma_start3A_20, %dma_start3A_21] : memref<10000x128xf32, #tpu.memory_space<hbm>> -> memref<10000x128xf32, #tpu.memory_space<hbm>>
    tpu.enqueue_indirect_dma source(%dma_start3A_22 : memref<10000x128xf32, #tpu.memory_space<hbm>>) target(%arg11 : memref<128x128xf32, #tpu.memory_space<vmem>>) offsets(%dma_start3A_19 : memref<128xi32, #tpu.memory_space<vmem>>) semaphore(%arg16 : memref<!tpu.dma_semaphore, #tpu.memory_space<semaphore_mem>>)
    %dma_start3A_23 = tpu.memref_slice %arg4[%mul3A_2] : memref<320000xi32, #tpu.memory_space<hbm>> -> memref<128xi32, #tpu.memory_space<hbm>>
    %dma_start3A_24 = tpu.memref_slice %arg4[%mul3A_2] : memref<320000xi32, #tpu.memory_space<hbm>> -> memref<128xi32, #tpu.memory_space<hbm>>
    tpu.enqueue_dma source(%dma_start3A_24 : memref<128xi32, #tpu.memory_space<hbm>>) target(%arg8 : memref<128xi32, #tpu.memory_space<vmem>>) target_semaphore(%arg17 : memref<!tpu.dma_semaphore, #tpu.memory_space<semaphore_mem>>)
    %add3A_25 = arith.constant 128 : i32
    %add3A_26 = arith.addi %mul3A_2, %add3A_25 : i32
    %dma_start3A_27 = tpu.memref_slice %arg4[%add3A_26] : memref<320000xi32, #tpu.memory_space<hbm>> -> memref<128xi32, #tpu.memory_space<hbm>>
    %dma_start3A_28 = tpu.memref_slice %arg4[%add3A_26] : memref<320000xi32, #tpu.memory_space<hbm>> -> memref<128xi32, #tpu.memory_space<hbm>>
    tpu.enqueue_dma source(%dma_start3A_28 : memref<128xi32, #tpu.memory_space<hbm>>) target(%arg9 : memref<128xi32, #tpu.memory_space<vmem>>) target_semaphore(%arg18 : memref<!tpu.dma_semaphore, #tpu.memory_space<semaphore_mem>>)
    %scan3A = arith.constant 0 : i32
    %scan3A_29 = arith.constant 0 : i32
    %scan3A_30 = arith.constant 39 : i32
    %scan3A_31 = arith.addi %scan3A_29, %scan3A_30 : i32
    %scan3A_32 = arith.constant 1 : i32
    scf.for %scan3A_60 = %scan3A_29 to %scan3A_31 step %scan3A_32  : i32 {
      %mul3A_61 = arith.constant 2 : i32
      %mul3A_62 = arith.muli %mul3A_61, %scan3A_60 : i32
      %dma_wait3A_63 = tpu.memref_slice %arg4[%mul3A_2] : memref<320000xi32, #tpu.memory_space<hbm>> -> memref<128xi32, #tpu.memory_space<hbm>>
      %dma_wait3A_64 = tpu.memref_slice %arg4[%mul3A_2] : memref<320000xi32, #tpu.memory_space<hbm>> -> memref<128xi32, #tpu.memory_space<hbm>>
      tpu.wait_dma2 semaphore(%arg17 : memref<!tpu.dma_semaphore, #tpu.memory_space<semaphore_mem>>) src(%dma_wait3A_64 : memref<128xi32, #tpu.memory_space<hbm>>) dst(%arg8 : memref<128xi32, #tpu.memory_space<vmem>>)
      %dma_wait3A_65 = arith.constant 0 : i32
      %dma_wait3A_66 = tpu.memref_slice %arg7[%dma_wait3A_65] : memref<10000xi32, #tpu.memory_space<vmem>> -> memref<128xi32, #tpu.memory_space<vmem>>
      %dma_wait3A_67 = arith.constant 0 : i32
      %dma_wait3A_68 = arith.constant 0 : i32
      %dma_wait3A_69 = tpu.memref_slice %arg2[%dma_wait3A_67, %dma_wait3A_68] : memref<10000x128xf32, #tpu.memory_space<hbm>> -> memref<10000x128xf32, #tpu.memory_space<hbm>>
      tpu.wait_indirect_dma semaphore(%arg15 : memref<!tpu.dma_semaphore, #tpu.memory_space<semaphore_mem>>) src(%dma_wait3A_69 : memref<10000x128xf32, #tpu.memory_space<hbm>>) dst(%arg10 : memref<128x128xf32, #tpu.memory_space<vmem>>)
      "tpu.region"() ({
        %run_scoped3A = tpu.sem_alloc : memref<!tpu.dma_semaphore, #tpu.memory_space<semaphore_mem>>
        %dma_start3A_95 = arith.constant 0 : i32
        %dma_start3A_96 = arith.constant 0 : i32
        %dma_start3A_97 = tpu.memref_slice %arg14[%dma_start3A_95, %dma_start3A_96] : memref<10000x128xf32, #tpu.memory_space<vmem_shared>> -> memref<10000x128xf32, #tpu.memory_space<vmem_shared>>
        tpu.enqueue_indirect_dma source(%arg10 : memref<128x128xf32, #tpu.memory_space<vmem>>) target(%dma_start3A_97 : memref<10000x128xf32, #tpu.memory_space<vmem_shared>>) offsets(%arg8 : memref<128xi32, #tpu.memory_space<vmem>>) semaphore(%run_scoped3A : memref<!tpu.dma_semaphore, #tpu.memory_space<semaphore_mem>>) {add = true}
        %dma_wait3A_98 = arith.constant 0 : i32
        %dma_wait3A_99 = arith.constant 0 : i32
        %dma_wait3A_100 = tpu.memref_slice %arg14[%dma_wait3A_98, %dma_wait3A_99] : memref<10000x128xf32, #tpu.memory_space<vmem_shared>> -> memref<10000x128xf32, #tpu.memory_space<vmem_shared>>
        tpu.wait_indirect_dma semaphore(%run_scoped3A : memref<!tpu.dma_semaphore, #tpu.memory_space<semaphore_mem>>) src(%arg10 : memref<128x128xf32, #tpu.memory_space<vmem>>) dst(%dma_wait3A_100 : memref<10000x128xf32, #tpu.memory_space<vmem_shared>>)
        tpu.yield
      }) : () -> ()
      %add3A_70 = arith.constant 2 : i32
      %add3A_71 = arith.addi %mul3A_62, %add3A_70 : i32
      %lt3A_72 = arith.constant 78 : i32
      %lt3A_73 = arith.cmpi slt, %add3A_71, %lt3A_72 : i32
      %convert_element_type3A_74 = arith.extui %lt3A_73 : i1 to i32
      %cond3A_75 = arith.constant 0 : i32
      %cond3A_76 = arith.cmpi ne, %convert_element_type3A_74, %cond3A_75 : i32
      scf.if %cond3A_76 {
        %add3A_95 = arith.constant 2 : i32
        %add3A_96 = arith.addi %mul3A_62, %add3A_95 : i32
        %mul3A_97 = arith.constant 128 : i32
        %mul3A_98 = arith.muli %add3A_96, %mul3A_97 : i32
        %dma_start3A_99 = tpu.memref_slice %arg7[%mul3A_98] : memref<10000xi32, #tpu.memory_space<vmem>> -> memref<128xi32, #tpu.memory_space<vmem>>
        %dma_start3A_100 = arith.constant 0 : i32
        %dma_start3A_101 = arith.constant 0 : i32
        %dma_start3A_102 = tpu.memref_slice %arg2[%dma_start3A_100, %dma_start3A_101] : memref<10000x128xf32, #tpu.memory_space<hbm>> -> memref<10000x128xf32, #tpu.memory_space<hbm>>
        tpu.enqueue_indirect_dma source(%dma_start3A_102 : memref<10000x128xf32, #tpu.memory_space<hbm>>) target(%arg10 : memref<128x128xf32, #tpu.memory_space<vmem>>) offsets(%dma_start3A_99 : memref<128xi32, #tpu.memory_space<vmem>>) semaphore(%arg15 : memref<!tpu.dma_semaphore, #tpu.memory_space<semaphore_mem>>)
        %add3A_103 = arith.addi %mul3A_2, %mul3A_98 : i32
        %dma_start3A_104 = tpu.memref_slice %arg4[%add3A_103] : memref<320000xi32, #tpu.memory_space<hbm>> -> memref<128xi32, #tpu.memory_space<hbm>>
        %dma_start3A_105 = tpu.memref_slice %arg4[%add3A_103] : memref<320000xi32, #tpu.memory_space<hbm>> -> memref<128xi32, #tpu.memory_space<hbm>>
        tpu.enqueue_dma source(%dma_start3A_105 : memref<128xi32, #tpu.memory_space<hbm>>) target(%arg8 : memref<128xi32, #tpu.memory_space<vmem>>) target_semaphore(%arg17 : memref<!tpu.dma_semaphore, #tpu.memory_space<semaphore_mem>>)
      } else {
      }
      %mul3A_77 = arith.constant 2 : i32
      %mul3A_78 = arith.muli %mul3A_77, %scan3A_60 : i32
      %add3A_79 = arith.constant 1 : i32
      %add3A_80 = arith.addi %mul3A_78, %add3A_79 : i32
      %dma_wait3A_81 = tpu.memref_slice %arg4[%mul3A_2] : memref<320000xi32, #tpu.memory_space<hbm>> -> memref<128xi32, #tpu.memory_space<hbm>>
      %dma_wait3A_82 = tpu.memref_slice %arg4[%mul3A_2] : memref<320000xi32, #tpu.memory_space<hbm>> -> memref<128xi32, #tpu.memory_space<hbm>>
      tpu.wait_dma2 semaphore(%arg18 : memref<!tpu.dma_semaphore, #tpu.memory_space<semaphore_mem>>) src(%dma_wait3A_82 : memref<128xi32, #tpu.memory_space<hbm>>) dst(%arg9 : memref<128xi32, #tpu.memory_space<vmem>>)
      %dma_wait3A_83 = arith.constant 0 : i32
      %dma_wait3A_84 = tpu.memref_slice %arg7[%dma_wait3A_83] : memref<10000xi32, #tpu.memory_space<vmem>> -> memref<128xi32, #tpu.memory_space<vmem>>
      %dma_wait3A_85 = arith.constant 0 : i32
      %dma_wait3A_86 = arith.constant 0 : i32
      %dma_wait3A_87 = tpu.memref_slice %arg2[%dma_wait3A_85, %dma_wait3A_86] : memref<10000x128xf32, #tpu.memory_space<hbm>> -> memref<10000x128xf32, #tpu.memory_space<hbm>>
      tpu.wait_indirect_dma semaphore(%arg16 : memref<!tpu.dma_semaphore, #tpu.memory_space<semaphore_mem>>) src(%dma_wait3A_87 : memref<10000x128xf32, #tpu.memory_space<hbm>>) dst(%arg11 : memref<128x128xf32, #tpu.memory_space<vmem>>)
      "tpu.region"() ({
        %run_scoped3A = tpu.sem_alloc : memref<!tpu.dma_semaphore, #tpu.memory_space<semaphore_mem>>
        %dma_start3A_95 = arith.constant 0 : i32
        %dma_start3A_96 = arith.constant 0 : i32
        %dma_start3A_97 = tpu.memref_slice %arg14[%dma_start3A_95, %dma_start3A_96] : memref<10000x128xf32, #tpu.memory_space<vmem_shared>> -> memref<10000x128xf32, #tpu.memory_space<vmem_shared>>
        tpu.enqueue_indirect_dma source(%arg11 : memref<128x128xf32, #tpu.memory_space<vmem>>) target(%dma_start3A_97 : memref<10000x128xf32, #tpu.memory_space<vmem_shared>>) offsets(%arg9 : memref<128xi32, #tpu.memory_space<vmem>>) semaphore(%run_scoped3A : memref<!tpu.dma_semaphore, #tpu.memory_space<semaphore_mem>>) {add = true}
        %dma_wait3A_98 = arith.constant 0 : i32
        %dma_wait3A_99 = arith.constant 0 : i32
        %dma_wait3A_100 = tpu.memref_slice %arg14[%dma_wait3A_98, %dma_wait3A_99] : memref<10000x128xf32, #tpu.memory_space<vmem_shared>> -> memref<10000x128xf32, #tpu.memory_space<vmem_shared>>
        tpu.wait_indirect_dma semaphore(%run_scoped3A : memref<!tpu.dma_semaphore, #tpu.memory_space<semaphore_mem>>) src(%arg11 : memref<128x128xf32, #tpu.memory_space<vmem>>) dst(%dma_wait3A_100 : memref<10000x128xf32, #tpu.memory_space<vmem_shared>>)
        tpu.yield
      }) : () -> ()
      %add3A_88 = arith.constant 2 : i32
      %add3A_89 = arith.addi %add3A_80, %add3A_88 : i32
      %lt3A_90 = arith.constant 78 : i32
      %lt3A_91 = arith.cmpi slt, %add3A_89, %lt3A_90 : i32
      %convert_element_type3A_92 = arith.extui %lt3A_91 : i1 to i32
      %cond3A_93 = arith.constant 0 : i32
      %cond3A_94 = arith.cmpi ne, %convert_element_type3A_92, %cond3A_93 : i32
      scf.if %cond3A_94 {
        %add3A_95 = arith.constant 2 : i32
        %add3A_96 = arith.addi %add3A_80, %add3A_95 : i32
        %mul3A_97 = arith.constant 128 : i32
        %mul3A_98 = arith.muli %add3A_96, %mul3A_97 : i32
        %dma_start3A_99 = tpu.memref_slice %arg7[%mul3A_98] : memref<10000xi32, #tpu.memory_space<vmem>> -> memref<128xi32, #tpu.memory_space<vmem>>
        %dma_start3A_100 = arith.constant 0 : i32
        %dma_start3A_101 = arith.constant 0 : i32
        %dma_start3A_102 = tpu.memref_slice %arg2[%dma_start3A_100, %dma_start3A_101] : memref<10000x128xf32, #tpu.memory_space<hbm>> -> memref<10000x128xf32, #tpu.memory_space<hbm>>
        tpu.enqueue_indirect_dma source(%dma_start3A_102 : memref<10000x128xf32, #tpu.memory_space<hbm>>) target(%arg11 : memref<128x128xf32, #tpu.memory_space<vmem>>) offsets(%dma_start3A_99 : memref<128xi32, #tpu.memory_space<vmem>>) semaphore(%arg16 : memref<!tpu.dma_semaphore, #tpu.memory_space<semaphore_mem>>)
        %add3A_103 = arith.addi %mul3A_2, %mul3A_98 : i32
        %dma_start3A_104 = tpu.memref_slice %arg4[%add3A_103] : memref<320000xi32, #tpu.memory_space<hbm>> -> memref<128xi32, #tpu.memory_space<hbm>>
        %dma_start3A_105 = tpu.memref_slice %arg4[%add3A_103] : memref<320000xi32, #tpu.memory_space<hbm>> -> memref<128xi32, #tpu.memory_space<hbm>>
        tpu.enqueue_dma source(%dma_start3A_105 : memref<128xi32, #tpu.memory_space<hbm>>) target(%arg9 : memref<128xi32, #tpu.memory_space<vmem>>) target_semaphore(%arg18 : memref<!tpu.dma_semaphore, #tpu.memory_space<semaphore_mem>>)
      } else {
      }
    }
    %scan3A_33 = arith.constant 39 : i32
    %dma_start3A_34 = arith.constant 9984 : i32
    %dma_start3A_35 = tpu.memref_slice %arg7[%dma_start3A_34] : memref<10000xi32, #tpu.memory_space<vmem>> -> memref<16xi32, #tpu.memory_space<vmem>>
    %dma_start3A_36 = arith.constant 0 : i32
    %dma_start3A_37 = arith.constant 0 : i32
    %dma_start3A_38 = tpu.memref_slice %arg2[%dma_start3A_36, %dma_start3A_37] : memref<10000x128xf32, #tpu.memory_space<hbm>> -> memref<10000x128xf32, #tpu.memory_space<hbm>>
    tpu.enqueue_indirect_dma source(%dma_start3A_38 : memref<10000x128xf32, #tpu.memory_space<hbm>>) target(%arg13 : memref<16x128xf32, #tpu.memory_space<vmem>>) offsets(%dma_start3A_35 : memref<16xi32, #tpu.memory_space<vmem>>) semaphore(%arg19 : memref<!tpu.dma_semaphore, #tpu.memory_space<semaphore_mem>>)
    %dma_wait3A = arith.constant 9984 : i32
    %dma_wait3A_39 = tpu.memref_slice %arg7[%dma_wait3A] : memref<10000xi32, #tpu.memory_space<vmem>> -> memref<16xi32, #tpu.memory_space<vmem>>
    %dma_wait3A_40 = arith.constant 0 : i32
    %dma_wait3A_41 = arith.constant 0 : i32
    %dma_wait3A_42 = tpu.memref_slice %arg2[%dma_wait3A_40, %dma_wait3A_41] : memref<10000x128xf32, #tpu.memory_space<hbm>> -> memref<10000x128xf32, #tpu.memory_space<hbm>>
    tpu.wait_indirect_dma semaphore(%arg19 : memref<!tpu.dma_semaphore, #tpu.memory_space<semaphore_mem>>) src(%dma_wait3A_42 : memref<10000x128xf32, #tpu.memory_space<hbm>>) dst(%arg13 : memref<16x128xf32, #tpu.memory_space<vmem>>)
    %add3A_43 = arith.constant 9984 : i32
    %add3A_44 = arith.addi %mul3A_2, %add3A_43 : i32
    "tpu.region"() ({
      %run_scoped3A = tpu.sem_alloc : memref<!tpu.dma_semaphore, #tpu.memory_space<semaphore_mem>>
      %dma_start3A_60 = tpu.memref_slice %arg4[%add3A_44] : memref<320000xi32, #tpu.memory_space<hbm>> -> memref<16xi32, #tpu.memory_space<hbm>>
      %dma_start3A_61 = tpu.memref_slice %arg4[%add3A_44] : memref<320000xi32, #tpu.memory_space<hbm>> -> memref<16xi32, #tpu.memory_space<hbm>>
      tpu.enqueue_dma source(%dma_start3A_61 : memref<16xi32, #tpu.memory_space<hbm>>) target(%arg12 : memref<16xi32, #tpu.memory_space<vmem>>) target_semaphore(%run_scoped3A : memref<!tpu.dma_semaphore, #tpu.memory_space<semaphore_mem>>)
      %dma_wait3A_62 = tpu.memref_slice %arg4[%add3A_44] : memref<320000xi32, #tpu.memory_space<hbm>> -> memref<16xi32, #tpu.memory_space<hbm>>
      %dma_wait3A_63 = tpu.memref_slice %arg4[%add3A_44] : memref<320000xi32, #tpu.memory_space<hbm>> -> memref<16xi32, #tpu.memory_space<hbm>>
      tpu.wait_dma2 semaphore(%run_scoped3A : memref<!tpu.dma_semaphore, #tpu.memory_space<semaphore_mem>>) src(%dma_wait3A_63 : memref<16xi32, #tpu.memory_space<hbm>>) dst(%arg12 : memref<16xi32, #tpu.memory_space<vmem>>)
      tpu.yield
    }) : () -> ()
    "tpu.region"() ({
      %run_scoped3A = tpu.sem_alloc : memref<!tpu.dma_semaphore, #tpu.memory_space<semaphore_mem>>
      %dma_start3A_60 = arith.constant 0 : i32
      %dma_start3A_61 = arith.constant 0 : i32
      %dma_start3A_62 = tpu.memref_slice %arg14[%dma_start3A_60, %dma_start3A_61] : memref<10000x128xf32, #tpu.memory_space<vmem_shared>> -> memref<10000x128xf32, #tpu.memory_space<vmem_shared>>
      tpu.enqueue_indirect_dma source(%arg13 : memref<16x128xf32, #tpu.memory_space<vmem>>) target(%dma_start3A_62 : memref<10000x128xf32, #tpu.memory_space<vmem_shared>>) offsets(%arg12 : memref<16xi32, #tpu.memory_space<vmem>>) semaphore(%run_scoped3A : memref<!tpu.dma_semaphore, #tpu.memory_space<semaphore_mem>>) {add = true}
      %dma_wait3A_63 = arith.constant 0 : i32
      %dma_wait3A_64 = arith.constant 0 : i32
      %dma_wait3A_65 = tpu.memref_slice %arg14[%dma_wait3A_63, %dma_wait3A_64] : memref<10000x128xf32, #tpu.memory_space<vmem_shared>> -> memref<10000x128xf32, #tpu.memory_space<vmem_shared>>
      tpu.wait_indirect_dma semaphore(%run_scoped3A : memref<!tpu.dma_semaphore, #tpu.memory_space<semaphore_mem>>) src(%arg13 : memref<16x128xf32, #tpu.memory_space<vmem>>) dst(%dma_wait3A_65 : memref<10000x128xf32, #tpu.memory_space<vmem_shared>>)
      tpu.yield
    }) : () -> ()
    %barrier3A_45 = arith.constant 0 : index
    tpu.barrier barrier_id(%barrier3A_45)
    %add3A_46 = arith.constant 0 : i32
    %add3A_47 = arith.addi %arg1, %add3A_46 : i32
    %lt3A_48 = arith.constant 25 : i32
    %lt3A_49 = arith.cmpi slt, %add3A_47, %lt3A_48 : i32
    %convert_element_type3A_50 = arith.extui %lt3A_49 : i1 to i32
    %cond3A_51 = arith.constant 0 : i32
    %cond3A_52 = arith.cmpi ne, %convert_element_type3A_50, %cond3A_51 : i32
    scf.if %cond3A_52 {
      %mul3A_60 = arith.constant 400 : i32
      %mul3A_61 = arith.muli %add3A_47, %mul3A_60 : i32
      %mul3A_62 = arith.constant 400 : i32
      %mul3A_63 = arith.muli %add3A_47, %mul3A_62 : i32
      "tpu.region"() ({
        %run_scoped3A = tpu.sem_alloc : memref<!tpu.dma_semaphore, #tpu.memory_space<semaphore_mem>>
        %dma_start3A_64 = arith.constant 0 : i32
        %dma_start3A_65 = tpu.memref_slice %arg6[%arg0, %mul3A_63, %dma_start3A_64] : memref<2x10000x128xf32, #tpu.memory_space<hbm>> -> memref<1x400x128xf32, #tpu.memory_space<hbm>>
        %dma_start3A_66 = tpu.memref_squeeze %dma_start3A_65 : memref<1x400x128xf32, #tpu.memory_space<hbm>> -> memref<400x128xf32, #tpu.memory_space<hbm>>
        %dma_start3A_67 = arith.constant 0 : i32
        %dma_start3A_68 = tpu.memref_slice %arg14[%mul3A_61, %dma_start3A_67] : memref<10000x128xf32, #tpu.memory_space<vmem_shared>> -> memref<400x128xf32, #tpu.memory_space<vmem_shared>>
        tpu.enqueue_dma source(%dma_start3A_68 : memref<400x128xf32, #tpu.memory_space<vmem_shared>>) target(%dma_start3A_66 : memref<400x128xf32, #tpu.memory_space<hbm>>) target_semaphore(%run_scoped3A : memref<!tpu.dma_semaphore, #tpu.memory_space<semaphore_mem>>)
        %dma_wait3A_69 = arith.constant 0 : i32
        %dma_wait3A_70 = tpu.memref_slice %arg6[%arg0, %mul3A_63, %dma_wait3A_69] : memref<2x10000x128xf32, #tpu.memory_space<hbm>> -> memref<1x400x128xf32, #tpu.memory_space<hbm>>
        %dma_wait3A_71 = tpu.memref_squeeze %dma_wait3A_70 : memref<1x400x128xf32, #tpu.memory_space<hbm>> -> memref<400x128xf32, #tpu.memory_space<hbm>>
        %dma_wait3A_72 = arith.constant 0 : i32
        %dma_wait3A_73 = tpu.memref_slice %arg14[%mul3A_61, %dma_wait3A_72] : memref<10000x128xf32, #tpu.memory_space<vmem_shared>> -> memref<400x128xf32, #tpu.memory_space<vmem_shared>>
        tpu.wait_dma2 semaphore(%run_scoped3A : memref<!tpu.dma_semaphore, #tpu.memory_space<semaphore_mem>>) src(%dma_wait3A_73 : memref<400x128xf32, #tpu.memory_space<vmem_shared>>) dst(%dma_wait3A_71 : memref<400x128xf32, #tpu.memory_space<hbm>>)
        tpu.yield
      }) : () -> ()
    } else {
    }
    %add3A_53 = arith.constant 16 : i32
    %add3A_54 = arith.addi %arg1, %add3A_53 : i32
    %lt3A_55 = arith.constant 25 : i32
    %lt3A_56 = arith.cmpi slt, %add3A_54, %lt3A_55 : i32
    %convert_element_type3A_57 = arith.extui %lt3A_56 : i1 to i32
    %cond3A_58 = arith.constant 0 : i32
    %cond3A_59 = arith.cmpi ne, %convert_element_type3A_57, %cond3A_58 : i32
    scf.if %cond3A_59 {
      %mul3A_60 = arith.constant 400 : i32
      %mul3A_61 = arith.muli %add3A_54, %mul3A_60 : i32
      %mul3A_62 = arith.constant 400 : i32
      %mul3A_63 = arith.muli %add3A_54, %mul3A_62 : i32
      "tpu.region"() ({
        %run_scoped3A = tpu.sem_alloc : memref<!tpu.dma_semaphore, #tpu.memory_space<semaphore_mem>>
        %dma_start3A_64 = arith.constant 0 : i32
        %dma_start3A_65 = tpu.memref_slice %arg6[%arg0, %mul3A_63, %dma_start3A_64] : memref<2x10000x128xf32, #tpu.memory_space<hbm>> -> memref<1x400x128xf32, #tpu.memory_space<hbm>>
        %dma_start3A_66 = tpu.memref_squeeze %dma_start3A_65 : memref<1x400x128xf32, #tpu.memory_space<hbm>> -> memref<400x128xf32, #tpu.memory_space<hbm>>
        %dma_start3A_67 = arith.constant 0 : i32
        %dma_start3A_68 = tpu.memref_slice %arg14[%mul3A_61, %dma_start3A_67] : memref<10000x128xf32, #tpu.memory_space<vmem_shared>> -> memref<400x128xf32, #tpu.memory_space<vmem_shared>>
        tpu.enqueue_dma source(%dma_start3A_68 : memref<400x128xf32, #tpu.memory_space<vmem_shared>>) target(%dma_start3A_66 : memref<400x128xf32, #tpu.memory_space<hbm>>) target_semaphore(%run_scoped3A : memref<!tpu.dma_semaphore, #tpu.memory_space<semaphore_mem>>)
        %dma_wait3A_69 = arith.constant 0 : i32
        %dma_wait3A_70 = tpu.memref_slice %arg6[%arg0, %mul3A_63, %dma_wait3A_69] : memref<2x10000x128xf32, #tpu.memory_space<hbm>> -> memref<1x400x128xf32, #tpu.memory_space<hbm>>
        %dma_wait3A_71 = tpu.memref_squeeze %dma_wait3A_70 : memref<1x400x128xf32, #tpu.memory_space<hbm>> -> memref<400x128xf32, #tpu.memory_space<hbm>>
        %dma_wait3A_72 = arith.constant 0 : i32
        %dma_wait3A_73 = tpu.memref_slice %arg14[%mul3A_61, %dma_wait3A_72] : memref<10000x128xf32, #tpu.memory_space<vmem_shared>> -> memref<400x128xf32, #tpu.memory_space<vmem_shared>>
        tpu.wait_dma2 semaphore(%run_scoped3A : memref<!tpu.dma_semaphore, #tpu.memory_space<semaphore_mem>>) src(%dma_wait3A_73 : memref<400x128xf32, #tpu.memory_space<vmem_shared>>) dst(%dma_wait3A_71 : memref<400x128xf32, #tpu.memory_space<hbm>>)
        tpu.yield
      }) : () -> ()
    } else {
    }
    return
  }
}

#map = affine_map<(d0, d1) -> (0, 0)>
#map1 = affine_map<(d0, d1) -> (0)>
#map2 = affine_map<(d0, d1) -> (0, 0, 0)>
module attributes {stable_mosaic.version = 14 : i64} {
  func.func @_sc_segsum_body(%arg0: i32, %arg1: i32, %arg2: memref<10000x128xf32, #tpu.memory_space<hbm>>, %arg3: memref<320000xi32, #tpu.memory_space<hbm>>, %arg4: memref<320000xi32, #tpu.memory_space<hbm>>, %arg5: memref<400x128xf32, #tpu.memory_space<hbm>>, %arg6: memref<2x10000x128xf32, #tpu.memory_space<hbm>>, %arg7: memref<10000xi32, #tpu.memory_space<vmem>>, %arg8: memref<128xi32, #tpu.memory_space<vmem>>, %arg9: memref<128xi32, #tpu.memory_space<vmem>>, %arg10: memref<128x128xf32, #tpu.memory_space<vmem>>, %arg11: memref<128x128xf32, #tpu.memory_space<vmem>>, %arg12: memref<16xi32, #tpu.memory_space<vmem>>, %arg13: memref<16x128xf32, #tpu.memory_space<vmem>>, %arg14: memref<10000x128xf32, #tpu.memory_space<vmem_shared>>, %arg15: memref<!tpu.dma_semaphore, #tpu.memory_space<semaphore_mem>>, %arg16: memref<!tpu.dma_semaphore, #tpu.memory_space<semaphore_mem>>, %arg17: memref<!tpu.dma_semaphore, #tpu.memory_space<semaphore_mem>>, %arg18: memref<!tpu.dma_semaphore, #tpu.memory_space<semaphore_mem>>, %arg19: memref<!tpu.dma_semaphore, #tpu.memory_space<semaphore_mem>>) attributes {dimension_semantics = [#tpu.dimension_semantics<core_parallel>, #tpu.dimension_semantics<subcore_parallel>], iteration_bounds = array<i64: 2, 16>, scalar_prefetch = 0 : i64, scratch_operands = 13 : i64, tpu.core_type = #tpu.core_type<sc_vector_subcore>, window_params = [{transform_indices = #map}, {transform_indices = #map1}, {transform_indices = #map1}, {transform_indices = #map}, {transform_indices = #map2}]} {
    %mul3A = arith.constant 2 : i32
    %mul3A_0 = arith.muli %arg1, %mul3A : i32
    %add3A = arith.addi %mul3A_0, %arg0 : i32
    %mul3A_1 = arith.constant 10000 : i32
    %mul3A_2 = arith.muli %add3A, %mul3A_1 : i32
    %add3A_3 = arith.constant 0 : i32
    %add3A_4 = arith.addi %arg1, %add3A_3 : i32
    %lt3A = arith.constant 25 : i32
    %lt3A_5 = arith.cmpi slt, %add3A_4, %lt3A : i32
    %convert_element_type3A = arith.extui %lt3A_5 : i1 to i32
    %cond3A = arith.constant 0 : i32
    %cond3A_6 = arith.cmpi ne, %convert_element_type3A, %cond3A : i32
    scf.if %cond3A_6 {
      %mul3A_60 = arith.constant 400 : i32
      %mul3A_61 = arith.muli %add3A_4, %mul3A_60 : i32
      "tpu.region"() ({
        %run_scoped3A = tpu.sem_alloc : memref<!tpu.dma_semaphore, #tpu.memory_space<semaphore_mem>>
        %dma_start3A_62 = arith.constant 0 : i32
        %dma_start3A_63 = tpu.memref_slice %arg14[%mul3A_61, %dma_start3A_62] : memref<10000x128xf32, #tpu.memory_space<vmem_shared>> -> memref<400x128xf32, #tpu.memory_space<vmem_shared>>
        tpu.enqueue_dma source(%arg5 : memref<400x128xf32, #tpu.memory_space<hbm>>) target(%dma_start3A_63 : memref<400x128xf32, #tpu.memory_space<vmem_shared>>) target_semaphore(%run_scoped3A : memref<!tpu.dma_semaphore, #tpu.memory_space<semaphore_mem>>)
        %dma_wait3A_64 = arith.constant 0 : i32
        %dma_wait3A_65 = tpu.memref_slice %arg14[%mul3A_61, %dma_wait3A_64] : memref<10000x128xf32, #tpu.memory_space<vmem_shared>> -> memref<400x128xf32, #tpu.memory_space<vmem_shared>>
        tpu.wait_dma2 semaphore(%run_scoped3A : memref<!tpu.dma_semaphore, #tpu.memory_space<semaphore_mem>>) src(%arg5 : memref<400x128xf32, #tpu.memory_space<hbm>>) dst(%dma_wait3A_65 : memref<400x128xf32, #tpu.memory_space<vmem_shared>>)
        tpu.yield
      }) : () -> ()
    } else {
    }
    %add3A_7 = arith.constant 16 : i32
    %add3A_8 = arith.addi %arg1, %add3A_7 : i32
    %lt3A_9 = arith.constant 25 : i32
    %lt3A_10 = arith.cmpi slt, %add3A_8, %lt3A_9 : i32
    %convert_element_type3A_11 = arith.extui %lt3A_10 : i1 to i32
    %cond3A_12 = arith.constant 0 : i32
    %cond3A_13 = arith.cmpi ne, %convert_element_type3A_11, %cond3A_12 : i32
    scf.if %cond3A_13 {
      %mul3A_60 = arith.constant 400 : i32
      %mul3A_61 = arith.muli %add3A_8, %mul3A_60 : i32
      "tpu.region"() ({
        %run_scoped3A = tpu.sem_alloc : memref<!tpu.dma_semaphore, #tpu.memory_space<semaphore_mem>>
        %dma_start3A_62 = arith.constant 0 : i32
        %dma_start3A_63 = tpu.memref_slice %arg14[%mul3A_61, %dma_start3A_62] : memref<10000x128xf32, #tpu.memory_space<vmem_shared>> -> memref<400x128xf32, #tpu.memory_space<vmem_shared>>
        tpu.enqueue_dma source(%arg5 : memref<400x128xf32, #tpu.memory_space<hbm>>) target(%dma_start3A_63 : memref<400x128xf32, #tpu.memory_space<vmem_shared>>) target_semaphore(%run_scoped3A : memref<!tpu.dma_semaphore, #tpu.memory_space<semaphore_mem>>)
        %dma_wait3A_64 = arith.constant 0 : i32
        %dma_wait3A_65 = tpu.memref_slice %arg14[%mul3A_61, %dma_wait3A_64] : memref<10000x128xf32, #tpu.memory_space<vmem_shared>> -> memref<400x128xf32, #tpu.memory_space<vmem_shared>>
        tpu.wait_dma2 semaphore(%run_scoped3A : memref<!tpu.dma_semaphore, #tpu.memory_space<semaphore_mem>>) src(%arg5 : memref<400x128xf32, #tpu.memory_space<hbm>>) dst(%dma_wait3A_65 : memref<400x128xf32, #tpu.memory_space<vmem_shared>>)
        tpu.yield
      }) : () -> ()
    } else {
    }
    "tpu.region"() ({
      %run_scoped3A = tpu.sem_alloc : memref<!tpu.dma_semaphore, #tpu.memory_space<semaphore_mem>>
      %dma_start3A_60 = tpu.memref_slice %arg3[%mul3A_2] : memref<320000xi32, #tpu.memory_space<hbm>> -> memref<10000xi32, #tpu.memory_space<hbm>>
      %dma_start3A_61 = tpu.memref_slice %arg3[%mul3A_2] : memref<320000xi32, #tpu.memory_space<hbm>> -> memref<10000xi32, #tpu.memory_space<hbm>>
      tpu.enqueue_dma source(%dma_start3A_61 : memref<10000xi32, #tpu.memory_space<hbm>>) target(%arg7 : memref<10000xi32, #tpu.memory_space<vmem>>) target_semaphore(%run_scoped3A : memref<!tpu.dma_semaphore, #tpu.memory_space<semaphore_mem>>)
      %dma_wait3A_62 = tpu.memref_slice %arg3[%mul3A_2] : memref<320000xi32, #tpu.memory_space<hbm>> -> memref<10000xi32, #tpu.memory_space<hbm>>
      %dma_wait3A_63 = tpu.memref_slice %arg3[%mul3A_2] : memref<320000xi32, #tpu.memory_space<hbm>> -> memref<10000xi32, #tpu.memory_space<hbm>>
      tpu.wait_dma2 semaphore(%run_scoped3A : memref<!tpu.dma_semaphore, #tpu.memory_space<semaphore_mem>>) src(%dma_wait3A_63 : memref<10000xi32, #tpu.memory_space<hbm>>) dst(%arg7 : memref<10000xi32, #tpu.memory_space<vmem>>)
      tpu.yield
    }) : () -> ()
    %barrier3A = arith.constant 0 : index
    tpu.barrier barrier_id(%barrier3A)
    %dma_start3A = arith.constant 0 : i32
    %dma_start3A_14 = tpu.memref_slice %arg7[%dma_start3A] : memref<10000xi32, #tpu.memory_space<vmem>> -> memref<128xi32, #tpu.memory_space<vmem>>
    %dma_start3A_15 = arith.constant 0 : i32
    %dma_start3A_16 = arith.constant 0 : i32
    %dma_start3A_17 = tpu.memref_slice %arg2[%dma_start3A_15, %dma_start3A_16] : memref<10000x128xf32, #tpu.memory_space<hbm>> -> memref<10000x128xf32, #tpu.memory_space<hbm>>
    tpu.enqueue_indirect_dma source(%dma_start3A_17 : memref<10000x128xf32, #tpu.memory_space<hbm>>) target(%arg10 : memref<128x128xf32, #tpu.memory_space<vmem>>) offsets(%dma_start3A_14 : memref<128xi32, #tpu.memory_space<vmem>>) semaphore(%arg15 : memref<!tpu.dma_semaphore, #tpu.memory_space<semaphore_mem>>)
    %dma_start3A_18 = arith.constant 128 : i32
    %dma_start3A_19 = tpu.memref_slice %arg7[%dma_start3A_18] : memref<10000xi32, #tpu.memory_space<vmem>> -> memref<128xi32, #tpu.memory_space<vmem>>
    %dma_start3A_20 = arith.constant 0 : i32
    %dma_start3A_21 = arith.constant 0 : i32
    %dma_start3A_22 = tpu.memref_slice %arg2[%dma_start3A_20, %dma_start3A_21] : memref<10000x128xf32, #tpu.memory_space<hbm>> -> memref<10000x128xf32, #tpu.memory_space<hbm>>
    tpu.enqueue_indirect_dma source(%dma_start3A_22 : memref<10000x128xf32, #tpu.memory_space<hbm>>) target(%arg11 : memref<128x128xf32, #tpu.memory_space<vmem>>) offsets(%dma_start3A_19 : memref<128xi32, #tpu.memory_space<vmem>>) semaphore(%arg16 : memref<!tpu.dma_semaphore, #tpu.memory_space<semaphore_mem>>)
    %dma_start3A_23 = tpu.memref_slice %arg4[%mul3A_2] : memref<320000xi32, #tpu.memory_space<hbm>> -> memref<128xi32, #tpu.memory_space<hbm>>
    %dma_start3A_24 = tpu.memref_slice %arg4[%mul3A_2] : memref<320000xi32, #tpu.memory_space<hbm>> -> memref<128xi32, #tpu.memory_space<hbm>>
    tpu.enqueue_dma source(%dma_start3A_24 : memref<128xi32, #tpu.memory_space<hbm>>) target(%arg8 : memref<128xi32, #tpu.memory_space<vmem>>) target_semaphore(%arg17 : memref<!tpu.dma_semaphore, #tpu.memory_space<semaphore_mem>>)
    %add3A_25 = arith.constant 128 : i32
    %add3A_26 = arith.addi %mul3A_2, %add3A_25 : i32
    %dma_start3A_27 = tpu.memref_slice %arg4[%add3A_26] : memref<320000xi32, #tpu.memory_space<hbm>> -> memref<128xi32, #tpu.memory_space<hbm>>
    %dma_start3A_28 = tpu.memref_slice %arg4[%add3A_26] : memref<320000xi32, #tpu.memory_space<hbm>> -> memref<128xi32, #tpu.memory_space<hbm>>
    tpu.enqueue_dma source(%dma_start3A_28 : memref<128xi32, #tpu.memory_space<hbm>>) target(%arg9 : memref<128xi32, #tpu.memory_space<vmem>>) target_semaphore(%arg18 : memref<!tpu.dma_semaphore, #tpu.memory_space<semaphore_mem>>)
    %scan3A = arith.constant 0 : i32
    %scan3A_29 = arith.constant 0 : i32
    %scan3A_30 = arith.constant 39 : i32
    %scan3A_31 = arith.addi %scan3A_29, %scan3A_30 : i32
    %scan3A_32 = arith.constant 1 : i32
    scf.for %scan3A_60 = %scan3A_29 to %scan3A_31 step %scan3A_32  : i32 {
      %mul3A_61 = arith.constant 2 : i32
      %mul3A_62 = arith.muli %mul3A_61, %scan3A_60 : i32
      %dma_wait3A_63 = tpu.memref_slice %arg4[%mul3A_2] : memref<320000xi32, #tpu.memory_space<hbm>> -> memref<128xi32, #tpu.memory_space<hbm>>
      %dma_wait3A_64 = tpu.memref_slice %arg4[%mul3A_2] : memref<320000xi32, #tpu.memory_space<hbm>> -> memref<128xi32, #tpu.memory_space<hbm>>
      tpu.wait_dma2 semaphore(%arg17 : memref<!tpu.dma_semaphore, #tpu.memory_space<semaphore_mem>>) src(%dma_wait3A_64 : memref<128xi32, #tpu.memory_space<hbm>>) dst(%arg8 : memref<128xi32, #tpu.memory_space<vmem>>)
      %dma_wait3A_65 = arith.constant 0 : i32
      %dma_wait3A_66 = tpu.memref_slice %arg7[%dma_wait3A_65] : memref<10000xi32, #tpu.memory_space<vmem>> -> memref<128xi32, #tpu.memory_space<vmem>>
      %dma_wait3A_67 = arith.constant 0 : i32
      %dma_wait3A_68 = arith.constant 0 : i32
      %dma_wait3A_69 = tpu.memref_slice %arg2[%dma_wait3A_67, %dma_wait3A_68] : memref<10000x128xf32, #tpu.memory_space<hbm>> -> memref<10000x128xf32, #tpu.memory_space<hbm>>
      tpu.wait_indirect_dma semaphore(%arg15 : memref<!tpu.dma_semaphore, #tpu.memory_space<semaphore_mem>>) src(%dma_wait3A_69 : memref<10000x128xf32, #tpu.memory_space<hbm>>) dst(%arg10 : memref<128x128xf32, #tpu.memory_space<vmem>>)
      "tpu.region"() ({
        %run_scoped3A = tpu.sem_alloc : memref<!tpu.dma_semaphore, #tpu.memory_space<semaphore_mem>>
        %dma_start3A_95 = arith.constant 0 : i32
        %dma_start3A_96 = arith.constant 0 : i32
        %dma_start3A_97 = tpu.memref_slice %arg14[%dma_start3A_95, %dma_start3A_96] : memref<10000x128xf32, #tpu.memory_space<vmem_shared>> -> memref<10000x128xf32, #tpu.memory_space<vmem_shared>>
        tpu.enqueue_indirect_dma source(%arg10 : memref<128x128xf32, #tpu.memory_space<vmem>>) target(%dma_start3A_97 : memref<10000x128xf32, #tpu.memory_space<vmem_shared>>) offsets(%arg8 : memref<128xi32, #tpu.memory_space<vmem>>) semaphore(%run_scoped3A : memref<!tpu.dma_semaphore, #tpu.memory_space<semaphore_mem>>) {add = true}
        %dma_wait3A_98 = arith.constant 0 : i32
        %dma_wait3A_99 = arith.constant 0 : i32
        %dma_wait3A_100 = tpu.memref_slice %arg14[%dma_wait3A_98, %dma_wait3A_99] : memref<10000x128xf32, #tpu.memory_space<vmem_shared>> -> memref<10000x128xf32, #tpu.memory_space<vmem_shared>>
        tpu.wait_indirect_dma semaphore(%run_scoped3A : memref<!tpu.dma_semaphore, #tpu.memory_space<semaphore_mem>>) src(%arg10 : memref<128x128xf32, #tpu.memory_space<vmem>>) dst(%dma_wait3A_100 : memref<10000x128xf32, #tpu.memory_space<vmem_shared>>)
        tpu.yield
      }) : () -> ()
      %add3A_70 = arith.constant 2 : i32
      %add3A_71 = arith.addi %mul3A_62, %add3A_70 : i32
      %lt3A_72 = arith.constant 78 : i32
      %lt3A_73 = arith.cmpi slt, %add3A_71, %lt3A_72 : i32
      %convert_element_type3A_74 = arith.extui %lt3A_73 : i1 to i32
      %cond3A_75 = arith.constant 0 : i32
      %cond3A_76 = arith.cmpi ne, %convert_element_type3A_74, %cond3A_75 : i32
      scf.if %cond3A_76 {
        %add3A_95 = arith.constant 2 : i32
        %add3A_96 = arith.addi %mul3A_62, %add3A_95 : i32
        %mul3A_97 = arith.constant 128 : i32
        %mul3A_98 = arith.muli %add3A_96, %mul3A_97 : i32
        %dma_start3A_99 = tpu.memref_slice %arg7[%mul3A_98] : memref<10000xi32, #tpu.memory_space<vmem>> -> memref<128xi32, #tpu.memory_space<vmem>>
        %dma_start3A_100 = arith.constant 0 : i32
        %dma_start3A_101 = arith.constant 0 : i32
        %dma_start3A_102 = tpu.memref_slice %arg2[%dma_start3A_100, %dma_start3A_101] : memref<10000x128xf32, #tpu.memory_space<hbm>> -> memref<10000x128xf32, #tpu.memory_space<hbm>>
        tpu.enqueue_indirect_dma source(%dma_start3A_102 : memref<10000x128xf32, #tpu.memory_space<hbm>>) target(%arg10 : memref<128x128xf32, #tpu.memory_space<vmem>>) offsets(%dma_start3A_99 : memref<128xi32, #tpu.memory_space<vmem>>) semaphore(%arg15 : memref<!tpu.dma_semaphore, #tpu.memory_space<semaphore_mem>>)
        %add3A_103 = arith.addi %mul3A_2, %mul3A_98 : i32
        %dma_start3A_104 = tpu.memref_slice %arg4[%add3A_103] : memref<320000xi32, #tpu.memory_space<hbm>> -> memref<128xi32, #tpu.memory_space<hbm>>
        %dma_start3A_105 = tpu.memref_slice %arg4[%add3A_103] : memref<320000xi32, #tpu.memory_space<hbm>> -> memref<128xi32, #tpu.memory_space<hbm>>
        tpu.enqueue_dma source(%dma_start3A_105 : memref<128xi32, #tpu.memory_space<hbm>>) target(%arg8 : memref<128xi32, #tpu.memory_space<vmem>>) target_semaphore(%arg17 : memref<!tpu.dma_semaphore, #tpu.memory_space<semaphore_mem>>)
      } else {
      }
      %mul3A_77 = arith.constant 2 : i32
      %mul3A_78 = arith.muli %mul3A_77, %scan3A_60 : i32
      %add3A_79 = arith.constant 1 : i32
      %add3A_80 = arith.addi %mul3A_78, %add3A_79 : i32
      %dma_wait3A_81 = tpu.memref_slice %arg4[%mul3A_2] : memref<320000xi32, #tpu.memory_space<hbm>> -> memref<128xi32, #tpu.memory_space<hbm>>
      %dma_wait3A_82 = tpu.memref_slice %arg4[%mul3A_2] : memref<320000xi32, #tpu.memory_space<hbm>> -> memref<128xi32, #tpu.memory_space<hbm>>
      tpu.wait_dma2 semaphore(%arg18 : memref<!tpu.dma_semaphore, #tpu.memory_space<semaphore_mem>>) src(%dma_wait3A_82 : memref<128xi32, #tpu.memory_space<hbm>>) dst(%arg9 : memref<128xi32, #tpu.memory_space<vmem>>)
      %dma_wait3A_83 = arith.constant 0 : i32
      %dma_wait3A_84 = tpu.memref_slice %arg7[%dma_wait3A_83] : memref<10000xi32, #tpu.memory_space<vmem>> -> memref<128xi32, #tpu.memory_space<vmem>>
      %dma_wait3A_85 = arith.constant 0 : i32
      %dma_wait3A_86 = arith.constant 0 : i32
      %dma_wait3A_87 = tpu.memref_slice %arg2[%dma_wait3A_85, %dma_wait3A_86] : memref<10000x128xf32, #tpu.memory_space<hbm>> -> memref<10000x128xf32, #tpu.memory_space<hbm>>
      tpu.wait_indirect_dma semaphore(%arg16 : memref<!tpu.dma_semaphore, #tpu.memory_space<semaphore_mem>>) src(%dma_wait3A_87 : memref<10000x128xf32, #tpu.memory_space<hbm>>) dst(%arg11 : memref<128x128xf32, #tpu.memory_space<vmem>>)
      "tpu.region"() ({
        %run_scoped3A = tpu.sem_alloc : memref<!tpu.dma_semaphore, #tpu.memory_space<semaphore_mem>>
        %dma_start3A_95 = arith.constant 0 : i32
        %dma_start3A_96 = arith.constant 0 : i32
        %dma_start3A_97 = tpu.memref_slice %arg14[%dma_start3A_95, %dma_start3A_96] : memref<10000x128xf32, #tpu.memory_space<vmem_shared>> -> memref<10000x128xf32, #tpu.memory_space<vmem_shared>>
        tpu.enqueue_indirect_dma source(%arg11 : memref<128x128xf32, #tpu.memory_space<vmem>>) target(%dma_start3A_97 : memref<10000x128xf32, #tpu.memory_space<vmem_shared>>) offsets(%arg9 : memref<128xi32, #tpu.memory_space<vmem>>) semaphore(%run_scoped3A : memref<!tpu.dma_semaphore, #tpu.memory_space<semaphore_mem>>) {add = true}
        %dma_wait3A_98 = arith.constant 0 : i32
        %dma_wait3A_99 = arith.constant 0 : i32
        %dma_wait3A_100 = tpu.memref_slice %arg14[%dma_wait3A_98, %dma_wait3A_99] : memref<10000x128xf32, #tpu.memory_space<vmem_shared>> -> memref<10000x128xf32, #tpu.memory_space<vmem_shared>>
        tpu.wait_indirect_dma semaphore(%run_scoped3A : memref<!tpu.dma_semaphore, #tpu.memory_space<semaphore_mem>>) src(%arg11 : memref<128x128xf32, #tpu.memory_space<vmem>>) dst(%dma_wait3A_100 : memref<10000x128xf32, #tpu.memory_space<vmem_shared>>)
        tpu.yield
      }) : () -> ()
      %add3A_88 = arith.constant 2 : i32
      %add3A_89 = arith.addi %add3A_80, %add3A_88 : i32
      %lt3A_90 = arith.constant 78 : i32
      %lt3A_91 = arith.cmpi slt, %add3A_89, %lt3A_90 : i32
      %convert_element_type3A_92 = arith.extui %lt3A_91 : i1 to i32
      %cond3A_93 = arith.constant 0 : i32
      %cond3A_94 = arith.cmpi ne, %convert_element_type3A_92, %cond3A_93 : i32
      scf.if %cond3A_94 {
        %add3A_95 = arith.constant 2 : i32
        %add3A_96 = arith.addi %add3A_80, %add3A_95 : i32
        %mul3A_97 = arith.constant 128 : i32
        %mul3A_98 = arith.muli %add3A_96, %mul3A_97 : i32
        %dma_start3A_99 = tpu.memref_slice %arg7[%mul3A_98] : memref<10000xi32, #tpu.memory_space<vmem>> -> memref<128xi32, #tpu.memory_space<vmem>>
        %dma_start3A_100 = arith.constant 0 : i32
        %dma_start3A_101 = arith.constant 0 : i32
        %dma_start3A_102 = tpu.memref_slice %arg2[%dma_start3A_100, %dma_start3A_101] : memref<10000x128xf32, #tpu.memory_space<hbm>> -> memref<10000x128xf32, #tpu.memory_space<hbm>>
        tpu.enqueue_indirect_dma source(%dma_start3A_102 : memref<10000x128xf32, #tpu.memory_space<hbm>>) target(%arg11 : memref<128x128xf32, #tpu.memory_space<vmem>>) offsets(%dma_start3A_99 : memref<128xi32, #tpu.memory_space<vmem>>) semaphore(%arg16 : memref<!tpu.dma_semaphore, #tpu.memory_space<semaphore_mem>>)
        %add3A_103 = arith.addi %mul3A_2, %mul3A_98 : i32
        %dma_start3A_104 = tpu.memref_slice %arg4[%add3A_103] : memref<320000xi32, #tpu.memory_space<hbm>> -> memref<128xi32, #tpu.memory_space<hbm>>
        %dma_start3A_105 = tpu.memref_slice %arg4[%add3A_103] : memref<320000xi32, #tpu.memory_space<hbm>> -> memref<128xi32, #tpu.memory_space<hbm>>
        tpu.enqueue_dma source(%dma_start3A_105 : memref<128xi32, #tpu.memory_space<hbm>>) target(%arg9 : memref<128xi32, #tpu.memory_space<vmem>>) target_semaphore(%arg18 : memref<!tpu.dma_semaphore, #tpu.memory_space<semaphore_mem>>)
      } else {
      }
    }
    %scan3A_33 = arith.constant 39 : i32
    %dma_start3A_34 = arith.constant 9984 : i32
    %dma_start3A_35 = tpu.memref_slice %arg7[%dma_start3A_34] : memref<10000xi32, #tpu.memory_space<vmem>> -> memref<16xi32, #tpu.memory_space<vmem>>
    %dma_start3A_36 = arith.constant 0 : i32
    %dma_start3A_37 = arith.constant 0 : i32
    %dma_start3A_38 = tpu.memref_slice %arg2[%dma_start3A_36, %dma_start3A_37] : memref<10000x128xf32, #tpu.memory_space<hbm>> -> memref<10000x128xf32, #tpu.memory_space<hbm>>
    tpu.enqueue_indirect_dma source(%dma_start3A_38 : memref<10000x128xf32, #tpu.memory_space<hbm>>) target(%arg13 : memref<16x128xf32, #tpu.memory_space<vmem>>) offsets(%dma_start3A_35 : memref<16xi32, #tpu.memory_space<vmem>>) semaphore(%arg19 : memref<!tpu.dma_semaphore, #tpu.memory_space<semaphore_mem>>)
    %dma_wait3A = arith.constant 9984 : i32
    %dma_wait3A_39 = tpu.memref_slice %arg7[%dma_wait3A] : memref<10000xi32, #tpu.memory_space<vmem>> -> memref<16xi32, #tpu.memory_space<vmem>>
    %dma_wait3A_40 = arith.constant 0 : i32
    %dma_wait3A_41 = arith.constant 0 : i32
    %dma_wait3A_42 = tpu.memref_slice %arg2[%dma_wait3A_40, %dma_wait3A_41] : memref<10000x128xf32, #tpu.memory_space<hbm>> -> memref<10000x128xf32, #tpu.memory_space<hbm>>
    tpu.wait_indirect_dma semaphore(%arg19 : memref<!tpu.dma_semaphore, #tpu.memory_space<semaphore_mem>>) src(%dma_wait3A_42 : memref<10000x128xf32, #tpu.memory_space<hbm>>) dst(%arg13 : memref<16x128xf32, #tpu.memory_space<vmem>>)
    %add3A_43 = arith.constant 9984 : i32
    %add3A_44 = arith.addi %mul3A_2, %add3A_43 : i32
    "tpu.region"() ({
      %run_scoped3A = tpu.sem_alloc : memref<!tpu.dma_semaphore, #tpu.memory_space<semaphore_mem>>
      %dma_start3A_60 = tpu.memref_slice %arg4[%add3A_44] : memref<320000xi32, #tpu.memory_space<hbm>> -> memref<16xi32, #tpu.memory_space<hbm>>
      %dma_start3A_61 = tpu.memref_slice %arg4[%add3A_44] : memref<320000xi32, #tpu.memory_space<hbm>> -> memref<16xi32, #tpu.memory_space<hbm>>
      tpu.enqueue_dma source(%dma_start3A_61 : memref<16xi32, #tpu.memory_space<hbm>>) target(%arg12 : memref<16xi32, #tpu.memory_space<vmem>>) target_semaphore(%run_scoped3A : memref<!tpu.dma_semaphore, #tpu.memory_space<semaphore_mem>>)
      %dma_wait3A_62 = tpu.memref_slice %arg4[%add3A_44] : memref<320000xi32, #tpu.memory_space<hbm>> -> memref<16xi32, #tpu.memory_space<hbm>>
      %dma_wait3A_63 = tpu.memref_slice %arg4[%add3A_44] : memref<320000xi32, #tpu.memory_space<hbm>> -> memref<16xi32, #tpu.memory_space<hbm>>
      tpu.wait_dma2 semaphore(%run_scoped3A : memref<!tpu.dma_semaphore, #tpu.memory_space<semaphore_mem>>) src(%dma_wait3A_63 : memref<16xi32, #tpu.memory_space<hbm>>) dst(%arg12 : memref<16xi32, #tpu.memory_space<vmem>>)
      tpu.yield
    }) : () -> ()
    "tpu.region"() ({
      %run_scoped3A = tpu.sem_alloc : memref<!tpu.dma_semaphore, #tpu.memory_space<semaphore_mem>>
      %dma_start3A_60 = arith.constant 0 : i32
      %dma_start3A_61 = arith.constant 0 : i32
      %dma_start3A_62 = tpu.memref_slice %arg14[%dma_start3A_60, %dma_start3A_61] : memref<10000x128xf32, #tpu.memory_space<vmem_shared>> -> memref<10000x128xf32, #tpu.memory_space<vmem_shared>>
      tpu.enqueue_indirect_dma source(%arg13 : memref<16x128xf32, #tpu.memory_space<vmem>>) target(%dma_start3A_62 : memref<10000x128xf32, #tpu.memory_space<vmem_shared>>) offsets(%arg12 : memref<16xi32, #tpu.memory_space<vmem>>) semaphore(%run_scoped3A : memref<!tpu.dma_semaphore, #tpu.memory_space<semaphore_mem>>) {add = true}
      %dma_wait3A_63 = arith.constant 0 : i32
      %dma_wait3A_64 = arith.constant 0 : i32
      %dma_wait3A_65 = tpu.memref_slice %arg14[%dma_wait3A_63, %dma_wait3A_64] : memref<10000x128xf32, #tpu.memory_space<vmem_shared>> -> memref<10000x128xf32, #tpu.memory_space<vmem_shared>>
      tpu.wait_indirect_dma semaphore(%run_scoped3A : memref<!tpu.dma_semaphore, #tpu.memory_space<semaphore_mem>>) src(%arg13 : memref<16x128xf32, #tpu.memory_space<vmem>>) dst(%dma_wait3A_65 : memref<10000x128xf32, #tpu.memory_space<vmem_shared>>)
      tpu.yield
    }) : () -> ()
    %barrier3A_45 = arith.constant 0 : index
    tpu.barrier barrier_id(%barrier3A_45)
    %add3A_46 = arith.constant 0 : i32
    %add3A_47 = arith.addi %arg1, %add3A_46 : i32
    %lt3A_48 = arith.constant 25 : i32
    %lt3A_49 = arith.cmpi slt, %add3A_47, %lt3A_48 : i32
    %convert_element_type3A_50 = arith.extui %lt3A_49 : i1 to i32
    %cond3A_51 = arith.constant 0 : i32
    %cond3A_52 = arith.cmpi ne, %convert_element_type3A_50, %cond3A_51 : i32
    scf.if %cond3A_52 {
      %mul3A_60 = arith.constant 400 : i32
      %mul3A_61 = arith.muli %add3A_47, %mul3A_60 : i32
      %mul3A_62 = arith.constant 400 : i32
      %mul3A_63 = arith.muli %add3A_47, %mul3A_62 : i32
      "tpu.region"() ({
        %run_scoped3A = tpu.sem_alloc : memref<!tpu.dma_semaphore, #tpu.memory_space<semaphore_mem>>
        %dma_start3A_64 = arith.constant 0 : i32
        %dma_start3A_65 = tpu.memref_slice %arg6[%arg0, %mul3A_63, %dma_start3A_64] : memref<2x10000x128xf32, #tpu.memory_space<hbm>> -> memref<1x400x128xf32, #tpu.memory_space<hbm>>
        %dma_start3A_66 = tpu.memref_squeeze %dma_start3A_65 : memref<1x400x128xf32, #tpu.memory_space<hbm>> -> memref<400x128xf32, #tpu.memory_space<hbm>>
        %dma_start3A_67 = arith.constant 0 : i32
        %dma_start3A_68 = tpu.memref_slice %arg14[%mul3A_61, %dma_start3A_67] : memref<10000x128xf32, #tpu.memory_space<vmem_shared>> -> memref<400x128xf32, #tpu.memory_space<vmem_shared>>
        tpu.enqueue_dma source(%dma_start3A_68 : memref<400x128xf32, #tpu.memory_space<vmem_shared>>) target(%dma_start3A_66 : memref<400x128xf32, #tpu.memory_space<hbm>>) target_semaphore(%run_scoped3A : memref<!tpu.dma_semaphore, #tpu.memory_space<semaphore_mem>>)
        %dma_wait3A_69 = arith.constant 0 : i32
        %dma_wait3A_70 = tpu.memref_slice %arg6[%arg0, %mul3A_63, %dma_wait3A_69] : memref<2x10000x128xf32, #tpu.memory_space<hbm>> -> memref<1x400x128xf32, #tpu.memory_space<hbm>>
        %dma_wait3A_71 = tpu.memref_squeeze %dma_wait3A_70 : memref<1x400x128xf32, #tpu.memory_space<hbm>> -> memref<400x128xf32, #tpu.memory_space<hbm>>
        %dma_wait3A_72 = arith.constant 0 : i32
        %dma_wait3A_73 = tpu.memref_slice %arg14[%mul3A_61, %dma_wait3A_72] : memref<10000x128xf32, #tpu.memory_space<vmem_shared>> -> memref<400x128xf32, #tpu.memory_space<vmem_shared>>
        tpu.wait_dma2 semaphore(%run_scoped3A : memref<!tpu.dma_semaphore, #tpu.memory_space<semaphore_mem>>) src(%dma_wait3A_73 : memref<400x128xf32, #tpu.memory_space<vmem_shared>>) dst(%dma_wait3A_71 : memref<400x128xf32, #tpu.memory_space<hbm>>)
        tpu.yield
      }) : () -> ()
    } else {
    }
    %add3A_53 = arith.constant 16 : i32
    %add3A_54 = arith.addi %arg1, %add3A_53 : i32
    %lt3A_55 = arith.constant 25 : i32
    %lt3A_56 = arith.cmpi slt, %add3A_54, %lt3A_55 : i32
    %convert_element_type3A_57 = arith.extui %lt3A_56 : i1 to i32
    %cond3A_58 = arith.constant 0 : i32
    %cond3A_59 = arith.cmpi ne, %convert_element_type3A_57, %cond3A_58 : i32
    scf.if %cond3A_59 {
      %mul3A_60 = arith.constant 400 : i32
      %mul3A_61 = arith.muli %add3A_54, %mul3A_60 : i32
      %mul3A_62 = arith.constant 400 : i32
      %mul3A_63 = arith.muli %add3A_54, %mul3A_62 : i32
      "tpu.region"() ({
        %run_scoped3A = tpu.sem_alloc : memref<!tpu.dma_semaphore, #tpu.memory_space<semaphore_mem>>
        %dma_start3A_64 = arith.constant 0 : i32
        %dma_start3A_65 = tpu.memref_slice %arg6[%arg0, %mul3A_63, %dma_start3A_64] : memref<2x10000x128xf32, #tpu.memory_space<hbm>> -> memref<1x400x128xf32, #tpu.memory_space<hbm>>
        %dma_start3A_66 = tpu.memref_squeeze %dma_start3A_65 : memref<1x400x128xf32, #tpu.memory_space<hbm>> -> memref<400x128xf32, #tpu.memory_space<hbm>>
        %dma_start3A_67 = arith.constant 0 : i32
        %dma_start3A_68 = tpu.memref_slice %arg14[%mul3A_61, %dma_start3A_67] : memref<10000x128xf32, #tpu.memory_space<vmem_shared>> -> memref<400x128xf32, #tpu.memory_space<vmem_shared>>
        tpu.enqueue_dma source(%dma_start3A_68 : memref<400x128xf32, #tpu.memory_space<vmem_shared>>) target(%dma_start3A_66 : memref<400x128xf32, #tpu.memory_space<hbm>>) target_semaphore(%run_scoped3A : memref<!tpu.dma_semaphore, #tpu.memory_space<semaphore_mem>>)
        %dma_wait3A_69 = arith.constant 0 : i32
        %dma_wait3A_70 = tpu.memref_slice %arg6[%arg0, %mul3A_63, %dma_wait3A_69] : memref<2x10000x128xf32, #tpu.memory_space<hbm>> -> memref<1x400x128xf32, #tpu.memory_space<hbm>>
        %dma_wait3A_71 = tpu.memref_squeeze %dma_wait3A_70 : memref<1x400x128xf32, #tpu.memory_space<hbm>> -> memref<400x128xf32, #tpu.memory_space<hbm>>
        %dma_wait3A_72 = arith.constant 0 : i32
        %dma_wait3A_73 = tpu.memref_slice %arg14[%mul3A_61, %dma_wait3A_72] : memref<10000x128xf32, #tpu.memory_space<vmem_shared>> -> memref<400x128xf32, #tpu.memory_space<vmem_shared>>
        tpu.wait_dma2 semaphore(%run_scoped3A : memref<!tpu.dma_semaphore, #tpu.memory_space<semaphore_mem>>) src(%dma_wait3A_73 : memref<400x128xf32, #tpu.memory_space<vmem_shared>>) dst(%dma_wait3A_71 : memref<400x128xf32, #tpu.memory_space<hbm>>)
        tpu.yield
      }) : () -> ()
    } else {
    }
    return
  }
}

module attributes {stable_mosaic.version = 14 : i64} {
  func.func @_tcs_body(%arg0: i32, %arg1: memref<2x1000x128xf32, #tpu.memory_space<vmem>>, %arg2: memref<1000x128xf32, #tpu.memory_space<vmem>>, %arg3: memref<128x128xf32, #tpu.memory_space<vmem>>, %arg4: memref<1x128xf32, #tpu.memory_space<vmem>>, %arg5: memref<128x128xf32, #tpu.memory_space<vmem>>, %arg6: memref<128x1xf32, #tpu.memory_space<vmem>>, %arg7: memref<1x1xf32, #tpu.memory_space<smem>>, %arg8: memref<1x10x100xi32, #tpu.memory_space<vmem>>, %arg9: memref<1000x128xf32, #tpu.memory_space<vmem>>, %arg10: memref<1x10x100xi32, #tpu.memory_space<vmem>>, %arg11: memref<1x10x256xf32, #tpu.memory_space<vmem>>) attributes {dimension_semantics = [#tpu.dimension_semantics<arbitrary>], iteration_bounds = array<i64: 10>, scalar_prefetch = 0 : i64, scratch_operands = 0 : i64, tpu.core_type = #tpu.core_type<tc>, window_params = [{transform_indices = @transform_0, window_bounds = array<i64: 2, 1000, 128>}, {transform_indices = @transform_1, window_bounds = array<i64: 1000, 128>}, {pipeline_mode = #tpu.pipeline_mode<synchronous>, transform_indices = @transform_2, window_bounds = array<i64: 128, 128>}, {pipeline_mode = #tpu.pipeline_mode<synchronous>, transform_indices = @transform_3, window_bounds = array<i64: 1, 128>}, {pipeline_mode = #tpu.pipeline_mode<synchronous>, transform_indices = @transform_4, window_bounds = array<i64: 128, 128>}, {pipeline_mode = #tpu.pipeline_mode<synchronous>, transform_indices = @transform_5, window_bounds = array<i64: 128, 1>}, {transform_indices = @transform_6, window_bounds = array<i64: 1, 1>}, {transform_indices = @transform_7, window_bounds = array<i64: 1, 10, 100>}, {transform_indices = @transform_8, window_bounds = array<i64: 1000, 128>}, {transform_indices = @transform_9, window_bounds = array<i64: 1, 10, 100>}, {transform_indices = @transform_10, window_bounds = array<i64: 1, 10, 256>}]} {
    %get3A = arith.constant 0 : index
    %get3A_0 = arith.constant 0 : index
    %get3A_1 = arith.constant 0 : index
    %get3A_2 = vector.load %arg1[%get3A, %get3A_0, %get3A_1] : memref<2x1000x128xf32, #tpu.memory_space<vmem>>, vector<1x1000x128xf32>
    %get3A_3 = vector.shape_cast %get3A_2 : vector<1x1000x128xf32> to vector<1000x128xf32>
    %get3A_4 = arith.constant 1 : index
    %get3A_5 = arith.constant 0 : index
    %get3A_6 = arith.constant 0 : index
    %get3A_7 = vector.load %arg1[%get3A_4, %get3A_5, %get3A_6] : memref<2x1000x128xf32, #tpu.memory_space<vmem>>, vector<1x1000x128xf32>
    %get3A_8 = vector.shape_cast %get3A_7 : vector<1x1000x128xf32> to vector<1000x128xf32>
    %add3A = arith.addf %get3A_3, %get3A_8 : vector<1000x128xf32>
    %get3A_9 = arith.constant 0 : index
    %get3A_10 = arith.constant 0 : index
    %get3A_11 = vector.load %arg3[%get3A_9, %get3A_10] : memref<128x128xf32, #tpu.memory_space<vmem>>, vector<128x128xf32>
    %dot_general3A = arith.constant dense<0.000000e+00> : vector<1000x128xf32>
    %dot_general3A_12 = tpu.matmul %add3A, %get3A_11, %dot_general3A {dimension_numbers = #tpu.dot_dimension_numbers<[1], [0], [0], [1], [0, 0, 1, 1], [], []>, transpose_lhs_hint = false} : vector<1000x128xf32>, vector<128x128xf32>, vector<1000x128xf32> -> vector<1000x128xf32>
    %get3A_13 = arith.constant 0 : index
    %get3A_14 = arith.constant 0 : index
    %get3A_15 = vector.load %arg4[%get3A_13, %get3A_14] : memref<1x128xf32, #tpu.memory_space<vmem>>, vector<1x128xf32>
    %add3A_16 = vector.broadcast %get3A_15 : vector<1x128xf32> to vector<1000x128xf32>
    %add3A_17 = arith.addf %dot_general3A_12, %add3A_16 : vector<1000x128xf32>
    %get3A_18 = arith.constant 0 : index
    %get3A_19 = arith.constant 0 : index
    %get3A_20 = vector.load %arg2[%get3A_18, %get3A_19] : memref<1000x128xf32, #tpu.memory_space<vmem>>, vector<1000x128xf32>
    %get3A_21 = arith.constant 0 : index
    %get3A_22 = arith.constant 0 : index
    %get3A_23 = vector.load %arg5[%get3A_21, %get3A_22] : memref<128x128xf32, #tpu.memory_space<vmem>>, vector<128x128xf32>
    %dot_general3A_24 = arith.constant dense<0.000000e+00> : vector<1000x128xf32>
    %dot_general3A_25 = tpu.matmul %get3A_20, %get3A_23, %dot_general3A_24 {dimension_numbers = #tpu.dot_dimension_numbers<[1], [0], [0], [1], [0, 0, 1, 1], [], []>, transpose_lhs_hint = false} : vector<1000x128xf32>, vector<128x128xf32>, vector<1000x128xf32> -> vector<1000x128xf32>
    %add3A_26 = arith.addf %add3A_17, %dot_general3A_25 : vector<1000x128xf32>
    %max3A = arith.constant 0.000000e+00 : f32
    %max3A_27 = vector.broadcast %max3A : f32 to vector<1000x128xf32>
    %max3A_28 = arith.maximumf %add3A_26, %max3A_27 : vector<1000x128xf32>
    %get3A_29 = arith.constant 0 : index
    %get3A_30 = arith.constant 0 : index
    %get3A_31 = vector.load %arg6[%get3A_29, %get3A_30] : memref<128x1xf32, #tpu.memory_space<vmem>>, vector<128x1xf32>
    %dot_general3A_32 = arith.constant dense<0.000000e+00> : vector<1000x1xf32>
    %dot_general3A_33 = tpu.matmul %max3A_28, %get3A_31, %dot_general3A_32 {dimension_numbers = #tpu.dot_dimension_numbers<[1], [0], [0], [1], [0, 0, 1, 1], [], []>, transpose_lhs_hint = false} : vector<1000x128xf32>, vector<128x1xf32>, vector<1000x1xf32> -> vector<1000x1xf32>
    %get3A_34 = arith.constant 0 : index
    %get3A_35 = arith.constant 0 : index
    %get3A_36 = memref.load %arg7[%get3A_34, %get3A_35] : memref<1x1xf32, #tpu.memory_space<smem>>
    %div3A = vector.broadcast %get3A_36 : f32 to vector<1000x1xf32>
    %div3A_37 = arith.divf %dot_general3A_33, %div3A : vector<1000x1xf32>
    %tanh3A = math.tanh %div3A_37 : vector<1000x1xf32>
    %slice3A = vector.extract_strided_slice %tanh3A {offsets = [0, 0], sizes = [100, 1], strides = [1, 1]} : vector<1000x1xf32> to vector<100x1xf32>
    %squeeze3A = vector.shape_cast %slice3A : vector<100x1xf32> to vector<100xf32>
    %slice3A_38 = vector.extract_strided_slice %max3A_28 {offsets = [0, 0], sizes = [100, 128], strides = [1, 1]} : vector<1000x128xf32> to vector<100x128xf32>
    %get3A_39 = arith.constant 0 : index
    %get3A_40 = arith.constant 0 : index
    %get3A_41 = arith.constant 0 : index
    %get3A_42 = vector.load %arg8[%get3A_39, %get3A_40, %get3A_41] : memref<1x10x100xi32, #tpu.memory_space<vmem>>, vector<1x1x100xi32>
    %get3A_43 = vector.shape_cast %get3A_42 : vector<1x1x100xi32> to vector<100xi32>
    %lt3A = arith.constant 100 : i32
    %lt3A_44 = vector.broadcast %lt3A : i32 to vector<100xi32>
    %lt3A_45 = arith.cmpi slt, %get3A_43, %lt3A_44 : vector<100xi32>
    %jit3A = arith.constant -3.000000e+38 : f32
    %broadcast_in_dim3A = vector.broadcast %jit3A : f32 to vector<100xf32>
    %select_n3A = arith.select %lt3A_45, %squeeze3A, %broadcast_in_dim3A : vector<100xi1>, vector<100xf32>
    %broadcast_in_dim3A_46 = vector.shape_cast %select_n3A : vector<100xf32> to vector<100x1xf32>
    %broadcast_in_dim3A_47 = vector.shape_cast %select_n3A : vector<100xf32> to vector<1x100xf32>
    %broadcast_in_dim3A_48 = vector.shape_cast %get3A_43 : vector<100xi32> to vector<100x1xi32>
    %broadcast_in_dim3A_49 = vector.shape_cast %get3A_43 : vector<100xi32> to vector<1x100xi32>
    %gt3A = vector.broadcast %broadcast_in_dim3A_47 : vector<1x100xf32> to vector<100x100xf32>
    %gt3A_50 = vector.broadcast %broadcast_in_dim3A_46 : vector<100x1xf32> to vector<100x100xf32>
    %gt3A_51 = arith.cmpf ogt, %gt3A, %gt3A_50 : vector<100x100xf32>
    %eq3A = vector.broadcast %broadcast_in_dim3A_47 : vector<1x100xf32> to vector<100x100xf32>
    %eq3A_52 = vector.broadcast %broadcast_in_dim3A_46 : vector<100x1xf32> to vector<100x100xf32>
    %eq3A_53 = arith.cmpf oeq, %eq3A, %eq3A_52 : vector<100x100xf32>
    %lt3A_54 = vector.broadcast %broadcast_in_dim3A_49 : vector<1x100xi32> to vector<100x100xi32>
    %lt3A_55 = vector.broadcast %broadcast_in_dim3A_48 : vector<100x1xi32> to vector<100x100xi32>
    %lt3A_56 = arith.cmpi slt, %lt3A_54, %lt3A_55 : vector<100x100xi32>
    %and3A = arith.andi %eq3A_53, %lt3A_56 : vector<100x100xi1>
    %or3A = arith.ori %gt3A_51, %and3A : vector<100x100xi1>
    %convert_element_type3A = arith.extui %or3A : vector<100x100xi1> to vector<100x100xi32>
    %convert_element_type3A_57 = arith.sitofp %convert_element_type3A : vector<100x100xi32> to vector<100x100xf32>
    %reduce_sum3A = arith.constant dense<0.000000e+00> : vector<100xf32>
    %reduce_sum3A_58 = vector.multi_reduction <add>, %convert_element_type3A_57, %reduce_sum3A [1] : vector<100x100xf32> to vector<100xf32>
    %convert_element_type3A_59 = arith.fptosi %reduce_sum3A_58 : vector<100xf32> to vector<100xi32>
    %lt3A_60 = arith.constant 25 : i32
    %lt3A_61 = vector.broadcast %lt3A_60 : i32 to vector<100xi32>
    %lt3A_62 = arith.cmpi slt, %convert_element_type3A_59, %lt3A_61 : vector<100xi32>
    %and3A_63 = arith.andi %lt3A_62, %lt3A_45 : vector<100xi1>
    %jit3A_64 = arith.constant 0.000000e+00 : f32
    %broadcast_in_dim3A_65 = vector.broadcast %jit3A_64 : f32 to vector<100xf32>
    %select_n3A_66 = arith.select %and3A_63, %squeeze3A, %broadcast_in_dim3A_65 : vector<100xi1>, vector<100xf32>
    %broadcast_in_dim3A_67 = vector.shape_cast %select_n3A_66 : vector<100xf32> to vector<100x1xf32>
    %mul3A = vector.broadcast %broadcast_in_dim3A_67 : vector<100x1xf32> to vector<100x128xf32>
    %mul3A_68 = arith.mulf %slice3A_38, %mul3A : vector<100x128xf32>
    %broadcast_in_dim3A_69 = vector.shape_cast %and3A_63 : vector<100xi1> to vector<100x1xi1>
    %jit3A_70 = arith.constant -3.000000e+38 : f32
    %broadcast_in_dim3A_71 = vector.shape_cast %broadcast_in_dim3A_69 : vector<100x1xi1> to vector<100x1xi1>
    %broadcast_in_dim3A_72 = vector.broadcast %broadcast_in_dim3A_71 : vector<100x1xi1> to vector<100x128xi1>
    %broadcast_in_dim3A_73 = vector.broadcast %jit3A_70 : f32 to vector<100x128xf32>
    %select_n3A_74 = arith.select %broadcast_in_dim3A_72, %mul3A_68, %broadcast_in_dim3A_73 : vector<100x128xi1>, vector<100x128xf32>
    %reduce_max3A = arith.constant dense<0xFF800000> : vector<128xf32>
    %reduce_max3A_75 = vector.multi_reduction <maximumf>, %select_n3A_74, %reduce_max3A [0] : vector<100x128xf32> to vector<128xf32>
    %reduce_sum3A_76 = arith.constant dense<0.000000e+00> : vector<128xf32>
    %reduce_sum3A_77 = vector.multi_reduction <add>, %mul3A_68, %reduce_sum3A_76 [0] : vector<100x128xf32> to vector<128xf32>
    %div3A_78 = arith.constant 2.500000e+01 : f32
    %div3A_79 = vector.broadcast %div3A_78 : f32 to vector<128xf32>
    %div3A_80 = arith.divf %reduce_sum3A_77, %div3A_79 : vector<128xf32>
    %broadcast_in_dim3A_81 = vector.shape_cast %select_n3A_66 : vector<100xf32> to vector<100x1xf32>
    %jit3A_82 = arith.constant 100 : i32
    %broadcast_in_dim3A_83 = vector.broadcast %jit3A_82 : i32 to vector<100xi32>
    %select_n3A_84 = arith.select %and3A_63, %convert_element_type3A_59, %broadcast_in_dim3A_83 : vector<100xi1>, vector<100xi32>
    %swap3A = arith.constant 0 : index
    %swap3A_85 = arith.constant 0 : index
    %swap3A_86 = arith.constant 0 : index
    %swap3A_87 = vector.load %arg10[%swap3A, %swap3A_85, %swap3A_86] : memref<1x10x100xi32, #tpu.memory_space<vmem>>, vector<1x1x100xi32>
    %swap3A_88 = vector.shape_cast %swap3A_87 : vector<1x1x100xi32> to vector<100xi32>
    %swap3A_89 = vector.shape_cast %select_n3A_84 : vector<100xi32> to vector<1x1x100xi32>
    tpu.vector_store %arg10[%swap3A, %swap3A_85, %swap3A_86], %swap3A_89 {strides = array<i32>} : memref<1x10x100xi32, #tpu.memory_space<vmem>>, vector<1x1x100xi32>,
    %swap3A_90 = arith.constant 0 : index
    %swap3A_91 = arith.constant 0 : index
    %swap3A_92 = arith.constant 0 : index
    %swap3A_93 = vector.load %arg11[%swap3A_90, %swap3A_91, %swap3A_92] : memref<1x10x256xf32, #tpu.memory_space<vmem>>, vector<1x1x128xf32>
    %swap3A_94 = vector.shape_cast %swap3A_93 : vector<1x1x128xf32> to vector<128xf32>
    %swap3A_95 = vector.shape_cast %reduce_max3A_75 : vector<128xf32> to vector<1x1x128xf32>
    tpu.vector_store %arg11[%swap3A_90, %swap3A_91, %swap3A_92], %swap3A_95 {strides = array<i32>} : memref<1x10x256xf32, #tpu.memory_space<vmem>>, vector<1x1x128xf32>,
    %swap3A_96 = arith.constant 0 : index
    %swap3A_97 = arith.constant 0 : index
    %swap3A_98 = arith.constant 128 : index
    %swap3A_99 = vector.load %arg11[%swap3A_96, %swap3A_97, %swap3A_98] : memref<1x10x256xf32, #tpu.memory_space<vmem>>, vector<1x1x128xf32>
    %swap3A_100 = vector.shape_cast %swap3A_99 : vector<1x1x128xf32> to vector<128xf32>
    %swap3A_101 = vector.shape_cast %div3A_80 : vector<128xf32> to vector<1x1x128xf32>
    tpu.vector_store %arg11[%swap3A_96, %swap3A_97, %swap3A_98], %swap3A_101 {strides = array<i32>} : memref<1x10x256xf32, #tpu.memory_space<vmem>>, vector<1x1x128xf32>,
    %slice3A_102 = vector.extract_strided_slice %tanh3A {offsets = [100, 0], sizes = [100, 1], strides = [1, 1]} : vector<1000x1xf32> to vector<100x1xf32>
    %squeeze3A_103 = vector.shape_cast %slice3A_102 : vector<100x1xf32> to vector<100xf32>
    %slice3A_104 = vector.extract_strided_slice %max3A_28 {offsets = [100, 0], sizes = [100, 128], strides = [1, 1]} : vector<1000x128xf32> to vector<100x128xf32>
    %get3A_105 = arith.constant 0 : index
    %get3A_106 = arith.constant 1 : index
    %get3A_107 = arith.constant 0 : index
    %get3A_108 = vector.load %arg8[%get3A_105, %get3A_106, %get3A_107] : memref<1x10x100xi32, #tpu.memory_space<vmem>>, vector<1x1x100xi32>
    %get3A_109 = vector.shape_cast %get3A_108 : vector<1x1x100xi32> to vector<100xi32>
    %lt3A_110 = arith.constant 100 : i32
    %lt3A_111 = vector.broadcast %lt3A_110 : i32 to vector<100xi32>
    %lt3A_112 = arith.cmpi slt, %get3A_109, %lt3A_111 : vector<100xi32>
    %jit3A_113 = arith.constant -3.000000e+38 : f32
    %broadcast_in_dim3A_114 = vector.broadcast %jit3A_113 : f32 to vector<100xf32>
    %select_n3A_115 = arith.select %lt3A_112, %squeeze3A_103, %broadcast_in_dim3A_114 : vector<100xi1>, vector<100xf32>
    %broadcast_in_dim3A_116 = vector.shape_cast %select_n3A_115 : vector<100xf32> to vector<100x1xf32>
    %broadcast_in_dim3A_117 = vector.shape_cast %select_n3A_115 : vector<100xf32> to vector<1x100xf32>
    %broadcast_in_dim3A_118 = vector.shape_cast %get3A_109 : vector<100xi32> to vector<100x1xi32>
    %broadcast_in_dim3A_119 = vector.shape_cast %get3A_109 : vector<100xi32> to vector<1x100xi32>
    %gt3A_120 = vector.broadcast %broadcast_in_dim3A_117 : vector<1x100xf32> to vector<100x100xf32>
    %gt3A_121 = vector.broadcast %broadcast_in_dim3A_116 : vector<100x1xf32> to vector<100x100xf32>
    %gt3A_122 = arith.cmpf ogt, %gt3A_120, %gt3A_121 : vector<100x100xf32>
    %eq3A_123 = vector.broadcast %broadcast_in_dim3A_117 : vector<1x100xf32> to vector<100x100xf32>
    %eq3A_124 = vector.broadcast %broadcast_in_dim3A_116 : vector<100x1xf32> to vector<100x100xf32>
    %eq3A_125 = arith.cmpf oeq, %eq3A_123, %eq3A_124 : vector<100x100xf32>
    %lt3A_126 = vector.broadcast %broadcast_in_dim3A_119 : vector<1x100xi32> to vector<100x100xi32>
    %lt3A_127 = vector.broadcast %broadcast_in_dim3A_118 : vector<100x1xi32> to vector<100x100xi32>
    %lt3A_128 = arith.cmpi slt, %lt3A_126, %lt3A_127 : vector<100x100xi32>
    %and3A_129 = arith.andi %eq3A_125, %lt3A_128 : vector<100x100xi1>
    %or3A_130 = arith.ori %gt3A_122, %and3A_129 : vector<100x100xi1>
    %convert_element_type3A_131 = arith.extui %or3A_130 : vector<100x100xi1> to vector<100x100xi32>
    %convert_element_type3A_132 = arith.sitofp %convert_element_type3A_131 : vector<100x100xi32> to vector<100x100xf32>
    %reduce_sum3A_133 = arith.constant dense<0.000000e+00> : vector<100xf32>
    %reduce_sum3A_134 = vector.multi_reduction <add>, %convert_element_type3A_132, %reduce_sum3A_133 [1] : vector<100x100xf32> to vector<100xf32>
    %convert_element_type3A_135 = arith.fptosi %reduce_sum3A_134 : vector<100xf32> to vector<100xi32>
    %lt3A_136 = arith.constant 25 : i32
    %lt3A_137 = vector.broadcast %lt3A_136 : i32 to vector<100xi32>
    %lt3A_138 = arith.cmpi slt, %convert_element_type3A_135, %lt3A_137 : vector<100xi32>
    %and3A_139 = arith.andi %lt3A_138, %lt3A_112 : vector<100xi1>
    %jit3A_140 = arith.constant 0.000000e+00 : f32
    %broadcast_in_dim3A_141 = vector.broadcast %jit3A_140 : f32 to vector<100xf32>
    %select_n3A_142 = arith.select %and3A_139, %squeeze3A_103, %broadcast_in_dim3A_141 : vector<100xi1>, vector<100xf32>
    %broadcast_in_dim3A_143 = vector.shape_cast %select_n3A_142 : vector<100xf32> to vector<100x1xf32>
    %mul3A_144 = vector.broadcast %broadcast_in_dim3A_143 : vector<100x1xf32> to vector<100x128xf32>
    %mul3A_145 = arith.mulf %slice3A_104, %mul3A_144 : vector<100x128xf32>
    %broadcast_in_dim3A_146 = vector.shape_cast %and3A_139 : vector<100xi1> to vector<100x1xi1>
    %jit3A_147 = arith.constant -3.000000e+38 : f32
    %broadcast_in_dim3A_148 = vector.shape_cast %broadcast_in_dim3A_146 : vector<100x1xi1> to vector<100x1xi1>
    %broadcast_in_dim3A_149 = vector.broadcast %broadcast_in_dim3A_148 : vector<100x1xi1> to vector<100x128xi1>
    %broadcast_in_dim3A_150 = vector.broadcast %jit3A_147 : f32 to vector<100x128xf32>
    %select_n3A_151 = arith.select %broadcast_in_dim3A_149, %mul3A_145, %broadcast_in_dim3A_150 : vector<100x128xi1>, vector<100x128xf32>
    %reduce_max3A_152 = arith.constant dense<0xFF800000> : vector<128xf32>
    %reduce_max3A_153 = vector.multi_reduction <maximumf>, %select_n3A_151, %reduce_max3A_152 [0] : vector<100x128xf32> to vector<128xf32>
    %reduce_sum3A_154 = arith.constant dense<0.000000e+00> : vector<128xf32>
    %reduce_sum3A_155 = vector.multi_reduction <add>, %mul3A_145, %reduce_sum3A_154 [0] : vector<100x128xf32> to vector<128xf32>
    %div3A_156 = arith.constant 2.500000e+01 : f32
    %div3A_157 = vector.broadcast %div3A_156 : f32 to vector<128xf32>
    %div3A_158 = arith.divf %reduce_sum3A_155, %div3A_157 : vector<128xf32>
    %broadcast_in_dim3A_159 = vector.shape_cast %select_n3A_142 : vector<100xf32> to vector<100x1xf32>
    %jit3A_160 = arith.constant 100 : i32
    %broadcast_in_dim3A_161 = vector.broadcast %jit3A_160 : i32 to vector<100xi32>
    %select_n3A_162 = arith.select %and3A_139, %convert_element_type3A_135, %broadcast_in_dim3A_161 : vector<100xi1>, vector<100xi32>
    %swap3A_163 = arith.constant 0 : index
    %swap3A_164 = arith.constant 1 : index
    %swap3A_165 = arith.constant 0 : index
    %swap3A_166 = vector.load %arg10[%swap3A_163, %swap3A_164, %swap3A_165] : memref<1x10x100xi32, #tpu.memory_space<vmem>>, vector<1x1x100xi32>
    %swap3A_167 = vector.shape_cast %swap3A_166 : vector<1x1x100xi32> to vector<100xi32>
    %swap3A_168 = vector.shape_cast %select_n3A_162 : vector<100xi32> to vector<1x1x100xi32>
    tpu.vector_store %arg10[%swap3A_163, %swap3A_164, %swap3A_165], %swap3A_168 {strides = array<i32>} : memref<1x10x100xi32, #tpu.memory_space<vmem>>, vector<1x1x100xi32>,
    %swap3A_169 = arith.constant 0 : index
    %swap3A_170 = arith.constant 1 : index
    %swap3A_171 = arith.constant 0 : index
    %swap3A_172 = vector.load %arg11[%swap3A_169, %swap3A_170, %swap3A_171] : memref<1x10x256xf32, #tpu.memory_space<vmem>>, vector<1x1x128xf32>
    %swap3A_173 = vector.shape_cast %swap3A_172 : vector<1x1x128xf32> to vector<128xf32>
    %swap3A_174 = vector.shape_cast %reduce_max3A_153 : vector<128xf32> to vector<1x1x128xf32>
    tpu.vector_store %arg11[%swap3A_169, %swap3A_170, %swap3A_171], %swap3A_174 {strides = array<i32>} : memref<1x10x256xf32, #tpu.memory_space<vmem>>, vector<1x1x128xf32>,
    %swap3A_175 = arith.constant 0 : index
    %swap3A_176 = arith.constant 1 : index
    %swap3A_177 = arith.constant 128 : index
    %swap3A_178 = vector.load %arg11[%swap3A_175, %swap3A_176, %swap3A_177] : memref<1x10x256xf32, #tpu.memory_space<vmem>>, vector<1x1x128xf32>
    %swap3A_179 = vector.shape_cast %swap3A_178 : vector<1x1x128xf32> to vector<128xf32>
    %swap3A_180 = vector.shape_cast %div3A_158 : vector<128xf32> to vector<1x1x128xf32>
    tpu.vector_store %arg11[%swap3A_175, %swap3A_176, %swap3A_177], %swap3A_180 {strides = array<i32>} : memref<1x10x256xf32, #tpu.memory_space<vmem>>, vector<1x1x128xf32>,
    %slice3A_181 = vector.extract_strided_slice %tanh3A {offsets = [200, 0], sizes = [100, 1], strides = [1, 1]} : vector<1000x1xf32> to vector<100x1xf32>
    %squeeze3A_182 = vector.shape_cast %slice3A_181 : vector<100x1xf32> to vector<100xf32>
    %slice3A_183 = vector.extract_strided_slice %max3A_28 {offsets = [200, 0], sizes = [100, 128], strides = [1, 1]} : vector<1000x128xf32> to vector<100x128xf32>
    %get3A_184 = arith.constant 0 : index
    %get3A_185 = arith.constant 2 : index
    %get3A_186 = arith.constant 0 : index
    %get3A_187 = vector.load %arg8[%get3A_184, %get3A_185, %get3A_186] : memref<1x10x100xi32, #tpu.memory_space<vmem>>, vector<1x1x100xi32>
    %get3A_188 = vector.shape_cast %get3A_187 : vector<1x1x100xi32> to vector<100xi32>
    %lt3A_189 = arith.constant 100 : i32
    %lt3A_190 = vector.broadcast %lt3A_189 : i32 to vector<100xi32>
    %lt3A_191 = arith.cmpi slt, %get3A_188, %lt3A_190 : vector<100xi32>
    %jit3A_192 = arith.constant -3.000000e+38 : f32
    %broadcast_in_dim3A_193 = vector.broadcast %jit3A_192 : f32 to vector<100xf32>
    %select_n3A_194 = arith.select %lt3A_191, %squeeze3A_182, %broadcast_in_dim3A_193 : vector<100xi1>, vector<100xf32>
    %broadcast_in_dim3A_195 = vector.shape_cast %select_n3A_194 : vector<100xf32> to vector<100x1xf32>
    %broadcast_in_dim3A_196 = vector.shape_cast %select_n3A_194 : vector<100xf32> to vector<1x100xf32>
    %broadcast_in_dim3A_197 = vector.shape_cast %get3A_188 : vector<100xi32> to vector<100x1xi32>
    %broadcast_in_dim3A_198 = vector.shape_cast %get3A_188 : vector<100xi32> to vector<1x100xi32>
    %gt3A_199 = vector.broadcast %broadcast_in_dim3A_196 : vector<1x100xf32> to vector<100x100xf32>
    %gt3A_200 = vector.broadcast %broadcast_in_dim3A_195 : vector<100x1xf32> to vector<100x100xf32>
    %gt3A_201 = arith.cmpf ogt, %gt3A_199, %gt3A_200 : vector<100x100xf32>
    %eq3A_202 = vector.broadcast %broadcast_in_dim3A_196 : vector<1x100xf32> to vector<100x100xf32>
    %eq3A_203 = vector.broadcast %broadcast_in_dim3A_195 : vector<100x1xf32> to vector<100x100xf32>
    %eq3A_204 = arith.cmpf oeq, %eq3A_202, %eq3A_203 : vector<100x100xf32>
    %lt3A_205 = vector.broadcast %broadcast_in_dim3A_198 : vector<1x100xi32> to vector<100x100xi32>
    %lt3A_206 = vector.broadcast %broadcast_in_dim3A_197 : vector<100x1xi32> to vector<100x100xi32>
    %lt3A_207 = arith.cmpi slt, %lt3A_205, %lt3A_206 : vector<100x100xi32>
    %and3A_208 = arith.andi %eq3A_204, %lt3A_207 : vector<100x100xi1>
    %or3A_209 = arith.ori %gt3A_201, %and3A_208 : vector<100x100xi1>
    %convert_element_type3A_210 = arith.extui %or3A_209 : vector<100x100xi1> to vector<100x100xi32>
    %convert_element_type3A_211 = arith.sitofp %convert_element_type3A_210 : vector<100x100xi32> to vector<100x100xf32>
    %reduce_sum3A_212 = arith.constant dense<0.000000e+00> : vector<100xf32>
    %reduce_sum3A_213 = vector.multi_reduction <add>, %convert_element_type3A_211, %reduce_sum3A_212 [1] : vector<100x100xf32> to vector<100xf32>
    %convert_element_type3A_214 = arith.fptosi %reduce_sum3A_213 : vector<100xf32> to vector<100xi32>
    %lt3A_215 = arith.constant 25 : i32
    %lt3A_216 = vector.broadcast %lt3A_215 : i32 to vector<100xi32>
    %lt3A_217 = arith.cmpi slt, %convert_element_type3A_214, %lt3A_216 : vector<100xi32>
    %and3A_218 = arith.andi %lt3A_217, %lt3A_191 : vector<100xi1>
    %jit3A_219 = arith.constant 0.000000e+00 : f32
    %broadcast_in_dim3A_220 = vector.broadcast %jit3A_219 : f32 to vector<100xf32>
    %select_n3A_221 = arith.select %and3A_218, %squeeze3A_182, %broadcast_in_dim3A_220 : vector<100xi1>, vector<100xf32>
    %broadcast_in_dim3A_222 = vector.shape_cast %select_n3A_221 : vector<100xf32> to vector<100x1xf32>
    %mul3A_223 = vector.broadcast %broadcast_in_dim3A_222 : vector<100x1xf32> to vector<100x128xf32>
    %mul3A_224 = arith.mulf %slice3A_183, %mul3A_223 : vector<100x128xf32>
    %broadcast_in_dim3A_225 = vector.shape_cast %and3A_218 : vector<100xi1> to vector<100x1xi1>
    %jit3A_226 = arith.constant -3.000000e+38 : f32
    %broadcast_in_dim3A_227 = vector.shape_cast %broadcast_in_dim3A_225 : vector<100x1xi1> to vector<100x1xi1>
    %broadcast_in_dim3A_228 = vector.broadcast %broadcast_in_dim3A_227 : vector<100x1xi1> to vector<100x128xi1>
    %broadcast_in_dim3A_229 = vector.broadcast %jit3A_226 : f32 to vector<100x128xf32>
    %select_n3A_230 = arith.select %broadcast_in_dim3A_228, %mul3A_224, %broadcast_in_dim3A_229 : vector<100x128xi1>, vector<100x128xf32>
    %reduce_max3A_231 = arith.constant dense<0xFF800000> : vector<128xf32>
    %reduce_max3A_232 = vector.multi_reduction <maximumf>, %select_n3A_230, %reduce_max3A_231 [0] : vector<100x128xf32> to vector<128xf32>
    %reduce_sum3A_233 = arith.constant dense<0.000000e+00> : vector<128xf32>
    %reduce_sum3A_234 = vector.multi_reduction <add>, %mul3A_224, %reduce_sum3A_233 [0] : vector<100x128xf32> to vector<128xf32>
    %div3A_235 = arith.constant 2.500000e+01 : f32
    %div3A_236 = vector.broadcast %div3A_235 : f32 to vector<128xf32>
    %div3A_237 = arith.divf %reduce_sum3A_234, %div3A_236 : vector<128xf32>
    %broadcast_in_dim3A_238 = vector.shape_cast %select_n3A_221 : vector<100xf32> to vector<100x1xf32>
    %jit3A_239 = arith.constant 100 : i32
    %broadcast_in_dim3A_240 = vector.broadcast %jit3A_239 : i32 to vector<100xi32>
    %select_n3A_241 = arith.select %and3A_218, %convert_element_type3A_214, %broadcast_in_dim3A_240 : vector<100xi1>, vector<100xi32>
    %swap3A_242 = arith.constant 0 : index
    %swap3A_243 = arith.constant 2 : index
    %swap3A_244 = arith.constant 0 : index
    %swap3A_245 = vector.load %arg10[%swap3A_242, %swap3A_243, %swap3A_244] : memref<1x10x100xi32, #tpu.memory_space<vmem>>, vector<1x1x100xi32>
    %swap3A_246 = vector.shape_cast %swap3A_245 : vector<1x1x100xi32> to vector<100xi32>
    %swap3A_247 = vector.shape_cast %select_n3A_241 : vector<100xi32> to vector<1x1x100xi32>
    tpu.vector_store %arg10[%swap3A_242, %swap3A_243, %swap3A_244], %swap3A_247 {strides = array<i32>} : memref<1x10x100xi32, #tpu.memory_space<vmem>>, vector<1x1x100xi32>,
    %swap3A_248 = arith.constant 0 : index
    %swap3A_249 = arith.constant 2 : index
    %swap3A_250 = arith.constant 0 : index
    %swap3A_251 = vector.load %arg11[%swap3A_248, %swap3A_249, %swap3A_250] : memref<1x10x256xf32, #tpu.memory_space<vmem>>, vector<1x1x128xf32>
    %swap3A_252 = vector.shape_cast %swap3A_251 : vector<1x1x128xf32> to vector<128xf32>
    %swap3A_253 = vector.shape_cast %reduce_max3A_232 : vector<128xf32> to vector<1x1x128xf32>
    tpu.vector_store %arg11[%swap3A_248, %swap3A_249, %swap3A_250], %swap3A_253 {strides = array<i32>} : memref<1x10x256xf32, #tpu.memory_space<vmem>>, vector<1x1x128xf32>,
    %swap3A_254 = arith.constant 0 : index
    %swap3A_255 = arith.constant 2 : index
    %swap3A_256 = arith.constant 128 : index
    %swap3A_257 = vector.load %arg11[%swap3A_254, %swap3A_255, %swap3A_256] : memref<1x10x256xf32, #tpu.memory_space<vmem>>, vector<1x1x128xf32>
    %swap3A_258 = vector.shape_cast %swap3A_257 : vector<1x1x128xf32> to vector<128xf32>
    %swap3A_259 = vector.shape_cast %div3A_237 : vector<128xf32> to vector<1x1x128xf32>
    tpu.vector_store %arg11[%swap3A_254, %swap3A_255, %swap3A_256], %swap3A_259 {strides = array<i32>} : memref<1x10x256xf32, #tpu.memory_space<vmem>>, vector<1x1x128xf32>,
    %slice3A_260 = vector.extract_strided_slice %tanh3A {offsets = [300, 0], sizes = [100, 1], strides = [1, 1]} : vector<1000x1xf32> to vector<100x1xf32>
    %squeeze3A_261 = vector.shape_cast %slice3A_260 : vector<100x1xf32> to vector<100xf32>
    %slice3A_262 = vector.extract_strided_slice %max3A_28 {offsets = [300, 0], sizes = [100, 128], strides = [1, 1]} : vector<1000x128xf32> to vector<100x128xf32>
    %get3A_263 = arith.constant 0 : index
    %get3A_264 = arith.constant 3 : index
    %get3A_265 = arith.constant 0 : index
    %get3A_266 = vector.load %arg8[%get3A_263, %get3A_264, %get3A_265] : memref<1x10x100xi32, #tpu.memory_space<vmem>>, vector<1x1x100xi32>
    %get3A_267 = vector.shape_cast %get3A_266 : vector<1x1x100xi32> to vector<100xi32>
    %lt3A_268 = arith.constant 100 : i32
    %lt3A_269 = vector.broadcast %lt3A_268 : i32 to vector<100xi32>
    %lt3A_270 = arith.cmpi slt, %get3A_267, %lt3A_269 : vector<100xi32>
    %jit3A_271 = arith.constant -3.000000e+38 : f32
    %broadcast_in_dim3A_272 = vector.broadcast %jit3A_271 : f32 to vector<100xf32>
    %select_n3A_273 = arith.select %lt3A_270, %squeeze3A_261, %broadcast_in_dim3A_272 : vector<100xi1>, vector<100xf32>
    %broadcast_in_dim3A_274 = vector.shape_cast %select_n3A_273 : vector<100xf32> to vector<100x1xf32>
    %broadcast_in_dim3A_275 = vector.shape_cast %select_n3A_273 : vector<100xf32> to vector<1x100xf32>
    %broadcast_in_dim3A_276 = vector.shape_cast %get3A_267 : vector<100xi32> to vector<100x1xi32>
    %broadcast_in_dim3A_277 = vector.shape_cast %get3A_267 : vector<100xi32> to vector<1x100xi32>
    %gt3A_278 = vector.broadcast %broadcast_in_dim3A_275 : vector<1x100xf32> to vector<100x100xf32>
    %gt3A_279 = vector.broadcast %broadcast_in_dim3A_274 : vector<100x1xf32> to vector<100x100xf32>
    %gt3A_280 = arith.cmpf ogt, %gt3A_278, %gt3A_279 : vector<100x100xf32>
    %eq3A_281 = vector.broadcast %broadcast_in_dim3A_275 : vector<1x100xf32> to vector<100x100xf32>
    %eq3A_282 = vector.broadcast %broadcast_in_dim3A_274 : vector<100x1xf32> to vector<100x100xf32>
    %eq3A_283 = arith.cmpf oeq, %eq3A_281, %eq3A_282 : vector<100x100xf32>
    %lt3A_284 = vector.broadcast %broadcast_in_dim3A_277 : vector<1x100xi32> to vector<100x100xi32>
    %lt3A_285 = vector.broadcast %broadcast_in_dim3A_276 : vector<100x1xi32> to vector<100x100xi32>
    %lt3A_286 = arith.cmpi slt, %lt3A_284, %lt3A_285 : vector<100x100xi32>
    %and3A_287 = arith.andi %eq3A_283, %lt3A_286 : vector<100x100xi1>
    %or3A_288 = arith.ori %gt3A_280, %and3A_287 : vector<100x100xi1>
    %convert_element_type3A_289 = arith.extui %or3A_288 : vector<100x100xi1> to vector<100x100xi32>
    %convert_element_type3A_290 = arith.sitofp %convert_element_type3A_289 : vector<100x100xi32> to vector<100x100xf32>
    %reduce_sum3A_291 = arith.constant dense<0.000000e+00> : vector<100xf32>
    %reduce_sum3A_292 = vector.multi_reduction <add>, %convert_element_type3A_290, %reduce_sum3A_291 [1] : vector<100x100xf32> to vector<100xf32>
    %convert_element_type3A_293 = arith.fptosi %reduce_sum3A_292 : vector<100xf32> to vector<100xi32>
    %lt3A_294 = arith.constant 25 : i32
    %lt3A_295 = vector.broadcast %lt3A_294 : i32 to vector<100xi32>
    %lt3A_296 = arith.cmpi slt, %convert_element_type3A_293, %lt3A_295 : vector<100xi32>
    %and3A_297 = arith.andi %lt3A_296, %lt3A_270 : vector<100xi1>
    %jit3A_298 = arith.constant 0.000000e+00 : f32
    %broadcast_in_dim3A_299 = vector.broadcast %jit3A_298 : f32 to vector<100xf32>
    %select_n3A_300 = arith.select %and3A_297, %squeeze3A_261, %broadcast_in_dim3A_299 : vector<100xi1>, vector<100xf32>
    %broadcast_in_dim3A_301 = vector.shape_cast %select_n3A_300 : vector<100xf32> to vector<100x1xf32>
    %mul3A_302 = vector.broadcast %broadcast_in_dim3A_301 : vector<100x1xf32> to vector<100x128xf32>
    %mul3A_303 = arith.mulf %slice3A_262, %mul3A_302 : vector<100x128xf32>
    %broadcast_in_dim3A_304 = vector.shape_cast %and3A_297 : vector<100xi1> to vector<100x1xi1>
    %jit3A_305 = arith.constant -3.000000e+38 : f32
    %broadcast_in_dim3A_306 = vector.shape_cast %broadcast_in_dim3A_304 : vector<100x1xi1> to vector<100x1xi1>
    %broadcast_in_dim3A_307 = vector.broadcast %broadcast_in_dim3A_306 : vector<100x1xi1> to vector<100x128xi1>
    %broadcast_in_dim3A_308 = vector.broadcast %jit3A_305 : f32 to vector<100x128xf32>
    %select_n3A_309 = arith.select %broadcast_in_dim3A_307, %mul3A_303, %broadcast_in_dim3A_308 : vector<100x128xi1>, vector<100x128xf32>
    %reduce_max3A_310 = arith.constant dense<0xFF800000> : vector<128xf32>
    %reduce_max3A_311 = vector.multi_reduction <maximumf>, %select_n3A_309, %reduce_max3A_310 [0] : vector<100x128xf32> to vector<128xf32>
    %reduce_sum3A_312 = arith.constant dense<0.000000e+00> : vector<128xf32>
    %reduce_sum3A_313 = vector.multi_reduction <add>, %mul3A_303, %reduce_sum3A_312 [0] : vector<100x128xf32> to vector<128xf32>
    %div3A_314 = arith.constant 2.500000e+01 : f32
    %div3A_315 = vector.broadcast %div3A_314 : f32 to vector<128xf32>
    %div3A_316 = arith.divf %reduce_sum3A_313, %div3A_315 : vector<128xf32>
    %broadcast_in_dim3A_317 = vector.shape_cast %select_n3A_300 : vector<100xf32> to vector<100x1xf32>
    %jit3A_318 = arith.constant 100 : i32
    %broadcast_in_dim3A_319 = vector.broadcast %jit3A_318 : i32 to vector<100xi32>
    %select_n3A_320 = arith.select %and3A_297, %convert_element_type3A_293, %broadcast_in_dim3A_319 : vector<100xi1>, vector<100xi32>
    %swap3A_321 = arith.constant 0 : index
    %swap3A_322 = arith.constant 3 : index
    %swap3A_323 = arith.constant 0 : index
    %swap3A_324 = vector.load %arg10[%swap3A_321, %swap3A_322, %swap3A_323] : memref<1x10x100xi32, #tpu.memory_space<vmem>>, vector<1x1x100xi32>
    %swap3A_325 = vector.shape_cast %swap3A_324 : vector<1x1x100xi32> to vector<100xi32>
    %swap3A_326 = vector.shape_cast %select_n3A_320 : vector<100xi32> to vector<1x1x100xi32>
    tpu.vector_store %arg10[%swap3A_321, %swap3A_322, %swap3A_323], %swap3A_326 {strides = array<i32>} : memref<1x10x100xi32, #tpu.memory_space<vmem>>, vector<1x1x100xi32>,
    %swap3A_327 = arith.constant 0 : index
    %swap3A_328 = arith.constant 3 : index
    %swap3A_329 = arith.constant 0 : index
    %swap3A_330 = vector.load %arg11[%swap3A_327, %swap3A_328, %swap3A_329] : memref<1x10x256xf32, #tpu.memory_space<vmem>>, vector<1x1x128xf32>
    %swap3A_331 = vector.shape_cast %swap3A_330 : vector<1x1x128xf32> to vector<128xf32>
    %swap3A_332 = vector.shape_cast %reduce_max3A_311 : vector<128xf32> to vector<1x1x128xf32>
    tpu.vector_store %arg11[%swap3A_327, %swap3A_328, %swap3A_329], %swap3A_332 {strides = array<i32>} : memref<1x10x256xf32, #tpu.memory_space<vmem>>, vector<1x1x128xf32>,
    %swap3A_333 = arith.constant 0 : index
    %swap3A_334 = arith.constant 3 : index
    %swap3A_335 = arith.constant 128 : index
    %swap3A_336 = vector.load %arg11[%swap3A_333, %swap3A_334, %swap3A_335] : memref<1x10x256xf32, #tpu.memory_space<vmem>>, vector<1x1x128xf32>
    %swap3A_337 = vector.shape_cast %swap3A_336 : vector<1x1x128xf32> to vector<128xf32>
    %swap3A_338 = vector.shape_cast %div3A_316 : vector<128xf32> to vector<1x1x128xf32>
    tpu.vector_store %arg11[%swap3A_333, %swap3A_334, %swap3A_335], %swap3A_338 {strides = array<i32>} : memref<1x10x256xf32, #tpu.memory_space<vmem>>, vector<1x1x128xf32>,
    %slice3A_339 = vector.extract_strided_slice %tanh3A {offsets = [400, 0], sizes = [100, 1], strides = [1, 1]} : vector<1000x1xf32> to vector<100x1xf32>
    %squeeze3A_340 = vector.shape_cast %slice3A_339 : vector<100x1xf32> to vector<100xf32>
    %slice3A_341 = vector.extract_strided_slice %max3A_28 {offsets = [400, 0], sizes = [100, 128], strides = [1, 1]} : vector<1000x128xf32> to vector<100x128xf32>
    %get3A_342 = arith.constant 0 : index
    %get3A_343 = arith.constant 4 : index
    %get3A_344 = arith.constant 0 : index
    %get3A_345 = vector.load %arg8[%get3A_342, %get3A_343, %get3A_344] : memref<1x10x100xi32, #tpu.memory_space<vmem>>, vector<1x1x100xi32>
    %get3A_346 = vector.shape_cast %get3A_345 : vector<1x1x100xi32> to vector<100xi32>
    %lt3A_347 = arith.constant 100 : i32
    %lt3A_348 = vector.broadcast %lt3A_347 : i32 to vector<100xi32>
    %lt3A_349 = arith.cmpi slt, %get3A_346, %lt3A_348 : vector<100xi32>
    %jit3A_350 = arith.constant -3.000000e+38 : f32
    %broadcast_in_dim3A_351 = vector.broadcast %jit3A_350 : f32 to vector<100xf32>
    %select_n3A_352 = arith.select %lt3A_349, %squeeze3A_340, %broadcast_in_dim3A_351 : vector<100xi1>, vector<100xf32>
    %broadcast_in_dim3A_353 = vector.shape_cast %select_n3A_352 : vector<100xf32> to vector<100x1xf32>
    %broadcast_in_dim3A_354 = vector.shape_cast %select_n3A_352 : vector<100xf32> to vector<1x100xf32>
    %broadcast_in_dim3A_355 = vector.shape_cast %get3A_346 : vector<100xi32> to vector<100x1xi32>
    %broadcast_in_dim3A_356 = vector.shape_cast %get3A_346 : vector<100xi32> to vector<1x100xi32>
    %gt3A_357 = vector.broadcast %broadcast_in_dim3A_354 : vector<1x100xf32> to vector<100x100xf32>
    %gt3A_358 = vector.broadcast %broadcast_in_dim3A_353 : vector<100x1xf32> to vector<100x100xf32>
    %gt3A_359 = arith.cmpf ogt, %gt3A_357, %gt3A_358 : vector<100x100xf32>
    %eq3A_360 = vector.broadcast %broadcast_in_dim3A_354 : vector<1x100xf32> to vector<100x100xf32>
    %eq3A_361 = vector.broadcast %broadcast_in_dim3A_353 : vector<100x1xf32> to vector<100x100xf32>
    %eq3A_362 = arith.cmpf oeq, %eq3A_360, %eq3A_361 : vector<100x100xf32>
    %lt3A_363 = vector.broadcast %broadcast_in_dim3A_356 : vector<1x100xi32> to vector<100x100xi32>
    %lt3A_364 = vector.broadcast %broadcast_in_dim3A_355 : vector<100x1xi32> to vector<100x100xi32>
    %lt3A_365 = arith.cmpi slt, %lt3A_363, %lt3A_364 : vector<100x100xi32>
    %and3A_366 = arith.andi %eq3A_362, %lt3A_365 : vector<100x100xi1>
    %or3A_367 = arith.ori %gt3A_359, %and3A_366 : vector<100x100xi1>
    %convert_element_type3A_368 = arith.extui %or3A_367 : vector<100x100xi1> to vector<100x100xi32>
    %convert_element_type3A_369 = arith.sitofp %convert_element_type3A_368 : vector<100x100xi32> to vector<100x100xf32>
    %reduce_sum3A_370 = arith.constant dense<0.000000e+00> : vector<100xf32>
    %reduce_sum3A_371 = vector.multi_reduction <add>, %convert_element_type3A_369, %reduce_sum3A_370 [1] : vector<100x100xf32> to vector<100xf32>
    %convert_element_type3A_372 = arith.fptosi %reduce_sum3A_371 : vector<100xf32> to vector<100xi32>
    %lt3A_373 = arith.constant 25 : i32
    %lt3A_374 = vector.broadcast %lt3A_373 : i32 to vector<100xi32>
    %lt3A_375 = arith.cmpi slt, %convert_element_type3A_372, %lt3A_374 : vector<100xi32>
    %and3A_376 = arith.andi %lt3A_375, %lt3A_349 : vector<100xi1>
    %jit3A_377 = arith.constant 0.000000e+00 : f32
    %broadcast_in_dim3A_378 = vector.broadcast %jit3A_377 : f32 to vector<100xf32>
    %select_n3A_379 = arith.select %and3A_376, %squeeze3A_340, %broadcast_in_dim3A_378 : vector<100xi1>, vector<100xf32>
    %broadcast_in_dim3A_380 = vector.shape_cast %select_n3A_379 : vector<100xf32> to vector<100x1xf32>
    %mul3A_381 = vector.broadcast %broadcast_in_dim3A_380 : vector<100x1xf32> to vector<100x128xf32>
    %mul3A_382 = arith.mulf %slice3A_341, %mul3A_381 : vector<100x128xf32>
    %broadcast_in_dim3A_383 = vector.shape_cast %and3A_376 : vector<100xi1> to vector<100x1xi1>
    %jit3A_384 = arith.constant -3.000000e+38 : f32
    %broadcast_in_dim3A_385 = vector.shape_cast %broadcast_in_dim3A_383 : vector<100x1xi1> to vector<100x1xi1>
    %broadcast_in_dim3A_386 = vector.broadcast %broadcast_in_dim3A_385 : vector<100x1xi1> to vector<100x128xi1>
    %broadcast_in_dim3A_387 = vector.broadcast %jit3A_384 : f32 to vector<100x128xf32>
    %select_n3A_388 = arith.select %broadcast_in_dim3A_386, %mul3A_382, %broadcast_in_dim3A_387 : vector<100x128xi1>, vector<100x128xf32>
    %reduce_max3A_389 = arith.constant dense<0xFF800000> : vector<128xf32>
    %reduce_max3A_390 = vector.multi_reduction <maximumf>, %select_n3A_388, %reduce_max3A_389 [0] : vector<100x128xf32> to vector<128xf32>
    %reduce_sum3A_391 = arith.constant dense<0.000000e+00> : vector<128xf32>
    %reduce_sum3A_392 = vector.multi_reduction <add>, %mul3A_382, %reduce_sum3A_391 [0] : vector<100x128xf32> to vector<128xf32>
    %div3A_393 = arith.constant 2.500000e+01 : f32
    %div3A_394 = vector.broadcast %div3A_393 : f32 to vector<128xf32>
    %div3A_395 = arith.divf %reduce_sum3A_392, %div3A_394 : vector<128xf32>
    %broadcast_in_dim3A_396 = vector.shape_cast %select_n3A_379 : vector<100xf32> to vector<100x1xf32>
    %jit3A_397 = arith.constant 100 : i32
    %broadcast_in_dim3A_398 = vector.broadcast %jit3A_397 : i32 to vector<100xi32>
    %select_n3A_399 = arith.select %and3A_376, %convert_element_type3A_372, %broadcast_in_dim3A_398 : vector<100xi1>, vector<100xi32>
    %swap3A_400 = arith.constant 0 : index
    %swap3A_401 = arith.constant 4 : index
    %swap3A_402 = arith.constant 0 : index
    %swap3A_403 = vector.load %arg10[%swap3A_400, %swap3A_401, %swap3A_402] : memref<1x10x100xi32, #tpu.memory_space<vmem>>, vector<1x1x100xi32>
    %swap3A_404 = vector.shape_cast %swap3A_403 : vector<1x1x100xi32> to vector<100xi32>
    %swap3A_405 = vector.shape_cast %select_n3A_399 : vector<100xi32> to vector<1x1x100xi32>
    tpu.vector_store %arg10[%swap3A_400, %swap3A_401, %swap3A_402], %swap3A_405 {strides = array<i32>} : memref<1x10x100xi32, #tpu.memory_space<vmem>>, vector<1x1x100xi32>,
    %swap3A_406 = arith.constant 0 : index
    %swap3A_407 = arith.constant 4 : index
    %swap3A_408 = arith.constant 0 : index
    %swap3A_409 = vector.load %arg11[%swap3A_406, %swap3A_407, %swap3A_408] : memref<1x10x256xf32, #tpu.memory_space<vmem>>, vector<1x1x128xf32>
    %swap3A_410 = vector.shape_cast %swap3A_409 : vector<1x1x128xf32> to vector<128xf32>
    %swap3A_411 = vector.shape_cast %reduce_max3A_390 : vector<128xf32> to vector<1x1x128xf32>
    tpu.vector_store %arg11[%swap3A_406, %swap3A_407, %swap3A_408], %swap3A_411 {strides = array<i32>} : memref<1x10x256xf32, #tpu.memory_space<vmem>>, vector<1x1x128xf32>,
    %swap3A_412 = arith.constant 0 : index
    %swap3A_413 = arith.constant 4 : index
    %swap3A_414 = arith.constant 128 : index
    %swap3A_415 = vector.load %arg11[%swap3A_412, %swap3A_413, %swap3A_414] : memref<1x10x256xf32, #tpu.memory_space<vmem>>, vector<1x1x128xf32>
    %swap3A_416 = vector.shape_cast %swap3A_415 : vector<1x1x128xf32> to vector<128xf32>
    %swap3A_417 = vector.shape_cast %div3A_395 : vector<128xf32> to vector<1x1x128xf32>
    tpu.vector_store %arg11[%swap3A_412, %swap3A_413, %swap3A_414], %swap3A_417 {strides = array<i32>} : memref<1x10x256xf32, #tpu.memory_space<vmem>>, vector<1x1x128xf32>,
    %slice3A_418 = vector.extract_strided_slice %tanh3A {offsets = [500, 0], sizes = [100, 1], strides = [1, 1]} : vector<1000x1xf32> to vector<100x1xf32>
    %squeeze3A_419 = vector.shape_cast %slice3A_418 : vector<100x1xf32> to vector<100xf32>
    %slice3A_420 = vector.extract_strided_slice %max3A_28 {offsets = [500, 0], sizes = [100, 128], strides = [1, 1]} : vector<1000x128xf32> to vector<100x128xf32>
    %get3A_421 = arith.constant 0 : index
    %get3A_422 = arith.constant 5 : index
    %get3A_423 = arith.constant 0 : index
    %get3A_424 = vector.load %arg8[%get3A_421, %get3A_422, %get3A_423] : memref<1x10x100xi32, #tpu.memory_space<vmem>>, vector<1x1x100xi32>
    %get3A_425 = vector.shape_cast %get3A_424 : vector<1x1x100xi32> to vector<100xi32>
    %lt3A_426 = arith.constant 100 : i32
    %lt3A_427 = vector.broadcast %lt3A_426 : i32 to vector<100xi32>
    %lt3A_428 = arith.cmpi slt, %get3A_425, %lt3A_427 : vector<100xi32>
    %jit3A_429 = arith.constant -3.000000e+38 : f32
    %broadcast_in_dim3A_430 = vector.broadcast %jit3A_429 : f32 to vector<100xf32>
    %select_n3A_431 = arith.select %lt3A_428, %squeeze3A_419, %broadcast_in_dim3A_430 : vector<100xi1>, vector<100xf32>
    %broadcast_in_dim3A_432 = vector.shape_cast %select_n3A_431 : vector<100xf32> to vector<100x1xf32>
    %broadcast_in_dim3A_433 = vector.shape_cast %select_n3A_431 : vector<100xf32> to vector<1x100xf32>
    %broadcast_in_dim3A_434 = vector.shape_cast %get3A_425 : vector<100xi32> to vector<100x1xi32>
    %broadcast_in_dim3A_435 = vector.shape_cast %get3A_425 : vector<100xi32> to vector<1x100xi32>
    %gt3A_436 = vector.broadcast %broadcast_in_dim3A_433 : vector<1x100xf32> to vector<100x100xf32>
    %gt3A_437 = vector.broadcast %broadcast_in_dim3A_432 : vector<100x1xf32> to vector<100x100xf32>
    %gt3A_438 = arith.cmpf ogt, %gt3A_436, %gt3A_437 : vector<100x100xf32>
    %eq3A_439 = vector.broadcast %broadcast_in_dim3A_433 : vector<1x100xf32> to vector<100x100xf32>
    %eq3A_440 = vector.broadcast %broadcast_in_dim3A_432 : vector<100x1xf32> to vector<100x100xf32>
    %eq3A_441 = arith.cmpf oeq, %eq3A_439, %eq3A_440 : vector<100x100xf32>
    %lt3A_442 = vector.broadcast %broadcast_in_dim3A_435 : vector<1x100xi32> to vector<100x100xi32>
    %lt3A_443 = vector.broadcast %broadcast_in_dim3A_434 : vector<100x1xi32> to vector<100x100xi32>
    %lt3A_444 = arith.cmpi slt, %lt3A_442, %lt3A_443 : vector<100x100xi32>
    %and3A_445 = arith.andi %eq3A_441, %lt3A_444 : vector<100x100xi1>
    %or3A_446 = arith.ori %gt3A_438, %and3A_445 : vector<100x100xi1>
    %convert_element_type3A_447 = arith.extui %or3A_446 : vector<100x100xi1> to vector<100x100xi32>
    %convert_element_type3A_448 = arith.sitofp %convert_element_type3A_447 : vector<100x100xi32> to vector<100x100xf32>
    %reduce_sum3A_449 = arith.constant dense<0.000000e+00> : vector<100xf32>
    %reduce_sum3A_450 = vector.multi_reduction <add>, %convert_element_type3A_448, %reduce_sum3A_449 [1] : vector<100x100xf32> to vector<100xf32>
    %convert_element_type3A_451 = arith.fptosi %reduce_sum3A_450 : vector<100xf32> to vector<100xi32>
    %lt3A_452 = arith.constant 25 : i32
    %lt3A_453 = vector.broadcast %lt3A_452 : i32 to vector<100xi32>
    %lt3A_454 = arith.cmpi slt, %convert_element_type3A_451, %lt3A_453 : vector<100xi32>
    %and3A_455 = arith.andi %lt3A_454, %lt3A_428 : vector<100xi1>
    %jit3A_456 = arith.constant 0.000000e+00 : f32
    %broadcast_in_dim3A_457 = vector.broadcast %jit3A_456 : f32 to vector<100xf32>
    %select_n3A_458 = arith.select %and3A_455, %squeeze3A_419, %broadcast_in_dim3A_457 : vector<100xi1>, vector<100xf32>
    %broadcast_in_dim3A_459 = vector.shape_cast %select_n3A_458 : vector<100xf32> to vector<100x1xf32>
    %mul3A_460 = vector.broadcast %broadcast_in_dim3A_459 : vector<100x1xf32> to vector<100x128xf32>
    %mul3A_461 = arith.mulf %slice3A_420, %mul3A_460 : vector<100x128xf32>
    %broadcast_in_dim3A_462 = vector.shape_cast %and3A_455 : vector<100xi1> to vector<100x1xi1>
    %jit3A_463 = arith.constant -3.000000e+38 : f32
    %broadcast_in_dim3A_464 = vector.shape_cast %broadcast_in_dim3A_462 : vector<100x1xi1> to vector<100x1xi1>
    %broadcast_in_dim3A_465 = vector.broadcast %broadcast_in_dim3A_464 : vector<100x1xi1> to vector<100x128xi1>
    %broadcast_in_dim3A_466 = vector.broadcast %jit3A_463 : f32 to vector<100x128xf32>
    %select_n3A_467 = arith.select %broadcast_in_dim3A_465, %mul3A_461, %broadcast_in_dim3A_466 : vector<100x128xi1>, vector<100x128xf32>
    %reduce_max3A_468 = arith.constant dense<0xFF800000> : vector<128xf32>
    %reduce_max3A_469 = vector.multi_reduction <maximumf>, %select_n3A_467, %reduce_max3A_468 [0] : vector<100x128xf32> to vector<128xf32>
    %reduce_sum3A_470 = arith.constant dense<0.000000e+00> : vector<128xf32>
    %reduce_sum3A_471 = vector.multi_reduction <add>, %mul3A_461, %reduce_sum3A_470 [0] : vector<100x128xf32> to vector<128xf32>
    %div3A_472 = arith.constant 2.500000e+01 : f32
    %div3A_473 = vector.broadcast %div3A_472 : f32 to vector<128xf32>
    %div3A_474 = arith.divf %reduce_sum3A_471, %div3A_473 : vector<128xf32>
    %broadcast_in_dim3A_475 = vector.shape_cast %select_n3A_458 : vector<100xf32> to vector<100x1xf32>
    %jit3A_476 = arith.constant 100 : i32
    %broadcast_in_dim3A_477 = vector.broadcast %jit3A_476 : i32 to vector<100xi32>
    %select_n3A_478 = arith.select %and3A_455, %convert_element_type3A_451, %broadcast_in_dim3A_477 : vector<100xi1>, vector<100xi32>
    %swap3A_479 = arith.constant 0 : index
    %swap3A_480 = arith.constant 5 : index
    %swap3A_481 = arith.constant 0 : index
    %swap3A_482 = vector.load %arg10[%swap3A_479, %swap3A_480, %swap3A_481] : memref<1x10x100xi32, #tpu.memory_space<vmem>>, vector<1x1x100xi32>
    %swap3A_483 = vector.shape_cast %swap3A_482 : vector<1x1x100xi32> to vector<100xi32>
    %swap3A_484 = vector.shape_cast %select_n3A_478 : vector<100xi32> to vector<1x1x100xi32>
    tpu.vector_store %arg10[%swap3A_479, %swap3A_480, %swap3A_481], %swap3A_484 {strides = array<i32>} : memref<1x10x100xi32, #tpu.memory_space<vmem>>, vector<1x1x100xi32>,
    %swap3A_485 = arith.constant 0 : index
    %swap3A_486 = arith.constant 5 : index
    %swap3A_487 = arith.constant 0 : index
    %swap3A_488 = vector.load %arg11[%swap3A_485, %swap3A_486, %swap3A_487] : memref<1x10x256xf32, #tpu.memory_space<vmem>>, vector<1x1x128xf32>
    %swap3A_489 = vector.shape_cast %swap3A_488 : vector<1x1x128xf32> to vector<128xf32>
    %swap3A_490 = vector.shape_cast %reduce_max3A_469 : vector<128xf32> to vector<1x1x128xf32>
    tpu.vector_store %arg11[%swap3A_485, %swap3A_486, %swap3A_487], %swap3A_490 {strides = array<i32>} : memref<1x10x256xf32, #tpu.memory_space<vmem>>, vector<1x1x128xf32>,
    %swap3A_491 = arith.constant 0 : index
    %swap3A_492 = arith.constant 5 : index
    %swap3A_493 = arith.constant 128 : index
    %swap3A_494 = vector.load %arg11[%swap3A_491, %swap3A_492, %swap3A_493] : memref<1x10x256xf32, #tpu.memory_space<vmem>>, vector<1x1x128xf32>
    %swap3A_495 = vector.shape_cast %swap3A_494 : vector<1x1x128xf32> to vector<128xf32>
    %swap3A_496 = vector.shape_cast %div3A_474 : vector<128xf32> to vector<1x1x128xf32>
    tpu.vector_store %arg11[%swap3A_491, %swap3A_492, %swap3A_493], %swap3A_496 {strides = array<i32>} : memref<1x10x256xf32, #tpu.memory_space<vmem>>, vector<1x1x128xf32>,
    %slice3A_497 = vector.extract_strided_slice %tanh3A {offsets = [600, 0], sizes = [100, 1], strides = [1, 1]} : vector<1000x1xf32> to vector<100x1xf32>
    %squeeze3A_498 = vector.shape_cast %slice3A_497 : vector<100x1xf32> to vector<100xf32>
    %slice3A_499 = vector.extract_strided_slice %max3A_28 {offsets = [600, 0], sizes = [100, 128], strides = [1, 1]} : vector<1000x128xf32> to vector<100x128xf32>
    %get3A_500 = arith.constant 0 : index
    %get3A_501 = arith.constant 6 : index
    %get3A_502 = arith.constant 0 : index
    %get3A_503 = vector.load %arg8[%get3A_500, %get3A_501, %get3A_502] : memref<1x10x100xi32, #tpu.memory_space<vmem>>, vector<1x1x100xi32>
    %get3A_504 = vector.shape_cast %get3A_503 : vector<1x1x100xi32> to vector<100xi32>
    %lt3A_505 = arith.constant 100 : i32
    %lt3A_506 = vector.broadcast %lt3A_505 : i32 to vector<100xi32>
    %lt3A_507 = arith.cmpi slt, %get3A_504, %lt3A_506 : vector<100xi32>
    %jit3A_508 = arith.constant -3.000000e+38 : f32
    %broadcast_in_dim3A_509 = vector.broadcast %jit3A_508 : f32 to vector<100xf32>
    %select_n3A_510 = arith.select %lt3A_507, %squeeze3A_498, %broadcast_in_dim3A_509 : vector<100xi1>, vector<100xf32>
    %broadcast_in_dim3A_511 = vector.shape_cast %select_n3A_510 : vector<100xf32> to vector<100x1xf32>
    %broadcast_in_dim3A_512 = vector.shape_cast %select_n3A_510 : vector<100xf32> to vector<1x100xf32>
    %broadcast_in_dim3A_513 = vector.shape_cast %get3A_504 : vector<100xi32> to vector<100x1xi32>
    %broadcast_in_dim3A_514 = vector.shape_cast %get3A_504 : vector<100xi32> to vector<1x100xi32>
    %gt3A_515 = vector.broadcast %broadcast_in_dim3A_512 : vector<1x100xf32> to vector<100x100xf32>
    %gt3A_516 = vector.broadcast %broadcast_in_dim3A_511 : vector<100x1xf32> to vector<100x100xf32>
    %gt3A_517 = arith.cmpf ogt, %gt3A_515, %gt3A_516 : vector<100x100xf32>
    %eq3A_518 = vector.broadcast %broadcast_in_dim3A_512 : vector<1x100xf32> to vector<100x100xf32>
    %eq3A_519 = vector.broadcast %broadcast_in_dim3A_511 : vector<100x1xf32> to vector<100x100xf32>
    %eq3A_520 = arith.cmpf oeq, %eq3A_518, %eq3A_519 : vector<100x100xf32>
    %lt3A_521 = vector.broadcast %broadcast_in_dim3A_514 : vector<1x100xi32> to vector<100x100xi32>
    %lt3A_522 = vector.broadcast %broadcast_in_dim3A_513 : vector<100x1xi32> to vector<100x100xi32>
    %lt3A_523 = arith.cmpi slt, %lt3A_521, %lt3A_522 : vector<100x100xi32>
    %and3A_524 = arith.andi %eq3A_520, %lt3A_523 : vector<100x100xi1>
    %or3A_525 = arith.ori %gt3A_517, %and3A_524 : vector<100x100xi1>
    %convert_element_type3A_526 = arith.extui %or3A_525 : vector<100x100xi1> to vector<100x100xi32>
    %convert_element_type3A_527 = arith.sitofp %convert_element_type3A_526 : vector<100x100xi32> to vector<100x100xf32>
    %reduce_sum3A_528 = arith.constant dense<0.000000e+00> : vector<100xf32>
    %reduce_sum3A_529 = vector.multi_reduction <add>, %convert_element_type3A_527, %reduce_sum3A_528 [1] : vector<100x100xf32> to vector<100xf32>
    %convert_element_type3A_530 = arith.fptosi %reduce_sum3A_529 : vector<100xf32> to vector<100xi32>
    %lt3A_531 = arith.constant 25 : i32
    %lt3A_532 = vector.broadcast %lt3A_531 : i32 to vector<100xi32>
    %lt3A_533 = arith.cmpi slt, %convert_element_type3A_530, %lt3A_532 : vector<100xi32>
    %and3A_534 = arith.andi %lt3A_533, %lt3A_507 : vector<100xi1>
    %jit3A_535 = arith.constant 0.000000e+00 : f32
    %broadcast_in_dim3A_536 = vector.broadcast %jit3A_535 : f32 to vector<100xf32>
    %select_n3A_537 = arith.select %and3A_534, %squeeze3A_498, %broadcast_in_dim3A_536 : vector<100xi1>, vector<100xf32>
    %broadcast_in_dim3A_538 = vector.shape_cast %select_n3A_537 : vector<100xf32> to vector<100x1xf32>
    %mul3A_539 = vector.broadcast %broadcast_in_dim3A_538 : vector<100x1xf32> to vector<100x128xf32>
    %mul3A_540 = arith.mulf %slice3A_499, %mul3A_539 : vector<100x128xf32>
    %broadcast_in_dim3A_541 = vector.shape_cast %and3A_534 : vector<100xi1> to vector<100x1xi1>
    %jit3A_542 = arith.constant -3.000000e+38 : f32
    %broadcast_in_dim3A_543 = vector.shape_cast %broadcast_in_dim3A_541 : vector<100x1xi1> to vector<100x1xi1>
    %broadcast_in_dim3A_544 = vector.broadcast %broadcast_in_dim3A_543 : vector<100x1xi1> to vector<100x128xi1>
    %broadcast_in_dim3A_545 = vector.broadcast %jit3A_542 : f32 to vector<100x128xf32>
    %select_n3A_546 = arith.select %broadcast_in_dim3A_544, %mul3A_540, %broadcast_in_dim3A_545 : vector<100x128xi1>, vector<100x128xf32>
    %reduce_max3A_547 = arith.constant dense<0xFF800000> : vector<128xf32>
    %reduce_max3A_548 = vector.multi_reduction <maximumf>, %select_n3A_546, %reduce_max3A_547 [0] : vector<100x128xf32> to vector<128xf32>
    %reduce_sum3A_549 = arith.constant dense<0.000000e+00> : vector<128xf32>
    %reduce_sum3A_550 = vector.multi_reduction <add>, %mul3A_540, %reduce_sum3A_549 [0] : vector<100x128xf32> to vector<128xf32>
    %div3A_551 = arith.constant 2.500000e+01 : f32
    %div3A_552 = vector.broadcast %div3A_551 : f32 to vector<128xf32>
    %div3A_553 = arith.divf %reduce_sum3A_550, %div3A_552 : vector<128xf32>
    %broadcast_in_dim3A_554 = vector.shape_cast %select_n3A_537 : vector<100xf32> to vector<100x1xf32>
    %jit3A_555 = arith.constant 100 : i32
    %broadcast_in_dim3A_556 = vector.broadcast %jit3A_555 : i32 to vector<100xi32>
    %select_n3A_557 = arith.select %and3A_534, %convert_element_type3A_530, %broadcast_in_dim3A_556 : vector<100xi1>, vector<100xi32>
    %swap3A_558 = arith.constant 0 : index
    %swap3A_559 = arith.constant 6 : index
    %swap3A_560 = arith.constant 0 : index
    %swap3A_561 = vector.load %arg10[%swap3A_558, %swap3A_559, %swap3A_560] : memref<1x10x100xi32, #tpu.memory_space<vmem>>, vector<1x1x100xi32>
    %swap3A_562 = vector.shape_cast %swap3A_561 : vector<1x1x100xi32> to vector<100xi32>
    %swap3A_563 = vector.shape_cast %select_n3A_557 : vector<100xi32> to vector<1x1x100xi32>
    tpu.vector_store %arg10[%swap3A_558, %swap3A_559, %swap3A_560], %swap3A_563 {strides = array<i32>} : memref<1x10x100xi32, #tpu.memory_space<vmem>>, vector<1x1x100xi32>,
    %swap3A_564 = arith.constant 0 : index
    %swap3A_565 = arith.constant 6 : index
    %swap3A_566 = arith.constant 0 : index
    %swap3A_567 = vector.load %arg11[%swap3A_564, %swap3A_565, %swap3A_566] : memref<1x10x256xf32, #tpu.memory_space<vmem>>, vector<1x1x128xf32>
    %swap3A_568 = vector.shape_cast %swap3A_567 : vector<1x1x128xf32> to vector<128xf32>
    %swap3A_569 = vector.shape_cast %reduce_max3A_548 : vector<128xf32> to vector<1x1x128xf32>
    tpu.vector_store %arg11[%swap3A_564, %swap3A_565, %swap3A_566], %swap3A_569 {strides = array<i32>} : memref<1x10x256xf32, #tpu.memory_space<vmem>>, vector<1x1x128xf32>,
    %swap3A_570 = arith.constant 0 : index
    %swap3A_571 = arith.constant 6 : index
    %swap3A_572 = arith.constant 128 : index
    %swap3A_573 = vector.load %arg11[%swap3A_570, %swap3A_571, %swap3A_572] : memref<1x10x256xf32, #tpu.memory_space<vmem>>, vector<1x1x128xf32>
    %swap3A_574 = vector.shape_cast %swap3A_573 : vector<1x1x128xf32> to vector<128xf32>
    %swap3A_575 = vector.shape_cast %div3A_553 : vector<128xf32> to vector<1x1x128xf32>
    tpu.vector_store %arg11[%swap3A_570, %swap3A_571, %swap3A_572], %swap3A_575 {strides = array<i32>} : memref<1x10x256xf32, #tpu.memory_space<vmem>>, vector<1x1x128xf32>,
    %slice3A_576 = vector.extract_strided_slice %tanh3A {offsets = [700, 0], sizes = [100, 1], strides = [1, 1]} : vector<1000x1xf32> to vector<100x1xf32>
    %squeeze3A_577 = vector.shape_cast %slice3A_576 : vector<100x1xf32> to vector<100xf32>
    %slice3A_578 = vector.extract_strided_slice %max3A_28 {offsets = [700, 0], sizes = [100, 128], strides = [1, 1]} : vector<1000x128xf32> to vector<100x128xf32>
    %get3A_579 = arith.constant 0 : index
    %get3A_580 = arith.constant 7 : index
    %get3A_581 = arith.constant 0 : index
    %get3A_582 = vector.load %arg8[%get3A_579, %get3A_580, %get3A_581] : memref<1x10x100xi32, #tpu.memory_space<vmem>>, vector<1x1x100xi32>
    %get3A_583 = vector.shape_cast %get3A_582 : vector<1x1x100xi32> to vector<100xi32>
    %lt3A_584 = arith.constant 100 : i32
    %lt3A_585 = vector.broadcast %lt3A_584 : i32 to vector<100xi32>
    %lt3A_586 = arith.cmpi slt, %get3A_583, %lt3A_585 : vector<100xi32>
    %jit3A_587 = arith.constant -3.000000e+38 : f32
    %broadcast_in_dim3A_588 = vector.broadcast %jit3A_587 : f32 to vector<100xf32>
    %select_n3A_589 = arith.select %lt3A_586, %squeeze3A_577, %broadcast_in_dim3A_588 : vector<100xi1>, vector<100xf32>
    %broadcast_in_dim3A_590 = vector.shape_cast %select_n3A_589 : vector<100xf32> to vector<100x1xf32>
    %broadcast_in_dim3A_591 = vector.shape_cast %select_n3A_589 : vector<100xf32> to vector<1x100xf32>
    %broadcast_in_dim3A_592 = vector.shape_cast %get3A_583 : vector<100xi32> to vector<100x1xi32>
    %broadcast_in_dim3A_593 = vector.shape_cast %get3A_583 : vector<100xi32> to vector<1x100xi32>
    %gt3A_594 = vector.broadcast %broadcast_in_dim3A_591 : vector<1x100xf32> to vector<100x100xf32>
    %gt3A_595 = vector.broadcast %broadcast_in_dim3A_590 : vector<100x1xf32> to vector<100x100xf32>
    %gt3A_596 = arith.cmpf ogt, %gt3A_594, %gt3A_595 : vector<100x100xf32>
    %eq3A_597 = vector.broadcast %broadcast_in_dim3A_591 : vector<1x100xf32> to vector<100x100xf32>
    %eq3A_598 = vector.broadcast %broadcast_in_dim3A_590 : vector<100x1xf32> to vector<100x100xf32>
    %eq3A_599 = arith.cmpf oeq, %eq3A_597, %eq3A_598 : vector<100x100xf32>
    %lt3A_600 = vector.broadcast %broadcast_in_dim3A_593 : vector<1x100xi32> to vector<100x100xi32>
    %lt3A_601 = vector.broadcast %broadcast_in_dim3A_592 : vector<100x1xi32> to vector<100x100xi32>
    %lt3A_602 = arith.cmpi slt, %lt3A_600, %lt3A_601 : vector<100x100xi32>
    %and3A_603 = arith.andi %eq3A_599, %lt3A_602 : vector<100x100xi1>
    %or3A_604 = arith.ori %gt3A_596, %and3A_603 : vector<100x100xi1>
    %convert_element_type3A_605 = arith.extui %or3A_604 : vector<100x100xi1> to vector<100x100xi32>
    %convert_element_type3A_606 = arith.sitofp %convert_element_type3A_605 : vector<100x100xi32> to vector<100x100xf32>
    %reduce_sum3A_607 = arith.constant dense<0.000000e+00> : vector<100xf32>
    %reduce_sum3A_608 = vector.multi_reduction <add>, %convert_element_type3A_606, %reduce_sum3A_607 [1] : vector<100x100xf32> to vector<100xf32>
    %convert_element_type3A_609 = arith.fptosi %reduce_sum3A_608 : vector<100xf32> to vector<100xi32>
    %lt3A_610 = arith.constant 25 : i32
    %lt3A_611 = vector.broadcast %lt3A_610 : i32 to vector<100xi32>
    %lt3A_612 = arith.cmpi slt, %convert_element_type3A_609, %lt3A_611 : vector<100xi32>
    %and3A_613 = arith.andi %lt3A_612, %lt3A_586 : vector<100xi1>
    %jit3A_614 = arith.constant 0.000000e+00 : f32
    %broadcast_in_dim3A_615 = vector.broadcast %jit3A_614 : f32 to vector<100xf32>
    %select_n3A_616 = arith.select %and3A_613, %squeeze3A_577, %broadcast_in_dim3A_615 : vector<100xi1>, vector<100xf32>
    %broadcast_in_dim3A_617 = vector.shape_cast %select_n3A_616 : vector<100xf32> to vector<100x1xf32>
    %mul3A_618 = vector.broadcast %broadcast_in_dim3A_617 : vector<100x1xf32> to vector<100x128xf32>
    %mul3A_619 = arith.mulf %slice3A_578, %mul3A_618 : vector<100x128xf32>
    %broadcast_in_dim3A_620 = vector.shape_cast %and3A_613 : vector<100xi1> to vector<100x1xi1>
    %jit3A_621 = arith.constant -3.000000e+38 : f32
    %broadcast_in_dim3A_622 = vector.shape_cast %broadcast_in_dim3A_620 : vector<100x1xi1> to vector<100x1xi1>
    %broadcast_in_dim3A_623 = vector.broadcast %broadcast_in_dim3A_622 : vector<100x1xi1> to vector<100x128xi1>
    %broadcast_in_dim3A_624 = vector.broadcast %jit3A_621 : f32 to vector<100x128xf32>
    %select_n3A_625 = arith.select %broadcast_in_dim3A_623, %mul3A_619, %broadcast_in_dim3A_624 : vector<100x128xi1>, vector<100x128xf32>
    %reduce_max3A_626 = arith.constant dense<0xFF800000> : vector<128xf32>
    %reduce_max3A_627 = vector.multi_reduction <maximumf>, %select_n3A_625, %reduce_max3A_626 [0] : vector<100x128xf32> to vector<128xf32>
    %reduce_sum3A_628 = arith.constant dense<0.000000e+00> : vector<128xf32>
    %reduce_sum3A_629 = vector.multi_reduction <add>, %mul3A_619, %reduce_sum3A_628 [0] : vector<100x128xf32> to vector<128xf32>
    %div3A_630 = arith.constant 2.500000e+01 : f32
    %div3A_631 = vector.broadcast %div3A_630 : f32 to vector<128xf32>
    %div3A_632 = arith.divf %reduce_sum3A_629, %div3A_631 : vector<128xf32>
    %broadcast_in_dim3A_633 = vector.shape_cast %select_n3A_616 : vector<100xf32> to vector<100x1xf32>
    %jit3A_634 = arith.constant 100 : i32
    %broadcast_in_dim3A_635 = vector.broadcast %jit3A_634 : i32 to vector<100xi32>
    %select_n3A_636 = arith.select %and3A_613, %convert_element_type3A_609, %broadcast_in_dim3A_635 : vector<100xi1>, vector<100xi32>
    %swap3A_637 = arith.constant 0 : index
    %swap3A_638 = arith.constant 7 : index
    %swap3A_639 = arith.constant 0 : index
    %swap3A_640 = vector.load %arg10[%swap3A_637, %swap3A_638, %swap3A_639] : memref<1x10x100xi32, #tpu.memory_space<vmem>>, vector<1x1x100xi32>
    %swap3A_641 = vector.shape_cast %swap3A_640 : vector<1x1x100xi32> to vector<100xi32>
    %swap3A_642 = vector.shape_cast %select_n3A_636 : vector<100xi32> to vector<1x1x100xi32>
    tpu.vector_store %arg10[%swap3A_637, %swap3A_638, %swap3A_639], %swap3A_642 {strides = array<i32>} : memref<1x10x100xi32, #tpu.memory_space<vmem>>, vector<1x1x100xi32>,
    %swap3A_643 = arith.constant 0 : index
    %swap3A_644 = arith.constant 7 : index
    %swap3A_645 = arith.constant 0 : index
    %swap3A_646 = vector.load %arg11[%swap3A_643, %swap3A_644, %swap3A_645] : memref<1x10x256xf32, #tpu.memory_space<vmem>>, vector<1x1x128xf32>
    %swap3A_647 = vector.shape_cast %swap3A_646 : vector<1x1x128xf32> to vector<128xf32>
    %swap3A_648 = vector.shape_cast %reduce_max3A_627 : vector<128xf32> to vector<1x1x128xf32>
    tpu.vector_store %arg11[%swap3A_643, %swap3A_644, %swap3A_645], %swap3A_648 {strides = array<i32>} : memref<1x10x256xf32, #tpu.memory_space<vmem>>, vector<1x1x128xf32>,
    %swap3A_649 = arith.constant 0 : index
    %swap3A_650 = arith.constant 7 : index
    %swap3A_651 = arith.constant 128 : index
    %swap3A_652 = vector.load %arg11[%swap3A_649, %swap3A_650, %swap3A_651] : memref<1x10x256xf32, #tpu.memory_space<vmem>>, vector<1x1x128xf32>
    %swap3A_653 = vector.shape_cast %swap3A_652 : vector<1x1x128xf32> to vector<128xf32>
    %swap3A_654 = vector.shape_cast %div3A_632 : vector<128xf32> to vector<1x1x128xf32>
    tpu.vector_store %arg11[%swap3A_649, %swap3A_650, %swap3A_651], %swap3A_654 {strides = array<i32>} : memref<1x10x256xf32, #tpu.memory_space<vmem>>, vector<1x1x128xf32>,
    %slice3A_655 = vector.extract_strided_slice %tanh3A {offsets = [800, 0], sizes = [100, 1], strides = [1, 1]} : vector<1000x1xf32> to vector<100x1xf32>
    %squeeze3A_656 = vector.shape_cast %slice3A_655 : vector<100x1xf32> to vector<100xf32>
    %slice3A_657 = vector.extract_strided_slice %max3A_28 {offsets = [800, 0], sizes = [100, 128], strides = [1, 1]} : vector<1000x128xf32> to vector<100x128xf32>
    %get3A_658 = arith.constant 0 : index
    %get3A_659 = arith.constant 8 : index
    %get3A_660 = arith.constant 0 : index
    %get3A_661 = vector.load %arg8[%get3A_658, %get3A_659, %get3A_660] : memref<1x10x100xi32, #tpu.memory_space<vmem>>, vector<1x1x100xi32>
    %get3A_662 = vector.shape_cast %get3A_661 : vector<1x1x100xi32> to vector<100xi32>
    %lt3A_663 = arith.constant 100 : i32
    %lt3A_664 = vector.broadcast %lt3A_663 : i32 to vector<100xi32>
    %lt3A_665 = arith.cmpi slt, %get3A_662, %lt3A_664 : vector<100xi32>
    %jit3A_666 = arith.constant -3.000000e+38 : f32
    %broadcast_in_dim3A_667 = vector.broadcast %jit3A_666 : f32 to vector<100xf32>
    %select_n3A_668 = arith.select %lt3A_665, %squeeze3A_656, %broadcast_in_dim3A_667 : vector<100xi1>, vector<100xf32>
    %broadcast_in_dim3A_669 = vector.shape_cast %select_n3A_668 : vector<100xf32> to vector<100x1xf32>
    %broadcast_in_dim3A_670 = vector.shape_cast %select_n3A_668 : vector<100xf32> to vector<1x100xf32>
    %broadcast_in_dim3A_671 = vector.shape_cast %get3A_662 : vector<100xi32> to vector<100x1xi32>
    %broadcast_in_dim3A_672 = vector.shape_cast %get3A_662 : vector<100xi32> to vector<1x100xi32>
    %gt3A_673 = vector.broadcast %broadcast_in_dim3A_670 : vector<1x100xf32> to vector<100x100xf32>
    %gt3A_674 = vector.broadcast %broadcast_in_dim3A_669 : vector<100x1xf32> to vector<100x100xf32>
    %gt3A_675 = arith.cmpf ogt, %gt3A_673, %gt3A_674 : vector<100x100xf32>
    %eq3A_676 = vector.broadcast %broadcast_in_dim3A_670 : vector<1x100xf32> to vector<100x100xf32>
    %eq3A_677 = vector.broadcast %broadcast_in_dim3A_669 : vector<100x1xf32> to vector<100x100xf32>
    %eq3A_678 = arith.cmpf oeq, %eq3A_676, %eq3A_677 : vector<100x100xf32>
    %lt3A_679 = vector.broadcast %broadcast_in_dim3A_672 : vector<1x100xi32> to vector<100x100xi32>
    %lt3A_680 = vector.broadcast %broadcast_in_dim3A_671 : vector<100x1xi32> to vector<100x100xi32>
    %lt3A_681 = arith.cmpi slt, %lt3A_679, %lt3A_680 : vector<100x100xi32>
    %and3A_682 = arith.andi %eq3A_678, %lt3A_681 : vector<100x100xi1>
    %or3A_683 = arith.ori %gt3A_675, %and3A_682 : vector<100x100xi1>
    %convert_element_type3A_684 = arith.extui %or3A_683 : vector<100x100xi1> to vector<100x100xi32>
    %convert_element_type3A_685 = arith.sitofp %convert_element_type3A_684 : vector<100x100xi32> to vector<100x100xf32>
    %reduce_sum3A_686 = arith.constant dense<0.000000e+00> : vector<100xf32>
    %reduce_sum3A_687 = vector.multi_reduction <add>, %convert_element_type3A_685, %reduce_sum3A_686 [1] : vector<100x100xf32> to vector<100xf32>
    %convert_element_type3A_688 = arith.fptosi %reduce_sum3A_687 : vector<100xf32> to vector<100xi32>
    %lt3A_689 = arith.constant 25 : i32
    %lt3A_690 = vector.broadcast %lt3A_689 : i32 to vector<100xi32>
    %lt3A_691 = arith.cmpi slt, %convert_element_type3A_688, %lt3A_690 : vector<100xi32>
    %and3A_692 = arith.andi %lt3A_691, %lt3A_665 : vector<100xi1>
    %jit3A_693 = arith.constant 0.000000e+00 : f32
    %broadcast_in_dim3A_694 = vector.broadcast %jit3A_693 : f32 to vector<100xf32>
    %select_n3A_695 = arith.select %and3A_692, %squeeze3A_656, %broadcast_in_dim3A_694 : vector<100xi1>, vector<100xf32>
    %broadcast_in_dim3A_696 = vector.shape_cast %select_n3A_695 : vector<100xf32> to vector<100x1xf32>
    %mul3A_697 = vector.broadcast %broadcast_in_dim3A_696 : vector<100x1xf32> to vector<100x128xf32>
    %mul3A_698 = arith.mulf %slice3A_657, %mul3A_697 : vector<100x128xf32>
    %broadcast_in_dim3A_699 = vector.shape_cast %and3A_692 : vector<100xi1> to vector<100x1xi1>
    %jit3A_700 = arith.constant -3.000000e+38 : f32
    %broadcast_in_dim3A_701 = vector.shape_cast %broadcast_in_dim3A_699 : vector<100x1xi1> to vector<100x1xi1>
    %broadcast_in_dim3A_702 = vector.broadcast %broadcast_in_dim3A_701 : vector<100x1xi1> to vector<100x128xi1>
    %broadcast_in_dim3A_703 = vector.broadcast %jit3A_700 : f32 to vector<100x128xf32>
    %select_n3A_704 = arith.select %broadcast_in_dim3A_702, %mul3A_698, %broadcast_in_dim3A_703 : vector<100x128xi1>, vector<100x128xf32>
    %reduce_max3A_705 = arith.constant dense<0xFF800000> : vector<128xf32>
    %reduce_max3A_706 = vector.multi_reduction <maximumf>, %select_n3A_704, %reduce_max3A_705 [0] : vector<100x128xf32> to vector<128xf32>
    %reduce_sum3A_707 = arith.constant dense<0.000000e+00> : vector<128xf32>
    %reduce_sum3A_708 = vector.multi_reduction <add>, %mul3A_698, %reduce_sum3A_707 [0] : vector<100x128xf32> to vector<128xf32>
    %div3A_709 = arith.constant 2.500000e+01 : f32
    %div3A_710 = vector.broadcast %div3A_709 : f32 to vector<128xf32>
    %div3A_711 = arith.divf %reduce_sum3A_708, %div3A_710 : vector<128xf32>
    %broadcast_in_dim3A_712 = vector.shape_cast %select_n3A_695 : vector<100xf32> to vector<100x1xf32>
    %jit3A_713 = arith.constant 100 : i32
    %broadcast_in_dim3A_714 = vector.broadcast %jit3A_713 : i32 to vector<100xi32>
    %select_n3A_715 = arith.select %and3A_692, %convert_element_type3A_688, %broadcast_in_dim3A_714 : vector<100xi1>, vector<100xi32>
    %swap3A_716 = arith.constant 0 : index
    %swap3A_717 = arith.constant 8 : index
    %swap3A_718 = arith.constant 0 : index
    %swap3A_719 = vector.load %arg10[%swap3A_716, %swap3A_717, %swap3A_718] : memref<1x10x100xi32, #tpu.memory_space<vmem>>, vector<1x1x100xi32>
    %swap3A_720 = vector.shape_cast %swap3A_719 : vector<1x1x100xi32> to vector<100xi32>
    %swap3A_721 = vector.shape_cast %select_n3A_715 : vector<100xi32> to vector<1x1x100xi32>
    tpu.vector_store %arg10[%swap3A_716, %swap3A_717, %swap3A_718], %swap3A_721 {strides = array<i32>} : memref<1x10x100xi32, #tpu.memory_space<vmem>>, vector<1x1x100xi32>,
    %swap3A_722 = arith.constant 0 : index
    %swap3A_723 = arith.constant 8 : index
    %swap3A_724 = arith.constant 0 : index
    %swap3A_725 = vector.load %arg11[%swap3A_722, %swap3A_723, %swap3A_724] : memref<1x10x256xf32, #tpu.memory_space<vmem>>, vector<1x1x128xf32>
    %swap3A_726 = vector.shape_cast %swap3A_725 : vector<1x1x128xf32> to vector<128xf32>
    %swap3A_727 = vector.shape_cast %reduce_max3A_706 : vector<128xf32> to vector<1x1x128xf32>
    tpu.vector_store %arg11[%swap3A_722, %swap3A_723, %swap3A_724], %swap3A_727 {strides = array<i32>} : memref<1x10x256xf32, #tpu.memory_space<vmem>>, vector<1x1x128xf32>,
    %swap3A_728 = arith.constant 0 : index
    %swap3A_729 = arith.constant 8 : index
    %swap3A_730 = arith.constant 128 : index
    %swap3A_731 = vector.load %arg11[%swap3A_728, %swap3A_729, %swap3A_730] : memref<1x10x256xf32, #tpu.memory_space<vmem>>, vector<1x1x128xf32>
    %swap3A_732 = vector.shape_cast %swap3A_731 : vector<1x1x128xf32> to vector<128xf32>
    %swap3A_733 = vector.shape_cast %div3A_711 : vector<128xf32> to vector<1x1x128xf32>
    tpu.vector_store %arg11[%swap3A_728, %swap3A_729, %swap3A_730], %swap3A_733 {strides = array<i32>} : memref<1x10x256xf32, #tpu.memory_space<vmem>>, vector<1x1x128xf32>,
    %slice3A_734 = vector.extract_strided_slice %tanh3A {offsets = [900, 0], sizes = [100, 1], strides = [1, 1]} : vector<1000x1xf32> to vector<100x1xf32>
    %squeeze3A_735 = vector.shape_cast %slice3A_734 : vector<100x1xf32> to vector<100xf32>
    %slice3A_736 = vector.extract_strided_slice %max3A_28 {offsets = [900, 0], sizes = [100, 128], strides = [1, 1]} : vector<1000x128xf32> to vector<100x128xf32>
    %get3A_737 = arith.constant 0 : index
    %get3A_738 = arith.constant 9 : index
    %get3A_739 = arith.constant 0 : index
    %get3A_740 = vector.load %arg8[%get3A_737, %get3A_738, %get3A_739] : memref<1x10x100xi32, #tpu.memory_space<vmem>>, vector<1x1x100xi32>
    %get3A_741 = vector.shape_cast %get3A_740 : vector<1x1x100xi32> to vector<100xi32>
    %lt3A_742 = arith.constant 100 : i32
    %lt3A_743 = vector.broadcast %lt3A_742 : i32 to vector<100xi32>
    %lt3A_744 = arith.cmpi slt, %get3A_741, %lt3A_743 : vector<100xi32>
    %jit3A_745 = arith.constant -3.000000e+38 : f32
    %broadcast_in_dim3A_746 = vector.broadcast %jit3A_745 : f32 to vector<100xf32>
    %select_n3A_747 = arith.select %lt3A_744, %squeeze3A_735, %broadcast_in_dim3A_746 : vector<100xi1>, vector<100xf32>
    %broadcast_in_dim3A_748 = vector.shape_cast %select_n3A_747 : vector<100xf32> to vector<100x1xf32>
    %broadcast_in_dim3A_749 = vector.shape_cast %select_n3A_747 : vector<100xf32> to vector<1x100xf32>
    %broadcast_in_dim3A_750 = vector.shape_cast %get3A_741 : vector<100xi32> to vector<100x1xi32>
    %broadcast_in_dim3A_751 = vector.shape_cast %get3A_741 : vector<100xi32> to vector<1x100xi32>
    %gt3A_752 = vector.broadcast %broadcast_in_dim3A_749 : vector<1x100xf32> to vector<100x100xf32>
    %gt3A_753 = vector.broadcast %broadcast_in_dim3A_748 : vector<100x1xf32> to vector<100x100xf32>
    %gt3A_754 = arith.cmpf ogt, %gt3A_752, %gt3A_753 : vector<100x100xf32>
    %eq3A_755 = vector.broadcast %broadcast_in_dim3A_749 : vector<1x100xf32> to vector<100x100xf32>
    %eq3A_756 = vector.broadcast %broadcast_in_dim3A_748 : vector<100x1xf32> to vector<100x100xf32>
    %eq3A_757 = arith.cmpf oeq, %eq3A_755, %eq3A_756 : vector<100x100xf32>
    %lt3A_758 = vector.broadcast %broadcast_in_dim3A_751 : vector<1x100xi32> to vector<100x100xi32>
    %lt3A_759 = vector.broadcast %broadcast_in_dim3A_750 : vector<100x1xi32> to vector<100x100xi32>
    %lt3A_760 = arith.cmpi slt, %lt3A_758, %lt3A_759 : vector<100x100xi32>
    %and3A_761 = arith.andi %eq3A_757, %lt3A_760 : vector<100x100xi1>
    %or3A_762 = arith.ori %gt3A_754, %and3A_761 : vector<100x100xi1>
    %convert_element_type3A_763 = arith.extui %or3A_762 : vector<100x100xi1> to vector<100x100xi32>
    %convert_element_type3A_764 = arith.sitofp %convert_element_type3A_763 : vector<100x100xi32> to vector<100x100xf32>
    %reduce_sum3A_765 = arith.constant dense<0.000000e+00> : vector<100xf32>
    %reduce_sum3A_766 = vector.multi_reduction <add>, %convert_element_type3A_764, %reduce_sum3A_765 [1] : vector<100x100xf32> to vector<100xf32>
    %convert_element_type3A_767 = arith.fptosi %reduce_sum3A_766 : vector<100xf32> to vector<100xi32>
    %lt3A_768 = arith.constant 25 : i32
    %lt3A_769 = vector.broadcast %lt3A_768 : i32 to vector<100xi32>
    %lt3A_770 = arith.cmpi slt, %convert_element_type3A_767, %lt3A_769 : vector<100xi32>
    %and3A_771 = arith.andi %lt3A_770, %lt3A_744 : vector<100xi1>
    %jit3A_772 = arith.constant 0.000000e+00 : f32
    %broadcast_in_dim3A_773 = vector.broadcast %jit3A_772 : f32 to vector<100xf32>
    %select_n3A_774 = arith.select %and3A_771, %squeeze3A_735, %broadcast_in_dim3A_773 : vector<100xi1>, vector<100xf32>
    %broadcast_in_dim3A_775 = vector.shape_cast %select_n3A_774 : vector<100xf32> to vector<100x1xf32>
    %mul3A_776 = vector.broadcast %broadcast_in_dim3A_775 : vector<100x1xf32> to vector<100x128xf32>
    %mul3A_777 = arith.mulf %slice3A_736, %mul3A_776 : vector<100x128xf32>
    %broadcast_in_dim3A_778 = vector.shape_cast %and3A_771 : vector<100xi1> to vector<100x1xi1>
    %jit3A_779 = arith.constant -3.000000e+38 : f32
    %broadcast_in_dim3A_780 = vector.shape_cast %broadcast_in_dim3A_778 : vector<100x1xi1> to vector<100x1xi1>
    %broadcast_in_dim3A_781 = vector.broadcast %broadcast_in_dim3A_780 : vector<100x1xi1> to vector<100x128xi1>
    %broadcast_in_dim3A_782 = vector.broadcast %jit3A_779 : f32 to vector<100x128xf32>
    %select_n3A_783 = arith.select %broadcast_in_dim3A_781, %mul3A_777, %broadcast_in_dim3A_782 : vector<100x128xi1>, vector<100x128xf32>
    %reduce_max3A_784 = arith.constant dense<0xFF800000> : vector<128xf32>
    %reduce_max3A_785 = vector.multi_reduction <maximumf>, %select_n3A_783, %reduce_max3A_784 [0] : vector<100x128xf32> to vector<128xf32>
    %reduce_sum3A_786 = arith.constant dense<0.000000e+00> : vector<128xf32>
    %reduce_sum3A_787 = vector.multi_reduction <add>, %mul3A_777, %reduce_sum3A_786 [0] : vector<100x128xf32> to vector<128xf32>
    %div3A_788 = arith.constant 2.500000e+01 : f32
    %div3A_789 = vector.broadcast %div3A_788 : f32 to vector<128xf32>
    %div3A_790 = arith.divf %reduce_sum3A_787, %div3A_789 : vector<128xf32>
    %broadcast_in_dim3A_791 = vector.shape_cast %select_n3A_774 : vector<100xf32> to vector<100x1xf32>
    %jit3A_792 = arith.constant 100 : i32
    %broadcast_in_dim3A_793 = vector.broadcast %jit3A_792 : i32 to vector<100xi32>
    %select_n3A_794 = arith.select %and3A_771, %convert_element_type3A_767, %broadcast_in_dim3A_793 : vector<100xi1>, vector<100xi32>
    %swap3A_795 = arith.constant 0 : index
    %swap3A_796 = arith.constant 9 : index
    %swap3A_797 = arith.constant 0 : index
    %swap3A_798 = vector.load %arg10[%swap3A_795, %swap3A_796, %swap3A_797] : memref<1x10x100xi32, #tpu.memory_space<vmem>>, vector<1x1x100xi32>
    %swap3A_799 = vector.shape_cast %swap3A_798 : vector<1x1x100xi32> to vector<100xi32>
    %swap3A_800 = vector.shape_cast %select_n3A_794 : vector<100xi32> to vector<1x1x100xi32>
    tpu.vector_store %arg10[%swap3A_795, %swap3A_796, %swap3A_797], %swap3A_800 {strides = array<i32>} : memref<1x10x100xi32, #tpu.memory_space<vmem>>, vector<1x1x100xi32>,
    %swap3A_801 = arith.constant 0 : index
    %swap3A_802 = arith.constant 9 : index
    %swap3A_803 = arith.constant 0 : index
    %swap3A_804 = vector.load %arg11[%swap3A_801, %swap3A_802, %swap3A_803] : memref<1x10x256xf32, #tpu.memory_space<vmem>>, vector<1x1x128xf32>
    %swap3A_805 = vector.shape_cast %swap3A_804 : vector<1x1x128xf32> to vector<128xf32>
    %swap3A_806 = vector.shape_cast %reduce_max3A_785 : vector<128xf32> to vector<1x1x128xf32>
    tpu.vector_store %arg11[%swap3A_801, %swap3A_802, %swap3A_803], %swap3A_806 {strides = array<i32>} : memref<1x10x256xf32, #tpu.memory_space<vmem>>, vector<1x1x128xf32>,
    %swap3A_807 = arith.constant 0 : index
    %swap3A_808 = arith.constant 9 : index
    %swap3A_809 = arith.constant 128 : index
    %swap3A_810 = vector.load %arg11[%swap3A_807, %swap3A_808, %swap3A_809] : memref<1x10x256xf32, #tpu.memory_space<vmem>>, vector<1x1x128xf32>
    %swap3A_811 = vector.shape_cast %swap3A_810 : vector<1x1x128xf32> to vector<128xf32>
    %swap3A_812 = vector.shape_cast %div3A_790 : vector<128xf32> to vector<1x1x128xf32>
    tpu.vector_store %arg11[%swap3A_807, %swap3A_808, %swap3A_809], %swap3A_812 {strides = array<i32>} : memref<1x10x256xf32, #tpu.memory_space<vmem>>, vector<1x1x128xf32>,
    %concatenate3A = tpu.concatenate %broadcast_in_dim3A_81, %broadcast_in_dim3A_159, %broadcast_in_dim3A_238, %broadcast_in_dim3A_317, %broadcast_in_dim3A_396, %broadcast_in_dim3A_475, %broadcast_in_dim3A_554, %broadcast_in_dim3A_633, %broadcast_in_dim3A_712, %broadcast_in_dim3A_791 in 0 : vector<100x1xf32>, vector<100x1xf32>, vector<100x1xf32>, vector<100x1xf32>, vector<100x1xf32>, vector<100x1xf32>, vector<100x1xf32>, vector<100x1xf32>, vector<100x1xf32>, vector<100x1xf32> -> vector<1000x1xf32>
    %mul3A_813 = vector.broadcast %concatenate3A : vector<1000x1xf32> to vector<1000x128xf32>
    %mul3A_814 = arith.mulf %max3A_28, %mul3A_813 : vector<1000x128xf32>
    %swap3A_815 = arith.constant 0 : index
    %swap3A_816 = arith.constant 0 : index
    %swap3A_817 = vector.load %arg9[%swap3A_815, %swap3A_816] : memref<1000x128xf32, #tpu.memory_space<vmem>>, vector<1000x128xf32>
    tpu.vector_store %arg9[%swap3A_815, %swap3A_816], %mul3A_814 {strides = array<i32>} : memref<1000x128xf32, #tpu.memory_space<vmem>>, vector<1000x128xf32>,
    return
  }
  func.func @transform_0(%arg0: i32) -> (i32, i32, i32) {
    %c0_i32 = arith.constant 0 : i32
    %c0_i32_0 = arith.constant 0 : i32
    %c0_i32_1 = arith.constant 0 : i32
    return %c0_i32, %arg0, %c0_i32_0 : i32, i32, i32
  }
  func.func @transform_1(%arg0: i32) -> (i32, i32) {
    %c0_i32 = arith.constant 0 : i32
    %c0_i32_0 = arith.constant 0 : i32
    return %arg0, %c0_i32 : i32, i32
  }
  func.func @transform_2(%arg0: i32) -> (i32, i32) {
    %c0_i32 = arith.constant 0 : i32
    %c0_i32_0 = arith.constant 0 : i32
    %c0_i32_1 = arith.constant 0 : i32
    return %c0_i32, %c0_i32_0 : i32, i32
  }
  func.func @transform_3(%arg0: i32) -> (i32, i32) {
    %c0_i32 = arith.constant 0 : i32
    %c0_i32_0 = arith.constant 0 : i32
    %c0_i32_1 = arith.constant 0 : i32
    return %c0_i32, %c0_i32_0 : i32, i32
  }
  func.func @transform_4(%arg0: i32) -> (i32, i32) {
    %c0_i32 = arith.constant 0 : i32
    %c0_i32_0 = arith.constant 0 : i32
    %c0_i32_1 = arith.constant 0 : i32
    return %c0_i32, %c0_i32_0 : i32, i32
  }
  func.func @transform_5(%arg0: i32) -> (i32, i32) {
    %c0_i32 = arith.constant 0 : i32
    %c0_i32_0 = arith.constant 0 : i32
    %c0_i32_1 = arith.constant 0 : i32
    return %c0_i32, %c0_i32_0 : i32, i32
  }
  func.func @transform_6(%arg0: i32) -> (i32, i32) {
    %c0_i32 = arith.constant 0 : i32
    %c0_i32_0 = arith.constant 0 : i32
    %c0_i32_1 = arith.constant 0 : i32
    return %c0_i32, %c0_i32_0 : i32, i32
  }
  func.func @transform_7(%arg0: i32) -> (i32, i32, i32) {
    %c0_i32 = arith.constant 0 : i32
    %c0_i32_0 = arith.constant 0 : i32
    %c0_i32_1 = arith.constant 0 : i32
    return %arg0, %c0_i32, %c0_i32_0 : i32, i32, i32
  }
  func.func @transform_8(%arg0: i32) -> (i32, i32) {
    %c0_i32 = arith.constant 0 : i32
    %c0_i32_0 = arith.constant 0 : i32
    return %arg0, %c0_i32 : i32, i32
  }
  func.func @transform_9(%arg0: i32) -> (i32, i32, i32) {
    %c0_i32 = arith.constant 0 : i32
    %c0_i32_0 = arith.constant 0 : i32
    %c0_i32_1 = arith.constant 0 : i32
    return %arg0, %c0_i32, %c0_i32_0 : i32, i32, i32
  }
  func.func @transform_10(%arg0: i32) -> (i32, i32, i32) {
    %c0_i32 = arith.constant 0 : i32
    %c0_i32_0 = arith.constant 0 : i32
    %c0_i32_1 = arith.constant 0 : i32
    return %arg0, %c0_i32, %c0_i32_0 : i32, i32, i32
  }
}

module attributes {stable_mosaic.version = 14 : i64} {
  func.func @_tcs_body(%arg0: i32, %arg1: memref<2x1000x128xf32, #tpu.memory_space<vmem>>, %arg2: memref<1000x128xf32, #tpu.memory_space<vmem>>, %arg3: memref<128x128xf32, #tpu.memory_space<vmem>>, %arg4: memref<1x128xf32, #tpu.memory_space<vmem>>, %arg5: memref<128x128xf32, #tpu.memory_space<vmem>>, %arg6: memref<128x1xf32, #tpu.memory_space<vmem>>, %arg7: memref<1x1xf32, #tpu.memory_space<smem>>, %arg8: memref<1x10x100xi32, #tpu.memory_space<vmem>>, %arg9: memref<1000x128xf32, #tpu.memory_space<vmem>>, %arg10: memref<1x10x100xi32, #tpu.memory_space<vmem>>, %arg11: memref<1x10x256xf32, #tpu.memory_space<vmem>>) attributes {dimension_semantics = [#tpu.dimension_semantics<arbitrary>], iteration_bounds = array<i64: 10>, scalar_prefetch = 0 : i64, scratch_operands = 0 : i64, tpu.core_type = #tpu.core_type<tc>, window_params = [{transform_indices = @transform_0, window_bounds = array<i64: 2, 1000, 128>}, {transform_indices = @transform_1, window_bounds = array<i64: 1000, 128>}, {pipeline_mode = #tpu.pipeline_mode<synchronous>, transform_indices = @transform_2, window_bounds = array<i64: 128, 128>}, {pipeline_mode = #tpu.pipeline_mode<synchronous>, transform_indices = @transform_3, window_bounds = array<i64: 1, 128>}, {pipeline_mode = #tpu.pipeline_mode<synchronous>, transform_indices = @transform_4, window_bounds = array<i64: 128, 128>}, {pipeline_mode = #tpu.pipeline_mode<synchronous>, transform_indices = @transform_5, window_bounds = array<i64: 128, 1>}, {transform_indices = @transform_6, window_bounds = array<i64: 1, 1>}, {transform_indices = @transform_7, window_bounds = array<i64: 1, 10, 100>}, {transform_indices = @transform_8, window_bounds = array<i64: 1000, 128>}, {transform_indices = @transform_9, window_bounds = array<i64: 1, 10, 100>}, {transform_indices = @transform_10, window_bounds = array<i64: 1, 10, 256>}]} {
    %get3A = arith.constant 0 : index
    %get3A_0 = arith.constant 0 : index
    %get3A_1 = arith.constant 0 : index
    %get3A_2 = vector.load %arg1[%get3A, %get3A_0, %get3A_1] : memref<2x1000x128xf32, #tpu.memory_space<vmem>>, vector<1x1000x128xf32>
    %get3A_3 = vector.shape_cast %get3A_2 : vector<1x1000x128xf32> to vector<1000x128xf32>
    %get3A_4 = arith.constant 1 : index
    %get3A_5 = arith.constant 0 : index
    %get3A_6 = arith.constant 0 : index
    %get3A_7 = vector.load %arg1[%get3A_4, %get3A_5, %get3A_6] : memref<2x1000x128xf32, #tpu.memory_space<vmem>>, vector<1x1000x128xf32>
    %get3A_8 = vector.shape_cast %get3A_7 : vector<1x1000x128xf32> to vector<1000x128xf32>
    %add3A = arith.addf %get3A_3, %get3A_8 : vector<1000x128xf32>
    %get3A_9 = arith.constant 0 : index
    %get3A_10 = arith.constant 0 : index
    %get3A_11 = vector.load %arg3[%get3A_9, %get3A_10] : memref<128x128xf32, #tpu.memory_space<vmem>>, vector<128x128xf32>
    %dot_general3A = arith.constant dense<0.000000e+00> : vector<1000x128xf32>
    %dot_general3A_12 = tpu.matmul %add3A, %get3A_11, %dot_general3A {dimension_numbers = #tpu.dot_dimension_numbers<[1], [0], [0], [1], [0, 0, 1, 1], [], []>, transpose_lhs_hint = false} : vector<1000x128xf32>, vector<128x128xf32>, vector<1000x128xf32> -> vector<1000x128xf32>
    %get3A_13 = arith.constant 0 : index
    %get3A_14 = arith.constant 0 : index
    %get3A_15 = vector.load %arg4[%get3A_13, %get3A_14] : memref<1x128xf32, #tpu.memory_space<vmem>>, vector<1x128xf32>
    %add3A_16 = vector.broadcast %get3A_15 : vector<1x128xf32> to vector<1000x128xf32>
    %add3A_17 = arith.addf %dot_general3A_12, %add3A_16 : vector<1000x128xf32>
    %get3A_18 = arith.constant 0 : index
    %get3A_19 = arith.constant 0 : index
    %get3A_20 = vector.load %arg2[%get3A_18, %get3A_19] : memref<1000x128xf32, #tpu.memory_space<vmem>>, vector<1000x128xf32>
    %get3A_21 = arith.constant 0 : index
    %get3A_22 = arith.constant 0 : index
    %get3A_23 = vector.load %arg5[%get3A_21, %get3A_22] : memref<128x128xf32, #tpu.memory_space<vmem>>, vector<128x128xf32>
    %dot_general3A_24 = arith.constant dense<0.000000e+00> : vector<1000x128xf32>
    %dot_general3A_25 = tpu.matmul %get3A_20, %get3A_23, %dot_general3A_24 {dimension_numbers = #tpu.dot_dimension_numbers<[1], [0], [0], [1], [0, 0, 1, 1], [], []>, transpose_lhs_hint = false} : vector<1000x128xf32>, vector<128x128xf32>, vector<1000x128xf32> -> vector<1000x128xf32>
    %add3A_26 = arith.addf %add3A_17, %dot_general3A_25 : vector<1000x128xf32>
    %max3A = arith.constant 0.000000e+00 : f32
    %max3A_27 = vector.broadcast %max3A : f32 to vector<1000x128xf32>
    %max3A_28 = arith.maximumf %add3A_26, %max3A_27 : vector<1000x128xf32>
    %get3A_29 = arith.constant 0 : index
    %get3A_30 = arith.constant 0 : index
    %get3A_31 = vector.load %arg6[%get3A_29, %get3A_30] : memref<128x1xf32, #tpu.memory_space<vmem>>, vector<128x1xf32>
    %dot_general3A_32 = arith.constant dense<0.000000e+00> : vector<1000x1xf32>
    %dot_general3A_33 = tpu.matmul %max3A_28, %get3A_31, %dot_general3A_32 {dimension_numbers = #tpu.dot_dimension_numbers<[1], [0], [0], [1], [0, 0, 1, 1], [], []>, transpose_lhs_hint = false} : vector<1000x128xf32>, vector<128x1xf32>, vector<1000x1xf32> -> vector<1000x1xf32>
    %get3A_34 = arith.constant 0 : index
    %get3A_35 = arith.constant 0 : index
    %get3A_36 = memref.load %arg7[%get3A_34, %get3A_35] : memref<1x1xf32, #tpu.memory_space<smem>>
    %div3A = vector.broadcast %get3A_36 : f32 to vector<1000x1xf32>
    %div3A_37 = arith.divf %dot_general3A_33, %div3A : vector<1000x1xf32>
    %tanh3A = math.tanh %div3A_37 : vector<1000x1xf32>
    %slice3A = vector.extract_strided_slice %tanh3A {offsets = [0, 0], sizes = [100, 1], strides = [1, 1]} : vector<1000x1xf32> to vector<100x1xf32>
    %squeeze3A = vector.shape_cast %slice3A : vector<100x1xf32> to vector<100xf32>
    %slice3A_38 = vector.extract_strided_slice %max3A_28 {offsets = [0, 0], sizes = [100, 128], strides = [1, 1]} : vector<1000x128xf32> to vector<100x128xf32>
    %get3A_39 = arith.constant 0 : index
    %get3A_40 = arith.constant 0 : index
    %get3A_41 = arith.constant 0 : index
    %get3A_42 = vector.load %arg8[%get3A_39, %get3A_40, %get3A_41] : memref<1x10x100xi32, #tpu.memory_space<vmem>>, vector<1x1x100xi32>
    %get3A_43 = vector.shape_cast %get3A_42 : vector<1x1x100xi32> to vector<100xi32>
    %lt3A = arith.constant 100 : i32
    %lt3A_44 = vector.broadcast %lt3A : i32 to vector<100xi32>
    %lt3A_45 = arith.cmpi slt, %get3A_43, %lt3A_44 : vector<100xi32>
    %jit3A = arith.constant -3.000000e+38 : f32
    %broadcast_in_dim3A = vector.broadcast %jit3A : f32 to vector<100xf32>
    %select_n3A = arith.select %lt3A_45, %squeeze3A, %broadcast_in_dim3A : vector<100xi1>, vector<100xf32>
    %broadcast_in_dim3A_46 = vector.shape_cast %select_n3A : vector<100xf32> to vector<100x1xf32>
    %broadcast_in_dim3A_47 = vector.shape_cast %select_n3A : vector<100xf32> to vector<1x100xf32>
    %broadcast_in_dim3A_48 = vector.shape_cast %get3A_43 : vector<100xi32> to vector<100x1xi32>
    %broadcast_in_dim3A_49 = vector.shape_cast %get3A_43 : vector<100xi32> to vector<1x100xi32>
    %gt3A = vector.broadcast %broadcast_in_dim3A_47 : vector<1x100xf32> to vector<100x100xf32>
    %gt3A_50 = vector.broadcast %broadcast_in_dim3A_46 : vector<100x1xf32> to vector<100x100xf32>
    %gt3A_51 = arith.cmpf ogt, %gt3A, %gt3A_50 : vector<100x100xf32>
    %eq3A = vector.broadcast %broadcast_in_dim3A_47 : vector<1x100xf32> to vector<100x100xf32>
    %eq3A_52 = vector.broadcast %broadcast_in_dim3A_46 : vector<100x1xf32> to vector<100x100xf32>
    %eq3A_53 = arith.cmpf oeq, %eq3A, %eq3A_52 : vector<100x100xf32>
    %lt3A_54 = vector.broadcast %broadcast_in_dim3A_49 : vector<1x100xi32> to vector<100x100xi32>
    %lt3A_55 = vector.broadcast %broadcast_in_dim3A_48 : vector<100x1xi32> to vector<100x100xi32>
    %lt3A_56 = arith.cmpi slt, %lt3A_54, %lt3A_55 : vector<100x100xi32>
    %and3A = arith.andi %eq3A_53, %lt3A_56 : vector<100x100xi1>
    %or3A = arith.ori %gt3A_51, %and3A : vector<100x100xi1>
    %convert_element_type3A = arith.extui %or3A : vector<100x100xi1> to vector<100x100xi32>
    %convert_element_type3A_57 = arith.sitofp %convert_element_type3A : vector<100x100xi32> to vector<100x100xf32>
    %reduce_sum3A = arith.constant dense<0.000000e+00> : vector<100xf32>
    %reduce_sum3A_58 = vector.multi_reduction <add>, %convert_element_type3A_57, %reduce_sum3A [1] : vector<100x100xf32> to vector<100xf32>
    %convert_element_type3A_59 = arith.fptosi %reduce_sum3A_58 : vector<100xf32> to vector<100xi32>
    %lt3A_60 = arith.constant 50 : i32
    %lt3A_61 = vector.broadcast %lt3A_60 : i32 to vector<100xi32>
    %lt3A_62 = arith.cmpi slt, %convert_element_type3A_59, %lt3A_61 : vector<100xi32>
    %and3A_63 = arith.andi %lt3A_62, %lt3A_45 : vector<100xi1>
    %jit3A_64 = arith.constant 0.000000e+00 : f32
    %broadcast_in_dim3A_65 = vector.broadcast %jit3A_64 : f32 to vector<100xf32>
    %select_n3A_66 = arith.select %and3A_63, %squeeze3A, %broadcast_in_dim3A_65 : vector<100xi1>, vector<100xf32>
    %broadcast_in_dim3A_67 = vector.shape_cast %select_n3A_66 : vector<100xf32> to vector<100x1xf32>
    %mul3A = vector.broadcast %broadcast_in_dim3A_67 : vector<100x1xf32> to vector<100x128xf32>
    %mul3A_68 = arith.mulf %slice3A_38, %mul3A : vector<100x128xf32>
    %broadcast_in_dim3A_69 = vector.shape_cast %and3A_63 : vector<100xi1> to vector<100x1xi1>
    %jit3A_70 = arith.constant -3.000000e+38 : f32
    %broadcast_in_dim3A_71 = vector.shape_cast %broadcast_in_dim3A_69 : vector<100x1xi1> to vector<100x1xi1>
    %broadcast_in_dim3A_72 = vector.broadcast %broadcast_in_dim3A_71 : vector<100x1xi1> to vector<100x128xi1>
    %broadcast_in_dim3A_73 = vector.broadcast %jit3A_70 : f32 to vector<100x128xf32>
    %select_n3A_74 = arith.select %broadcast_in_dim3A_72, %mul3A_68, %broadcast_in_dim3A_73 : vector<100x128xi1>, vector<100x128xf32>
    %reduce_max3A = arith.constant dense<0xFF800000> : vector<128xf32>
    %reduce_max3A_75 = vector.multi_reduction <maximumf>, %select_n3A_74, %reduce_max3A [0] : vector<100x128xf32> to vector<128xf32>
    %reduce_sum3A_76 = arith.constant dense<0.000000e+00> : vector<128xf32>
    %reduce_sum3A_77 = vector.multi_reduction <add>, %mul3A_68, %reduce_sum3A_76 [0] : vector<100x128xf32> to vector<128xf32>
    %div3A_78 = arith.constant 5.000000e+01 : f32
    %div3A_79 = vector.broadcast %div3A_78 : f32 to vector<128xf32>
    %div3A_80 = arith.divf %reduce_sum3A_77, %div3A_79 : vector<128xf32>
    %broadcast_in_dim3A_81 = vector.shape_cast %select_n3A_66 : vector<100xf32> to vector<100x1xf32>
    %jit3A_82 = arith.constant 100 : i32
    %broadcast_in_dim3A_83 = vector.broadcast %jit3A_82 : i32 to vector<100xi32>
    %select_n3A_84 = arith.select %and3A_63, %convert_element_type3A_59, %broadcast_in_dim3A_83 : vector<100xi1>, vector<100xi32>
    %swap3A = arith.constant 0 : index
    %swap3A_85 = arith.constant 0 : index
    %swap3A_86 = arith.constant 0 : index
    %swap3A_87 = vector.load %arg10[%swap3A, %swap3A_85, %swap3A_86] : memref<1x10x100xi32, #tpu.memory_space<vmem>>, vector<1x1x100xi32>
    %swap3A_88 = vector.shape_cast %swap3A_87 : vector<1x1x100xi32> to vector<100xi32>
    %swap3A_89 = vector.shape_cast %select_n3A_84 : vector<100xi32> to vector<1x1x100xi32>
    tpu.vector_store %arg10[%swap3A, %swap3A_85, %swap3A_86], %swap3A_89 {strides = array<i32>} : memref<1x10x100xi32, #tpu.memory_space<vmem>>, vector<1x1x100xi32>,
    %swap3A_90 = arith.constant 0 : index
    %swap3A_91 = arith.constant 0 : index
    %swap3A_92 = arith.constant 0 : index
    %swap3A_93 = vector.load %arg11[%swap3A_90, %swap3A_91, %swap3A_92] : memref<1x10x256xf32, #tpu.memory_space<vmem>>, vector<1x1x128xf32>
    %swap3A_94 = vector.shape_cast %swap3A_93 : vector<1x1x128xf32> to vector<128xf32>
    %swap3A_95 = vector.shape_cast %reduce_max3A_75 : vector<128xf32> to vector<1x1x128xf32>
    tpu.vector_store %arg11[%swap3A_90, %swap3A_91, %swap3A_92], %swap3A_95 {strides = array<i32>} : memref<1x10x256xf32, #tpu.memory_space<vmem>>, vector<1x1x128xf32>,
    %swap3A_96 = arith.constant 0 : index
    %swap3A_97 = arith.constant 0 : index
    %swap3A_98 = arith.constant 128 : index
    %swap3A_99 = vector.load %arg11[%swap3A_96, %swap3A_97, %swap3A_98] : memref<1x10x256xf32, #tpu.memory_space<vmem>>, vector<1x1x128xf32>
    %swap3A_100 = vector.shape_cast %swap3A_99 : vector<1x1x128xf32> to vector<128xf32>
    %swap3A_101 = vector.shape_cast %div3A_80 : vector<128xf32> to vector<1x1x128xf32>
    tpu.vector_store %arg11[%swap3A_96, %swap3A_97, %swap3A_98], %swap3A_101 {strides = array<i32>} : memref<1x10x256xf32, #tpu.memory_space<vmem>>, vector<1x1x128xf32>,
    %slice3A_102 = vector.extract_strided_slice %tanh3A {offsets = [100, 0], sizes = [100, 1], strides = [1, 1]} : vector<1000x1xf32> to vector<100x1xf32>
    %squeeze3A_103 = vector.shape_cast %slice3A_102 : vector<100x1xf32> to vector<100xf32>
    %slice3A_104 = vector.extract_strided_slice %max3A_28 {offsets = [100, 0], sizes = [100, 128], strides = [1, 1]} : vector<1000x128xf32> to vector<100x128xf32>
    %get3A_105 = arith.constant 0 : index
    %get3A_106 = arith.constant 1 : index
    %get3A_107 = arith.constant 0 : index
    %get3A_108 = vector.load %arg8[%get3A_105, %get3A_106, %get3A_107] : memref<1x10x100xi32, #tpu.memory_space<vmem>>, vector<1x1x100xi32>
    %get3A_109 = vector.shape_cast %get3A_108 : vector<1x1x100xi32> to vector<100xi32>
    %lt3A_110 = arith.constant 100 : i32
    %lt3A_111 = vector.broadcast %lt3A_110 : i32 to vector<100xi32>
    %lt3A_112 = arith.cmpi slt, %get3A_109, %lt3A_111 : vector<100xi32>
    %jit3A_113 = arith.constant -3.000000e+38 : f32
    %broadcast_in_dim3A_114 = vector.broadcast %jit3A_113 : f32 to vector<100xf32>
    %select_n3A_115 = arith.select %lt3A_112, %squeeze3A_103, %broadcast_in_dim3A_114 : vector<100xi1>, vector<100xf32>
    %broadcast_in_dim3A_116 = vector.shape_cast %select_n3A_115 : vector<100xf32> to vector<100x1xf32>
    %broadcast_in_dim3A_117 = vector.shape_cast %select_n3A_115 : vector<100xf32> to vector<1x100xf32>
    %broadcast_in_dim3A_118 = vector.shape_cast %get3A_109 : vector<100xi32> to vector<100x1xi32>
    %broadcast_in_dim3A_119 = vector.shape_cast %get3A_109 : vector<100xi32> to vector<1x100xi32>
    %gt3A_120 = vector.broadcast %broadcast_in_dim3A_117 : vector<1x100xf32> to vector<100x100xf32>
    %gt3A_121 = vector.broadcast %broadcast_in_dim3A_116 : vector<100x1xf32> to vector<100x100xf32>
    %gt3A_122 = arith.cmpf ogt, %gt3A_120, %gt3A_121 : vector<100x100xf32>
    %eq3A_123 = vector.broadcast %broadcast_in_dim3A_117 : vector<1x100xf32> to vector<100x100xf32>
    %eq3A_124 = vector.broadcast %broadcast_in_dim3A_116 : vector<100x1xf32> to vector<100x100xf32>
    %eq3A_125 = arith.cmpf oeq, %eq3A_123, %eq3A_124 : vector<100x100xf32>
    %lt3A_126 = vector.broadcast %broadcast_in_dim3A_119 : vector<1x100xi32> to vector<100x100xi32>
    %lt3A_127 = vector.broadcast %broadcast_in_dim3A_118 : vector<100x1xi32> to vector<100x100xi32>
    %lt3A_128 = arith.cmpi slt, %lt3A_126, %lt3A_127 : vector<100x100xi32>
    %and3A_129 = arith.andi %eq3A_125, %lt3A_128 : vector<100x100xi1>
    %or3A_130 = arith.ori %gt3A_122, %and3A_129 : vector<100x100xi1>
    %convert_element_type3A_131 = arith.extui %or3A_130 : vector<100x100xi1> to vector<100x100xi32>
    %convert_element_type3A_132 = arith.sitofp %convert_element_type3A_131 : vector<100x100xi32> to vector<100x100xf32>
    %reduce_sum3A_133 = arith.constant dense<0.000000e+00> : vector<100xf32>
    %reduce_sum3A_134 = vector.multi_reduction <add>, %convert_element_type3A_132, %reduce_sum3A_133 [1] : vector<100x100xf32> to vector<100xf32>
    %convert_element_type3A_135 = arith.fptosi %reduce_sum3A_134 : vector<100xf32> to vector<100xi32>
    %lt3A_136 = arith.constant 50 : i32
    %lt3A_137 = vector.broadcast %lt3A_136 : i32 to vector<100xi32>
    %lt3A_138 = arith.cmpi slt, %convert_element_type3A_135, %lt3A_137 : vector<100xi32>
    %and3A_139 = arith.andi %lt3A_138, %lt3A_112 : vector<100xi1>
    %jit3A_140 = arith.constant 0.000000e+00 : f32
    %broadcast_in_dim3A_141 = vector.broadcast %jit3A_140 : f32 to vector<100xf32>
    %select_n3A_142 = arith.select %and3A_139, %squeeze3A_103, %broadcast_in_dim3A_141 : vector<100xi1>, vector<100xf32>
    %broadcast_in_dim3A_143 = vector.shape_cast %select_n3A_142 : vector<100xf32> to vector<100x1xf32>
    %mul3A_144 = vector.broadcast %broadcast_in_dim3A_143 : vector<100x1xf32> to vector<100x128xf32>
    %mul3A_145 = arith.mulf %slice3A_104, %mul3A_144 : vector<100x128xf32>
    %broadcast_in_dim3A_146 = vector.shape_cast %and3A_139 : vector<100xi1> to vector<100x1xi1>
    %jit3A_147 = arith.constant -3.000000e+38 : f32
    %broadcast_in_dim3A_148 = vector.shape_cast %broadcast_in_dim3A_146 : vector<100x1xi1> to vector<100x1xi1>
    %broadcast_in_dim3A_149 = vector.broadcast %broadcast_in_dim3A_148 : vector<100x1xi1> to vector<100x128xi1>
    %broadcast_in_dim3A_150 = vector.broadcast %jit3A_147 : f32 to vector<100x128xf32>
    %select_n3A_151 = arith.select %broadcast_in_dim3A_149, %mul3A_145, %broadcast_in_dim3A_150 : vector<100x128xi1>, vector<100x128xf32>
    %reduce_max3A_152 = arith.constant dense<0xFF800000> : vector<128xf32>
    %reduce_max3A_153 = vector.multi_reduction <maximumf>, %select_n3A_151, %reduce_max3A_152 [0] : vector<100x128xf32> to vector<128xf32>
    %reduce_sum3A_154 = arith.constant dense<0.000000e+00> : vector<128xf32>
    %reduce_sum3A_155 = vector.multi_reduction <add>, %mul3A_145, %reduce_sum3A_154 [0] : vector<100x128xf32> to vector<128xf32>
    %div3A_156 = arith.constant 5.000000e+01 : f32
    %div3A_157 = vector.broadcast %div3A_156 : f32 to vector<128xf32>
    %div3A_158 = arith.divf %reduce_sum3A_155, %div3A_157 : vector<128xf32>
    %broadcast_in_dim3A_159 = vector.shape_cast %select_n3A_142 : vector<100xf32> to vector<100x1xf32>
    %jit3A_160 = arith.constant 100 : i32
    %broadcast_in_dim3A_161 = vector.broadcast %jit3A_160 : i32 to vector<100xi32>
    %select_n3A_162 = arith.select %and3A_139, %convert_element_type3A_135, %broadcast_in_dim3A_161 : vector<100xi1>, vector<100xi32>
    %swap3A_163 = arith.constant 0 : index
    %swap3A_164 = arith.constant 1 : index
    %swap3A_165 = arith.constant 0 : index
    %swap3A_166 = vector.load %arg10[%swap3A_163, %swap3A_164, %swap3A_165] : memref<1x10x100xi32, #tpu.memory_space<vmem>>, vector<1x1x100xi32>
    %swap3A_167 = vector.shape_cast %swap3A_166 : vector<1x1x100xi32> to vector<100xi32>
    %swap3A_168 = vector.shape_cast %select_n3A_162 : vector<100xi32> to vector<1x1x100xi32>
    tpu.vector_store %arg10[%swap3A_163, %swap3A_164, %swap3A_165], %swap3A_168 {strides = array<i32>} : memref<1x10x100xi32, #tpu.memory_space<vmem>>, vector<1x1x100xi32>,
    %swap3A_169 = arith.constant 0 : index
    %swap3A_170 = arith.constant 1 : index
    %swap3A_171 = arith.constant 0 : index
    %swap3A_172 = vector.load %arg11[%swap3A_169, %swap3A_170, %swap3A_171] : memref<1x10x256xf32, #tpu.memory_space<vmem>>, vector<1x1x128xf32>
    %swap3A_173 = vector.shape_cast %swap3A_172 : vector<1x1x128xf32> to vector<128xf32>
    %swap3A_174 = vector.shape_cast %reduce_max3A_153 : vector<128xf32> to vector<1x1x128xf32>
    tpu.vector_store %arg11[%swap3A_169, %swap3A_170, %swap3A_171], %swap3A_174 {strides = array<i32>} : memref<1x10x256xf32, #tpu.memory_space<vmem>>, vector<1x1x128xf32>,
    %swap3A_175 = arith.constant 0 : index
    %swap3A_176 = arith.constant 1 : index
    %swap3A_177 = arith.constant 128 : index
    %swap3A_178 = vector.load %arg11[%swap3A_175, %swap3A_176, %swap3A_177] : memref<1x10x256xf32, #tpu.memory_space<vmem>>, vector<1x1x128xf32>
    %swap3A_179 = vector.shape_cast %swap3A_178 : vector<1x1x128xf32> to vector<128xf32>
    %swap3A_180 = vector.shape_cast %div3A_158 : vector<128xf32> to vector<1x1x128xf32>
    tpu.vector_store %arg11[%swap3A_175, %swap3A_176, %swap3A_177], %swap3A_180 {strides = array<i32>} : memref<1x10x256xf32, #tpu.memory_space<vmem>>, vector<1x1x128xf32>,
    %slice3A_181 = vector.extract_strided_slice %tanh3A {offsets = [200, 0], sizes = [100, 1], strides = [1, 1]} : vector<1000x1xf32> to vector<100x1xf32>
    %squeeze3A_182 = vector.shape_cast %slice3A_181 : vector<100x1xf32> to vector<100xf32>
    %slice3A_183 = vector.extract_strided_slice %max3A_28 {offsets = [200, 0], sizes = [100, 128], strides = [1, 1]} : vector<1000x128xf32> to vector<100x128xf32>
    %get3A_184 = arith.constant 0 : index
    %get3A_185 = arith.constant 2 : index
    %get3A_186 = arith.constant 0 : index
    %get3A_187 = vector.load %arg8[%get3A_184, %get3A_185, %get3A_186] : memref<1x10x100xi32, #tpu.memory_space<vmem>>, vector<1x1x100xi32>
    %get3A_188 = vector.shape_cast %get3A_187 : vector<1x1x100xi32> to vector<100xi32>
    %lt3A_189 = arith.constant 100 : i32
    %lt3A_190 = vector.broadcast %lt3A_189 : i32 to vector<100xi32>
    %lt3A_191 = arith.cmpi slt, %get3A_188, %lt3A_190 : vector<100xi32>
    %jit3A_192 = arith.constant -3.000000e+38 : f32
    %broadcast_in_dim3A_193 = vector.broadcast %jit3A_192 : f32 to vector<100xf32>
    %select_n3A_194 = arith.select %lt3A_191, %squeeze3A_182, %broadcast_in_dim3A_193 : vector<100xi1>, vector<100xf32>
    %broadcast_in_dim3A_195 = vector.shape_cast %select_n3A_194 : vector<100xf32> to vector<100x1xf32>
    %broadcast_in_dim3A_196 = vector.shape_cast %select_n3A_194 : vector<100xf32> to vector<1x100xf32>
    %broadcast_in_dim3A_197 = vector.shape_cast %get3A_188 : vector<100xi32> to vector<100x1xi32>
    %broadcast_in_dim3A_198 = vector.shape_cast %get3A_188 : vector<100xi32> to vector<1x100xi32>
    %gt3A_199 = vector.broadcast %broadcast_in_dim3A_196 : vector<1x100xf32> to vector<100x100xf32>
    %gt3A_200 = vector.broadcast %broadcast_in_dim3A_195 : vector<100x1xf32> to vector<100x100xf32>
    %gt3A_201 = arith.cmpf ogt, %gt3A_199, %gt3A_200 : vector<100x100xf32>
    %eq3A_202 = vector.broadcast %broadcast_in_dim3A_196 : vector<1x100xf32> to vector<100x100xf32>
    %eq3A_203 = vector.broadcast %broadcast_in_dim3A_195 : vector<100x1xf32> to vector<100x100xf32>
    %eq3A_204 = arith.cmpf oeq, %eq3A_202, %eq3A_203 : vector<100x100xf32>
    %lt3A_205 = vector.broadcast %broadcast_in_dim3A_198 : vector<1x100xi32> to vector<100x100xi32>
    %lt3A_206 = vector.broadcast %broadcast_in_dim3A_197 : vector<100x1xi32> to vector<100x100xi32>
    %lt3A_207 = arith.cmpi slt, %lt3A_205, %lt3A_206 : vector<100x100xi32>
    %and3A_208 = arith.andi %eq3A_204, %lt3A_207 : vector<100x100xi1>
    %or3A_209 = arith.ori %gt3A_201, %and3A_208 : vector<100x100xi1>
    %convert_element_type3A_210 = arith.extui %or3A_209 : vector<100x100xi1> to vector<100x100xi32>
    %convert_element_type3A_211 = arith.sitofp %convert_element_type3A_210 : vector<100x100xi32> to vector<100x100xf32>
    %reduce_sum3A_212 = arith.constant dense<0.000000e+00> : vector<100xf32>
    %reduce_sum3A_213 = vector.multi_reduction <add>, %convert_element_type3A_211, %reduce_sum3A_212 [1] : vector<100x100xf32> to vector<100xf32>
    %convert_element_type3A_214 = arith.fptosi %reduce_sum3A_213 : vector<100xf32> to vector<100xi32>
    %lt3A_215 = arith.constant 50 : i32
    %lt3A_216 = vector.broadcast %lt3A_215 : i32 to vector<100xi32>
    %lt3A_217 = arith.cmpi slt, %convert_element_type3A_214, %lt3A_216 : vector<100xi32>
    %and3A_218 = arith.andi %lt3A_217, %lt3A_191 : vector<100xi1>
    %jit3A_219 = arith.constant 0.000000e+00 : f32
    %broadcast_in_dim3A_220 = vector.broadcast %jit3A_219 : f32 to vector<100xf32>
    %select_n3A_221 = arith.select %and3A_218, %squeeze3A_182, %broadcast_in_dim3A_220 : vector<100xi1>, vector<100xf32>
    %broadcast_in_dim3A_222 = vector.shape_cast %select_n3A_221 : vector<100xf32> to vector<100x1xf32>
    %mul3A_223 = vector.broadcast %broadcast_in_dim3A_222 : vector<100x1xf32> to vector<100x128xf32>
    %mul3A_224 = arith.mulf %slice3A_183, %mul3A_223 : vector<100x128xf32>
    %broadcast_in_dim3A_225 = vector.shape_cast %and3A_218 : vector<100xi1> to vector<100x1xi1>
    %jit3A_226 = arith.constant -3.000000e+38 : f32
    %broadcast_in_dim3A_227 = vector.shape_cast %broadcast_in_dim3A_225 : vector<100x1xi1> to vector<100x1xi1>
    %broadcast_in_dim3A_228 = vector.broadcast %broadcast_in_dim3A_227 : vector<100x1xi1> to vector<100x128xi1>
    %broadcast_in_dim3A_229 = vector.broadcast %jit3A_226 : f32 to vector<100x128xf32>
    %select_n3A_230 = arith.select %broadcast_in_dim3A_228, %mul3A_224, %broadcast_in_dim3A_229 : vector<100x128xi1>, vector<100x128xf32>
    %reduce_max3A_231 = arith.constant dense<0xFF800000> : vector<128xf32>
    %reduce_max3A_232 = vector.multi_reduction <maximumf>, %select_n3A_230, %reduce_max3A_231 [0] : vector<100x128xf32> to vector<128xf32>
    %reduce_sum3A_233 = arith.constant dense<0.000000e+00> : vector<128xf32>
    %reduce_sum3A_234 = vector.multi_reduction <add>, %mul3A_224, %reduce_sum3A_233 [0] : vector<100x128xf32> to vector<128xf32>
    %div3A_235 = arith.constant 5.000000e+01 : f32
    %div3A_236 = vector.broadcast %div3A_235 : f32 to vector<128xf32>
    %div3A_237 = arith.divf %reduce_sum3A_234, %div3A_236 : vector<128xf32>
    %broadcast_in_dim3A_238 = vector.shape_cast %select_n3A_221 : vector<100xf32> to vector<100x1xf32>
    %jit3A_239 = arith.constant 100 : i32
    %broadcast_in_dim3A_240 = vector.broadcast %jit3A_239 : i32 to vector<100xi32>
    %select_n3A_241 = arith.select %and3A_218, %convert_element_type3A_214, %broadcast_in_dim3A_240 : vector<100xi1>, vector<100xi32>
    %swap3A_242 = arith.constant 0 : index
    %swap3A_243 = arith.constant 2 : index
    %swap3A_244 = arith.constant 0 : index
    %swap3A_245 = vector.load %arg10[%swap3A_242, %swap3A_243, %swap3A_244] : memref<1x10x100xi32, #tpu.memory_space<vmem>>, vector<1x1x100xi32>
    %swap3A_246 = vector.shape_cast %swap3A_245 : vector<1x1x100xi32> to vector<100xi32>
    %swap3A_247 = vector.shape_cast %select_n3A_241 : vector<100xi32> to vector<1x1x100xi32>
    tpu.vector_store %arg10[%swap3A_242, %swap3A_243, %swap3A_244], %swap3A_247 {strides = array<i32>} : memref<1x10x100xi32, #tpu.memory_space<vmem>>, vector<1x1x100xi32>,
    %swap3A_248 = arith.constant 0 : index
    %swap3A_249 = arith.constant 2 : index
    %swap3A_250 = arith.constant 0 : index
    %swap3A_251 = vector.load %arg11[%swap3A_248, %swap3A_249, %swap3A_250] : memref<1x10x256xf32, #tpu.memory_space<vmem>>, vector<1x1x128xf32>
    %swap3A_252 = vector.shape_cast %swap3A_251 : vector<1x1x128xf32> to vector<128xf32>
    %swap3A_253 = vector.shape_cast %reduce_max3A_232 : vector<128xf32> to vector<1x1x128xf32>
    tpu.vector_store %arg11[%swap3A_248, %swap3A_249, %swap3A_250], %swap3A_253 {strides = array<i32>} : memref<1x10x256xf32, #tpu.memory_space<vmem>>, vector<1x1x128xf32>,
    %swap3A_254 = arith.constant 0 : index
    %swap3A_255 = arith.constant 2 : index
    %swap3A_256 = arith.constant 128 : index
    %swap3A_257 = vector.load %arg11[%swap3A_254, %swap3A_255, %swap3A_256] : memref<1x10x256xf32, #tpu.memory_space<vmem>>, vector<1x1x128xf32>
    %swap3A_258 = vector.shape_cast %swap3A_257 : vector<1x1x128xf32> to vector<128xf32>
    %swap3A_259 = vector.shape_cast %div3A_237 : vector<128xf32> to vector<1x1x128xf32>
    tpu.vector_store %arg11[%swap3A_254, %swap3A_255, %swap3A_256], %swap3A_259 {strides = array<i32>} : memref<1x10x256xf32, #tpu.memory_space<vmem>>, vector<1x1x128xf32>,
    %slice3A_260 = vector.extract_strided_slice %tanh3A {offsets = [300, 0], sizes = [100, 1], strides = [1, 1]} : vector<1000x1xf32> to vector<100x1xf32>
    %squeeze3A_261 = vector.shape_cast %slice3A_260 : vector<100x1xf32> to vector<100xf32>
    %slice3A_262 = vector.extract_strided_slice %max3A_28 {offsets = [300, 0], sizes = [100, 128], strides = [1, 1]} : vector<1000x128xf32> to vector<100x128xf32>
    %get3A_263 = arith.constant 0 : index
    %get3A_264 = arith.constant 3 : index
    %get3A_265 = arith.constant 0 : index
    %get3A_266 = vector.load %arg8[%get3A_263, %get3A_264, %get3A_265] : memref<1x10x100xi32, #tpu.memory_space<vmem>>, vector<1x1x100xi32>
    %get3A_267 = vector.shape_cast %get3A_266 : vector<1x1x100xi32> to vector<100xi32>
    %lt3A_268 = arith.constant 100 : i32
    %lt3A_269 = vector.broadcast %lt3A_268 : i32 to vector<100xi32>
    %lt3A_270 = arith.cmpi slt, %get3A_267, %lt3A_269 : vector<100xi32>
    %jit3A_271 = arith.constant -3.000000e+38 : f32
    %broadcast_in_dim3A_272 = vector.broadcast %jit3A_271 : f32 to vector<100xf32>
    %select_n3A_273 = arith.select %lt3A_270, %squeeze3A_261, %broadcast_in_dim3A_272 : vector<100xi1>, vector<100xf32>
    %broadcast_in_dim3A_274 = vector.shape_cast %select_n3A_273 : vector<100xf32> to vector<100x1xf32>
    %broadcast_in_dim3A_275 = vector.shape_cast %select_n3A_273 : vector<100xf32> to vector<1x100xf32>
    %broadcast_in_dim3A_276 = vector.shape_cast %get3A_267 : vector<100xi32> to vector<100x1xi32>
    %broadcast_in_dim3A_277 = vector.shape_cast %get3A_267 : vector<100xi32> to vector<1x100xi32>
    %gt3A_278 = vector.broadcast %broadcast_in_dim3A_275 : vector<1x100xf32> to vector<100x100xf32>
    %gt3A_279 = vector.broadcast %broadcast_in_dim3A_274 : vector<100x1xf32> to vector<100x100xf32>
    %gt3A_280 = arith.cmpf ogt, %gt3A_278, %gt3A_279 : vector<100x100xf32>
    %eq3A_281 = vector.broadcast %broadcast_in_dim3A_275 : vector<1x100xf32> to vector<100x100xf32>
    %eq3A_282 = vector.broadcast %broadcast_in_dim3A_274 : vector<100x1xf32> to vector<100x100xf32>
    %eq3A_283 = arith.cmpf oeq, %eq3A_281, %eq3A_282 : vector<100x100xf32>
    %lt3A_284 = vector.broadcast %broadcast_in_dim3A_277 : vector<1x100xi32> to vector<100x100xi32>
    %lt3A_285 = vector.broadcast %broadcast_in_dim3A_276 : vector<100x1xi32> to vector<100x100xi32>
    %lt3A_286 = arith.cmpi slt, %lt3A_284, %lt3A_285 : vector<100x100xi32>
    %and3A_287 = arith.andi %eq3A_283, %lt3A_286 : vector<100x100xi1>
    %or3A_288 = arith.ori %gt3A_280, %and3A_287 : vector<100x100xi1>
    %convert_element_type3A_289 = arith.extui %or3A_288 : vector<100x100xi1> to vector<100x100xi32>
    %convert_element_type3A_290 = arith.sitofp %convert_element_type3A_289 : vector<100x100xi32> to vector<100x100xf32>
    %reduce_sum3A_291 = arith.constant dense<0.000000e+00> : vector<100xf32>
    %reduce_sum3A_292 = vector.multi_reduction <add>, %convert_element_type3A_290, %reduce_sum3A_291 [1] : vector<100x100xf32> to vector<100xf32>
    %convert_element_type3A_293 = arith.fptosi %reduce_sum3A_292 : vector<100xf32> to vector<100xi32>
    %lt3A_294 = arith.constant 50 : i32
    %lt3A_295 = vector.broadcast %lt3A_294 : i32 to vector<100xi32>
    %lt3A_296 = arith.cmpi slt, %convert_element_type3A_293, %lt3A_295 : vector<100xi32>
    %and3A_297 = arith.andi %lt3A_296, %lt3A_270 : vector<100xi1>
    %jit3A_298 = arith.constant 0.000000e+00 : f32
    %broadcast_in_dim3A_299 = vector.broadcast %jit3A_298 : f32 to vector<100xf32>
    %select_n3A_300 = arith.select %and3A_297, %squeeze3A_261, %broadcast_in_dim3A_299 : vector<100xi1>, vector<100xf32>
    %broadcast_in_dim3A_301 = vector.shape_cast %select_n3A_300 : vector<100xf32> to vector<100x1xf32>
    %mul3A_302 = vector.broadcast %broadcast_in_dim3A_301 : vector<100x1xf32> to vector<100x128xf32>
    %mul3A_303 = arith.mulf %slice3A_262, %mul3A_302 : vector<100x128xf32>
    %broadcast_in_dim3A_304 = vector.shape_cast %and3A_297 : vector<100xi1> to vector<100x1xi1>
    %jit3A_305 = arith.constant -3.000000e+38 : f32
    %broadcast_in_dim3A_306 = vector.shape_cast %broadcast_in_dim3A_304 : vector<100x1xi1> to vector<100x1xi1>
    %broadcast_in_dim3A_307 = vector.broadcast %broadcast_in_dim3A_306 : vector<100x1xi1> to vector<100x128xi1>
    %broadcast_in_dim3A_308 = vector.broadcast %jit3A_305 : f32 to vector<100x128xf32>
    %select_n3A_309 = arith.select %broadcast_in_dim3A_307, %mul3A_303, %broadcast_in_dim3A_308 : vector<100x128xi1>, vector<100x128xf32>
    %reduce_max3A_310 = arith.constant dense<0xFF800000> : vector<128xf32>
    %reduce_max3A_311 = vector.multi_reduction <maximumf>, %select_n3A_309, %reduce_max3A_310 [0] : vector<100x128xf32> to vector<128xf32>
    %reduce_sum3A_312 = arith.constant dense<0.000000e+00> : vector<128xf32>
    %reduce_sum3A_313 = vector.multi_reduction <add>, %mul3A_303, %reduce_sum3A_312 [0] : vector<100x128xf32> to vector<128xf32>
    %div3A_314 = arith.constant 5.000000e+01 : f32
    %div3A_315 = vector.broadcast %div3A_314 : f32 to vector<128xf32>
    %div3A_316 = arith.divf %reduce_sum3A_313, %div3A_315 : vector<128xf32>
    %broadcast_in_dim3A_317 = vector.shape_cast %select_n3A_300 : vector<100xf32> to vector<100x1xf32>
    %jit3A_318 = arith.constant 100 : i32
    %broadcast_in_dim3A_319 = vector.broadcast %jit3A_318 : i32 to vector<100xi32>
    %select_n3A_320 = arith.select %and3A_297, %convert_element_type3A_293, %broadcast_in_dim3A_319 : vector<100xi1>, vector<100xi32>
    %swap3A_321 = arith.constant 0 : index
    %swap3A_322 = arith.constant 3 : index
    %swap3A_323 = arith.constant 0 : index
    %swap3A_324 = vector.load %arg10[%swap3A_321, %swap3A_322, %swap3A_323] : memref<1x10x100xi32, #tpu.memory_space<vmem>>, vector<1x1x100xi32>
    %swap3A_325 = vector.shape_cast %swap3A_324 : vector<1x1x100xi32> to vector<100xi32>
    %swap3A_326 = vector.shape_cast %select_n3A_320 : vector<100xi32> to vector<1x1x100xi32>
    tpu.vector_store %arg10[%swap3A_321, %swap3A_322, %swap3A_323], %swap3A_326 {strides = array<i32>} : memref<1x10x100xi32, #tpu.memory_space<vmem>>, vector<1x1x100xi32>,
    %swap3A_327 = arith.constant 0 : index
    %swap3A_328 = arith.constant 3 : index
    %swap3A_329 = arith.constant 0 : index
    %swap3A_330 = vector.load %arg11[%swap3A_327, %swap3A_328, %swap3A_329] : memref<1x10x256xf32, #tpu.memory_space<vmem>>, vector<1x1x128xf32>
    %swap3A_331 = vector.shape_cast %swap3A_330 : vector<1x1x128xf32> to vector<128xf32>
    %swap3A_332 = vector.shape_cast %reduce_max3A_311 : vector<128xf32> to vector<1x1x128xf32>
    tpu.vector_store %arg11[%swap3A_327, %swap3A_328, %swap3A_329], %swap3A_332 {strides = array<i32>} : memref<1x10x256xf32, #tpu.memory_space<vmem>>, vector<1x1x128xf32>,
    %swap3A_333 = arith.constant 0 : index
    %swap3A_334 = arith.constant 3 : index
    %swap3A_335 = arith.constant 128 : index
    %swap3A_336 = vector.load %arg11[%swap3A_333, %swap3A_334, %swap3A_335] : memref<1x10x256xf32, #tpu.memory_space<vmem>>, vector<1x1x128xf32>
    %swap3A_337 = vector.shape_cast %swap3A_336 : vector<1x1x128xf32> to vector<128xf32>
    %swap3A_338 = vector.shape_cast %div3A_316 : vector<128xf32> to vector<1x1x128xf32>
    tpu.vector_store %arg11[%swap3A_333, %swap3A_334, %swap3A_335], %swap3A_338 {strides = array<i32>} : memref<1x10x256xf32, #tpu.memory_space<vmem>>, vector<1x1x128xf32>,
    %slice3A_339 = vector.extract_strided_slice %tanh3A {offsets = [400, 0], sizes = [100, 1], strides = [1, 1]} : vector<1000x1xf32> to vector<100x1xf32>
    %squeeze3A_340 = vector.shape_cast %slice3A_339 : vector<100x1xf32> to vector<100xf32>
    %slice3A_341 = vector.extract_strided_slice %max3A_28 {offsets = [400, 0], sizes = [100, 128], strides = [1, 1]} : vector<1000x128xf32> to vector<100x128xf32>
    %get3A_342 = arith.constant 0 : index
    %get3A_343 = arith.constant 4 : index
    %get3A_344 = arith.constant 0 : index
    %get3A_345 = vector.load %arg8[%get3A_342, %get3A_343, %get3A_344] : memref<1x10x100xi32, #tpu.memory_space<vmem>>, vector<1x1x100xi32>
    %get3A_346 = vector.shape_cast %get3A_345 : vector<1x1x100xi32> to vector<100xi32>
    %lt3A_347 = arith.constant 100 : i32
    %lt3A_348 = vector.broadcast %lt3A_347 : i32 to vector<100xi32>
    %lt3A_349 = arith.cmpi slt, %get3A_346, %lt3A_348 : vector<100xi32>
    %jit3A_350 = arith.constant -3.000000e+38 : f32
    %broadcast_in_dim3A_351 = vector.broadcast %jit3A_350 : f32 to vector<100xf32>
    %select_n3A_352 = arith.select %lt3A_349, %squeeze3A_340, %broadcast_in_dim3A_351 : vector<100xi1>, vector<100xf32>
    %broadcast_in_dim3A_353 = vector.shape_cast %select_n3A_352 : vector<100xf32> to vector<100x1xf32>
    %broadcast_in_dim3A_354 = vector.shape_cast %select_n3A_352 : vector<100xf32> to vector<1x100xf32>
    %broadcast_in_dim3A_355 = vector.shape_cast %get3A_346 : vector<100xi32> to vector<100x1xi32>
    %broadcast_in_dim3A_356 = vector.shape_cast %get3A_346 : vector<100xi32> to vector<1x100xi32>
    %gt3A_357 = vector.broadcast %broadcast_in_dim3A_354 : vector<1x100xf32> to vector<100x100xf32>
    %gt3A_358 = vector.broadcast %broadcast_in_dim3A_353 : vector<100x1xf32> to vector<100x100xf32>
    %gt3A_359 = arith.cmpf ogt, %gt3A_357, %gt3A_358 : vector<100x100xf32>
    %eq3A_360 = vector.broadcast %broadcast_in_dim3A_354 : vector<1x100xf32> to vector<100x100xf32>
    %eq3A_361 = vector.broadcast %broadcast_in_dim3A_353 : vector<100x1xf32> to vector<100x100xf32>
    %eq3A_362 = arith.cmpf oeq, %eq3A_360, %eq3A_361 : vector<100x100xf32>
    %lt3A_363 = vector.broadcast %broadcast_in_dim3A_356 : vector<1x100xi32> to vector<100x100xi32>
    %lt3A_364 = vector.broadcast %broadcast_in_dim3A_355 : vector<100x1xi32> to vector<100x100xi32>
    %lt3A_365 = arith.cmpi slt, %lt3A_363, %lt3A_364 : vector<100x100xi32>
    %and3A_366 = arith.andi %eq3A_362, %lt3A_365 : vector<100x100xi1>
    %or3A_367 = arith.ori %gt3A_359, %and3A_366 : vector<100x100xi1>
    %convert_element_type3A_368 = arith.extui %or3A_367 : vector<100x100xi1> to vector<100x100xi32>
    %convert_element_type3A_369 = arith.sitofp %convert_element_type3A_368 : vector<100x100xi32> to vector<100x100xf32>
    %reduce_sum3A_370 = arith.constant dense<0.000000e+00> : vector<100xf32>
    %reduce_sum3A_371 = vector.multi_reduction <add>, %convert_element_type3A_369, %reduce_sum3A_370 [1] : vector<100x100xf32> to vector<100xf32>
    %convert_element_type3A_372 = arith.fptosi %reduce_sum3A_371 : vector<100xf32> to vector<100xi32>
    %lt3A_373 = arith.constant 50 : i32
    %lt3A_374 = vector.broadcast %lt3A_373 : i32 to vector<100xi32>
    %lt3A_375 = arith.cmpi slt, %convert_element_type3A_372, %lt3A_374 : vector<100xi32>
    %and3A_376 = arith.andi %lt3A_375, %lt3A_349 : vector<100xi1>
    %jit3A_377 = arith.constant 0.000000e+00 : f32
    %broadcast_in_dim3A_378 = vector.broadcast %jit3A_377 : f32 to vector<100xf32>
    %select_n3A_379 = arith.select %and3A_376, %squeeze3A_340, %broadcast_in_dim3A_378 : vector<100xi1>, vector<100xf32>
    %broadcast_in_dim3A_380 = vector.shape_cast %select_n3A_379 : vector<100xf32> to vector<100x1xf32>
    %mul3A_381 = vector.broadcast %broadcast_in_dim3A_380 : vector<100x1xf32> to vector<100x128xf32>
    %mul3A_382 = arith.mulf %slice3A_341, %mul3A_381 : vector<100x128xf32>
    %broadcast_in_dim3A_383 = vector.shape_cast %and3A_376 : vector<100xi1> to vector<100x1xi1>
    %jit3A_384 = arith.constant -3.000000e+38 : f32
    %broadcast_in_dim3A_385 = vector.shape_cast %broadcast_in_dim3A_383 : vector<100x1xi1> to vector<100x1xi1>
    %broadcast_in_dim3A_386 = vector.broadcast %broadcast_in_dim3A_385 : vector<100x1xi1> to vector<100x128xi1>
    %broadcast_in_dim3A_387 = vector.broadcast %jit3A_384 : f32 to vector<100x128xf32>
    %select_n3A_388 = arith.select %broadcast_in_dim3A_386, %mul3A_382, %broadcast_in_dim3A_387 : vector<100x128xi1>, vector<100x128xf32>
    %reduce_max3A_389 = arith.constant dense<0xFF800000> : vector<128xf32>
    %reduce_max3A_390 = vector.multi_reduction <maximumf>, %select_n3A_388, %reduce_max3A_389 [0] : vector<100x128xf32> to vector<128xf32>
    %reduce_sum3A_391 = arith.constant dense<0.000000e+00> : vector<128xf32>
    %reduce_sum3A_392 = vector.multi_reduction <add>, %mul3A_382, %reduce_sum3A_391 [0] : vector<100x128xf32> to vector<128xf32>
    %div3A_393 = arith.constant 5.000000e+01 : f32
    %div3A_394 = vector.broadcast %div3A_393 : f32 to vector<128xf32>
    %div3A_395 = arith.divf %reduce_sum3A_392, %div3A_394 : vector<128xf32>
    %broadcast_in_dim3A_396 = vector.shape_cast %select_n3A_379 : vector<100xf32> to vector<100x1xf32>
    %jit3A_397 = arith.constant 100 : i32
    %broadcast_in_dim3A_398 = vector.broadcast %jit3A_397 : i32 to vector<100xi32>
    %select_n3A_399 = arith.select %and3A_376, %convert_element_type3A_372, %broadcast_in_dim3A_398 : vector<100xi1>, vector<100xi32>
    %swap3A_400 = arith.constant 0 : index
    %swap3A_401 = arith.constant 4 : index
    %swap3A_402 = arith.constant 0 : index
    %swap3A_403 = vector.load %arg10[%swap3A_400, %swap3A_401, %swap3A_402] : memref<1x10x100xi32, #tpu.memory_space<vmem>>, vector<1x1x100xi32>
    %swap3A_404 = vector.shape_cast %swap3A_403 : vector<1x1x100xi32> to vector<100xi32>
    %swap3A_405 = vector.shape_cast %select_n3A_399 : vector<100xi32> to vector<1x1x100xi32>
    tpu.vector_store %arg10[%swap3A_400, %swap3A_401, %swap3A_402], %swap3A_405 {strides = array<i32>} : memref<1x10x100xi32, #tpu.memory_space<vmem>>, vector<1x1x100xi32>,
    %swap3A_406 = arith.constant 0 : index
    %swap3A_407 = arith.constant 4 : index
    %swap3A_408 = arith.constant 0 : index
    %swap3A_409 = vector.load %arg11[%swap3A_406, %swap3A_407, %swap3A_408] : memref<1x10x256xf32, #tpu.memory_space<vmem>>, vector<1x1x128xf32>
    %swap3A_410 = vector.shape_cast %swap3A_409 : vector<1x1x128xf32> to vector<128xf32>
    %swap3A_411 = vector.shape_cast %reduce_max3A_390 : vector<128xf32> to vector<1x1x128xf32>
    tpu.vector_store %arg11[%swap3A_406, %swap3A_407, %swap3A_408], %swap3A_411 {strides = array<i32>} : memref<1x10x256xf32, #tpu.memory_space<vmem>>, vector<1x1x128xf32>,
    %swap3A_412 = arith.constant 0 : index
    %swap3A_413 = arith.constant 4 : index
    %swap3A_414 = arith.constant 128 : index
    %swap3A_415 = vector.load %arg11[%swap3A_412, %swap3A_413, %swap3A_414] : memref<1x10x256xf32, #tpu.memory_space<vmem>>, vector<1x1x128xf32>
    %swap3A_416 = vector.shape_cast %swap3A_415 : vector<1x1x128xf32> to vector<128xf32>
    %swap3A_417 = vector.shape_cast %div3A_395 : vector<128xf32> to vector<1x1x128xf32>
    tpu.vector_store %arg11[%swap3A_412, %swap3A_413, %swap3A_414], %swap3A_417 {strides = array<i32>} : memref<1x10x256xf32, #tpu.memory_space<vmem>>, vector<1x1x128xf32>,
    %slice3A_418 = vector.extract_strided_slice %tanh3A {offsets = [500, 0], sizes = [100, 1], strides = [1, 1]} : vector<1000x1xf32> to vector<100x1xf32>
    %squeeze3A_419 = vector.shape_cast %slice3A_418 : vector<100x1xf32> to vector<100xf32>
    %slice3A_420 = vector.extract_strided_slice %max3A_28 {offsets = [500, 0], sizes = [100, 128], strides = [1, 1]} : vector<1000x128xf32> to vector<100x128xf32>
    %get3A_421 = arith.constant 0 : index
    %get3A_422 = arith.constant 5 : index
    %get3A_423 = arith.constant 0 : index
    %get3A_424 = vector.load %arg8[%get3A_421, %get3A_422, %get3A_423] : memref<1x10x100xi32, #tpu.memory_space<vmem>>, vector<1x1x100xi32>
    %get3A_425 = vector.shape_cast %get3A_424 : vector<1x1x100xi32> to vector<100xi32>
    %lt3A_426 = arith.constant 100 : i32
    %lt3A_427 = vector.broadcast %lt3A_426 : i32 to vector<100xi32>
    %lt3A_428 = arith.cmpi slt, %get3A_425, %lt3A_427 : vector<100xi32>
    %jit3A_429 = arith.constant -3.000000e+38 : f32
    %broadcast_in_dim3A_430 = vector.broadcast %jit3A_429 : f32 to vector<100xf32>
    %select_n3A_431 = arith.select %lt3A_428, %squeeze3A_419, %broadcast_in_dim3A_430 : vector<100xi1>, vector<100xf32>
    %broadcast_in_dim3A_432 = vector.shape_cast %select_n3A_431 : vector<100xf32> to vector<100x1xf32>
    %broadcast_in_dim3A_433 = vector.shape_cast %select_n3A_431 : vector<100xf32> to vector<1x100xf32>
    %broadcast_in_dim3A_434 = vector.shape_cast %get3A_425 : vector<100xi32> to vector<100x1xi32>
    %broadcast_in_dim3A_435 = vector.shape_cast %get3A_425 : vector<100xi32> to vector<1x100xi32>
    %gt3A_436 = vector.broadcast %broadcast_in_dim3A_433 : vector<1x100xf32> to vector<100x100xf32>
    %gt3A_437 = vector.broadcast %broadcast_in_dim3A_432 : vector<100x1xf32> to vector<100x100xf32>
    %gt3A_438 = arith.cmpf ogt, %gt3A_436, %gt3A_437 : vector<100x100xf32>
    %eq3A_439 = vector.broadcast %broadcast_in_dim3A_433 : vector<1x100xf32> to vector<100x100xf32>
    %eq3A_440 = vector.broadcast %broadcast_in_dim3A_432 : vector<100x1xf32> to vector<100x100xf32>
    %eq3A_441 = arith.cmpf oeq, %eq3A_439, %eq3A_440 : vector<100x100xf32>
    %lt3A_442 = vector.broadcast %broadcast_in_dim3A_435 : vector<1x100xi32> to vector<100x100xi32>
    %lt3A_443 = vector.broadcast %broadcast_in_dim3A_434 : vector<100x1xi32> to vector<100x100xi32>
    %lt3A_444 = arith.cmpi slt, %lt3A_442, %lt3A_443 : vector<100x100xi32>
    %and3A_445 = arith.andi %eq3A_441, %lt3A_444 : vector<100x100xi1>
    %or3A_446 = arith.ori %gt3A_438, %and3A_445 : vector<100x100xi1>
    %convert_element_type3A_447 = arith.extui %or3A_446 : vector<100x100xi1> to vector<100x100xi32>
    %convert_element_type3A_448 = arith.sitofp %convert_element_type3A_447 : vector<100x100xi32> to vector<100x100xf32>
    %reduce_sum3A_449 = arith.constant dense<0.000000e+00> : vector<100xf32>
    %reduce_sum3A_450 = vector.multi_reduction <add>, %convert_element_type3A_448, %reduce_sum3A_449 [1] : vector<100x100xf32> to vector<100xf32>
    %convert_element_type3A_451 = arith.fptosi %reduce_sum3A_450 : vector<100xf32> to vector<100xi32>
    %lt3A_452 = arith.constant 50 : i32
    %lt3A_453 = vector.broadcast %lt3A_452 : i32 to vector<100xi32>
    %lt3A_454 = arith.cmpi slt, %convert_element_type3A_451, %lt3A_453 : vector<100xi32>
    %and3A_455 = arith.andi %lt3A_454, %lt3A_428 : vector<100xi1>
    %jit3A_456 = arith.constant 0.000000e+00 : f32
    %broadcast_in_dim3A_457 = vector.broadcast %jit3A_456 : f32 to vector<100xf32>
    %select_n3A_458 = arith.select %and3A_455, %squeeze3A_419, %broadcast_in_dim3A_457 : vector<100xi1>, vector<100xf32>
    %broadcast_in_dim3A_459 = vector.shape_cast %select_n3A_458 : vector<100xf32> to vector<100x1xf32>
    %mul3A_460 = vector.broadcast %broadcast_in_dim3A_459 : vector<100x1xf32> to vector<100x128xf32>
    %mul3A_461 = arith.mulf %slice3A_420, %mul3A_460 : vector<100x128xf32>
    %broadcast_in_dim3A_462 = vector.shape_cast %and3A_455 : vector<100xi1> to vector<100x1xi1>
    %jit3A_463 = arith.constant -3.000000e+38 : f32
    %broadcast_in_dim3A_464 = vector.shape_cast %broadcast_in_dim3A_462 : vector<100x1xi1> to vector<100x1xi1>
    %broadcast_in_dim3A_465 = vector.broadcast %broadcast_in_dim3A_464 : vector<100x1xi1> to vector<100x128xi1>
    %broadcast_in_dim3A_466 = vector.broadcast %jit3A_463 : f32 to vector<100x128xf32>
    %select_n3A_467 = arith.select %broadcast_in_dim3A_465, %mul3A_461, %broadcast_in_dim3A_466 : vector<100x128xi1>, vector<100x128xf32>
    %reduce_max3A_468 = arith.constant dense<0xFF800000> : vector<128xf32>
    %reduce_max3A_469 = vector.multi_reduction <maximumf>, %select_n3A_467, %reduce_max3A_468 [0] : vector<100x128xf32> to vector<128xf32>
    %reduce_sum3A_470 = arith.constant dense<0.000000e+00> : vector<128xf32>
    %reduce_sum3A_471 = vector.multi_reduction <add>, %mul3A_461, %reduce_sum3A_470 [0] : vector<100x128xf32> to vector<128xf32>
    %div3A_472 = arith.constant 5.000000e+01 : f32
    %div3A_473 = vector.broadcast %div3A_472 : f32 to vector<128xf32>
    %div3A_474 = arith.divf %reduce_sum3A_471, %div3A_473 : vector<128xf32>
    %broadcast_in_dim3A_475 = vector.shape_cast %select_n3A_458 : vector<100xf32> to vector<100x1xf32>
    %jit3A_476 = arith.constant 100 : i32
    %broadcast_in_dim3A_477 = vector.broadcast %jit3A_476 : i32 to vector<100xi32>
    %select_n3A_478 = arith.select %and3A_455, %convert_element_type3A_451, %broadcast_in_dim3A_477 : vector<100xi1>, vector<100xi32>
    %swap3A_479 = arith.constant 0 : index
    %swap3A_480 = arith.constant 5 : index
    %swap3A_481 = arith.constant 0 : index
    %swap3A_482 = vector.load %arg10[%swap3A_479, %swap3A_480, %swap3A_481] : memref<1x10x100xi32, #tpu.memory_space<vmem>>, vector<1x1x100xi32>
    %swap3A_483 = vector.shape_cast %swap3A_482 : vector<1x1x100xi32> to vector<100xi32>
    %swap3A_484 = vector.shape_cast %select_n3A_478 : vector<100xi32> to vector<1x1x100xi32>
    tpu.vector_store %arg10[%swap3A_479, %swap3A_480, %swap3A_481], %swap3A_484 {strides = array<i32>} : memref<1x10x100xi32, #tpu.memory_space<vmem>>, vector<1x1x100xi32>,
    %swap3A_485 = arith.constant 0 : index
    %swap3A_486 = arith.constant 5 : index
    %swap3A_487 = arith.constant 0 : index
    %swap3A_488 = vector.load %arg11[%swap3A_485, %swap3A_486, %swap3A_487] : memref<1x10x256xf32, #tpu.memory_space<vmem>>, vector<1x1x128xf32>
    %swap3A_489 = vector.shape_cast %swap3A_488 : vector<1x1x128xf32> to vector<128xf32>
    %swap3A_490 = vector.shape_cast %reduce_max3A_469 : vector<128xf32> to vector<1x1x128xf32>
    tpu.vector_store %arg11[%swap3A_485, %swap3A_486, %swap3A_487], %swap3A_490 {strides = array<i32>} : memref<1x10x256xf32, #tpu.memory_space<vmem>>, vector<1x1x128xf32>,
    %swap3A_491 = arith.constant 0 : index
    %swap3A_492 = arith.constant 5 : index
    %swap3A_493 = arith.constant 128 : index
    %swap3A_494 = vector.load %arg11[%swap3A_491, %swap3A_492, %swap3A_493] : memref<1x10x256xf32, #tpu.memory_space<vmem>>, vector<1x1x128xf32>
    %swap3A_495 = vector.shape_cast %swap3A_494 : vector<1x1x128xf32> to vector<128xf32>
    %swap3A_496 = vector.shape_cast %div3A_474 : vector<128xf32> to vector<1x1x128xf32>
    tpu.vector_store %arg11[%swap3A_491, %swap3A_492, %swap3A_493], %swap3A_496 {strides = array<i32>} : memref<1x10x256xf32, #tpu.memory_space<vmem>>, vector<1x1x128xf32>,
    %slice3A_497 = vector.extract_strided_slice %tanh3A {offsets = [600, 0], sizes = [100, 1], strides = [1, 1]} : vector<1000x1xf32> to vector<100x1xf32>
    %squeeze3A_498 = vector.shape_cast %slice3A_497 : vector<100x1xf32> to vector<100xf32>
    %slice3A_499 = vector.extract_strided_slice %max3A_28 {offsets = [600, 0], sizes = [100, 128], strides = [1, 1]} : vector<1000x128xf32> to vector<100x128xf32>
    %get3A_500 = arith.constant 0 : index
    %get3A_501 = arith.constant 6 : index
    %get3A_502 = arith.constant 0 : index
    %get3A_503 = vector.load %arg8[%get3A_500, %get3A_501, %get3A_502] : memref<1x10x100xi32, #tpu.memory_space<vmem>>, vector<1x1x100xi32>
    %get3A_504 = vector.shape_cast %get3A_503 : vector<1x1x100xi32> to vector<100xi32>
    %lt3A_505 = arith.constant 100 : i32
    %lt3A_506 = vector.broadcast %lt3A_505 : i32 to vector<100xi32>
    %lt3A_507 = arith.cmpi slt, %get3A_504, %lt3A_506 : vector<100xi32>
    %jit3A_508 = arith.constant -3.000000e+38 : f32
    %broadcast_in_dim3A_509 = vector.broadcast %jit3A_508 : f32 to vector<100xf32>
    %select_n3A_510 = arith.select %lt3A_507, %squeeze3A_498, %broadcast_in_dim3A_509 : vector<100xi1>, vector<100xf32>
    %broadcast_in_dim3A_511 = vector.shape_cast %select_n3A_510 : vector<100xf32> to vector<100x1xf32>
    %broadcast_in_dim3A_512 = vector.shape_cast %select_n3A_510 : vector<100xf32> to vector<1x100xf32>
    %broadcast_in_dim3A_513 = vector.shape_cast %get3A_504 : vector<100xi32> to vector<100x1xi32>
    %broadcast_in_dim3A_514 = vector.shape_cast %get3A_504 : vector<100xi32> to vector<1x100xi32>
    %gt3A_515 = vector.broadcast %broadcast_in_dim3A_512 : vector<1x100xf32> to vector<100x100xf32>
    %gt3A_516 = vector.broadcast %broadcast_in_dim3A_511 : vector<100x1xf32> to vector<100x100xf32>
    %gt3A_517 = arith.cmpf ogt, %gt3A_515, %gt3A_516 : vector<100x100xf32>
    %eq3A_518 = vector.broadcast %broadcast_in_dim3A_512 : vector<1x100xf32> to vector<100x100xf32>
    %eq3A_519 = vector.broadcast %broadcast_in_dim3A_511 : vector<100x1xf32> to vector<100x100xf32>
    %eq3A_520 = arith.cmpf oeq, %eq3A_518, %eq3A_519 : vector<100x100xf32>
    %lt3A_521 = vector.broadcast %broadcast_in_dim3A_514 : vector<1x100xi32> to vector<100x100xi32>
    %lt3A_522 = vector.broadcast %broadcast_in_dim3A_513 : vector<100x1xi32> to vector<100x100xi32>
    %lt3A_523 = arith.cmpi slt, %lt3A_521, %lt3A_522 : vector<100x100xi32>
    %and3A_524 = arith.andi %eq3A_520, %lt3A_523 : vector<100x100xi1>
    %or3A_525 = arith.ori %gt3A_517, %and3A_524 : vector<100x100xi1>
    %convert_element_type3A_526 = arith.extui %or3A_525 : vector<100x100xi1> to vector<100x100xi32>
    %convert_element_type3A_527 = arith.sitofp %convert_element_type3A_526 : vector<100x100xi32> to vector<100x100xf32>
    %reduce_sum3A_528 = arith.constant dense<0.000000e+00> : vector<100xf32>
    %reduce_sum3A_529 = vector.multi_reduction <add>, %convert_element_type3A_527, %reduce_sum3A_528 [1] : vector<100x100xf32> to vector<100xf32>
    %convert_element_type3A_530 = arith.fptosi %reduce_sum3A_529 : vector<100xf32> to vector<100xi32>
    %lt3A_531 = arith.constant 50 : i32
    %lt3A_532 = vector.broadcast %lt3A_531 : i32 to vector<100xi32>
    %lt3A_533 = arith.cmpi slt, %convert_element_type3A_530, %lt3A_532 : vector<100xi32>
    %and3A_534 = arith.andi %lt3A_533, %lt3A_507 : vector<100xi1>
    %jit3A_535 = arith.constant 0.000000e+00 : f32
    %broadcast_in_dim3A_536 = vector.broadcast %jit3A_535 : f32 to vector<100xf32>
    %select_n3A_537 = arith.select %and3A_534, %squeeze3A_498, %broadcast_in_dim3A_536 : vector<100xi1>, vector<100xf32>
    %broadcast_in_dim3A_538 = vector.shape_cast %select_n3A_537 : vector<100xf32> to vector<100x1xf32>
    %mul3A_539 = vector.broadcast %broadcast_in_dim3A_538 : vector<100x1xf32> to vector<100x128xf32>
    %mul3A_540 = arith.mulf %slice3A_499, %mul3A_539 : vector<100x128xf32>
    %broadcast_in_dim3A_541 = vector.shape_cast %and3A_534 : vector<100xi1> to vector<100x1xi1>
    %jit3A_542 = arith.constant -3.000000e+38 : f32
    %broadcast_in_dim3A_543 = vector.shape_cast %broadcast_in_dim3A_541 : vector<100x1xi1> to vector<100x1xi1>
    %broadcast_in_dim3A_544 = vector.broadcast %broadcast_in_dim3A_543 : vector<100x1xi1> to vector<100x128xi1>
    %broadcast_in_dim3A_545 = vector.broadcast %jit3A_542 : f32 to vector<100x128xf32>
    %select_n3A_546 = arith.select %broadcast_in_dim3A_544, %mul3A_540, %broadcast_in_dim3A_545 : vector<100x128xi1>, vector<100x128xf32>
    %reduce_max3A_547 = arith.constant dense<0xFF800000> : vector<128xf32>
    %reduce_max3A_548 = vector.multi_reduction <maximumf>, %select_n3A_546, %reduce_max3A_547 [0] : vector<100x128xf32> to vector<128xf32>
    %reduce_sum3A_549 = arith.constant dense<0.000000e+00> : vector<128xf32>
    %reduce_sum3A_550 = vector.multi_reduction <add>, %mul3A_540, %reduce_sum3A_549 [0] : vector<100x128xf32> to vector<128xf32>
    %div3A_551 = arith.constant 5.000000e+01 : f32
    %div3A_552 = vector.broadcast %div3A_551 : f32 to vector<128xf32>
    %div3A_553 = arith.divf %reduce_sum3A_550, %div3A_552 : vector<128xf32>
    %broadcast_in_dim3A_554 = vector.shape_cast %select_n3A_537 : vector<100xf32> to vector<100x1xf32>
    %jit3A_555 = arith.constant 100 : i32
    %broadcast_in_dim3A_556 = vector.broadcast %jit3A_555 : i32 to vector<100xi32>
    %select_n3A_557 = arith.select %and3A_534, %convert_element_type3A_530, %broadcast_in_dim3A_556 : vector<100xi1>, vector<100xi32>
    %swap3A_558 = arith.constant 0 : index
    %swap3A_559 = arith.constant 6 : index
    %swap3A_560 = arith.constant 0 : index
    %swap3A_561 = vector.load %arg10[%swap3A_558, %swap3A_559, %swap3A_560] : memref<1x10x100xi32, #tpu.memory_space<vmem>>, vector<1x1x100xi32>
    %swap3A_562 = vector.shape_cast %swap3A_561 : vector<1x1x100xi32> to vector<100xi32>
    %swap3A_563 = vector.shape_cast %select_n3A_557 : vector<100xi32> to vector<1x1x100xi32>
    tpu.vector_store %arg10[%swap3A_558, %swap3A_559, %swap3A_560], %swap3A_563 {strides = array<i32>} : memref<1x10x100xi32, #tpu.memory_space<vmem>>, vector<1x1x100xi32>,
    %swap3A_564 = arith.constant 0 : index
    %swap3A_565 = arith.constant 6 : index
    %swap3A_566 = arith.constant 0 : index
    %swap3A_567 = vector.load %arg11[%swap3A_564, %swap3A_565, %swap3A_566] : memref<1x10x256xf32, #tpu.memory_space<vmem>>, vector<1x1x128xf32>
    %swap3A_568 = vector.shape_cast %swap3A_567 : vector<1x1x128xf32> to vector<128xf32>
    %swap3A_569 = vector.shape_cast %reduce_max3A_548 : vector<128xf32> to vector<1x1x128xf32>
    tpu.vector_store %arg11[%swap3A_564, %swap3A_565, %swap3A_566], %swap3A_569 {strides = array<i32>} : memref<1x10x256xf32, #tpu.memory_space<vmem>>, vector<1x1x128xf32>,
    %swap3A_570 = arith.constant 0 : index
    %swap3A_571 = arith.constant 6 : index
    %swap3A_572 = arith.constant 128 : index
    %swap3A_573 = vector.load %arg11[%swap3A_570, %swap3A_571, %swap3A_572] : memref<1x10x256xf32, #tpu.memory_space<vmem>>, vector<1x1x128xf32>
    %swap3A_574 = vector.shape_cast %swap3A_573 : vector<1x1x128xf32> to vector<128xf32>
    %swap3A_575 = vector.shape_cast %div3A_553 : vector<128xf32> to vector<1x1x128xf32>
    tpu.vector_store %arg11[%swap3A_570, %swap3A_571, %swap3A_572], %swap3A_575 {strides = array<i32>} : memref<1x10x256xf32, #tpu.memory_space<vmem>>, vector<1x1x128xf32>,
    %slice3A_576 = vector.extract_strided_slice %tanh3A {offsets = [700, 0], sizes = [100, 1], strides = [1, 1]} : vector<1000x1xf32> to vector<100x1xf32>
    %squeeze3A_577 = vector.shape_cast %slice3A_576 : vector<100x1xf32> to vector<100xf32>
    %slice3A_578 = vector.extract_strided_slice %max3A_28 {offsets = [700, 0], sizes = [100, 128], strides = [1, 1]} : vector<1000x128xf32> to vector<100x128xf32>
    %get3A_579 = arith.constant 0 : index
    %get3A_580 = arith.constant 7 : index
    %get3A_581 = arith.constant 0 : index
    %get3A_582 = vector.load %arg8[%get3A_579, %get3A_580, %get3A_581] : memref<1x10x100xi32, #tpu.memory_space<vmem>>, vector<1x1x100xi32>
    %get3A_583 = vector.shape_cast %get3A_582 : vector<1x1x100xi32> to vector<100xi32>
    %lt3A_584 = arith.constant 100 : i32
    %lt3A_585 = vector.broadcast %lt3A_584 : i32 to vector<100xi32>
    %lt3A_586 = arith.cmpi slt, %get3A_583, %lt3A_585 : vector<100xi32>
    %jit3A_587 = arith.constant -3.000000e+38 : f32
    %broadcast_in_dim3A_588 = vector.broadcast %jit3A_587 : f32 to vector<100xf32>
    %select_n3A_589 = arith.select %lt3A_586, %squeeze3A_577, %broadcast_in_dim3A_588 : vector<100xi1>, vector<100xf32>
    %broadcast_in_dim3A_590 = vector.shape_cast %select_n3A_589 : vector<100xf32> to vector<100x1xf32>
    %broadcast_in_dim3A_591 = vector.shape_cast %select_n3A_589 : vector<100xf32> to vector<1x100xf32>
    %broadcast_in_dim3A_592 = vector.shape_cast %get3A_583 : vector<100xi32> to vector<100x1xi32>
    %broadcast_in_dim3A_593 = vector.shape_cast %get3A_583 : vector<100xi32> to vector<1x100xi32>
    %gt3A_594 = vector.broadcast %broadcast_in_dim3A_591 : vector<1x100xf32> to vector<100x100xf32>
    %gt3A_595 = vector.broadcast %broadcast_in_dim3A_590 : vector<100x1xf32> to vector<100x100xf32>
    %gt3A_596 = arith.cmpf ogt, %gt3A_594, %gt3A_595 : vector<100x100xf32>
    %eq3A_597 = vector.broadcast %broadcast_in_dim3A_591 : vector<1x100xf32> to vector<100x100xf32>
    %eq3A_598 = vector.broadcast %broadcast_in_dim3A_590 : vector<100x1xf32> to vector<100x100xf32>
    %eq3A_599 = arith.cmpf oeq, %eq3A_597, %eq3A_598 : vector<100x100xf32>
    %lt3A_600 = vector.broadcast %broadcast_in_dim3A_593 : vector<1x100xi32> to vector<100x100xi32>
    %lt3A_601 = vector.broadcast %broadcast_in_dim3A_592 : vector<100x1xi32> to vector<100x100xi32>
    %lt3A_602 = arith.cmpi slt, %lt3A_600, %lt3A_601 : vector<100x100xi32>
    %and3A_603 = arith.andi %eq3A_599, %lt3A_602 : vector<100x100xi1>
    %or3A_604 = arith.ori %gt3A_596, %and3A_603 : vector<100x100xi1>
    %convert_element_type3A_605 = arith.extui %or3A_604 : vector<100x100xi1> to vector<100x100xi32>
    %convert_element_type3A_606 = arith.sitofp %convert_element_type3A_605 : vector<100x100xi32> to vector<100x100xf32>
    %reduce_sum3A_607 = arith.constant dense<0.000000e+00> : vector<100xf32>
    %reduce_sum3A_608 = vector.multi_reduction <add>, %convert_element_type3A_606, %reduce_sum3A_607 [1] : vector<100x100xf32> to vector<100xf32>
    %convert_element_type3A_609 = arith.fptosi %reduce_sum3A_608 : vector<100xf32> to vector<100xi32>
    %lt3A_610 = arith.constant 50 : i32
    %lt3A_611 = vector.broadcast %lt3A_610 : i32 to vector<100xi32>
    %lt3A_612 = arith.cmpi slt, %convert_element_type3A_609, %lt3A_611 : vector<100xi32>
    %and3A_613 = arith.andi %lt3A_612, %lt3A_586 : vector<100xi1>
    %jit3A_614 = arith.constant 0.000000e+00 : f32
    %broadcast_in_dim3A_615 = vector.broadcast %jit3A_614 : f32 to vector<100xf32>
    %select_n3A_616 = arith.select %and3A_613, %squeeze3A_577, %broadcast_in_dim3A_615 : vector<100xi1>, vector<100xf32>
    %broadcast_in_dim3A_617 = vector.shape_cast %select_n3A_616 : vector<100xf32> to vector<100x1xf32>
    %mul3A_618 = vector.broadcast %broadcast_in_dim3A_617 : vector<100x1xf32> to vector<100x128xf32>
    %mul3A_619 = arith.mulf %slice3A_578, %mul3A_618 : vector<100x128xf32>
    %broadcast_in_dim3A_620 = vector.shape_cast %and3A_613 : vector<100xi1> to vector<100x1xi1>
    %jit3A_621 = arith.constant -3.000000e+38 : f32
    %broadcast_in_dim3A_622 = vector.shape_cast %broadcast_in_dim3A_620 : vector<100x1xi1> to vector<100x1xi1>
    %broadcast_in_dim3A_623 = vector.broadcast %broadcast_in_dim3A_622 : vector<100x1xi1> to vector<100x128xi1>
    %broadcast_in_dim3A_624 = vector.broadcast %jit3A_621 : f32 to vector<100x128xf32>
    %select_n3A_625 = arith.select %broadcast_in_dim3A_623, %mul3A_619, %broadcast_in_dim3A_624 : vector<100x128xi1>, vector<100x128xf32>
    %reduce_max3A_626 = arith.constant dense<0xFF800000> : vector<128xf32>
    %reduce_max3A_627 = vector.multi_reduction <maximumf>, %select_n3A_625, %reduce_max3A_626 [0] : vector<100x128xf32> to vector<128xf32>
    %reduce_sum3A_628 = arith.constant dense<0.000000e+00> : vector<128xf32>
    %reduce_sum3A_629 = vector.multi_reduction <add>, %mul3A_619, %reduce_sum3A_628 [0] : vector<100x128xf32> to vector<128xf32>
    %div3A_630 = arith.constant 5.000000e+01 : f32
    %div3A_631 = vector.broadcast %div3A_630 : f32 to vector<128xf32>
    %div3A_632 = arith.divf %reduce_sum3A_629, %div3A_631 : vector<128xf32>
    %broadcast_in_dim3A_633 = vector.shape_cast %select_n3A_616 : vector<100xf32> to vector<100x1xf32>
    %jit3A_634 = arith.constant 100 : i32
    %broadcast_in_dim3A_635 = vector.broadcast %jit3A_634 : i32 to vector<100xi32>
    %select_n3A_636 = arith.select %and3A_613, %convert_element_type3A_609, %broadcast_in_dim3A_635 : vector<100xi1>, vector<100xi32>
    %swap3A_637 = arith.constant 0 : index
    %swap3A_638 = arith.constant 7 : index
    %swap3A_639 = arith.constant 0 : index
    %swap3A_640 = vector.load %arg10[%swap3A_637, %swap3A_638, %swap3A_639] : memref<1x10x100xi32, #tpu.memory_space<vmem>>, vector<1x1x100xi32>
    %swap3A_641 = vector.shape_cast %swap3A_640 : vector<1x1x100xi32> to vector<100xi32>
    %swap3A_642 = vector.shape_cast %select_n3A_636 : vector<100xi32> to vector<1x1x100xi32>
    tpu.vector_store %arg10[%swap3A_637, %swap3A_638, %swap3A_639], %swap3A_642 {strides = array<i32>} : memref<1x10x100xi32, #tpu.memory_space<vmem>>, vector<1x1x100xi32>,
    %swap3A_643 = arith.constant 0 : index
    %swap3A_644 = arith.constant 7 : index
    %swap3A_645 = arith.constant 0 : index
    %swap3A_646 = vector.load %arg11[%swap3A_643, %swap3A_644, %swap3A_645] : memref<1x10x256xf32, #tpu.memory_space<vmem>>, vector<1x1x128xf32>
    %swap3A_647 = vector.shape_cast %swap3A_646 : vector<1x1x128xf32> to vector<128xf32>
    %swap3A_648 = vector.shape_cast %reduce_max3A_627 : vector<128xf32> to vector<1x1x128xf32>
    tpu.vector_store %arg11[%swap3A_643, %swap3A_644, %swap3A_645], %swap3A_648 {strides = array<i32>} : memref<1x10x256xf32, #tpu.memory_space<vmem>>, vector<1x1x128xf32>,
    %swap3A_649 = arith.constant 0 : index
    %swap3A_650 = arith.constant 7 : index
    %swap3A_651 = arith.constant 128 : index
    %swap3A_652 = vector.load %arg11[%swap3A_649, %swap3A_650, %swap3A_651] : memref<1x10x256xf32, #tpu.memory_space<vmem>>, vector<1x1x128xf32>
    %swap3A_653 = vector.shape_cast %swap3A_652 : vector<1x1x128xf32> to vector<128xf32>
    %swap3A_654 = vector.shape_cast %div3A_632 : vector<128xf32> to vector<1x1x128xf32>
    tpu.vector_store %arg11[%swap3A_649, %swap3A_650, %swap3A_651], %swap3A_654 {strides = array<i32>} : memref<1x10x256xf32, #tpu.memory_space<vmem>>, vector<1x1x128xf32>,
    %slice3A_655 = vector.extract_strided_slice %tanh3A {offsets = [800, 0], sizes = [100, 1], strides = [1, 1]} : vector<1000x1xf32> to vector<100x1xf32>
    %squeeze3A_656 = vector.shape_cast %slice3A_655 : vector<100x1xf32> to vector<100xf32>
    %slice3A_657 = vector.extract_strided_slice %max3A_28 {offsets = [800, 0], sizes = [100, 128], strides = [1, 1]} : vector<1000x128xf32> to vector<100x128xf32>
    %get3A_658 = arith.constant 0 : index
    %get3A_659 = arith.constant 8 : index
    %get3A_660 = arith.constant 0 : index
    %get3A_661 = vector.load %arg8[%get3A_658, %get3A_659, %get3A_660] : memref<1x10x100xi32, #tpu.memory_space<vmem>>, vector<1x1x100xi32>
    %get3A_662 = vector.shape_cast %get3A_661 : vector<1x1x100xi32> to vector<100xi32>
    %lt3A_663 = arith.constant 100 : i32
    %lt3A_664 = vector.broadcast %lt3A_663 : i32 to vector<100xi32>
    %lt3A_665 = arith.cmpi slt, %get3A_662, %lt3A_664 : vector<100xi32>
    %jit3A_666 = arith.constant -3.000000e+38 : f32
    %broadcast_in_dim3A_667 = vector.broadcast %jit3A_666 : f32 to vector<100xf32>
    %select_n3A_668 = arith.select %lt3A_665, %squeeze3A_656, %broadcast_in_dim3A_667 : vector<100xi1>, vector<100xf32>
    %broadcast_in_dim3A_669 = vector.shape_cast %select_n3A_668 : vector<100xf32> to vector<100x1xf32>
    %broadcast_in_dim3A_670 = vector.shape_cast %select_n3A_668 : vector<100xf32> to vector<1x100xf32>
    %broadcast_in_dim3A_671 = vector.shape_cast %get3A_662 : vector<100xi32> to vector<100x1xi32>
    %broadcast_in_dim3A_672 = vector.shape_cast %get3A_662 : vector<100xi32> to vector<1x100xi32>
    %gt3A_673 = vector.broadcast %broadcast_in_dim3A_670 : vector<1x100xf32> to vector<100x100xf32>
    %gt3A_674 = vector.broadcast %broadcast_in_dim3A_669 : vector<100x1xf32> to vector<100x100xf32>
    %gt3A_675 = arith.cmpf ogt, %gt3A_673, %gt3A_674 : vector<100x100xf32>
    %eq3A_676 = vector.broadcast %broadcast_in_dim3A_670 : vector<1x100xf32> to vector<100x100xf32>
    %eq3A_677 = vector.broadcast %broadcast_in_dim3A_669 : vector<100x1xf32> to vector<100x100xf32>
    %eq3A_678 = arith.cmpf oeq, %eq3A_676, %eq3A_677 : vector<100x100xf32>
    %lt3A_679 = vector.broadcast %broadcast_in_dim3A_672 : vector<1x100xi32> to vector<100x100xi32>
    %lt3A_680 = vector.broadcast %broadcast_in_dim3A_671 : vector<100x1xi32> to vector<100x100xi32>
    %lt3A_681 = arith.cmpi slt, %lt3A_679, %lt3A_680 : vector<100x100xi32>
    %and3A_682 = arith.andi %eq3A_678, %lt3A_681 : vector<100x100xi1>
    %or3A_683 = arith.ori %gt3A_675, %and3A_682 : vector<100x100xi1>
    %convert_element_type3A_684 = arith.extui %or3A_683 : vector<100x100xi1> to vector<100x100xi32>
    %convert_element_type3A_685 = arith.sitofp %convert_element_type3A_684 : vector<100x100xi32> to vector<100x100xf32>
    %reduce_sum3A_686 = arith.constant dense<0.000000e+00> : vector<100xf32>
    %reduce_sum3A_687 = vector.multi_reduction <add>, %convert_element_type3A_685, %reduce_sum3A_686 [1] : vector<100x100xf32> to vector<100xf32>
    %convert_element_type3A_688 = arith.fptosi %reduce_sum3A_687 : vector<100xf32> to vector<100xi32>
    %lt3A_689 = arith.constant 50 : i32
    %lt3A_690 = vector.broadcast %lt3A_689 : i32 to vector<100xi32>
    %lt3A_691 = arith.cmpi slt, %convert_element_type3A_688, %lt3A_690 : vector<100xi32>
    %and3A_692 = arith.andi %lt3A_691, %lt3A_665 : vector<100xi1>
    %jit3A_693 = arith.constant 0.000000e+00 : f32
    %broadcast_in_dim3A_694 = vector.broadcast %jit3A_693 : f32 to vector<100xf32>
    %select_n3A_695 = arith.select %and3A_692, %squeeze3A_656, %broadcast_in_dim3A_694 : vector<100xi1>, vector<100xf32>
    %broadcast_in_dim3A_696 = vector.shape_cast %select_n3A_695 : vector<100xf32> to vector<100x1xf32>
    %mul3A_697 = vector.broadcast %broadcast_in_dim3A_696 : vector<100x1xf32> to vector<100x128xf32>
    %mul3A_698 = arith.mulf %slice3A_657, %mul3A_697 : vector<100x128xf32>
    %broadcast_in_dim3A_699 = vector.shape_cast %and3A_692 : vector<100xi1> to vector<100x1xi1>
    %jit3A_700 = arith.constant -3.000000e+38 : f32
    %broadcast_in_dim3A_701 = vector.shape_cast %broadcast_in_dim3A_699 : vector<100x1xi1> to vector<100x1xi1>
    %broadcast_in_dim3A_702 = vector.broadcast %broadcast_in_dim3A_701 : vector<100x1xi1> to vector<100x128xi1>
    %broadcast_in_dim3A_703 = vector.broadcast %jit3A_700 : f32 to vector<100x128xf32>
    %select_n3A_704 = arith.select %broadcast_in_dim3A_702, %mul3A_698, %broadcast_in_dim3A_703 : vector<100x128xi1>, vector<100x128xf32>
    %reduce_max3A_705 = arith.constant dense<0xFF800000> : vector<128xf32>
    %reduce_max3A_706 = vector.multi_reduction <maximumf>, %select_n3A_704, %reduce_max3A_705 [0] : vector<100x128xf32> to vector<128xf32>
    %reduce_sum3A_707 = arith.constant dense<0.000000e+00> : vector<128xf32>
    %reduce_sum3A_708 = vector.multi_reduction <add>, %mul3A_698, %reduce_sum3A_707 [0] : vector<100x128xf32> to vector<128xf32>
    %div3A_709 = arith.constant 5.000000e+01 : f32
    %div3A_710 = vector.broadcast %div3A_709 : f32 to vector<128xf32>
    %div3A_711 = arith.divf %reduce_sum3A_708, %div3A_710 : vector<128xf32>
    %broadcast_in_dim3A_712 = vector.shape_cast %select_n3A_695 : vector<100xf32> to vector<100x1xf32>
    %jit3A_713 = arith.constant 100 : i32
    %broadcast_in_dim3A_714 = vector.broadcast %jit3A_713 : i32 to vector<100xi32>
    %select_n3A_715 = arith.select %and3A_692, %convert_element_type3A_688, %broadcast_in_dim3A_714 : vector<100xi1>, vector<100xi32>
    %swap3A_716 = arith.constant 0 : index
    %swap3A_717 = arith.constant 8 : index
    %swap3A_718 = arith.constant 0 : index
    %swap3A_719 = vector.load %arg10[%swap3A_716, %swap3A_717, %swap3A_718] : memref<1x10x100xi32, #tpu.memory_space<vmem>>, vector<1x1x100xi32>
    %swap3A_720 = vector.shape_cast %swap3A_719 : vector<1x1x100xi32> to vector<100xi32>
    %swap3A_721 = vector.shape_cast %select_n3A_715 : vector<100xi32> to vector<1x1x100xi32>
    tpu.vector_store %arg10[%swap3A_716, %swap3A_717, %swap3A_718], %swap3A_721 {strides = array<i32>} : memref<1x10x100xi32, #tpu.memory_space<vmem>>, vector<1x1x100xi32>,
    %swap3A_722 = arith.constant 0 : index
    %swap3A_723 = arith.constant 8 : index
    %swap3A_724 = arith.constant 0 : index
    %swap3A_725 = vector.load %arg11[%swap3A_722, %swap3A_723, %swap3A_724] : memref<1x10x256xf32, #tpu.memory_space<vmem>>, vector<1x1x128xf32>
    %swap3A_726 = vector.shape_cast %swap3A_725 : vector<1x1x128xf32> to vector<128xf32>
    %swap3A_727 = vector.shape_cast %reduce_max3A_706 : vector<128xf32> to vector<1x1x128xf32>
    tpu.vector_store %arg11[%swap3A_722, %swap3A_723, %swap3A_724], %swap3A_727 {strides = array<i32>} : memref<1x10x256xf32, #tpu.memory_space<vmem>>, vector<1x1x128xf32>,
    %swap3A_728 = arith.constant 0 : index
    %swap3A_729 = arith.constant 8 : index
    %swap3A_730 = arith.constant 128 : index
    %swap3A_731 = vector.load %arg11[%swap3A_728, %swap3A_729, %swap3A_730] : memref<1x10x256xf32, #tpu.memory_space<vmem>>, vector<1x1x128xf32>
    %swap3A_732 = vector.shape_cast %swap3A_731 : vector<1x1x128xf32> to vector<128xf32>
    %swap3A_733 = vector.shape_cast %div3A_711 : vector<128xf32> to vector<1x1x128xf32>
    tpu.vector_store %arg11[%swap3A_728, %swap3A_729, %swap3A_730], %swap3A_733 {strides = array<i32>} : memref<1x10x256xf32, #tpu.memory_space<vmem>>, vector<1x1x128xf32>,
    %slice3A_734 = vector.extract_strided_slice %tanh3A {offsets = [900, 0], sizes = [100, 1], strides = [1, 1]} : vector<1000x1xf32> to vector<100x1xf32>
    %squeeze3A_735 = vector.shape_cast %slice3A_734 : vector<100x1xf32> to vector<100xf32>
    %slice3A_736 = vector.extract_strided_slice %max3A_28 {offsets = [900, 0], sizes = [100, 128], strides = [1, 1]} : vector<1000x128xf32> to vector<100x128xf32>
    %get3A_737 = arith.constant 0 : index
    %get3A_738 = arith.constant 9 : index
    %get3A_739 = arith.constant 0 : index
    %get3A_740 = vector.load %arg8[%get3A_737, %get3A_738, %get3A_739] : memref<1x10x100xi32, #tpu.memory_space<vmem>>, vector<1x1x100xi32>
    %get3A_741 = vector.shape_cast %get3A_740 : vector<1x1x100xi32> to vector<100xi32>
    %lt3A_742 = arith.constant 100 : i32
    %lt3A_743 = vector.broadcast %lt3A_742 : i32 to vector<100xi32>
    %lt3A_744 = arith.cmpi slt, %get3A_741, %lt3A_743 : vector<100xi32>
    %jit3A_745 = arith.constant -3.000000e+38 : f32
    %broadcast_in_dim3A_746 = vector.broadcast %jit3A_745 : f32 to vector<100xf32>
    %select_n3A_747 = arith.select %lt3A_744, %squeeze3A_735, %broadcast_in_dim3A_746 : vector<100xi1>, vector<100xf32>
    %broadcast_in_dim3A_748 = vector.shape_cast %select_n3A_747 : vector<100xf32> to vector<100x1xf32>
    %broadcast_in_dim3A_749 = vector.shape_cast %select_n3A_747 : vector<100xf32> to vector<1x100xf32>
    %broadcast_in_dim3A_750 = vector.shape_cast %get3A_741 : vector<100xi32> to vector<100x1xi32>
    %broadcast_in_dim3A_751 = vector.shape_cast %get3A_741 : vector<100xi32> to vector<1x100xi32>
    %gt3A_752 = vector.broadcast %broadcast_in_dim3A_749 : vector<1x100xf32> to vector<100x100xf32>
    %gt3A_753 = vector.broadcast %broadcast_in_dim3A_748 : vector<100x1xf32> to vector<100x100xf32>
    %gt3A_754 = arith.cmpf ogt, %gt3A_752, %gt3A_753 : vector<100x100xf32>
    %eq3A_755 = vector.broadcast %broadcast_in_dim3A_749 : vector<1x100xf32> to vector<100x100xf32>
    %eq3A_756 = vector.broadcast %broadcast_in_dim3A_748 : vector<100x1xf32> to vector<100x100xf32>
    %eq3A_757 = arith.cmpf oeq, %eq3A_755, %eq3A_756 : vector<100x100xf32>
    %lt3A_758 = vector.broadcast %broadcast_in_dim3A_751 : vector<1x100xi32> to vector<100x100xi32>
    %lt3A_759 = vector.broadcast %broadcast_in_dim3A_750 : vector<100x1xi32> to vector<100x100xi32>
    %lt3A_760 = arith.cmpi slt, %lt3A_758, %lt3A_759 : vector<100x100xi32>
    %and3A_761 = arith.andi %eq3A_757, %lt3A_760 : vector<100x100xi1>
    %or3A_762 = arith.ori %gt3A_754, %and3A_761 : vector<100x100xi1>
    %convert_element_type3A_763 = arith.extui %or3A_762 : vector<100x100xi1> to vector<100x100xi32>
    %convert_element_type3A_764 = arith.sitofp %convert_element_type3A_763 : vector<100x100xi32> to vector<100x100xf32>
    %reduce_sum3A_765 = arith.constant dense<0.000000e+00> : vector<100xf32>
    %reduce_sum3A_766 = vector.multi_reduction <add>, %convert_element_type3A_764, %reduce_sum3A_765 [1] : vector<100x100xf32> to vector<100xf32>
    %convert_element_type3A_767 = arith.fptosi %reduce_sum3A_766 : vector<100xf32> to vector<100xi32>
    %lt3A_768 = arith.constant 50 : i32
    %lt3A_769 = vector.broadcast %lt3A_768 : i32 to vector<100xi32>
    %lt3A_770 = arith.cmpi slt, %convert_element_type3A_767, %lt3A_769 : vector<100xi32>
    %and3A_771 = arith.andi %lt3A_770, %lt3A_744 : vector<100xi1>
    %jit3A_772 = arith.constant 0.000000e+00 : f32
    %broadcast_in_dim3A_773 = vector.broadcast %jit3A_772 : f32 to vector<100xf32>
    %select_n3A_774 = arith.select %and3A_771, %squeeze3A_735, %broadcast_in_dim3A_773 : vector<100xi1>, vector<100xf32>
    %broadcast_in_dim3A_775 = vector.shape_cast %select_n3A_774 : vector<100xf32> to vector<100x1xf32>
    %mul3A_776 = vector.broadcast %broadcast_in_dim3A_775 : vector<100x1xf32> to vector<100x128xf32>
    %mul3A_777 = arith.mulf %slice3A_736, %mul3A_776 : vector<100x128xf32>
    %broadcast_in_dim3A_778 = vector.shape_cast %and3A_771 : vector<100xi1> to vector<100x1xi1>
    %jit3A_779 = arith.constant -3.000000e+38 : f32
    %broadcast_in_dim3A_780 = vector.shape_cast %broadcast_in_dim3A_778 : vector<100x1xi1> to vector<100x1xi1>
    %broadcast_in_dim3A_781 = vector.broadcast %broadcast_in_dim3A_780 : vector<100x1xi1> to vector<100x128xi1>
    %broadcast_in_dim3A_782 = vector.broadcast %jit3A_779 : f32 to vector<100x128xf32>
    %select_n3A_783 = arith.select %broadcast_in_dim3A_781, %mul3A_777, %broadcast_in_dim3A_782 : vector<100x128xi1>, vector<100x128xf32>
    %reduce_max3A_784 = arith.constant dense<0xFF800000> : vector<128xf32>
    %reduce_max3A_785 = vector.multi_reduction <maximumf>, %select_n3A_783, %reduce_max3A_784 [0] : vector<100x128xf32> to vector<128xf32>
    %reduce_sum3A_786 = arith.constant dense<0.000000e+00> : vector<128xf32>
    %reduce_sum3A_787 = vector.multi_reduction <add>, %mul3A_777, %reduce_sum3A_786 [0] : vector<100x128xf32> to vector<128xf32>
    %div3A_788 = arith.constant 5.000000e+01 : f32
    %div3A_789 = vector.broadcast %div3A_788 : f32 to vector<128xf32>
    %div3A_790 = arith.divf %reduce_sum3A_787, %div3A_789 : vector<128xf32>
    %broadcast_in_dim3A_791 = vector.shape_cast %select_n3A_774 : vector<100xf32> to vector<100x1xf32>
    %jit3A_792 = arith.constant 100 : i32
    %broadcast_in_dim3A_793 = vector.broadcast %jit3A_792 : i32 to vector<100xi32>
    %select_n3A_794 = arith.select %and3A_771, %convert_element_type3A_767, %broadcast_in_dim3A_793 : vector<100xi1>, vector<100xi32>
    %swap3A_795 = arith.constant 0 : index
    %swap3A_796 = arith.constant 9 : index
    %swap3A_797 = arith.constant 0 : index
    %swap3A_798 = vector.load %arg10[%swap3A_795, %swap3A_796, %swap3A_797] : memref<1x10x100xi32, #tpu.memory_space<vmem>>, vector<1x1x100xi32>
    %swap3A_799 = vector.shape_cast %swap3A_798 : vector<1x1x100xi32> to vector<100xi32>
    %swap3A_800 = vector.shape_cast %select_n3A_794 : vector<100xi32> to vector<1x1x100xi32>
    tpu.vector_store %arg10[%swap3A_795, %swap3A_796, %swap3A_797], %swap3A_800 {strides = array<i32>} : memref<1x10x100xi32, #tpu.memory_space<vmem>>, vector<1x1x100xi32>,
    %swap3A_801 = arith.constant 0 : index
    %swap3A_802 = arith.constant 9 : index
    %swap3A_803 = arith.constant 0 : index
    %swap3A_804 = vector.load %arg11[%swap3A_801, %swap3A_802, %swap3A_803] : memref<1x10x256xf32, #tpu.memory_space<vmem>>, vector<1x1x128xf32>
    %swap3A_805 = vector.shape_cast %swap3A_804 : vector<1x1x128xf32> to vector<128xf32>
    %swap3A_806 = vector.shape_cast %reduce_max3A_785 : vector<128xf32> to vector<1x1x128xf32>
    tpu.vector_store %arg11[%swap3A_801, %swap3A_802, %swap3A_803], %swap3A_806 {strides = array<i32>} : memref<1x10x256xf32, #tpu.memory_space<vmem>>, vector<1x1x128xf32>,
    %swap3A_807 = arith.constant 0 : index
    %swap3A_808 = arith.constant 9 : index
    %swap3A_809 = arith.constant 128 : index
    %swap3A_810 = vector.load %arg11[%swap3A_807, %swap3A_808, %swap3A_809] : memref<1x10x256xf32, #tpu.memory_space<vmem>>, vector<1x1x128xf32>
    %swap3A_811 = vector.shape_cast %swap3A_810 : vector<1x1x128xf32> to vector<128xf32>
    %swap3A_812 = vector.shape_cast %div3A_790 : vector<128xf32> to vector<1x1x128xf32>
    tpu.vector_store %arg11[%swap3A_807, %swap3A_808, %swap3A_809], %swap3A_812 {strides = array<i32>} : memref<1x10x256xf32, #tpu.memory_space<vmem>>, vector<1x1x128xf32>,
    %concatenate3A = tpu.concatenate %broadcast_in_dim3A_81, %broadcast_in_dim3A_159, %broadcast_in_dim3A_238, %broadcast_in_dim3A_317, %broadcast_in_dim3A_396, %broadcast_in_dim3A_475, %broadcast_in_dim3A_554, %broadcast_in_dim3A_633, %broadcast_in_dim3A_712, %broadcast_in_dim3A_791 in 0 : vector<100x1xf32>, vector<100x1xf32>, vector<100x1xf32>, vector<100x1xf32>, vector<100x1xf32>, vector<100x1xf32>, vector<100x1xf32>, vector<100x1xf32>, vector<100x1xf32>, vector<100x1xf32> -> vector<1000x1xf32>
    %mul3A_813 = vector.broadcast %concatenate3A : vector<1000x1xf32> to vector<1000x128xf32>
    %mul3A_814 = arith.mulf %max3A_28, %mul3A_813 : vector<1000x128xf32>
    %swap3A_815 = arith.constant 0 : index
    %swap3A_816 = arith.constant 0 : index
    %swap3A_817 = vector.load %arg9[%swap3A_815, %swap3A_816] : memref<1000x128xf32, #tpu.memory_space<vmem>>, vector<1000x128xf32>
    tpu.vector_store %arg9[%swap3A_815, %swap3A_816], %mul3A_814 {strides = array<i32>} : memref<1000x128xf32, #tpu.memory_space<vmem>>, vector<1000x128xf32>,
    return
  }
  func.func @transform_0(%arg0: i32) -> (i32, i32, i32) {
    %c0_i32 = arith.constant 0 : i32
    %c0_i32_0 = arith.constant 0 : i32
    %c0_i32_1 = arith.constant 0 : i32
    return %c0_i32, %arg0, %c0_i32_0 : i32, i32, i32
  }
  func.func @transform_1(%arg0: i32) -> (i32, i32) {
    %c0_i32 = arith.constant 0 : i32
    %c0_i32_0 = arith.constant 0 : i32
    return %arg0, %c0_i32 : i32, i32
  }
  func.func @transform_2(%arg0: i32) -> (i32, i32) {
    %c0_i32 = arith.constant 0 : i32
    %c0_i32_0 = arith.constant 0 : i32
    %c0_i32_1 = arith.constant 0 : i32
    return %c0_i32, %c0_i32_0 : i32, i32
  }
  func.func @transform_3(%arg0: i32) -> (i32, i32) {
    %c0_i32 = arith.constant 0 : i32
    %c0_i32_0 = arith.constant 0 : i32
    %c0_i32_1 = arith.constant 0 : i32
    return %c0_i32, %c0_i32_0 : i32, i32
  }
  func.func @transform_4(%arg0: i32) -> (i32, i32) {
    %c0_i32 = arith.constant 0 : i32
    %c0_i32_0 = arith.constant 0 : i32
    %c0_i32_1 = arith.constant 0 : i32
    return %c0_i32, %c0_i32_0 : i32, i32
  }
  func.func @transform_5(%arg0: i32) -> (i32, i32) {
    %c0_i32 = arith.constant 0 : i32
    %c0_i32_0 = arith.constant 0 : i32
    %c0_i32_1 = arith.constant 0 : i32
    return %c0_i32, %c0_i32_0 : i32, i32
  }
  func.func @transform_6(%arg0: i32) -> (i32, i32) {
    %c0_i32 = arith.constant 0 : i32
    %c0_i32_0 = arith.constant 0 : i32
    %c0_i32_1 = arith.constant 0 : i32
    return %c0_i32, %c0_i32_0 : i32, i32
  }
  func.func @transform_7(%arg0: i32) -> (i32, i32, i32) {
    %c0_i32 = arith.constant 0 : i32
    %c0_i32_0 = arith.constant 0 : i32
    %c0_i32_1 = arith.constant 0 : i32
    return %arg0, %c0_i32, %c0_i32_0 : i32, i32, i32
  }
  func.func @transform_8(%arg0: i32) -> (i32, i32) {
    %c0_i32 = arith.constant 0 : i32
    %c0_i32_0 = arith.constant 0 : i32
    return %arg0, %c0_i32 : i32, i32
  }
  func.func @transform_9(%arg0: i32) -> (i32, i32, i32) {
    %c0_i32 = arith.constant 0 : i32
    %c0_i32_0 = arith.constant 0 : i32
    %c0_i32_1 = arith.constant 0 : i32
    return %arg0, %c0_i32, %c0_i32_0 : i32, i32, i32
  }
  func.func @transform_10(%arg0: i32) -> (i32, i32, i32) {
    %c0_i32 = arith.constant 0 : i32
    %c0_i32_0 = arith.constant 0 : i32
    %c0_i32_1 = arith.constant 0 : i32
    return %arg0, %c0_i32, %c0_i32_0 : i32, i32, i32
  }
}

module attributes {stable_mosaic.version = 14 : i64} {
  func.func @_tcf_body(%arg0: i32, %arg1: memref<2x1000x128xf32, #tpu.memory_space<vmem>>, %arg2: memref<1000x128xf32, #tpu.memory_space<vmem>>, %arg3: memref<128x128xf32, #tpu.memory_space<vmem>>, %arg4: memref<1x128xf32, #tpu.memory_space<vmem>>, %arg5: memref<128x128xf32, #tpu.memory_space<vmem>>, %arg6: memref<128x1xf32, #tpu.memory_space<vmem>>, %arg7: memref<1x1xf32, #tpu.memory_space<smem>>, %arg8: memref<1x10x100xi32, #tpu.memory_space<vmem>>, %arg9: memref<1x10x256xf32, #tpu.memory_space<vmem>>, %arg10: memref<1x10x256xf32, #tpu.memory_space<vmem>>, %arg11: memref<256x128xf32, #tpu.memory_space<vmem>>, %arg12: memref<1x128xf32, #tpu.memory_space<vmem>>, %arg13: memref<128x64xf32, #tpu.memory_space<vmem>>, %arg14: memref<1x64xf32, #tpu.memory_space<vmem>>, %arg15: memref<64x10xf32, #tpu.memory_space<vmem>>, %arg16: memref<1x10xf32, #tpu.memory_space<vmem>>, %arg17: memref<1x10x10xf32, #tpu.memory_space<vmem>>) attributes {dimension_semantics = [#tpu.dimension_semantics<arbitrary>], iteration_bounds = array<i64: 10>, scalar_prefetch = 0 : i64, scratch_operands = 0 : i64, tpu.core_type = #tpu.core_type<tc>, window_params = [{transform_indices = @transform_0, window_bounds = array<i64: 2, 1000, 128>}, {transform_indices = @transform_1, window_bounds = array<i64: 1000, 128>}, {pipeline_mode = #tpu.pipeline_mode<synchronous>, transform_indices = @transform_2, window_bounds = array<i64: 128, 128>}, {pipeline_mode = #tpu.pipeline_mode<synchronous>, transform_indices = @transform_3, window_bounds = array<i64: 1, 128>}, {pipeline_mode = #tpu.pipeline_mode<synchronous>, transform_indices = @transform_4, window_bounds = array<i64: 128, 128>}, {pipeline_mode = #tpu.pipeline_mode<synchronous>, transform_indices = @transform_5, window_bounds = array<i64: 128, 1>}, {transform_indices = @transform_6, window_bounds = array<i64: 1, 1>}, {transform_indices = @transform_7, window_bounds = array<i64: 1, 10, 100>}, {transform_indices = @transform_8, window_bounds = array<i64: 1, 10, 256>}, {transform_indices = @transform_9, window_bounds = array<i64: 1, 10, 256>}, {pipeline_mode = #tpu.pipeline_mode<synchronous>, transform_indices = @transform_10, window_bounds = array<i64: 256, 128>}, {pipeline_mode = #tpu.pipeline_mode<synchronous>, transform_indices = @transform_11, window_bounds = array<i64: 1, 128>}, {pipeline_mode = #tpu.pipeline_mode<synchronous>, transform_indices = @transform_12, window_bounds = array<i64: 128, 64>}, {pipeline_mode = #tpu.pipeline_mode<synchronous>, transform_indices = @transform_13, window_bounds = array<i64: 1, 64>}, {pipeline_mode = #tpu.pipeline_mode<synchronous>, transform_indices = @transform_14, window_bounds = array<i64: 64, 10>}, {pipeline_mode = #tpu.pipeline_mode<synchronous>, transform_indices = @transform_15, window_bounds = array<i64: 1, 10>}, {transform_indices = @transform_16, window_bounds = array<i64: 1, 10, 10>}]} {
    %get3A = arith.constant 0 : index
    %get3A_0 = arith.constant 0 : index
    %get3A_1 = arith.constant 0 : index
    %get3A_2 = vector.load %arg1[%get3A, %get3A_0, %get3A_1] : memref<2x1000x128xf32, #tpu.memory_space<vmem>>, vector<1x1000x128xf32>
    %get3A_3 = vector.shape_cast %get3A_2 : vector<1x1000x128xf32> to vector<1000x128xf32>
    %get3A_4 = arith.constant 1 : index
    %get3A_5 = arith.constant 0 : index
    %get3A_6 = arith.constant 0 : index
    %get3A_7 = vector.load %arg1[%get3A_4, %get3A_5, %get3A_6] : memref<2x1000x128xf32, #tpu.memory_space<vmem>>, vector<1x1000x128xf32>
    %get3A_8 = vector.shape_cast %get3A_7 : vector<1x1000x128xf32> to vector<1000x128xf32>
    %add3A = arith.addf %get3A_3, %get3A_8 : vector<1000x128xf32>
    %get3A_9 = arith.constant 0 : index
    %get3A_10 = arith.constant 0 : index
    %get3A_11 = vector.load %arg3[%get3A_9, %get3A_10] : memref<128x128xf32, #tpu.memory_space<vmem>>, vector<128x128xf32>
    %dot_general3A = arith.constant dense<0.000000e+00> : vector<1000x128xf32>
    %dot_general3A_12 = tpu.matmul %add3A, %get3A_11, %dot_general3A {dimension_numbers = #tpu.dot_dimension_numbers<[1], [0], [0], [1], [0, 0, 1, 1], [], []>, transpose_lhs_hint = false} : vector<1000x128xf32>, vector<128x128xf32>, vector<1000x128xf32> -> vector<1000x128xf32>
    %get3A_13 = arith.constant 0 : index
    %get3A_14 = arith.constant 0 : index
    %get3A_15 = vector.load %arg4[%get3A_13, %get3A_14] : memref<1x128xf32, #tpu.memory_space<vmem>>, vector<1x128xf32>
    %add3A_16 = vector.broadcast %get3A_15 : vector<1x128xf32> to vector<1000x128xf32>
    %add3A_17 = arith.addf %dot_general3A_12, %add3A_16 : vector<1000x128xf32>
    %get3A_18 = arith.constant 0 : index
    %get3A_19 = arith.constant 0 : index
    %get3A_20 = vector.load %arg2[%get3A_18, %get3A_19] : memref<1000x128xf32, #tpu.memory_space<vmem>>, vector<1000x128xf32>
    %get3A_21 = arith.constant 0 : index
    %get3A_22 = arith.constant 0 : index
    %get3A_23 = vector.load %arg5[%get3A_21, %get3A_22] : memref<128x128xf32, #tpu.memory_space<vmem>>, vector<128x128xf32>
    %dot_general3A_24 = arith.constant dense<0.000000e+00> : vector<1000x128xf32>
    %dot_general3A_25 = tpu.matmul %get3A_20, %get3A_23, %dot_general3A_24 {dimension_numbers = #tpu.dot_dimension_numbers<[1], [0], [0], [1], [0, 0, 1, 1], [], []>, transpose_lhs_hint = false} : vector<1000x128xf32>, vector<128x128xf32>, vector<1000x128xf32> -> vector<1000x128xf32>
    %add3A_26 = arith.addf %add3A_17, %dot_general3A_25 : vector<1000x128xf32>
    %max3A = arith.constant 0.000000e+00 : f32
    %max3A_27 = vector.broadcast %max3A : f32 to vector<1000x128xf32>
    %max3A_28 = arith.maximumf %add3A_26, %max3A_27 : vector<1000x128xf32>
    %get3A_29 = arith.constant 0 : index
    %get3A_30 = arith.constant 0 : index
    %get3A_31 = vector.load %arg6[%get3A_29, %get3A_30] : memref<128x1xf32, #tpu.memory_space<vmem>>, vector<128x1xf32>
    %dot_general3A_32 = arith.constant dense<0.000000e+00> : vector<1000x1xf32>
    %dot_general3A_33 = tpu.matmul %max3A_28, %get3A_31, %dot_general3A_32 {dimension_numbers = #tpu.dot_dimension_numbers<[1], [0], [0], [1], [0, 0, 1, 1], [], []>, transpose_lhs_hint = false} : vector<1000x128xf32>, vector<128x1xf32>, vector<1000x1xf32> -> vector<1000x1xf32>
    %get3A_34 = arith.constant 0 : index
    %get3A_35 = arith.constant 0 : index
    %get3A_36 = memref.load %arg7[%get3A_34, %get3A_35] : memref<1x1xf32, #tpu.memory_space<smem>>
    %div3A = vector.broadcast %get3A_36 : f32 to vector<1000x1xf32>
    %div3A_37 = arith.divf %dot_general3A_33, %div3A : vector<1000x1xf32>
    %tanh3A = math.tanh %div3A_37 : vector<1000x1xf32>
    %slice3A = vector.extract_strided_slice %tanh3A {offsets = [0, 0], sizes = [100, 1], strides = [1, 1]} : vector<1000x1xf32> to vector<100x1xf32>
    %squeeze3A = vector.shape_cast %slice3A : vector<100x1xf32> to vector<100xf32>
    %slice3A_38 = vector.extract_strided_slice %max3A_28 {offsets = [0, 0], sizes = [100, 128], strides = [1, 1]} : vector<1000x128xf32> to vector<100x128xf32>
    %get3A_39 = arith.constant 0 : index
    %get3A_40 = arith.constant 0 : index
    %get3A_41 = arith.constant 0 : index
    %get3A_42 = vector.load %arg8[%get3A_39, %get3A_40, %get3A_41] : memref<1x10x100xi32, #tpu.memory_space<vmem>>, vector<1x1x100xi32>
    %get3A_43 = vector.shape_cast %get3A_42 : vector<1x1x100xi32> to vector<100xi32>
    %lt3A = arith.constant 100 : i32
    %lt3A_44 = vector.broadcast %lt3A : i32 to vector<100xi32>
    %lt3A_45 = arith.cmpi slt, %get3A_43, %lt3A_44 : vector<100xi32>
    %jit3A = arith.constant -3.000000e+38 : f32
    %broadcast_in_dim3A = vector.broadcast %jit3A : f32 to vector<100xf32>
    %select_n3A = arith.select %lt3A_45, %squeeze3A, %broadcast_in_dim3A : vector<100xi1>, vector<100xf32>
    %broadcast_in_dim3A_46 = vector.shape_cast %select_n3A : vector<100xf32> to vector<100x1xf32>
    %broadcast_in_dim3A_47 = vector.shape_cast %select_n3A : vector<100xf32> to vector<1x100xf32>
    %broadcast_in_dim3A_48 = vector.shape_cast %get3A_43 : vector<100xi32> to vector<100x1xi32>
    %broadcast_in_dim3A_49 = vector.shape_cast %get3A_43 : vector<100xi32> to vector<1x100xi32>
    %gt3A = vector.broadcast %broadcast_in_dim3A_47 : vector<1x100xf32> to vector<100x100xf32>
    %gt3A_50 = vector.broadcast %broadcast_in_dim3A_46 : vector<100x1xf32> to vector<100x100xf32>
    %gt3A_51 = arith.cmpf ogt, %gt3A, %gt3A_50 : vector<100x100xf32>
    %eq3A = vector.broadcast %broadcast_in_dim3A_47 : vector<1x100xf32> to vector<100x100xf32>
    %eq3A_52 = vector.broadcast %broadcast_in_dim3A_46 : vector<100x1xf32> to vector<100x100xf32>
    %eq3A_53 = arith.cmpf oeq, %eq3A, %eq3A_52 : vector<100x100xf32>
    %lt3A_54 = vector.broadcast %broadcast_in_dim3A_49 : vector<1x100xi32> to vector<100x100xi32>
    %lt3A_55 = vector.broadcast %broadcast_in_dim3A_48 : vector<100x1xi32> to vector<100x100xi32>
    %lt3A_56 = arith.cmpi slt, %lt3A_54, %lt3A_55 : vector<100x100xi32>
    %and3A = arith.andi %eq3A_53, %lt3A_56 : vector<100x100xi1>
    %or3A = arith.ori %gt3A_51, %and3A : vector<100x100xi1>
    %convert_element_type3A = arith.extui %or3A : vector<100x100xi1> to vector<100x100xi32>
    %convert_element_type3A_57 = arith.sitofp %convert_element_type3A : vector<100x100xi32> to vector<100x100xf32>
    %reduce_sum3A = arith.constant dense<0.000000e+00> : vector<100xf32>
    %reduce_sum3A_58 = vector.multi_reduction <add>, %convert_element_type3A_57, %reduce_sum3A [1] : vector<100x100xf32> to vector<100xf32>
    %convert_element_type3A_59 = arith.fptosi %reduce_sum3A_58 : vector<100xf32> to vector<100xi32>
    %lt3A_60 = arith.constant 13 : i32
    %lt3A_61 = vector.broadcast %lt3A_60 : i32 to vector<100xi32>
    %lt3A_62 = arith.cmpi slt, %convert_element_type3A_59, %lt3A_61 : vector<100xi32>
    %and3A_63 = arith.andi %lt3A_62, %lt3A_45 : vector<100xi1>
    %jit3A_64 = arith.constant 0.000000e+00 : f32
    %broadcast_in_dim3A_65 = vector.broadcast %jit3A_64 : f32 to vector<100xf32>
    %select_n3A_66 = arith.select %and3A_63, %squeeze3A, %broadcast_in_dim3A_65 : vector<100xi1>, vector<100xf32>
    %broadcast_in_dim3A_67 = vector.shape_cast %select_n3A_66 : vector<100xf32> to vector<100x1xf32>
    %mul3A = vector.broadcast %broadcast_in_dim3A_67 : vector<100x1xf32> to vector<100x128xf32>
    %mul3A_68 = arith.mulf %slice3A_38, %mul3A : vector<100x128xf32>
    %broadcast_in_dim3A_69 = vector.shape_cast %and3A_63 : vector<100xi1> to vector<100x1xi1>
    %jit3A_70 = arith.constant -3.000000e+38 : f32
    %broadcast_in_dim3A_71 = vector.shape_cast %broadcast_in_dim3A_69 : vector<100x1xi1> to vector<100x1xi1>
    %broadcast_in_dim3A_72 = vector.broadcast %broadcast_in_dim3A_71 : vector<100x1xi1> to vector<100x128xi1>
    %broadcast_in_dim3A_73 = vector.broadcast %jit3A_70 : f32 to vector<100x128xf32>
    %select_n3A_74 = arith.select %broadcast_in_dim3A_72, %mul3A_68, %broadcast_in_dim3A_73 : vector<100x128xi1>, vector<100x128xf32>
    %reduce_max3A = arith.constant dense<0xFF800000> : vector<128xf32>
    %reduce_max3A_75 = vector.multi_reduction <maximumf>, %select_n3A_74, %reduce_max3A [0] : vector<100x128xf32> to vector<128xf32>
    %reduce_sum3A_76 = arith.constant dense<0.000000e+00> : vector<128xf32>
    %reduce_sum3A_77 = vector.multi_reduction <add>, %mul3A_68, %reduce_sum3A_76 [0] : vector<100x128xf32> to vector<128xf32>
    %div3A_78 = arith.constant 1.300000e+01 : f32
    %div3A_79 = vector.broadcast %div3A_78 : f32 to vector<128xf32>
    %div3A_80 = arith.divf %reduce_sum3A_77, %div3A_79 : vector<128xf32>
    %get3A_81 = arith.constant 0 : index
    %get3A_82 = arith.constant 0 : index
    %get3A_83 = arith.constant 0 : index
    %get3A_84 = vector.load %arg9[%get3A_81, %get3A_82, %get3A_83] : memref<1x10x256xf32, #tpu.memory_space<vmem>>, vector<1x1x256xf32>
    %get3A_85 = vector.shape_cast %get3A_84 : vector<1x1x256xf32> to vector<1x256xf32>
    %get3A_86 = arith.constant 0 : index
    %get3A_87 = arith.constant 0 : index
    %get3A_88 = arith.constant 0 : index
    %get3A_89 = vector.load %arg10[%get3A_86, %get3A_87, %get3A_88] : memref<1x10x256xf32, #tpu.memory_space<vmem>>, vector<1x1x256xf32>
    %get3A_90 = vector.shape_cast %get3A_89 : vector<1x1x256xf32> to vector<1x256xf32>
    %add3A_91 = arith.addf %get3A_85, %get3A_90 : vector<1x256xf32>
    %broadcast_in_dim3A_92 = vector.shape_cast %reduce_max3A_75 : vector<128xf32> to vector<1x128xf32>
    %broadcast_in_dim3A_93 = vector.shape_cast %div3A_80 : vector<128xf32> to vector<1x128xf32>
    %concatenate3A = tpu.concatenate %broadcast_in_dim3A_92, %broadcast_in_dim3A_93 in 1 : vector<1x128xf32>, vector<1x128xf32> -> vector<1x256xf32>
    %add3A_94 = arith.addf %add3A_91, %concatenate3A : vector<1x256xf32>
    %get3A_95 = arith.constant 0 : index
    %get3A_96 = arith.constant 0 : index
    %get3A_97 = vector.load %arg11[%get3A_95, %get3A_96] : memref<256x128xf32, #tpu.memory_space<vmem>>, vector<256x128xf32>
    %dot_general3A_98 = arith.constant dense<0.000000e+00> : vector<1x128xf32>
    %dot_general3A_99 = tpu.matmul %add3A_94, %get3A_97, %dot_general3A_98 {dimension_numbers = #tpu.dot_dimension_numbers<[1], [0], [0], [1], [0, 0, 1, 1], [], []>, transpose_lhs_hint = false} : vector<1x256xf32>, vector<256x128xf32>, vector<1x128xf32> -> vector<1x128xf32>
    %get3A_100 = arith.constant 0 : index
    %get3A_101 = arith.constant 0 : index
    %get3A_102 = vector.load %arg12[%get3A_100, %get3A_101] : memref<1x128xf32, #tpu.memory_space<vmem>>, vector<1x128xf32>
    %add3A_103 = arith.addf %dot_general3A_99, %get3A_102 : vector<1x128xf32>
    %max3A_104 = arith.constant 0.000000e+00 : f32
    %max3A_105 = vector.broadcast %max3A_104 : f32 to vector<1x128xf32>
    %max3A_106 = arith.maximumf %add3A_103, %max3A_105 : vector<1x128xf32>
    %get3A_107 = arith.constant 0 : index
    %get3A_108 = arith.constant 0 : index
    %get3A_109 = vector.load %arg13[%get3A_107, %get3A_108] : memref<128x64xf32, #tpu.memory_space<vmem>>, vector<128x64xf32>
    %dot_general3A_110 = arith.constant dense<0.000000e+00> : vector<1x64xf32>
    %dot_general3A_111 = tpu.matmul %max3A_106, %get3A_109, %dot_general3A_110 {dimension_numbers = #tpu.dot_dimension_numbers<[1], [0], [0], [1], [0, 0, 1, 1], [], []>, transpose_lhs_hint = false} : vector<1x128xf32>, vector<128x64xf32>, vector<1x64xf32> -> vector<1x64xf32>
    %get3A_112 = arith.constant 0 : index
    %get3A_113 = arith.constant 0 : index
    %get3A_114 = vector.load %arg14[%get3A_112, %get3A_113] : memref<1x64xf32, #tpu.memory_space<vmem>>, vector<1x64xf32>
    %add3A_115 = arith.addf %dot_general3A_111, %get3A_114 : vector<1x64xf32>
    %max3A_116 = arith.constant 0.000000e+00 : f32
    %max3A_117 = vector.broadcast %max3A_116 : f32 to vector<1x64xf32>
    %max3A_118 = arith.maximumf %add3A_115, %max3A_117 : vector<1x64xf32>
    %get3A_119 = arith.constant 0 : index
    %get3A_120 = arith.constant 0 : index
    %get3A_121 = vector.load %arg15[%get3A_119, %get3A_120] : memref<64x10xf32, #tpu.memory_space<vmem>>, vector<64x10xf32>
    %dot_general3A_122 = arith.constant dense<0.000000e+00> : vector<1x10xf32>
    %dot_general3A_123 = tpu.matmul %max3A_118, %get3A_121, %dot_general3A_122 {dimension_numbers = #tpu.dot_dimension_numbers<[1], [0], [0], [1], [0, 0, 1, 1], [], []>, transpose_lhs_hint = false} : vector<1x64xf32>, vector<64x10xf32>, vector<1x10xf32> -> vector<1x10xf32>
    %get3A_124 = arith.constant 0 : index
    %get3A_125 = arith.constant 0 : index
    %get3A_126 = vector.load %arg16[%get3A_124, %get3A_125] : memref<1x10xf32, #tpu.memory_space<vmem>>, vector<1x10xf32>
    %add3A_127 = arith.addf %dot_general3A_123, %get3A_126 : vector<1x10xf32>
    %reduce_max3A_128 = arith.constant dense<0xFF800000> : vector<1xf32>
    %reduce_max3A_129 = vector.multi_reduction <maximumf>, %add3A_127, %reduce_max3A_128 [1] : vector<1x10xf32> to vector<1xf32>
    %broadcast_in_dim3A_130 = vector.shape_cast %reduce_max3A_129 : vector<1xf32> to vector<1x1xf32>
    %sub3A = vector.broadcast %broadcast_in_dim3A_130 : vector<1x1xf32> to vector<1x10xf32>
    %sub3A_131 = arith.subf %add3A_127, %sub3A : vector<1x10xf32>
    %exp3A = math.exp %sub3A_131 : vector<1x10xf32>
    %reduce_sum3A_132 = arith.constant dense<0.000000e+00> : vector<1xf32>
    %reduce_sum3A_133 = vector.multi_reduction <add>, %exp3A, %reduce_sum3A_132 [1] : vector<1x10xf32> to vector<1xf32>
    %broadcast_in_dim3A_134 = vector.shape_cast %reduce_sum3A_133 : vector<1xf32> to vector<1x1xf32>
    %log3A = math.log %broadcast_in_dim3A_134 : vector<1x1xf32>
    %sub3A_135 = vector.broadcast %broadcast_in_dim3A_130 : vector<1x1xf32> to vector<1x10xf32>
    %sub3A_136 = arith.subf %add3A_127, %sub3A_135 : vector<1x10xf32>
    %sub3A_137 = vector.broadcast %log3A : vector<1x1xf32> to vector<1x10xf32>
    %sub3A_138 = arith.subf %sub3A_136, %sub3A_137 : vector<1x10xf32>
    %swap3A = arith.constant 0 : index
    %swap3A_139 = arith.constant 0 : index
    %swap3A_140 = arith.constant 0 : index
    %swap3A_141 = vector.load %arg17[%swap3A, %swap3A_139, %swap3A_140] : memref<1x10x10xf32, #tpu.memory_space<vmem>>, vector<1x1x10xf32>
    %swap3A_142 = vector.shape_cast %swap3A_141 : vector<1x1x10xf32> to vector<1x10xf32>
    %swap3A_143 = vector.shape_cast %sub3A_138 : vector<1x10xf32> to vector<1x1x10xf32>
    tpu.vector_store %arg17[%swap3A, %swap3A_139, %swap3A_140], %swap3A_143 {strides = array<i32>} : memref<1x10x10xf32, #tpu.memory_space<vmem>>, vector<1x1x10xf32>,
    %slice3A_144 = vector.extract_strided_slice %tanh3A {offsets = [100, 0], sizes = [100, 1], strides = [1, 1]} : vector<1000x1xf32> to vector<100x1xf32>
    %squeeze3A_145 = vector.shape_cast %slice3A_144 : vector<100x1xf32> to vector<100xf32>
    %slice3A_146 = vector.extract_strided_slice %max3A_28 {offsets = [100, 0], sizes = [100, 128], strides = [1, 1]} : vector<1000x128xf32> to vector<100x128xf32>
    %get3A_147 = arith.constant 0 : index
    %get3A_148 = arith.constant 1 : index
    %get3A_149 = arith.constant 0 : index
    %get3A_150 = vector.load %arg8[%get3A_147, %get3A_148, %get3A_149] : memref<1x10x100xi32, #tpu.memory_space<vmem>>, vector<1x1x100xi32>
    %get3A_151 = vector.shape_cast %get3A_150 : vector<1x1x100xi32> to vector<100xi32>
    %lt3A_152 = arith.constant 100 : i32
    %lt3A_153 = vector.broadcast %lt3A_152 : i32 to vector<100xi32>
    %lt3A_154 = arith.cmpi slt, %get3A_151, %lt3A_153 : vector<100xi32>
    %jit3A_155 = arith.constant -3.000000e+38 : f32
    %broadcast_in_dim3A_156 = vector.broadcast %jit3A_155 : f32 to vector<100xf32>
    %select_n3A_157 = arith.select %lt3A_154, %squeeze3A_145, %broadcast_in_dim3A_156 : vector<100xi1>, vector<100xf32>
    %broadcast_in_dim3A_158 = vector.shape_cast %select_n3A_157 : vector<100xf32> to vector<100x1xf32>
    %broadcast_in_dim3A_159 = vector.shape_cast %select_n3A_157 : vector<100xf32> to vector<1x100xf32>
    %broadcast_in_dim3A_160 = vector.shape_cast %get3A_151 : vector<100xi32> to vector<100x1xi32>
    %broadcast_in_dim3A_161 = vector.shape_cast %get3A_151 : vector<100xi32> to vector<1x100xi32>
    %gt3A_162 = vector.broadcast %broadcast_in_dim3A_159 : vector<1x100xf32> to vector<100x100xf32>
    %gt3A_163 = vector.broadcast %broadcast_in_dim3A_158 : vector<100x1xf32> to vector<100x100xf32>
    %gt3A_164 = arith.cmpf ogt, %gt3A_162, %gt3A_163 : vector<100x100xf32>
    %eq3A_165 = vector.broadcast %broadcast_in_dim3A_159 : vector<1x100xf32> to vector<100x100xf32>
    %eq3A_166 = vector.broadcast %broadcast_in_dim3A_158 : vector<100x1xf32> to vector<100x100xf32>
    %eq3A_167 = arith.cmpf oeq, %eq3A_165, %eq3A_166 : vector<100x100xf32>
    %lt3A_168 = vector.broadcast %broadcast_in_dim3A_161 : vector<1x100xi32> to vector<100x100xi32>
    %lt3A_169 = vector.broadcast %broadcast_in_dim3A_160 : vector<100x1xi32> to vector<100x100xi32>
    %lt3A_170 = arith.cmpi slt, %lt3A_168, %lt3A_169 : vector<100x100xi32>
    %and3A_171 = arith.andi %eq3A_167, %lt3A_170 : vector<100x100xi1>
    %or3A_172 = arith.ori %gt3A_164, %and3A_171 : vector<100x100xi1>
    %convert_element_type3A_173 = arith.extui %or3A_172 : vector<100x100xi1> to vector<100x100xi32>
    %convert_element_type3A_174 = arith.sitofp %convert_element_type3A_173 : vector<100x100xi32> to vector<100x100xf32>
    %reduce_sum3A_175 = arith.constant dense<0.000000e+00> : vector<100xf32>
    %reduce_sum3A_176 = vector.multi_reduction <add>, %convert_element_type3A_174, %reduce_sum3A_175 [1] : vector<100x100xf32> to vector<100xf32>
    %convert_element_type3A_177 = arith.fptosi %reduce_sum3A_176 : vector<100xf32> to vector<100xi32>
    %lt3A_178 = arith.constant 13 : i32
    %lt3A_179 = vector.broadcast %lt3A_178 : i32 to vector<100xi32>
    %lt3A_180 = arith.cmpi slt, %convert_element_type3A_177, %lt3A_179 : vector<100xi32>
    %and3A_181 = arith.andi %lt3A_180, %lt3A_154 : vector<100xi1>
    %jit3A_182 = arith.constant 0.000000e+00 : f32
    %broadcast_in_dim3A_183 = vector.broadcast %jit3A_182 : f32 to vector<100xf32>
    %select_n3A_184 = arith.select %and3A_181, %squeeze3A_145, %broadcast_in_dim3A_183 : vector<100xi1>, vector<100xf32>
    %broadcast_in_dim3A_185 = vector.shape_cast %select_n3A_184 : vector<100xf32> to vector<100x1xf32>
    %mul3A_186 = vector.broadcast %broadcast_in_dim3A_185 : vector<100x1xf32> to vector<100x128xf32>
    %mul3A_187 = arith.mulf %slice3A_146, %mul3A_186 : vector<100x128xf32>
    %broadcast_in_dim3A_188 = vector.shape_cast %and3A_181 : vector<100xi1> to vector<100x1xi1>
    %jit3A_189 = arith.constant -3.000000e+38 : f32
    %broadcast_in_dim3A_190 = vector.shape_cast %broadcast_in_dim3A_188 : vector<100x1xi1> to vector<100x1xi1>
    %broadcast_in_dim3A_191 = vector.broadcast %broadcast_in_dim3A_190 : vector<100x1xi1> to vector<100x128xi1>
    %broadcast_in_dim3A_192 = vector.broadcast %jit3A_189 : f32 to vector<100x128xf32>
    %select_n3A_193 = arith.select %broadcast_in_dim3A_191, %mul3A_187, %broadcast_in_dim3A_192 : vector<100x128xi1>, vector<100x128xf32>
    %reduce_max3A_194 = arith.constant dense<0xFF800000> : vector<128xf32>
    %reduce_max3A_195 = vector.multi_reduction <maximumf>, %select_n3A_193, %reduce_max3A_194 [0] : vector<100x128xf32> to vector<128xf32>
    %reduce_sum3A_196 = arith.constant dense<0.000000e+00> : vector<128xf32>
    %reduce_sum3A_197 = vector.multi_reduction <add>, %mul3A_187, %reduce_sum3A_196 [0] : vector<100x128xf32> to vector<128xf32>
    %div3A_198 = arith.constant 1.300000e+01 : f32
    %div3A_199 = vector.broadcast %div3A_198 : f32 to vector<128xf32>
    %div3A_200 = arith.divf %reduce_sum3A_197, %div3A_199 : vector<128xf32>
    %get3A_201 = arith.constant 0 : index
    %get3A_202 = arith.constant 1 : index
    %get3A_203 = arith.constant 0 : index
    %get3A_204 = vector.load %arg9[%get3A_201, %get3A_202, %get3A_203] : memref<1x10x256xf32, #tpu.memory_space<vmem>>, vector<1x1x256xf32>
    %get3A_205 = vector.shape_cast %get3A_204 : vector<1x1x256xf32> to vector<1x256xf32>
    %get3A_206 = arith.constant 0 : index
    %get3A_207 = arith.constant 1 : index
    %get3A_208 = arith.constant 0 : index
    %get3A_209 = vector.load %arg10[%get3A_206, %get3A_207, %get3A_208] : memref<1x10x256xf32, #tpu.memory_space<vmem>>, vector<1x1x256xf32>
    %get3A_210 = vector.shape_cast %get3A_209 : vector<1x1x256xf32> to vector<1x256xf32>
    %add3A_211 = arith.addf %get3A_205, %get3A_210 : vector<1x256xf32>
    %broadcast_in_dim3A_212 = vector.shape_cast %reduce_max3A_195 : vector<128xf32> to vector<1x128xf32>
    %broadcast_in_dim3A_213 = vector.shape_cast %div3A_200 : vector<128xf32> to vector<1x128xf32>
    %concatenate3A_214 = tpu.concatenate %broadcast_in_dim3A_212, %broadcast_in_dim3A_213 in 1 : vector<1x128xf32>, vector<1x128xf32> -> vector<1x256xf32>
    %add3A_215 = arith.addf %add3A_211, %concatenate3A_214 : vector<1x256xf32>
    %get3A_216 = arith.constant 0 : index
    %get3A_217 = arith.constant 0 : index
    %get3A_218 = vector.load %arg11[%get3A_216, %get3A_217] : memref<256x128xf32, #tpu.memory_space<vmem>>, vector<256x128xf32>
    %dot_general3A_219 = arith.constant dense<0.000000e+00> : vector<1x128xf32>
    %dot_general3A_220 = tpu.matmul %add3A_215, %get3A_218, %dot_general3A_219 {dimension_numbers = #tpu.dot_dimension_numbers<[1], [0], [0], [1], [0, 0, 1, 1], [], []>, transpose_lhs_hint = false} : vector<1x256xf32>, vector<256x128xf32>, vector<1x128xf32> -> vector<1x128xf32>
    %get3A_221 = arith.constant 0 : index
    %get3A_222 = arith.constant 0 : index
    %get3A_223 = vector.load %arg12[%get3A_221, %get3A_222] : memref<1x128xf32, #tpu.memory_space<vmem>>, vector<1x128xf32>
    %add3A_224 = arith.addf %dot_general3A_220, %get3A_223 : vector<1x128xf32>
    %max3A_225 = arith.constant 0.000000e+00 : f32
    %max3A_226 = vector.broadcast %max3A_225 : f32 to vector<1x128xf32>
    %max3A_227 = arith.maximumf %add3A_224, %max3A_226 : vector<1x128xf32>
    %get3A_228 = arith.constant 0 : index
    %get3A_229 = arith.constant 0 : index
    %get3A_230 = vector.load %arg13[%get3A_228, %get3A_229] : memref<128x64xf32, #tpu.memory_space<vmem>>, vector<128x64xf32>
    %dot_general3A_231 = arith.constant dense<0.000000e+00> : vector<1x64xf32>
    %dot_general3A_232 = tpu.matmul %max3A_227, %get3A_230, %dot_general3A_231 {dimension_numbers = #tpu.dot_dimension_numbers<[1], [0], [0], [1], [0, 0, 1, 1], [], []>, transpose_lhs_hint = false} : vector<1x128xf32>, vector<128x64xf32>, vector<1x64xf32> -> vector<1x64xf32>
    %get3A_233 = arith.constant 0 : index
    %get3A_234 = arith.constant 0 : index
    %get3A_235 = vector.load %arg14[%get3A_233, %get3A_234] : memref<1x64xf32, #tpu.memory_space<vmem>>, vector<1x64xf32>
    %add3A_236 = arith.addf %dot_general3A_232, %get3A_235 : vector<1x64xf32>
    %max3A_237 = arith.constant 0.000000e+00 : f32
    %max3A_238 = vector.broadcast %max3A_237 : f32 to vector<1x64xf32>
    %max3A_239 = arith.maximumf %add3A_236, %max3A_238 : vector<1x64xf32>
    %get3A_240 = arith.constant 0 : index
    %get3A_241 = arith.constant 0 : index
    %get3A_242 = vector.load %arg15[%get3A_240, %get3A_241] : memref<64x10xf32, #tpu.memory_space<vmem>>, vector<64x10xf32>
    %dot_general3A_243 = arith.constant dense<0.000000e+00> : vector<1x10xf32>
    %dot_general3A_244 = tpu.matmul %max3A_239, %get3A_242, %dot_general3A_243 {dimension_numbers = #tpu.dot_dimension_numbers<[1], [0], [0], [1], [0, 0, 1, 1], [], []>, transpose_lhs_hint = false} : vector<1x64xf32>, vector<64x10xf32>, vector<1x10xf32> -> vector<1x10xf32>
    %get3A_245 = arith.constant 0 : index
    %get3A_246 = arith.constant 0 : index
    %get3A_247 = vector.load %arg16[%get3A_245, %get3A_246] : memref<1x10xf32, #tpu.memory_space<vmem>>, vector<1x10xf32>
    %add3A_248 = arith.addf %dot_general3A_244, %get3A_247 : vector<1x10xf32>
    %reduce_max3A_249 = arith.constant dense<0xFF800000> : vector<1xf32>
    %reduce_max3A_250 = vector.multi_reduction <maximumf>, %add3A_248, %reduce_max3A_249 [1] : vector<1x10xf32> to vector<1xf32>
    %broadcast_in_dim3A_251 = vector.shape_cast %reduce_max3A_250 : vector<1xf32> to vector<1x1xf32>
    %sub3A_252 = vector.broadcast %broadcast_in_dim3A_251 : vector<1x1xf32> to vector<1x10xf32>
    %sub3A_253 = arith.subf %add3A_248, %sub3A_252 : vector<1x10xf32>
    %exp3A_254 = math.exp %sub3A_253 : vector<1x10xf32>
    %reduce_sum3A_255 = arith.constant dense<0.000000e+00> : vector<1xf32>
    %reduce_sum3A_256 = vector.multi_reduction <add>, %exp3A_254, %reduce_sum3A_255 [1] : vector<1x10xf32> to vector<1xf32>
    %broadcast_in_dim3A_257 = vector.shape_cast %reduce_sum3A_256 : vector<1xf32> to vector<1x1xf32>
    %log3A_258 = math.log %broadcast_in_dim3A_257 : vector<1x1xf32>
    %sub3A_259 = vector.broadcast %broadcast_in_dim3A_251 : vector<1x1xf32> to vector<1x10xf32>
    %sub3A_260 = arith.subf %add3A_248, %sub3A_259 : vector<1x10xf32>
    %sub3A_261 = vector.broadcast %log3A_258 : vector<1x1xf32> to vector<1x10xf32>
    %sub3A_262 = arith.subf %sub3A_260, %sub3A_261 : vector<1x10xf32>
    %swap3A_263 = arith.constant 0 : index
    %swap3A_264 = arith.constant 1 : index
    %swap3A_265 = arith.constant 0 : index
    %swap3A_266 = vector.load %arg17[%swap3A_263, %swap3A_264, %swap3A_265] : memref<1x10x10xf32, #tpu.memory_space<vmem>>, vector<1x1x10xf32>
    %swap3A_267 = vector.shape_cast %swap3A_266 : vector<1x1x10xf32> to vector<1x10xf32>
    %swap3A_268 = vector.shape_cast %sub3A_262 : vector<1x10xf32> to vector<1x1x10xf32>
    tpu.vector_store %arg17[%swap3A_263, %swap3A_264, %swap3A_265], %swap3A_268 {strides = array<i32>} : memref<1x10x10xf32, #tpu.memory_space<vmem>>, vector<1x1x10xf32>,
    %slice3A_269 = vector.extract_strided_slice %tanh3A {offsets = [200, 0], sizes = [100, 1], strides = [1, 1]} : vector<1000x1xf32> to vector<100x1xf32>
    %squeeze3A_270 = vector.shape_cast %slice3A_269 : vector<100x1xf32> to vector<100xf32>
    %slice3A_271 = vector.extract_strided_slice %max3A_28 {offsets = [200, 0], sizes = [100, 128], strides = [1, 1]} : vector<1000x128xf32> to vector<100x128xf32>
    %get3A_272 = arith.constant 0 : index
    %get3A_273 = arith.constant 2 : index
    %get3A_274 = arith.constant 0 : index
    %get3A_275 = vector.load %arg8[%get3A_272, %get3A_273, %get3A_274] : memref<1x10x100xi32, #tpu.memory_space<vmem>>, vector<1x1x100xi32>
    %get3A_276 = vector.shape_cast %get3A_275 : vector<1x1x100xi32> to vector<100xi32>
    %lt3A_277 = arith.constant 100 : i32
    %lt3A_278 = vector.broadcast %lt3A_277 : i32 to vector<100xi32>
    %lt3A_279 = arith.cmpi slt, %get3A_276, %lt3A_278 : vector<100xi32>
    %jit3A_280 = arith.constant -3.000000e+38 : f32
    %broadcast_in_dim3A_281 = vector.broadcast %jit3A_280 : f32 to vector<100xf32>
    %select_n3A_282 = arith.select %lt3A_279, %squeeze3A_270, %broadcast_in_dim3A_281 : vector<100xi1>, vector<100xf32>
    %broadcast_in_dim3A_283 = vector.shape_cast %select_n3A_282 : vector<100xf32> to vector<100x1xf32>
    %broadcast_in_dim3A_284 = vector.shape_cast %select_n3A_282 : vector<100xf32> to vector<1x100xf32>
    %broadcast_in_dim3A_285 = vector.shape_cast %get3A_276 : vector<100xi32> to vector<100x1xi32>
    %broadcast_in_dim3A_286 = vector.shape_cast %get3A_276 : vector<100xi32> to vector<1x100xi32>
    %gt3A_287 = vector.broadcast %broadcast_in_dim3A_284 : vector<1x100xf32> to vector<100x100xf32>
    %gt3A_288 = vector.broadcast %broadcast_in_dim3A_283 : vector<100x1xf32> to vector<100x100xf32>
    %gt3A_289 = arith.cmpf ogt, %gt3A_287, %gt3A_288 : vector<100x100xf32>
    %eq3A_290 = vector.broadcast %broadcast_in_dim3A_284 : vector<1x100xf32> to vector<100x100xf32>
    %eq3A_291 = vector.broadcast %broadcast_in_dim3A_283 : vector<100x1xf32> to vector<100x100xf32>
    %eq3A_292 = arith.cmpf oeq, %eq3A_290, %eq3A_291 : vector<100x100xf32>
    %lt3A_293 = vector.broadcast %broadcast_in_dim3A_286 : vector<1x100xi32> to vector<100x100xi32>
    %lt3A_294 = vector.broadcast %broadcast_in_dim3A_285 : vector<100x1xi32> to vector<100x100xi32>
    %lt3A_295 = arith.cmpi slt, %lt3A_293, %lt3A_294 : vector<100x100xi32>
    %and3A_296 = arith.andi %eq3A_292, %lt3A_295 : vector<100x100xi1>
    %or3A_297 = arith.ori %gt3A_289, %and3A_296 : vector<100x100xi1>
    %convert_element_type3A_298 = arith.extui %or3A_297 : vector<100x100xi1> to vector<100x100xi32>
    %convert_element_type3A_299 = arith.sitofp %convert_element_type3A_298 : vector<100x100xi32> to vector<100x100xf32>
    %reduce_sum3A_300 = arith.constant dense<0.000000e+00> : vector<100xf32>
    %reduce_sum3A_301 = vector.multi_reduction <add>, %convert_element_type3A_299, %reduce_sum3A_300 [1] : vector<100x100xf32> to vector<100xf32>
    %convert_element_type3A_302 = arith.fptosi %reduce_sum3A_301 : vector<100xf32> to vector<100xi32>
    %lt3A_303 = arith.constant 13 : i32
    %lt3A_304 = vector.broadcast %lt3A_303 : i32 to vector<100xi32>
    %lt3A_305 = arith.cmpi slt, %convert_element_type3A_302, %lt3A_304 : vector<100xi32>
    %and3A_306 = arith.andi %lt3A_305, %lt3A_279 : vector<100xi1>
    %jit3A_307 = arith.constant 0.000000e+00 : f32
    %broadcast_in_dim3A_308 = vector.broadcast %jit3A_307 : f32 to vector<100xf32>
    %select_n3A_309 = arith.select %and3A_306, %squeeze3A_270, %broadcast_in_dim3A_308 : vector<100xi1>, vector<100xf32>
    %broadcast_in_dim3A_310 = vector.shape_cast %select_n3A_309 : vector<100xf32> to vector<100x1xf32>
    %mul3A_311 = vector.broadcast %broadcast_in_dim3A_310 : vector<100x1xf32> to vector<100x128xf32>
    %mul3A_312 = arith.mulf %slice3A_271, %mul3A_311 : vector<100x128xf32>
    %broadcast_in_dim3A_313 = vector.shape_cast %and3A_306 : vector<100xi1> to vector<100x1xi1>
    %jit3A_314 = arith.constant -3.000000e+38 : f32
    %broadcast_in_dim3A_315 = vector.shape_cast %broadcast_in_dim3A_313 : vector<100x1xi1> to vector<100x1xi1>
    %broadcast_in_dim3A_316 = vector.broadcast %broadcast_in_dim3A_315 : vector<100x1xi1> to vector<100x128xi1>
    %broadcast_in_dim3A_317 = vector.broadcast %jit3A_314 : f32 to vector<100x128xf32>
    %select_n3A_318 = arith.select %broadcast_in_dim3A_316, %mul3A_312, %broadcast_in_dim3A_317 : vector<100x128xi1>, vector<100x128xf32>
    %reduce_max3A_319 = arith.constant dense<0xFF800000> : vector<128xf32>
    %reduce_max3A_320 = vector.multi_reduction <maximumf>, %select_n3A_318, %reduce_max3A_319 [0] : vector<100x128xf32> to vector<128xf32>
    %reduce_sum3A_321 = arith.constant dense<0.000000e+00> : vector<128xf32>
    %reduce_sum3A_322 = vector.multi_reduction <add>, %mul3A_312, %reduce_sum3A_321 [0] : vector<100x128xf32> to vector<128xf32>
    %div3A_323 = arith.constant 1.300000e+01 : f32
    %div3A_324 = vector.broadcast %div3A_323 : f32 to vector<128xf32>
    %div3A_325 = arith.divf %reduce_sum3A_322, %div3A_324 : vector<128xf32>
    %get3A_326 = arith.constant 0 : index
    %get3A_327 = arith.constant 2 : index
    %get3A_328 = arith.constant 0 : index
    %get3A_329 = vector.load %arg9[%get3A_326, %get3A_327, %get3A_328] : memref<1x10x256xf32, #tpu.memory_space<vmem>>, vector<1x1x256xf32>
    %get3A_330 = vector.shape_cast %get3A_329 : vector<1x1x256xf32> to vector<1x256xf32>
    %get3A_331 = arith.constant 0 : index
    %get3A_332 = arith.constant 2 : index
    %get3A_333 = arith.constant 0 : index
    %get3A_334 = vector.load %arg10[%get3A_331, %get3A_332, %get3A_333] : memref<1x10x256xf32, #tpu.memory_space<vmem>>, vector<1x1x256xf32>
    %get3A_335 = vector.shape_cast %get3A_334 : vector<1x1x256xf32> to vector<1x256xf32>
    %add3A_336 = arith.addf %get3A_330, %get3A_335 : vector<1x256xf32>
    %broadcast_in_dim3A_337 = vector.shape_cast %reduce_max3A_320 : vector<128xf32> to vector<1x128xf32>
    %broadcast_in_dim3A_338 = vector.shape_cast %div3A_325 : vector<128xf32> to vector<1x128xf32>
    %concatenate3A_339 = tpu.concatenate %broadcast_in_dim3A_337, %broadcast_in_dim3A_338 in 1 : vector<1x128xf32>, vector<1x128xf32> -> vector<1x256xf32>
    %add3A_340 = arith.addf %add3A_336, %concatenate3A_339 : vector<1x256xf32>
    %get3A_341 = arith.constant 0 : index
    %get3A_342 = arith.constant 0 : index
    %get3A_343 = vector.load %arg11[%get3A_341, %get3A_342] : memref<256x128xf32, #tpu.memory_space<vmem>>, vector<256x128xf32>
    %dot_general3A_344 = arith.constant dense<0.000000e+00> : vector<1x128xf32>
    %dot_general3A_345 = tpu.matmul %add3A_340, %get3A_343, %dot_general3A_344 {dimension_numbers = #tpu.dot_dimension_numbers<[1], [0], [0], [1], [0, 0, 1, 1], [], []>, transpose_lhs_hint = false} : vector<1x256xf32>, vector<256x128xf32>, vector<1x128xf32> -> vector<1x128xf32>
    %get3A_346 = arith.constant 0 : index
    %get3A_347 = arith.constant 0 : index
    %get3A_348 = vector.load %arg12[%get3A_346, %get3A_347] : memref<1x128xf32, #tpu.memory_space<vmem>>, vector<1x128xf32>
    %add3A_349 = arith.addf %dot_general3A_345, %get3A_348 : vector<1x128xf32>
    %max3A_350 = arith.constant 0.000000e+00 : f32
    %max3A_351 = vector.broadcast %max3A_350 : f32 to vector<1x128xf32>
    %max3A_352 = arith.maximumf %add3A_349, %max3A_351 : vector<1x128xf32>
    %get3A_353 = arith.constant 0 : index
    %get3A_354 = arith.constant 0 : index
    %get3A_355 = vector.load %arg13[%get3A_353, %get3A_354] : memref<128x64xf32, #tpu.memory_space<vmem>>, vector<128x64xf32>
    %dot_general3A_356 = arith.constant dense<0.000000e+00> : vector<1x64xf32>
    %dot_general3A_357 = tpu.matmul %max3A_352, %get3A_355, %dot_general3A_356 {dimension_numbers = #tpu.dot_dimension_numbers<[1], [0], [0], [1], [0, 0, 1, 1], [], []>, transpose_lhs_hint = false} : vector<1x128xf32>, vector<128x64xf32>, vector<1x64xf32> -> vector<1x64xf32>
    %get3A_358 = arith.constant 0 : index
    %get3A_359 = arith.constant 0 : index
    %get3A_360 = vector.load %arg14[%get3A_358, %get3A_359] : memref<1x64xf32, #tpu.memory_space<vmem>>, vector<1x64xf32>
    %add3A_361 = arith.addf %dot_general3A_357, %get3A_360 : vector<1x64xf32>
    %max3A_362 = arith.constant 0.000000e+00 : f32
    %max3A_363 = vector.broadcast %max3A_362 : f32 to vector<1x64xf32>
    %max3A_364 = arith.maximumf %add3A_361, %max3A_363 : vector<1x64xf32>
    %get3A_365 = arith.constant 0 : index
    %get3A_366 = arith.constant 0 : index
    %get3A_367 = vector.load %arg15[%get3A_365, %get3A_366] : memref<64x10xf32, #tpu.memory_space<vmem>>, vector<64x10xf32>
    %dot_general3A_368 = arith.constant dense<0.000000e+00> : vector<1x10xf32>
    %dot_general3A_369 = tpu.matmul %max3A_364, %get3A_367, %dot_general3A_368 {dimension_numbers = #tpu.dot_dimension_numbers<[1], [0], [0], [1], [0, 0, 1, 1], [], []>, transpose_lhs_hint = false} : vector<1x64xf32>, vector<64x10xf32>, vector<1x10xf32> -> vector<1x10xf32>
    %get3A_370 = arith.constant 0 : index
    %get3A_371 = arith.constant 0 : index
    %get3A_372 = vector.load %arg16[%get3A_370, %get3A_371] : memref<1x10xf32, #tpu.memory_space<vmem>>, vector<1x10xf32>
    %add3A_373 = arith.addf %dot_general3A_369, %get3A_372 : vector<1x10xf32>
    %reduce_max3A_374 = arith.constant dense<0xFF800000> : vector<1xf32>
    %reduce_max3A_375 = vector.multi_reduction <maximumf>, %add3A_373, %reduce_max3A_374 [1] : vector<1x10xf32> to vector<1xf32>
    %broadcast_in_dim3A_376 = vector.shape_cast %reduce_max3A_375 : vector<1xf32> to vector<1x1xf32>
    %sub3A_377 = vector.broadcast %broadcast_in_dim3A_376 : vector<1x1xf32> to vector<1x10xf32>
    %sub3A_378 = arith.subf %add3A_373, %sub3A_377 : vector<1x10xf32>
    %exp3A_379 = math.exp %sub3A_378 : vector<1x10xf32>
    %reduce_sum3A_380 = arith.constant dense<0.000000e+00> : vector<1xf32>
    %reduce_sum3A_381 = vector.multi_reduction <add>, %exp3A_379, %reduce_sum3A_380 [1] : vector<1x10xf32> to vector<1xf32>
    %broadcast_in_dim3A_382 = vector.shape_cast %reduce_sum3A_381 : vector<1xf32> to vector<1x1xf32>
    %log3A_383 = math.log %broadcast_in_dim3A_382 : vector<1x1xf32>
    %sub3A_384 = vector.broadcast %broadcast_in_dim3A_376 : vector<1x1xf32> to vector<1x10xf32>
    %sub3A_385 = arith.subf %add3A_373, %sub3A_384 : vector<1x10xf32>
    %sub3A_386 = vector.broadcast %log3A_383 : vector<1x1xf32> to vector<1x10xf32>
    %sub3A_387 = arith.subf %sub3A_385, %sub3A_386 : vector<1x10xf32>
    %swap3A_388 = arith.constant 0 : index
    %swap3A_389 = arith.constant 2 : index
    %swap3A_390 = arith.constant 0 : index
    %swap3A_391 = vector.load %arg17[%swap3A_388, %swap3A_389, %swap3A_390] : memref<1x10x10xf32, #tpu.memory_space<vmem>>, vector<1x1x10xf32>
    %swap3A_392 = vector.shape_cast %swap3A_391 : vector<1x1x10xf32> to vector<1x10xf32>
    %swap3A_393 = vector.shape_cast %sub3A_387 : vector<1x10xf32> to vector<1x1x10xf32>
    tpu.vector_store %arg17[%swap3A_388, %swap3A_389, %swap3A_390], %swap3A_393 {strides = array<i32>} : memref<1x10x10xf32, #tpu.memory_space<vmem>>, vector<1x1x10xf32>,
    %slice3A_394 = vector.extract_strided_slice %tanh3A {offsets = [300, 0], sizes = [100, 1], strides = [1, 1]} : vector<1000x1xf32> to vector<100x1xf32>
    %squeeze3A_395 = vector.shape_cast %slice3A_394 : vector<100x1xf32> to vector<100xf32>
    %slice3A_396 = vector.extract_strided_slice %max3A_28 {offsets = [300, 0], sizes = [100, 128], strides = [1, 1]} : vector<1000x128xf32> to vector<100x128xf32>
    %get3A_397 = arith.constant 0 : index
    %get3A_398 = arith.constant 3 : index
    %get3A_399 = arith.constant 0 : index
    %get3A_400 = vector.load %arg8[%get3A_397, %get3A_398, %get3A_399] : memref<1x10x100xi32, #tpu.memory_space<vmem>>, vector<1x1x100xi32>
    %get3A_401 = vector.shape_cast %get3A_400 : vector<1x1x100xi32> to vector<100xi32>
    %lt3A_402 = arith.constant 100 : i32
    %lt3A_403 = vector.broadcast %lt3A_402 : i32 to vector<100xi32>
    %lt3A_404 = arith.cmpi slt, %get3A_401, %lt3A_403 : vector<100xi32>
    %jit3A_405 = arith.constant -3.000000e+38 : f32
    %broadcast_in_dim3A_406 = vector.broadcast %jit3A_405 : f32 to vector<100xf32>
    %select_n3A_407 = arith.select %lt3A_404, %squeeze3A_395, %broadcast_in_dim3A_406 : vector<100xi1>, vector<100xf32>
    %broadcast_in_dim3A_408 = vector.shape_cast %select_n3A_407 : vector<100xf32> to vector<100x1xf32>
    %broadcast_in_dim3A_409 = vector.shape_cast %select_n3A_407 : vector<100xf32> to vector<1x100xf32>
    %broadcast_in_dim3A_410 = vector.shape_cast %get3A_401 : vector<100xi32> to vector<100x1xi32>
    %broadcast_in_dim3A_411 = vector.shape_cast %get3A_401 : vector<100xi32> to vector<1x100xi32>
    %gt3A_412 = vector.broadcast %broadcast_in_dim3A_409 : vector<1x100xf32> to vector<100x100xf32>
    %gt3A_413 = vector.broadcast %broadcast_in_dim3A_408 : vector<100x1xf32> to vector<100x100xf32>
    %gt3A_414 = arith.cmpf ogt, %gt3A_412, %gt3A_413 : vector<100x100xf32>
    %eq3A_415 = vector.broadcast %broadcast_in_dim3A_409 : vector<1x100xf32> to vector<100x100xf32>
    %eq3A_416 = vector.broadcast %broadcast_in_dim3A_408 : vector<100x1xf32> to vector<100x100xf32>
    %eq3A_417 = arith.cmpf oeq, %eq3A_415, %eq3A_416 : vector<100x100xf32>
    %lt3A_418 = vector.broadcast %broadcast_in_dim3A_411 : vector<1x100xi32> to vector<100x100xi32>
    %lt3A_419 = vector.broadcast %broadcast_in_dim3A_410 : vector<100x1xi32> to vector<100x100xi32>
    %lt3A_420 = arith.cmpi slt, %lt3A_418, %lt3A_419 : vector<100x100xi32>
    %and3A_421 = arith.andi %eq3A_417, %lt3A_420 : vector<100x100xi1>
    %or3A_422 = arith.ori %gt3A_414, %and3A_421 : vector<100x100xi1>
    %convert_element_type3A_423 = arith.extui %or3A_422 : vector<100x100xi1> to vector<100x100xi32>
    %convert_element_type3A_424 = arith.sitofp %convert_element_type3A_423 : vector<100x100xi32> to vector<100x100xf32>
    %reduce_sum3A_425 = arith.constant dense<0.000000e+00> : vector<100xf32>
    %reduce_sum3A_426 = vector.multi_reduction <add>, %convert_element_type3A_424, %reduce_sum3A_425 [1] : vector<100x100xf32> to vector<100xf32>
    %convert_element_type3A_427 = arith.fptosi %reduce_sum3A_426 : vector<100xf32> to vector<100xi32>
    %lt3A_428 = arith.constant 13 : i32
    %lt3A_429 = vector.broadcast %lt3A_428 : i32 to vector<100xi32>
    %lt3A_430 = arith.cmpi slt, %convert_element_type3A_427, %lt3A_429 : vector<100xi32>
    %and3A_431 = arith.andi %lt3A_430, %lt3A_404 : vector<100xi1>
    %jit3A_432 = arith.constant 0.000000e+00 : f32
    %broadcast_in_dim3A_433 = vector.broadcast %jit3A_432 : f32 to vector<100xf32>
    %select_n3A_434 = arith.select %and3A_431, %squeeze3A_395, %broadcast_in_dim3A_433 : vector<100xi1>, vector<100xf32>
    %broadcast_in_dim3A_435 = vector.shape_cast %select_n3A_434 : vector<100xf32> to vector<100x1xf32>
    %mul3A_436 = vector.broadcast %broadcast_in_dim3A_435 : vector<100x1xf32> to vector<100x128xf32>
    %mul3A_437 = arith.mulf %slice3A_396, %mul3A_436 : vector<100x128xf32>
    %broadcast_in_dim3A_438 = vector.shape_cast %and3A_431 : vector<100xi1> to vector<100x1xi1>
    %jit3A_439 = arith.constant -3.000000e+38 : f32
    %broadcast_in_dim3A_440 = vector.shape_cast %broadcast_in_dim3A_438 : vector<100x1xi1> to vector<100x1xi1>
    %broadcast_in_dim3A_441 = vector.broadcast %broadcast_in_dim3A_440 : vector<100x1xi1> to vector<100x128xi1>
    %broadcast_in_dim3A_442 = vector.broadcast %jit3A_439 : f32 to vector<100x128xf32>
    %select_n3A_443 = arith.select %broadcast_in_dim3A_441, %mul3A_437, %broadcast_in_dim3A_442 : vector<100x128xi1>, vector<100x128xf32>
    %reduce_max3A_444 = arith.constant dense<0xFF800000> : vector<128xf32>
    %reduce_max3A_445 = vector.multi_reduction <maximumf>, %select_n3A_443, %reduce_max3A_444 [0] : vector<100x128xf32> to vector<128xf32>
    %reduce_sum3A_446 = arith.constant dense<0.000000e+00> : vector<128xf32>
    %reduce_sum3A_447 = vector.multi_reduction <add>, %mul3A_437, %reduce_sum3A_446 [0] : vector<100x128xf32> to vector<128xf32>
    %div3A_448 = arith.constant 1.300000e+01 : f32
    %div3A_449 = vector.broadcast %div3A_448 : f32 to vector<128xf32>
    %div3A_450 = arith.divf %reduce_sum3A_447, %div3A_449 : vector<128xf32>
    %get3A_451 = arith.constant 0 : index
    %get3A_452 = arith.constant 3 : index
    %get3A_453 = arith.constant 0 : index
    %get3A_454 = vector.load %arg9[%get3A_451, %get3A_452, %get3A_453] : memref<1x10x256xf32, #tpu.memory_space<vmem>>, vector<1x1x256xf32>
    %get3A_455 = vector.shape_cast %get3A_454 : vector<1x1x256xf32> to vector<1x256xf32>
    %get3A_456 = arith.constant 0 : index
    %get3A_457 = arith.constant 3 : index
    %get3A_458 = arith.constant 0 : index
    %get3A_459 = vector.load %arg10[%get3A_456, %get3A_457, %get3A_458] : memref<1x10x256xf32, #tpu.memory_space<vmem>>, vector<1x1x256xf32>
    %get3A_460 = vector.shape_cast %get3A_459 : vector<1x1x256xf32> to vector<1x256xf32>
    %add3A_461 = arith.addf %get3A_455, %get3A_460 : vector<1x256xf32>
    %broadcast_in_dim3A_462 = vector.shape_cast %reduce_max3A_445 : vector<128xf32> to vector<1x128xf32>
    %broadcast_in_dim3A_463 = vector.shape_cast %div3A_450 : vector<128xf32> to vector<1x128xf32>
    %concatenate3A_464 = tpu.concatenate %broadcast_in_dim3A_462, %broadcast_in_dim3A_463 in 1 : vector<1x128xf32>, vector<1x128xf32> -> vector<1x256xf32>
    %add3A_465 = arith.addf %add3A_461, %concatenate3A_464 : vector<1x256xf32>
    %get3A_466 = arith.constant 0 : index
    %get3A_467 = arith.constant 0 : index
    %get3A_468 = vector.load %arg11[%get3A_466, %get3A_467] : memref<256x128xf32, #tpu.memory_space<vmem>>, vector<256x128xf32>
    %dot_general3A_469 = arith.constant dense<0.000000e+00> : vector<1x128xf32>
    %dot_general3A_470 = tpu.matmul %add3A_465, %get3A_468, %dot_general3A_469 {dimension_numbers = #tpu.dot_dimension_numbers<[1], [0], [0], [1], [0, 0, 1, 1], [], []>, transpose_lhs_hint = false} : vector<1x256xf32>, vector<256x128xf32>, vector<1x128xf32> -> vector<1x128xf32>
    %get3A_471 = arith.constant 0 : index
    %get3A_472 = arith.constant 0 : index
    %get3A_473 = vector.load %arg12[%get3A_471, %get3A_472] : memref<1x128xf32, #tpu.memory_space<vmem>>, vector<1x128xf32>
    %add3A_474 = arith.addf %dot_general3A_470, %get3A_473 : vector<1x128xf32>
    %max3A_475 = arith.constant 0.000000e+00 : f32
    %max3A_476 = vector.broadcast %max3A_475 : f32 to vector<1x128xf32>
    %max3A_477 = arith.maximumf %add3A_474, %max3A_476 : vector<1x128xf32>
    %get3A_478 = arith.constant 0 : index
    %get3A_479 = arith.constant 0 : index
    %get3A_480 = vector.load %arg13[%get3A_478, %get3A_479] : memref<128x64xf32, #tpu.memory_space<vmem>>, vector<128x64xf32>
    %dot_general3A_481 = arith.constant dense<0.000000e+00> : vector<1x64xf32>
    %dot_general3A_482 = tpu.matmul %max3A_477, %get3A_480, %dot_general3A_481 {dimension_numbers = #tpu.dot_dimension_numbers<[1], [0], [0], [1], [0, 0, 1, 1], [], []>, transpose_lhs_hint = false} : vector<1x128xf32>, vector<128x64xf32>, vector<1x64xf32> -> vector<1x64xf32>
    %get3A_483 = arith.constant 0 : index
    %get3A_484 = arith.constant 0 : index
    %get3A_485 = vector.load %arg14[%get3A_483, %get3A_484] : memref<1x64xf32, #tpu.memory_space<vmem>>, vector<1x64xf32>
    %add3A_486 = arith.addf %dot_general3A_482, %get3A_485 : vector<1x64xf32>
    %max3A_487 = arith.constant 0.000000e+00 : f32
    %max3A_488 = vector.broadcast %max3A_487 : f32 to vector<1x64xf32>
    %max3A_489 = arith.maximumf %add3A_486, %max3A_488 : vector<1x64xf32>
    %get3A_490 = arith.constant 0 : index
    %get3A_491 = arith.constant 0 : index
    %get3A_492 = vector.load %arg15[%get3A_490, %get3A_491] : memref<64x10xf32, #tpu.memory_space<vmem>>, vector<64x10xf32>
    %dot_general3A_493 = arith.constant dense<0.000000e+00> : vector<1x10xf32>
    %dot_general3A_494 = tpu.matmul %max3A_489, %get3A_492, %dot_general3A_493 {dimension_numbers = #tpu.dot_dimension_numbers<[1], [0], [0], [1], [0, 0, 1, 1], [], []>, transpose_lhs_hint = false} : vector<1x64xf32>, vector<64x10xf32>, vector<1x10xf32> -> vector<1x10xf32>
    %get3A_495 = arith.constant 0 : index
    %get3A_496 = arith.constant 0 : index
    %get3A_497 = vector.load %arg16[%get3A_495, %get3A_496] : memref<1x10xf32, #tpu.memory_space<vmem>>, vector<1x10xf32>
    %add3A_498 = arith.addf %dot_general3A_494, %get3A_497 : vector<1x10xf32>
    %reduce_max3A_499 = arith.constant dense<0xFF800000> : vector<1xf32>
    %reduce_max3A_500 = vector.multi_reduction <maximumf>, %add3A_498, %reduce_max3A_499 [1] : vector<1x10xf32> to vector<1xf32>
    %broadcast_in_dim3A_501 = vector.shape_cast %reduce_max3A_500 : vector<1xf32> to vector<1x1xf32>
    %sub3A_502 = vector.broadcast %broadcast_in_dim3A_501 : vector<1x1xf32> to vector<1x10xf32>
    %sub3A_503 = arith.subf %add3A_498, %sub3A_502 : vector<1x10xf32>
    %exp3A_504 = math.exp %sub3A_503 : vector<1x10xf32>
    %reduce_sum3A_505 = arith.constant dense<0.000000e+00> : vector<1xf32>
    %reduce_sum3A_506 = vector.multi_reduction <add>, %exp3A_504, %reduce_sum3A_505 [1] : vector<1x10xf32> to vector<1xf32>
    %broadcast_in_dim3A_507 = vector.shape_cast %reduce_sum3A_506 : vector<1xf32> to vector<1x1xf32>
    %log3A_508 = math.log %broadcast_in_dim3A_507 : vector<1x1xf32>
    %sub3A_509 = vector.broadcast %broadcast_in_dim3A_501 : vector<1x1xf32> to vector<1x10xf32>
    %sub3A_510 = arith.subf %add3A_498, %sub3A_509 : vector<1x10xf32>
    %sub3A_511 = vector.broadcast %log3A_508 : vector<1x1xf32> to vector<1x10xf32>
    %sub3A_512 = arith.subf %sub3A_510, %sub3A_511 : vector<1x10xf32>
    %swap3A_513 = arith.constant 0 : index
    %swap3A_514 = arith.constant 3 : index
    %swap3A_515 = arith.constant 0 : index
    %swap3A_516 = vector.load %arg17[%swap3A_513, %swap3A_514, %swap3A_515] : memref<1x10x10xf32, #tpu.memory_space<vmem>>, vector<1x1x10xf32>
    %swap3A_517 = vector.shape_cast %swap3A_516 : vector<1x1x10xf32> to vector<1x10xf32>
    %swap3A_518 = vector.shape_cast %sub3A_512 : vector<1x10xf32> to vector<1x1x10xf32>
    tpu.vector_store %arg17[%swap3A_513, %swap3A_514, %swap3A_515], %swap3A_518 {strides = array<i32>} : memref<1x10x10xf32, #tpu.memory_space<vmem>>, vector<1x1x10xf32>,
    %slice3A_519 = vector.extract_strided_slice %tanh3A {offsets = [400, 0], sizes = [100, 1], strides = [1, 1]} : vector<1000x1xf32> to vector<100x1xf32>
    %squeeze3A_520 = vector.shape_cast %slice3A_519 : vector<100x1xf32> to vector<100xf32>
    %slice3A_521 = vector.extract_strided_slice %max3A_28 {offsets = [400, 0], sizes = [100, 128], strides = [1, 1]} : vector<1000x128xf32> to vector<100x128xf32>
    %get3A_522 = arith.constant 0 : index
    %get3A_523 = arith.constant 4 : index
    %get3A_524 = arith.constant 0 : index
    %get3A_525 = vector.load %arg8[%get3A_522, %get3A_523, %get3A_524] : memref<1x10x100xi32, #tpu.memory_space<vmem>>, vector<1x1x100xi32>
    %get3A_526 = vector.shape_cast %get3A_525 : vector<1x1x100xi32> to vector<100xi32>
    %lt3A_527 = arith.constant 100 : i32
    %lt3A_528 = vector.broadcast %lt3A_527 : i32 to vector<100xi32>
    %lt3A_529 = arith.cmpi slt, %get3A_526, %lt3A_528 : vector<100xi32>
    %jit3A_530 = arith.constant -3.000000e+38 : f32
    %broadcast_in_dim3A_531 = vector.broadcast %jit3A_530 : f32 to vector<100xf32>
    %select_n3A_532 = arith.select %lt3A_529, %squeeze3A_520, %broadcast_in_dim3A_531 : vector<100xi1>, vector<100xf32>
    %broadcast_in_dim3A_533 = vector.shape_cast %select_n3A_532 : vector<100xf32> to vector<100x1xf32>
    %broadcast_in_dim3A_534 = vector.shape_cast %select_n3A_532 : vector<100xf32> to vector<1x100xf32>
    %broadcast_in_dim3A_535 = vector.shape_cast %get3A_526 : vector<100xi32> to vector<100x1xi32>
    %broadcast_in_dim3A_536 = vector.shape_cast %get3A_526 : vector<100xi32> to vector<1x100xi32>
    %gt3A_537 = vector.broadcast %broadcast_in_dim3A_534 : vector<1x100xf32> to vector<100x100xf32>
    %gt3A_538 = vector.broadcast %broadcast_in_dim3A_533 : vector<100x1xf32> to vector<100x100xf32>
    %gt3A_539 = arith.cmpf ogt, %gt3A_537, %gt3A_538 : vector<100x100xf32>
    %eq3A_540 = vector.broadcast %broadcast_in_dim3A_534 : vector<1x100xf32> to vector<100x100xf32>
    %eq3A_541 = vector.broadcast %broadcast_in_dim3A_533 : vector<100x1xf32> to vector<100x100xf32>
    %eq3A_542 = arith.cmpf oeq, %eq3A_540, %eq3A_541 : vector<100x100xf32>
    %lt3A_543 = vector.broadcast %broadcast_in_dim3A_536 : vector<1x100xi32> to vector<100x100xi32>
    %lt3A_544 = vector.broadcast %broadcast_in_dim3A_535 : vector<100x1xi32> to vector<100x100xi32>
    %lt3A_545 = arith.cmpi slt, %lt3A_543, %lt3A_544 : vector<100x100xi32>
    %and3A_546 = arith.andi %eq3A_542, %lt3A_545 : vector<100x100xi1>
    %or3A_547 = arith.ori %gt3A_539, %and3A_546 : vector<100x100xi1>
    %convert_element_type3A_548 = arith.extui %or3A_547 : vector<100x100xi1> to vector<100x100xi32>
    %convert_element_type3A_549 = arith.sitofp %convert_element_type3A_548 : vector<100x100xi32> to vector<100x100xf32>
    %reduce_sum3A_550 = arith.constant dense<0.000000e+00> : vector<100xf32>
    %reduce_sum3A_551 = vector.multi_reduction <add>, %convert_element_type3A_549, %reduce_sum3A_550 [1] : vector<100x100xf32> to vector<100xf32>
    %convert_element_type3A_552 = arith.fptosi %reduce_sum3A_551 : vector<100xf32> to vector<100xi32>
    %lt3A_553 = arith.constant 13 : i32
    %lt3A_554 = vector.broadcast %lt3A_553 : i32 to vector<100xi32>
    %lt3A_555 = arith.cmpi slt, %convert_element_type3A_552, %lt3A_554 : vector<100xi32>
    %and3A_556 = arith.andi %lt3A_555, %lt3A_529 : vector<100xi1>
    %jit3A_557 = arith.constant 0.000000e+00 : f32
    %broadcast_in_dim3A_558 = vector.broadcast %jit3A_557 : f32 to vector<100xf32>
    %select_n3A_559 = arith.select %and3A_556, %squeeze3A_520, %broadcast_in_dim3A_558 : vector<100xi1>, vector<100xf32>
    %broadcast_in_dim3A_560 = vector.shape_cast %select_n3A_559 : vector<100xf32> to vector<100x1xf32>
    %mul3A_561 = vector.broadcast %broadcast_in_dim3A_560 : vector<100x1xf32> to vector<100x128xf32>
    %mul3A_562 = arith.mulf %slice3A_521, %mul3A_561 : vector<100x128xf32>
    %broadcast_in_dim3A_563 = vector.shape_cast %and3A_556 : vector<100xi1> to vector<100x1xi1>
    %jit3A_564 = arith.constant -3.000000e+38 : f32
    %broadcast_in_dim3A_565 = vector.shape_cast %broadcast_in_dim3A_563 : vector<100x1xi1> to vector<100x1xi1>
    %broadcast_in_dim3A_566 = vector.broadcast %broadcast_in_dim3A_565 : vector<100x1xi1> to vector<100x128xi1>
    %broadcast_in_dim3A_567 = vector.broadcast %jit3A_564 : f32 to vector<100x128xf32>
    %select_n3A_568 = arith.select %broadcast_in_dim3A_566, %mul3A_562, %broadcast_in_dim3A_567 : vector<100x128xi1>, vector<100x128xf32>
    %reduce_max3A_569 = arith.constant dense<0xFF800000> : vector<128xf32>
    %reduce_max3A_570 = vector.multi_reduction <maximumf>, %select_n3A_568, %reduce_max3A_569 [0] : vector<100x128xf32> to vector<128xf32>
    %reduce_sum3A_571 = arith.constant dense<0.000000e+00> : vector<128xf32>
    %reduce_sum3A_572 = vector.multi_reduction <add>, %mul3A_562, %reduce_sum3A_571 [0] : vector<100x128xf32> to vector<128xf32>
    %div3A_573 = arith.constant 1.300000e+01 : f32
    %div3A_574 = vector.broadcast %div3A_573 : f32 to vector<128xf32>
    %div3A_575 = arith.divf %reduce_sum3A_572, %div3A_574 : vector<128xf32>
    %get3A_576 = arith.constant 0 : index
    %get3A_577 = arith.constant 4 : index
    %get3A_578 = arith.constant 0 : index
    %get3A_579 = vector.load %arg9[%get3A_576, %get3A_577, %get3A_578] : memref<1x10x256xf32, #tpu.memory_space<vmem>>, vector<1x1x256xf32>
    %get3A_580 = vector.shape_cast %get3A_579 : vector<1x1x256xf32> to vector<1x256xf32>
    %get3A_581 = arith.constant 0 : index
    %get3A_582 = arith.constant 4 : index
    %get3A_583 = arith.constant 0 : index
    %get3A_584 = vector.load %arg10[%get3A_581, %get3A_582, %get3A_583] : memref<1x10x256xf32, #tpu.memory_space<vmem>>, vector<1x1x256xf32>
    %get3A_585 = vector.shape_cast %get3A_584 : vector<1x1x256xf32> to vector<1x256xf32>
    %add3A_586 = arith.addf %get3A_580, %get3A_585 : vector<1x256xf32>
    %broadcast_in_dim3A_587 = vector.shape_cast %reduce_max3A_570 : vector<128xf32> to vector<1x128xf32>
    %broadcast_in_dim3A_588 = vector.shape_cast %div3A_575 : vector<128xf32> to vector<1x128xf32>
    %concatenate3A_589 = tpu.concatenate %broadcast_in_dim3A_587, %broadcast_in_dim3A_588 in 1 : vector<1x128xf32>, vector<1x128xf32> -> vector<1x256xf32>
    %add3A_590 = arith.addf %add3A_586, %concatenate3A_589 : vector<1x256xf32>
    %get3A_591 = arith.constant 0 : index
    %get3A_592 = arith.constant 0 : index
    %get3A_593 = vector.load %arg11[%get3A_591, %get3A_592] : memref<256x128xf32, #tpu.memory_space<vmem>>, vector<256x128xf32>
    %dot_general3A_594 = arith.constant dense<0.000000e+00> : vector<1x128xf32>
    %dot_general3A_595 = tpu.matmul %add3A_590, %get3A_593, %dot_general3A_594 {dimension_numbers = #tpu.dot_dimension_numbers<[1], [0], [0], [1], [0, 0, 1, 1], [], []>, transpose_lhs_hint = false} : vector<1x256xf32>, vector<256x128xf32>, vector<1x128xf32> -> vector<1x128xf32>
    %get3A_596 = arith.constant 0 : index
    %get3A_597 = arith.constant 0 : index
    %get3A_598 = vector.load %arg12[%get3A_596, %get3A_597] : memref<1x128xf32, #tpu.memory_space<vmem>>, vector<1x128xf32>
    %add3A_599 = arith.addf %dot_general3A_595, %get3A_598 : vector<1x128xf32>
    %max3A_600 = arith.constant 0.000000e+00 : f32
    %max3A_601 = vector.broadcast %max3A_600 : f32 to vector<1x128xf32>
    %max3A_602 = arith.maximumf %add3A_599, %max3A_601 : vector<1x128xf32>
    %get3A_603 = arith.constant 0 : index
    %get3A_604 = arith.constant 0 : index
    %get3A_605 = vector.load %arg13[%get3A_603, %get3A_604] : memref<128x64xf32, #tpu.memory_space<vmem>>, vector<128x64xf32>
    %dot_general3A_606 = arith.constant dense<0.000000e+00> : vector<1x64xf32>
    %dot_general3A_607 = tpu.matmul %max3A_602, %get3A_605, %dot_general3A_606 {dimension_numbers = #tpu.dot_dimension_numbers<[1], [0], [0], [1], [0, 0, 1, 1], [], []>, transpose_lhs_hint = false} : vector<1x128xf32>, vector<128x64xf32>, vector<1x64xf32> -> vector<1x64xf32>
    %get3A_608 = arith.constant 0 : index
    %get3A_609 = arith.constant 0 : index
    %get3A_610 = vector.load %arg14[%get3A_608, %get3A_609] : memref<1x64xf32, #tpu.memory_space<vmem>>, vector<1x64xf32>
    %add3A_611 = arith.addf %dot_general3A_607, %get3A_610 : vector<1x64xf32>
    %max3A_612 = arith.constant 0.000000e+00 : f32
    %max3A_613 = vector.broadcast %max3A_612 : f32 to vector<1x64xf32>
    %max3A_614 = arith.maximumf %add3A_611, %max3A_613 : vector<1x64xf32>
    %get3A_615 = arith.constant 0 : index
    %get3A_616 = arith.constant 0 : index
    %get3A_617 = vector.load %arg15[%get3A_615, %get3A_616] : memref<64x10xf32, #tpu.memory_space<vmem>>, vector<64x10xf32>
    %dot_general3A_618 = arith.constant dense<0.000000e+00> : vector<1x10xf32>
    %dot_general3A_619 = tpu.matmul %max3A_614, %get3A_617, %dot_general3A_618 {dimension_numbers = #tpu.dot_dimension_numbers<[1], [0], [0], [1], [0, 0, 1, 1], [], []>, transpose_lhs_hint = false} : vector<1x64xf32>, vector<64x10xf32>, vector<1x10xf32> -> vector<1x10xf32>
    %get3A_620 = arith.constant 0 : index
    %get3A_621 = arith.constant 0 : index
    %get3A_622 = vector.load %arg16[%get3A_620, %get3A_621] : memref<1x10xf32, #tpu.memory_space<vmem>>, vector<1x10xf32>
    %add3A_623 = arith.addf %dot_general3A_619, %get3A_622 : vector<1x10xf32>
    %reduce_max3A_624 = arith.constant dense<0xFF800000> : vector<1xf32>
    %reduce_max3A_625 = vector.multi_reduction <maximumf>, %add3A_623, %reduce_max3A_624 [1] : vector<1x10xf32> to vector<1xf32>
    %broadcast_in_dim3A_626 = vector.shape_cast %reduce_max3A_625 : vector<1xf32> to vector<1x1xf32>
    %sub3A_627 = vector.broadcast %broadcast_in_dim3A_626 : vector<1x1xf32> to vector<1x10xf32>
    %sub3A_628 = arith.subf %add3A_623, %sub3A_627 : vector<1x10xf32>
    %exp3A_629 = math.exp %sub3A_628 : vector<1x10xf32>
    %reduce_sum3A_630 = arith.constant dense<0.000000e+00> : vector<1xf32>
    %reduce_sum3A_631 = vector.multi_reduction <add>, %exp3A_629, %reduce_sum3A_630 [1] : vector<1x10xf32> to vector<1xf32>
    %broadcast_in_dim3A_632 = vector.shape_cast %reduce_sum3A_631 : vector<1xf32> to vector<1x1xf32>
    %log3A_633 = math.log %broadcast_in_dim3A_632 : vector<1x1xf32>
    %sub3A_634 = vector.broadcast %broadcast_in_dim3A_626 : vector<1x1xf32> to vector<1x10xf32>
    %sub3A_635 = arith.subf %add3A_623, %sub3A_634 : vector<1x10xf32>
    %sub3A_636 = vector.broadcast %log3A_633 : vector<1x1xf32> to vector<1x10xf32>
    %sub3A_637 = arith.subf %sub3A_635, %sub3A_636 : vector<1x10xf32>
    %swap3A_638 = arith.constant 0 : index
    %swap3A_639 = arith.constant 4 : index
    %swap3A_640 = arith.constant 0 : index
    %swap3A_641 = vector.load %arg17[%swap3A_638, %swap3A_639, %swap3A_640] : memref<1x10x10xf32, #tpu.memory_space<vmem>>, vector<1x1x10xf32>
    %swap3A_642 = vector.shape_cast %swap3A_641 : vector<1x1x10xf32> to vector<1x10xf32>
    %swap3A_643 = vector.shape_cast %sub3A_637 : vector<1x10xf32> to vector<1x1x10xf32>
    tpu.vector_store %arg17[%swap3A_638, %swap3A_639, %swap3A_640], %swap3A_643 {strides = array<i32>} : memref<1x10x10xf32, #tpu.memory_space<vmem>>, vector<1x1x10xf32>,
    %slice3A_644 = vector.extract_strided_slice %tanh3A {offsets = [500, 0], sizes = [100, 1], strides = [1, 1]} : vector<1000x1xf32> to vector<100x1xf32>
    %squeeze3A_645 = vector.shape_cast %slice3A_644 : vector<100x1xf32> to vector<100xf32>
    %slice3A_646 = vector.extract_strided_slice %max3A_28 {offsets = [500, 0], sizes = [100, 128], strides = [1, 1]} : vector<1000x128xf32> to vector<100x128xf32>
    %get3A_647 = arith.constant 0 : index
    %get3A_648 = arith.constant 5 : index
    %get3A_649 = arith.constant 0 : index
    %get3A_650 = vector.load %arg8[%get3A_647, %get3A_648, %get3A_649] : memref<1x10x100xi32, #tpu.memory_space<vmem>>, vector<1x1x100xi32>
    %get3A_651 = vector.shape_cast %get3A_650 : vector<1x1x100xi32> to vector<100xi32>
    %lt3A_652 = arith.constant 100 : i32
    %lt3A_653 = vector.broadcast %lt3A_652 : i32 to vector<100xi32>
    %lt3A_654 = arith.cmpi slt, %get3A_651, %lt3A_653 : vector<100xi32>
    %jit3A_655 = arith.constant -3.000000e+38 : f32
    %broadcast_in_dim3A_656 = vector.broadcast %jit3A_655 : f32 to vector<100xf32>
    %select_n3A_657 = arith.select %lt3A_654, %squeeze3A_645, %broadcast_in_dim3A_656 : vector<100xi1>, vector<100xf32>
    %broadcast_in_dim3A_658 = vector.shape_cast %select_n3A_657 : vector<100xf32> to vector<100x1xf32>
    %broadcast_in_dim3A_659 = vector.shape_cast %select_n3A_657 : vector<100xf32> to vector<1x100xf32>
    %broadcast_in_dim3A_660 = vector.shape_cast %get3A_651 : vector<100xi32> to vector<100x1xi32>
    %broadcast_in_dim3A_661 = vector.shape_cast %get3A_651 : vector<100xi32> to vector<1x100xi32>
    %gt3A_662 = vector.broadcast %broadcast_in_dim3A_659 : vector<1x100xf32> to vector<100x100xf32>
    %gt3A_663 = vector.broadcast %broadcast_in_dim3A_658 : vector<100x1xf32> to vector<100x100xf32>
    %gt3A_664 = arith.cmpf ogt, %gt3A_662, %gt3A_663 : vector<100x100xf32>
    %eq3A_665 = vector.broadcast %broadcast_in_dim3A_659 : vector<1x100xf32> to vector<100x100xf32>
    %eq3A_666 = vector.broadcast %broadcast_in_dim3A_658 : vector<100x1xf32> to vector<100x100xf32>
    %eq3A_667 = arith.cmpf oeq, %eq3A_665, %eq3A_666 : vector<100x100xf32>
    %lt3A_668 = vector.broadcast %broadcast_in_dim3A_661 : vector<1x100xi32> to vector<100x100xi32>
    %lt3A_669 = vector.broadcast %broadcast_in_dim3A_660 : vector<100x1xi32> to vector<100x100xi32>
    %lt3A_670 = arith.cmpi slt, %lt3A_668, %lt3A_669 : vector<100x100xi32>
    %and3A_671 = arith.andi %eq3A_667, %lt3A_670 : vector<100x100xi1>
    %or3A_672 = arith.ori %gt3A_664, %and3A_671 : vector<100x100xi1>
    %convert_element_type3A_673 = arith.extui %or3A_672 : vector<100x100xi1> to vector<100x100xi32>
    %convert_element_type3A_674 = arith.sitofp %convert_element_type3A_673 : vector<100x100xi32> to vector<100x100xf32>
    %reduce_sum3A_675 = arith.constant dense<0.000000e+00> : vector<100xf32>
    %reduce_sum3A_676 = vector.multi_reduction <add>, %convert_element_type3A_674, %reduce_sum3A_675 [1] : vector<100x100xf32> to vector<100xf32>
    %convert_element_type3A_677 = arith.fptosi %reduce_sum3A_676 : vector<100xf32> to vector<100xi32>
    %lt3A_678 = arith.constant 13 : i32
    %lt3A_679 = vector.broadcast %lt3A_678 : i32 to vector<100xi32>
    %lt3A_680 = arith.cmpi slt, %convert_element_type3A_677, %lt3A_679 : vector<100xi32>
    %and3A_681 = arith.andi %lt3A_680, %lt3A_654 : vector<100xi1>
    %jit3A_682 = arith.constant 0.000000e+00 : f32
    %broadcast_in_dim3A_683 = vector.broadcast %jit3A_682 : f32 to vector<100xf32>
    %select_n3A_684 = arith.select %and3A_681, %squeeze3A_645, %broadcast_in_dim3A_683 : vector<100xi1>, vector<100xf32>
    %broadcast_in_dim3A_685 = vector.shape_cast %select_n3A_684 : vector<100xf32> to vector<100x1xf32>
    %mul3A_686 = vector.broadcast %broadcast_in_dim3A_685 : vector<100x1xf32> to vector<100x128xf32>
    %mul3A_687 = arith.mulf %slice3A_646, %mul3A_686 : vector<100x128xf32>
    %broadcast_in_dim3A_688 = vector.shape_cast %and3A_681 : vector<100xi1> to vector<100x1xi1>
    %jit3A_689 = arith.constant -3.000000e+38 : f32
    %broadcast_in_dim3A_690 = vector.shape_cast %broadcast_in_dim3A_688 : vector<100x1xi1> to vector<100x1xi1>
    %broadcast_in_dim3A_691 = vector.broadcast %broadcast_in_dim3A_690 : vector<100x1xi1> to vector<100x128xi1>
    %broadcast_in_dim3A_692 = vector.broadcast %jit3A_689 : f32 to vector<100x128xf32>
    %select_n3A_693 = arith.select %broadcast_in_dim3A_691, %mul3A_687, %broadcast_in_dim3A_692 : vector<100x128xi1>, vector<100x128xf32>
    %reduce_max3A_694 = arith.constant dense<0xFF800000> : vector<128xf32>
    %reduce_max3A_695 = vector.multi_reduction <maximumf>, %select_n3A_693, %reduce_max3A_694 [0] : vector<100x128xf32> to vector<128xf32>
    %reduce_sum3A_696 = arith.constant dense<0.000000e+00> : vector<128xf32>
    %reduce_sum3A_697 = vector.multi_reduction <add>, %mul3A_687, %reduce_sum3A_696 [0] : vector<100x128xf32> to vector<128xf32>
    %div3A_698 = arith.constant 1.300000e+01 : f32
    %div3A_699 = vector.broadcast %div3A_698 : f32 to vector<128xf32>
    %div3A_700 = arith.divf %reduce_sum3A_697, %div3A_699 : vector<128xf32>
    %get3A_701 = arith.constant 0 : index
    %get3A_702 = arith.constant 5 : index
    %get3A_703 = arith.constant 0 : index
    %get3A_704 = vector.load %arg9[%get3A_701, %get3A_702, %get3A_703] : memref<1x10x256xf32, #tpu.memory_space<vmem>>, vector<1x1x256xf32>
    %get3A_705 = vector.shape_cast %get3A_704 : vector<1x1x256xf32> to vector<1x256xf32>
    %get3A_706 = arith.constant 0 : index
    %get3A_707 = arith.constant 5 : index
    %get3A_708 = arith.constant 0 : index
    %get3A_709 = vector.load %arg10[%get3A_706, %get3A_707, %get3A_708] : memref<1x10x256xf32, #tpu.memory_space<vmem>>, vector<1x1x256xf32>
    %get3A_710 = vector.shape_cast %get3A_709 : vector<1x1x256xf32> to vector<1x256xf32>
    %add3A_711 = arith.addf %get3A_705, %get3A_710 : vector<1x256xf32>
    %broadcast_in_dim3A_712 = vector.shape_cast %reduce_max3A_695 : vector<128xf32> to vector<1x128xf32>
    %broadcast_in_dim3A_713 = vector.shape_cast %div3A_700 : vector<128xf32> to vector<1x128xf32>
    %concatenate3A_714 = tpu.concatenate %broadcast_in_dim3A_712, %broadcast_in_dim3A_713 in 1 : vector<1x128xf32>, vector<1x128xf32> -> vector<1x256xf32>
    %add3A_715 = arith.addf %add3A_711, %concatenate3A_714 : vector<1x256xf32>
    %get3A_716 = arith.constant 0 : index
    %get3A_717 = arith.constant 0 : index
    %get3A_718 = vector.load %arg11[%get3A_716, %get3A_717] : memref<256x128xf32, #tpu.memory_space<vmem>>, vector<256x128xf32>
    %dot_general3A_719 = arith.constant dense<0.000000e+00> : vector<1x128xf32>
    %dot_general3A_720 = tpu.matmul %add3A_715, %get3A_718, %dot_general3A_719 {dimension_numbers = #tpu.dot_dimension_numbers<[1], [0], [0], [1], [0, 0, 1, 1], [], []>, transpose_lhs_hint = false} : vector<1x256xf32>, vector<256x128xf32>, vector<1x128xf32> -> vector<1x128xf32>
    %get3A_721 = arith.constant 0 : index
    %get3A_722 = arith.constant 0 : index
    %get3A_723 = vector.load %arg12[%get3A_721, %get3A_722] : memref<1x128xf32, #tpu.memory_space<vmem>>, vector<1x128xf32>
    %add3A_724 = arith.addf %dot_general3A_720, %get3A_723 : vector<1x128xf32>
    %max3A_725 = arith.constant 0.000000e+00 : f32
    %max3A_726 = vector.broadcast %max3A_725 : f32 to vector<1x128xf32>
    %max3A_727 = arith.maximumf %add3A_724, %max3A_726 : vector<1x128xf32>
    %get3A_728 = arith.constant 0 : index
    %get3A_729 = arith.constant 0 : index
    %get3A_730 = vector.load %arg13[%get3A_728, %get3A_729] : memref<128x64xf32, #tpu.memory_space<vmem>>, vector<128x64xf32>
    %dot_general3A_731 = arith.constant dense<0.000000e+00> : vector<1x64xf32>
    %dot_general3A_732 = tpu.matmul %max3A_727, %get3A_730, %dot_general3A_731 {dimension_numbers = #tpu.dot_dimension_numbers<[1], [0], [0], [1], [0, 0, 1, 1], [], []>, transpose_lhs_hint = false} : vector<1x128xf32>, vector<128x64xf32>, vector<1x64xf32> -> vector<1x64xf32>
    %get3A_733 = arith.constant 0 : index
    %get3A_734 = arith.constant 0 : index
    %get3A_735 = vector.load %arg14[%get3A_733, %get3A_734] : memref<1x64xf32, #tpu.memory_space<vmem>>, vector<1x64xf32>
    %add3A_736 = arith.addf %dot_general3A_732, %get3A_735 : vector<1x64xf32>
    %max3A_737 = arith.constant 0.000000e+00 : f32
    %max3A_738 = vector.broadcast %max3A_737 : f32 to vector<1x64xf32>
    %max3A_739 = arith.maximumf %add3A_736, %max3A_738 : vector<1x64xf32>
    %get3A_740 = arith.constant 0 : index
    %get3A_741 = arith.constant 0 : index
    %get3A_742 = vector.load %arg15[%get3A_740, %get3A_741] : memref<64x10xf32, #tpu.memory_space<vmem>>, vector<64x10xf32>
    %dot_general3A_743 = arith.constant dense<0.000000e+00> : vector<1x10xf32>
    %dot_general3A_744 = tpu.matmul %max3A_739, %get3A_742, %dot_general3A_743 {dimension_numbers = #tpu.dot_dimension_numbers<[1], [0], [0], [1], [0, 0, 1, 1], [], []>, transpose_lhs_hint = false} : vector<1x64xf32>, vector<64x10xf32>, vector<1x10xf32> -> vector<1x10xf32>
    %get3A_745 = arith.constant 0 : index
    %get3A_746 = arith.constant 0 : index
    %get3A_747 = vector.load %arg16[%get3A_745, %get3A_746] : memref<1x10xf32, #tpu.memory_space<vmem>>, vector<1x10xf32>
    %add3A_748 = arith.addf %dot_general3A_744, %get3A_747 : vector<1x10xf32>
    %reduce_max3A_749 = arith.constant dense<0xFF800000> : vector<1xf32>
    %reduce_max3A_750 = vector.multi_reduction <maximumf>, %add3A_748, %reduce_max3A_749 [1] : vector<1x10xf32> to vector<1xf32>
    %broadcast_in_dim3A_751 = vector.shape_cast %reduce_max3A_750 : vector<1xf32> to vector<1x1xf32>
    %sub3A_752 = vector.broadcast %broadcast_in_dim3A_751 : vector<1x1xf32> to vector<1x10xf32>
    %sub3A_753 = arith.subf %add3A_748, %sub3A_752 : vector<1x10xf32>
    %exp3A_754 = math.exp %sub3A_753 : vector<1x10xf32>
    %reduce_sum3A_755 = arith.constant dense<0.000000e+00> : vector<1xf32>
    %reduce_sum3A_756 = vector.multi_reduction <add>, %exp3A_754, %reduce_sum3A_755 [1] : vector<1x10xf32> to vector<1xf32>
    %broadcast_in_dim3A_757 = vector.shape_cast %reduce_sum3A_756 : vector<1xf32> to vector<1x1xf32>
    %log3A_758 = math.log %broadcast_in_dim3A_757 : vector<1x1xf32>
    %sub3A_759 = vector.broadcast %broadcast_in_dim3A_751 : vector<1x1xf32> to vector<1x10xf32>
    %sub3A_760 = arith.subf %add3A_748, %sub3A_759 : vector<1x10xf32>
    %sub3A_761 = vector.broadcast %log3A_758 : vector<1x1xf32> to vector<1x10xf32>
    %sub3A_762 = arith.subf %sub3A_760, %sub3A_761 : vector<1x10xf32>
    %swap3A_763 = arith.constant 0 : index
    %swap3A_764 = arith.constant 5 : index
    %swap3A_765 = arith.constant 0 : index
    %swap3A_766 = vector.load %arg17[%swap3A_763, %swap3A_764, %swap3A_765] : memref<1x10x10xf32, #tpu.memory_space<vmem>>, vector<1x1x10xf32>
    %swap3A_767 = vector.shape_cast %swap3A_766 : vector<1x1x10xf32> to vector<1x10xf32>
    %swap3A_768 = vector.shape_cast %sub3A_762 : vector<1x10xf32> to vector<1x1x10xf32>
    tpu.vector_store %arg17[%swap3A_763, %swap3A_764, %swap3A_765], %swap3A_768 {strides = array<i32>} : memref<1x10x10xf32, #tpu.memory_space<vmem>>, vector<1x1x10xf32>,
    %slice3A_769 = vector.extract_strided_slice %tanh3A {offsets = [600, 0], sizes = [100, 1], strides = [1, 1]} : vector<1000x1xf32> to vector<100x1xf32>
    %squeeze3A_770 = vector.shape_cast %slice3A_769 : vector<100x1xf32> to vector<100xf32>
    %slice3A_771 = vector.extract_strided_slice %max3A_28 {offsets = [600, 0], sizes = [100, 128], strides = [1, 1]} : vector<1000x128xf32> to vector<100x128xf32>
    %get3A_772 = arith.constant 0 : index
    %get3A_773 = arith.constant 6 : index
    %get3A_774 = arith.constant 0 : index
    %get3A_775 = vector.load %arg8[%get3A_772, %get3A_773, %get3A_774] : memref<1x10x100xi32, #tpu.memory_space<vmem>>, vector<1x1x100xi32>
    %get3A_776 = vector.shape_cast %get3A_775 : vector<1x1x100xi32> to vector<100xi32>
    %lt3A_777 = arith.constant 100 : i32
    %lt3A_778 = vector.broadcast %lt3A_777 : i32 to vector<100xi32>
    %lt3A_779 = arith.cmpi slt, %get3A_776, %lt3A_778 : vector<100xi32>
    %jit3A_780 = arith.constant -3.000000e+38 : f32
    %broadcast_in_dim3A_781 = vector.broadcast %jit3A_780 : f32 to vector<100xf32>
    %select_n3A_782 = arith.select %lt3A_779, %squeeze3A_770, %broadcast_in_dim3A_781 : vector<100xi1>, vector<100xf32>
    %broadcast_in_dim3A_783 = vector.shape_cast %select_n3A_782 : vector<100xf32> to vector<100x1xf32>
    %broadcast_in_dim3A_784 = vector.shape_cast %select_n3A_782 : vector<100xf32> to vector<1x100xf32>
    %broadcast_in_dim3A_785 = vector.shape_cast %get3A_776 : vector<100xi32> to vector<100x1xi32>
    %broadcast_in_dim3A_786 = vector.shape_cast %get3A_776 : vector<100xi32> to vector<1x100xi32>
    %gt3A_787 = vector.broadcast %broadcast_in_dim3A_784 : vector<1x100xf32> to vector<100x100xf32>
    %gt3A_788 = vector.broadcast %broadcast_in_dim3A_783 : vector<100x1xf32> to vector<100x100xf32>
    %gt3A_789 = arith.cmpf ogt, %gt3A_787, %gt3A_788 : vector<100x100xf32>
    %eq3A_790 = vector.broadcast %broadcast_in_dim3A_784 : vector<1x100xf32> to vector<100x100xf32>
    %eq3A_791 = vector.broadcast %broadcast_in_dim3A_783 : vector<100x1xf32> to vector<100x100xf32>
    %eq3A_792 = arith.cmpf oeq, %eq3A_790, %eq3A_791 : vector<100x100xf32>
    %lt3A_793 = vector.broadcast %broadcast_in_dim3A_786 : vector<1x100xi32> to vector<100x100xi32>
    %lt3A_794 = vector.broadcast %broadcast_in_dim3A_785 : vector<100x1xi32> to vector<100x100xi32>
    %lt3A_795 = arith.cmpi slt, %lt3A_793, %lt3A_794 : vector<100x100xi32>
    %and3A_796 = arith.andi %eq3A_792, %lt3A_795 : vector<100x100xi1>
    %or3A_797 = arith.ori %gt3A_789, %and3A_796 : vector<100x100xi1>
    %convert_element_type3A_798 = arith.extui %or3A_797 : vector<100x100xi1> to vector<100x100xi32>
    %convert_element_type3A_799 = arith.sitofp %convert_element_type3A_798 : vector<100x100xi32> to vector<100x100xf32>
    %reduce_sum3A_800 = arith.constant dense<0.000000e+00> : vector<100xf32>
    %reduce_sum3A_801 = vector.multi_reduction <add>, %convert_element_type3A_799, %reduce_sum3A_800 [1] : vector<100x100xf32> to vector<100xf32>
    %convert_element_type3A_802 = arith.fptosi %reduce_sum3A_801 : vector<100xf32> to vector<100xi32>
    %lt3A_803 = arith.constant 13 : i32
    %lt3A_804 = vector.broadcast %lt3A_803 : i32 to vector<100xi32>
    %lt3A_805 = arith.cmpi slt, %convert_element_type3A_802, %lt3A_804 : vector<100xi32>
    %and3A_806 = arith.andi %lt3A_805, %lt3A_779 : vector<100xi1>
    %jit3A_807 = arith.constant 0.000000e+00 : f32
    %broadcast_in_dim3A_808 = vector.broadcast %jit3A_807 : f32 to vector<100xf32>
    %select_n3A_809 = arith.select %and3A_806, %squeeze3A_770, %broadcast_in_dim3A_808 : vector<100xi1>, vector<100xf32>
    %broadcast_in_dim3A_810 = vector.shape_cast %select_n3A_809 : vector<100xf32> to vector<100x1xf32>
    %mul3A_811 = vector.broadcast %broadcast_in_dim3A_810 : vector<100x1xf32> to vector<100x128xf32>
    %mul3A_812 = arith.mulf %slice3A_771, %mul3A_811 : vector<100x128xf32>
    %broadcast_in_dim3A_813 = vector.shape_cast %and3A_806 : vector<100xi1> to vector<100x1xi1>
    %jit3A_814 = arith.constant -3.000000e+38 : f32
    %broadcast_in_dim3A_815 = vector.shape_cast %broadcast_in_dim3A_813 : vector<100x1xi1> to vector<100x1xi1>
    %broadcast_in_dim3A_816 = vector.broadcast %broadcast_in_dim3A_815 : vector<100x1xi1> to vector<100x128xi1>
    %broadcast_in_dim3A_817 = vector.broadcast %jit3A_814 : f32 to vector<100x128xf32>
    %select_n3A_818 = arith.select %broadcast_in_dim3A_816, %mul3A_812, %broadcast_in_dim3A_817 : vector<100x128xi1>, vector<100x128xf32>
    %reduce_max3A_819 = arith.constant dense<0xFF800000> : vector<128xf32>
    %reduce_max3A_820 = vector.multi_reduction <maximumf>, %select_n3A_818, %reduce_max3A_819 [0] : vector<100x128xf32> to vector<128xf32>
    %reduce_sum3A_821 = arith.constant dense<0.000000e+00> : vector<128xf32>
    %reduce_sum3A_822 = vector.multi_reduction <add>, %mul3A_812, %reduce_sum3A_821 [0] : vector<100x128xf32> to vector<128xf32>
    %div3A_823 = arith.constant 1.300000e+01 : f32
    %div3A_824 = vector.broadcast %div3A_823 : f32 to vector<128xf32>
    %div3A_825 = arith.divf %reduce_sum3A_822, %div3A_824 : vector<128xf32>
    %get3A_826 = arith.constant 0 : index
    %get3A_827 = arith.constant 6 : index
    %get3A_828 = arith.constant 0 : index
    %get3A_829 = vector.load %arg9[%get3A_826, %get3A_827, %get3A_828] : memref<1x10x256xf32, #tpu.memory_space<vmem>>, vector<1x1x256xf32>
    %get3A_830 = vector.shape_cast %get3A_829 : vector<1x1x256xf32> to vector<1x256xf32>
    %get3A_831 = arith.constant 0 : index
    %get3A_832 = arith.constant 6 : index
    %get3A_833 = arith.constant 0 : index
    %get3A_834 = vector.load %arg10[%get3A_831, %get3A_832, %get3A_833] : memref<1x10x256xf32, #tpu.memory_space<vmem>>, vector<1x1x256xf32>
    %get3A_835 = vector.shape_cast %get3A_834 : vector<1x1x256xf32> to vector<1x256xf32>
    %add3A_836 = arith.addf %get3A_830, %get3A_835 : vector<1x256xf32>
    %broadcast_in_dim3A_837 = vector.shape_cast %reduce_max3A_820 : vector<128xf32> to vector<1x128xf32>
    %broadcast_in_dim3A_838 = vector.shape_cast %div3A_825 : vector<128xf32> to vector<1x128xf32>
    %concatenate3A_839 = tpu.concatenate %broadcast_in_dim3A_837, %broadcast_in_dim3A_838 in 1 : vector<1x128xf32>, vector<1x128xf32> -> vector<1x256xf32>
    %add3A_840 = arith.addf %add3A_836, %concatenate3A_839 : vector<1x256xf32>
    %get3A_841 = arith.constant 0 : index
    %get3A_842 = arith.constant 0 : index
    %get3A_843 = vector.load %arg11[%get3A_841, %get3A_842] : memref<256x128xf32, #tpu.memory_space<vmem>>, vector<256x128xf32>
    %dot_general3A_844 = arith.constant dense<0.000000e+00> : vector<1x128xf32>
    %dot_general3A_845 = tpu.matmul %add3A_840, %get3A_843, %dot_general3A_844 {dimension_numbers = #tpu.dot_dimension_numbers<[1], [0], [0], [1], [0, 0, 1, 1], [], []>, transpose_lhs_hint = false} : vector<1x256xf32>, vector<256x128xf32>, vector<1x128xf32> -> vector<1x128xf32>
    %get3A_846 = arith.constant 0 : index
    %get3A_847 = arith.constant 0 : index
    %get3A_848 = vector.load %arg12[%get3A_846, %get3A_847] : memref<1x128xf32, #tpu.memory_space<vmem>>, vector<1x128xf32>
    %add3A_849 = arith.addf %dot_general3A_845, %get3A_848 : vector<1x128xf32>
    %max3A_850 = arith.constant 0.000000e+00 : f32
    %max3A_851 = vector.broadcast %max3A_850 : f32 to vector<1x128xf32>
    %max3A_852 = arith.maximumf %add3A_849, %max3A_851 : vector<1x128xf32>
    %get3A_853 = arith.constant 0 : index
    %get3A_854 = arith.constant 0 : index
    %get3A_855 = vector.load %arg13[%get3A_853, %get3A_854] : memref<128x64xf32, #tpu.memory_space<vmem>>, vector<128x64xf32>
    %dot_general3A_856 = arith.constant dense<0.000000e+00> : vector<1x64xf32>
    %dot_general3A_857 = tpu.matmul %max3A_852, %get3A_855, %dot_general3A_856 {dimension_numbers = #tpu.dot_dimension_numbers<[1], [0], [0], [1], [0, 0, 1, 1], [], []>, transpose_lhs_hint = false} : vector<1x128xf32>, vector<128x64xf32>, vector<1x64xf32> -> vector<1x64xf32>
    %get3A_858 = arith.constant 0 : index
    %get3A_859 = arith.constant 0 : index
    %get3A_860 = vector.load %arg14[%get3A_858, %get3A_859] : memref<1x64xf32, #tpu.memory_space<vmem>>, vector<1x64xf32>
    %add3A_861 = arith.addf %dot_general3A_857, %get3A_860 : vector<1x64xf32>
    %max3A_862 = arith.constant 0.000000e+00 : f32
    %max3A_863 = vector.broadcast %max3A_862 : f32 to vector<1x64xf32>
    %max3A_864 = arith.maximumf %add3A_861, %max3A_863 : vector<1x64xf32>
    %get3A_865 = arith.constant 0 : index
    %get3A_866 = arith.constant 0 : index
    %get3A_867 = vector.load %arg15[%get3A_865, %get3A_866] : memref<64x10xf32, #tpu.memory_space<vmem>>, vector<64x10xf32>
    %dot_general3A_868 = arith.constant dense<0.000000e+00> : vector<1x10xf32>
    %dot_general3A_869 = tpu.matmul %max3A_864, %get3A_867, %dot_general3A_868 {dimension_numbers = #tpu.dot_dimension_numbers<[1], [0], [0], [1], [0, 0, 1, 1], [], []>, transpose_lhs_hint = false} : vector<1x64xf32>, vector<64x10xf32>, vector<1x10xf32> -> vector<1x10xf32>
    %get3A_870 = arith.constant 0 : index
    %get3A_871 = arith.constant 0 : index
    %get3A_872 = vector.load %arg16[%get3A_870, %get3A_871] : memref<1x10xf32, #tpu.memory_space<vmem>>, vector<1x10xf32>
    %add3A_873 = arith.addf %dot_general3A_869, %get3A_872 : vector<1x10xf32>
    %reduce_max3A_874 = arith.constant dense<0xFF800000> : vector<1xf32>
    %reduce_max3A_875 = vector.multi_reduction <maximumf>, %add3A_873, %reduce_max3A_874 [1] : vector<1x10xf32> to vector<1xf32>
    %broadcast_in_dim3A_876 = vector.shape_cast %reduce_max3A_875 : vector<1xf32> to vector<1x1xf32>
    %sub3A_877 = vector.broadcast %broadcast_in_dim3A_876 : vector<1x1xf32> to vector<1x10xf32>
    %sub3A_878 = arith.subf %add3A_873, %sub3A_877 : vector<1x10xf32>
    %exp3A_879 = math.exp %sub3A_878 : vector<1x10xf32>
    %reduce_sum3A_880 = arith.constant dense<0.000000e+00> : vector<1xf32>
    %reduce_sum3A_881 = vector.multi_reduction <add>, %exp3A_879, %reduce_sum3A_880 [1] : vector<1x10xf32> to vector<1xf32>
    %broadcast_in_dim3A_882 = vector.shape_cast %reduce_sum3A_881 : vector<1xf32> to vector<1x1xf32>
    %log3A_883 = math.log %broadcast_in_dim3A_882 : vector<1x1xf32>
    %sub3A_884 = vector.broadcast %broadcast_in_dim3A_876 : vector<1x1xf32> to vector<1x10xf32>
    %sub3A_885 = arith.subf %add3A_873, %sub3A_884 : vector<1x10xf32>
    %sub3A_886 = vector.broadcast %log3A_883 : vector<1x1xf32> to vector<1x10xf32>
    %sub3A_887 = arith.subf %sub3A_885, %sub3A_886 : vector<1x10xf32>
    %swap3A_888 = arith.constant 0 : index
    %swap3A_889 = arith.constant 6 : index
    %swap3A_890 = arith.constant 0 : index
    %swap3A_891 = vector.load %arg17[%swap3A_888, %swap3A_889, %swap3A_890] : memref<1x10x10xf32, #tpu.memory_space<vmem>>, vector<1x1x10xf32>
    %swap3A_892 = vector.shape_cast %swap3A_891 : vector<1x1x10xf32> to vector<1x10xf32>
    %swap3A_893 = vector.shape_cast %sub3A_887 : vector<1x10xf32> to vector<1x1x10xf32>
    tpu.vector_store %arg17[%swap3A_888, %swap3A_889, %swap3A_890], %swap3A_893 {strides = array<i32>} : memref<1x10x10xf32, #tpu.memory_space<vmem>>, vector<1x1x10xf32>,
    %slice3A_894 = vector.extract_strided_slice %tanh3A {offsets = [700, 0], sizes = [100, 1], strides = [1, 1]} : vector<1000x1xf32> to vector<100x1xf32>
    %squeeze3A_895 = vector.shape_cast %slice3A_894 : vector<100x1xf32> to vector<100xf32>
    %slice3A_896 = vector.extract_strided_slice %max3A_28 {offsets = [700, 0], sizes = [100, 128], strides = [1, 1]} : vector<1000x128xf32> to vector<100x128xf32>
    %get3A_897 = arith.constant 0 : index
    %get3A_898 = arith.constant 7 : index
    %get3A_899 = arith.constant 0 : index
    %get3A_900 = vector.load %arg8[%get3A_897, %get3A_898, %get3A_899] : memref<1x10x100xi32, #tpu.memory_space<vmem>>, vector<1x1x100xi32>
    %get3A_901 = vector.shape_cast %get3A_900 : vector<1x1x100xi32> to vector<100xi32>
    %lt3A_902 = arith.constant 100 : i32
    %lt3A_903 = vector.broadcast %lt3A_902 : i32 to vector<100xi32>
    %lt3A_904 = arith.cmpi slt, %get3A_901, %lt3A_903 : vector<100xi32>
    %jit3A_905 = arith.constant -3.000000e+38 : f32
    %broadcast_in_dim3A_906 = vector.broadcast %jit3A_905 : f32 to vector<100xf32>
    %select_n3A_907 = arith.select %lt3A_904, %squeeze3A_895, %broadcast_in_dim3A_906 : vector<100xi1>, vector<100xf32>
    %broadcast_in_dim3A_908 = vector.shape_cast %select_n3A_907 : vector<100xf32> to vector<100x1xf32>
    %broadcast_in_dim3A_909 = vector.shape_cast %select_n3A_907 : vector<100xf32> to vector<1x100xf32>
    %broadcast_in_dim3A_910 = vector.shape_cast %get3A_901 : vector<100xi32> to vector<100x1xi32>
    %broadcast_in_dim3A_911 = vector.shape_cast %get3A_901 : vector<100xi32> to vector<1x100xi32>
    %gt3A_912 = vector.broadcast %broadcast_in_dim3A_909 : vector<1x100xf32> to vector<100x100xf32>
    %gt3A_913 = vector.broadcast %broadcast_in_dim3A_908 : vector<100x1xf32> to vector<100x100xf32>
    %gt3A_914 = arith.cmpf ogt, %gt3A_912, %gt3A_913 : vector<100x100xf32>
    %eq3A_915 = vector.broadcast %broadcast_in_dim3A_909 : vector<1x100xf32> to vector<100x100xf32>
    %eq3A_916 = vector.broadcast %broadcast_in_dim3A_908 : vector<100x1xf32> to vector<100x100xf32>
    %eq3A_917 = arith.cmpf oeq, %eq3A_915, %eq3A_916 : vector<100x100xf32>
    %lt3A_918 = vector.broadcast %broadcast_in_dim3A_911 : vector<1x100xi32> to vector<100x100xi32>
    %lt3A_919 = vector.broadcast %broadcast_in_dim3A_910 : vector<100x1xi32> to vector<100x100xi32>
    %lt3A_920 = arith.cmpi slt, %lt3A_918, %lt3A_919 : vector<100x100xi32>
    %and3A_921 = arith.andi %eq3A_917, %lt3A_920 : vector<100x100xi1>
    %or3A_922 = arith.ori %gt3A_914, %and3A_921 : vector<100x100xi1>
    %convert_element_type3A_923 = arith.extui %or3A_922 : vector<100x100xi1> to vector<100x100xi32>
    %convert_element_type3A_924 = arith.sitofp %convert_element_type3A_923 : vector<100x100xi32> to vector<100x100xf32>
    %reduce_sum3A_925 = arith.constant dense<0.000000e+00> : vector<100xf32>
    %reduce_sum3A_926 = vector.multi_reduction <add>, %convert_element_type3A_924, %reduce_sum3A_925 [1] : vector<100x100xf32> to vector<100xf32>
    %convert_element_type3A_927 = arith.fptosi %reduce_sum3A_926 : vector<100xf32> to vector<100xi32>
    %lt3A_928 = arith.constant 13 : i32
    %lt3A_929 = vector.broadcast %lt3A_928 : i32 to vector<100xi32>
    %lt3A_930 = arith.cmpi slt, %convert_element_type3A_927, %lt3A_929 : vector<100xi32>
    %and3A_931 = arith.andi %lt3A_930, %lt3A_904 : vector<100xi1>
    %jit3A_932 = arith.constant 0.000000e+00 : f32
    %broadcast_in_dim3A_933 = vector.broadcast %jit3A_932 : f32 to vector<100xf32>
    %select_n3A_934 = arith.select %and3A_931, %squeeze3A_895, %broadcast_in_dim3A_933 : vector<100xi1>, vector<100xf32>
    %broadcast_in_dim3A_935 = vector.shape_cast %select_n3A_934 : vector<100xf32> to vector<100x1xf32>
    %mul3A_936 = vector.broadcast %broadcast_in_dim3A_935 : vector<100x1xf32> to vector<100x128xf32>
    %mul3A_937 = arith.mulf %slice3A_896, %mul3A_936 : vector<100x128xf32>
    %broadcast_in_dim3A_938 = vector.shape_cast %and3A_931 : vector<100xi1> to vector<100x1xi1>
    %jit3A_939 = arith.constant -3.000000e+38 : f32
    %broadcast_in_dim3A_940 = vector.shape_cast %broadcast_in_dim3A_938 : vector<100x1xi1> to vector<100x1xi1>
    %broadcast_in_dim3A_941 = vector.broadcast %broadcast_in_dim3A_940 : vector<100x1xi1> to vector<100x128xi1>
    %broadcast_in_dim3A_942 = vector.broadcast %jit3A_939 : f32 to vector<100x128xf32>
    %select_n3A_943 = arith.select %broadcast_in_dim3A_941, %mul3A_937, %broadcast_in_dim3A_942 : vector<100x128xi1>, vector<100x128xf32>
    %reduce_max3A_944 = arith.constant dense<0xFF800000> : vector<128xf32>
    %reduce_max3A_945 = vector.multi_reduction <maximumf>, %select_n3A_943, %reduce_max3A_944 [0] : vector<100x128xf32> to vector<128xf32>
    %reduce_sum3A_946 = arith.constant dense<0.000000e+00> : vector<128xf32>
    %reduce_sum3A_947 = vector.multi_reduction <add>, %mul3A_937, %reduce_sum3A_946 [0] : vector<100x128xf32> to vector<128xf32>
    %div3A_948 = arith.constant 1.300000e+01 : f32
    %div3A_949 = vector.broadcast %div3A_948 : f32 to vector<128xf32>
    %div3A_950 = arith.divf %reduce_sum3A_947, %div3A_949 : vector<128xf32>
    %get3A_951 = arith.constant 0 : index
    %get3A_952 = arith.constant 7 : index
    %get3A_953 = arith.constant 0 : index
    %get3A_954 = vector.load %arg9[%get3A_951, %get3A_952, %get3A_953] : memref<1x10x256xf32, #tpu.memory_space<vmem>>, vector<1x1x256xf32>
    %get3A_955 = vector.shape_cast %get3A_954 : vector<1x1x256xf32> to vector<1x256xf32>
    %get3A_956 = arith.constant 0 : index
    %get3A_957 = arith.constant 7 : index
    %get3A_958 = arith.constant 0 : index
    %get3A_959 = vector.load %arg10[%get3A_956, %get3A_957, %get3A_958] : memref<1x10x256xf32, #tpu.memory_space<vmem>>, vector<1x1x256xf32>
    %get3A_960 = vector.shape_cast %get3A_959 : vector<1x1x256xf32> to vector<1x256xf32>
    %add3A_961 = arith.addf %get3A_955, %get3A_960 : vector<1x256xf32>
    %broadcast_in_dim3A_962 = vector.shape_cast %reduce_max3A_945 : vector<128xf32> to vector<1x128xf32>
    %broadcast_in_dim3A_963 = vector.shape_cast %div3A_950 : vector<128xf32> to vector<1x128xf32>
    %concatenate3A_964 = tpu.concatenate %broadcast_in_dim3A_962, %broadcast_in_dim3A_963 in 1 : vector<1x128xf32>, vector<1x128xf32> -> vector<1x256xf32>
    %add3A_965 = arith.addf %add3A_961, %concatenate3A_964 : vector<1x256xf32>
    %get3A_966 = arith.constant 0 : index
    %get3A_967 = arith.constant 0 : index
    %get3A_968 = vector.load %arg11[%get3A_966, %get3A_967] : memref<256x128xf32, #tpu.memory_space<vmem>>, vector<256x128xf32>
    %dot_general3A_969 = arith.constant dense<0.000000e+00> : vector<1x128xf32>
    %dot_general3A_970 = tpu.matmul %add3A_965, %get3A_968, %dot_general3A_969 {dimension_numbers = #tpu.dot_dimension_numbers<[1], [0], [0], [1], [0, 0, 1, 1], [], []>, transpose_lhs_hint = false} : vector<1x256xf32>, vector<256x128xf32>, vector<1x128xf32> -> vector<1x128xf32>
    %get3A_971 = arith.constant 0 : index
    %get3A_972 = arith.constant 0 : index
    %get3A_973 = vector.load %arg12[%get3A_971, %get3A_972] : memref<1x128xf32, #tpu.memory_space<vmem>>, vector<1x128xf32>
    %add3A_974 = arith.addf %dot_general3A_970, %get3A_973 : vector<1x128xf32>
    %max3A_975 = arith.constant 0.000000e+00 : f32
    %max3A_976 = vector.broadcast %max3A_975 : f32 to vector<1x128xf32>
    %max3A_977 = arith.maximumf %add3A_974, %max3A_976 : vector<1x128xf32>
    %get3A_978 = arith.constant 0 : index
    %get3A_979 = arith.constant 0 : index
    %get3A_980 = vector.load %arg13[%get3A_978, %get3A_979] : memref<128x64xf32, #tpu.memory_space<vmem>>, vector<128x64xf32>
    %dot_general3A_981 = arith.constant dense<0.000000e+00> : vector<1x64xf32>
    %dot_general3A_982 = tpu.matmul %max3A_977, %get3A_980, %dot_general3A_981 {dimension_numbers = #tpu.dot_dimension_numbers<[1], [0], [0], [1], [0, 0, 1, 1], [], []>, transpose_lhs_hint = false} : vector<1x128xf32>, vector<128x64xf32>, vector<1x64xf32> -> vector<1x64xf32>
    %get3A_983 = arith.constant 0 : index
    %get3A_984 = arith.constant 0 : index
    %get3A_985 = vector.load %arg14[%get3A_983, %get3A_984] : memref<1x64xf32, #tpu.memory_space<vmem>>, vector<1x64xf32>
    %add3A_986 = arith.addf %dot_general3A_982, %get3A_985 : vector<1x64xf32>
    %max3A_987 = arith.constant 0.000000e+00 : f32
    %max3A_988 = vector.broadcast %max3A_987 : f32 to vector<1x64xf32>
    %max3A_989 = arith.maximumf %add3A_986, %max3A_988 : vector<1x64xf32>
    %get3A_990 = arith.constant 0 : index
    %get3A_991 = arith.constant 0 : index
    %get3A_992 = vector.load %arg15[%get3A_990, %get3A_991] : memref<64x10xf32, #tpu.memory_space<vmem>>, vector<64x10xf32>
    %dot_general3A_993 = arith.constant dense<0.000000e+00> : vector<1x10xf32>
    %dot_general3A_994 = tpu.matmul %max3A_989, %get3A_992, %dot_general3A_993 {dimension_numbers = #tpu.dot_dimension_numbers<[1], [0], [0], [1], [0, 0, 1, 1], [], []>, transpose_lhs_hint = false} : vector<1x64xf32>, vector<64x10xf32>, vector<1x10xf32> -> vector<1x10xf32>
    %get3A_995 = arith.constant 0 : index
    %get3A_996 = arith.constant 0 : index
    %get3A_997 = vector.load %arg16[%get3A_995, %get3A_996] : memref<1x10xf32, #tpu.memory_space<vmem>>, vector<1x10xf32>
    %add3A_998 = arith.addf %dot_general3A_994, %get3A_997 : vector<1x10xf32>
    %reduce_max3A_999 = arith.constant dense<0xFF800000> : vector<1xf32>
    %reduce_max3A_1000 = vector.multi_reduction <maximumf>, %add3A_998, %reduce_max3A_999 [1] : vector<1x10xf32> to vector<1xf32>
    %broadcast_in_dim3A_1001 = vector.shape_cast %reduce_max3A_1000 : vector<1xf32> to vector<1x1xf32>
    %sub3A_1002 = vector.broadcast %broadcast_in_dim3A_1001 : vector<1x1xf32> to vector<1x10xf32>
    %sub3A_1003 = arith.subf %add3A_998, %sub3A_1002 : vector<1x10xf32>
    %exp3A_1004 = math.exp %sub3A_1003 : vector<1x10xf32>
    %reduce_sum3A_1005 = arith.constant dense<0.000000e+00> : vector<1xf32>
    %reduce_sum3A_1006 = vector.multi_reduction <add>, %exp3A_1004, %reduce_sum3A_1005 [1] : vector<1x10xf32> to vector<1xf32>
    %broadcast_in_dim3A_1007 = vector.shape_cast %reduce_sum3A_1006 : vector<1xf32> to vector<1x1xf32>
    %log3A_1008 = math.log %broadcast_in_dim3A_1007 : vector<1x1xf32>
    %sub3A_1009 = vector.broadcast %broadcast_in_dim3A_1001 : vector<1x1xf32> to vector<1x10xf32>
    %sub3A_1010 = arith.subf %add3A_998, %sub3A_1009 : vector<1x10xf32>
    %sub3A_1011 = vector.broadcast %log3A_1008 : vector<1x1xf32> to vector<1x10xf32>
    %sub3A_1012 = arith.subf %sub3A_1010, %sub3A_1011 : vector<1x10xf32>
    %swap3A_1013 = arith.constant 0 : index
    %swap3A_1014 = arith.constant 7 : index
    %swap3A_1015 = arith.constant 0 : index
    %swap3A_1016 = vector.load %arg17[%swap3A_1013, %swap3A_1014, %swap3A_1015] : memref<1x10x10xf32, #tpu.memory_space<vmem>>, vector<1x1x10xf32>
    %swap3A_1017 = vector.shape_cast %swap3A_1016 : vector<1x1x10xf32> to vector<1x10xf32>
    %swap3A_1018 = vector.shape_cast %sub3A_1012 : vector<1x10xf32> to vector<1x1x10xf32>
    tpu.vector_store %arg17[%swap3A_1013, %swap3A_1014, %swap3A_1015], %swap3A_1018 {strides = array<i32>} : memref<1x10x10xf32, #tpu.memory_space<vmem>>, vector<1x1x10xf32>,
    %slice3A_1019 = vector.extract_strided_slice %tanh3A {offsets = [800, 0], sizes = [100, 1], strides = [1, 1]} : vector<1000x1xf32> to vector<100x1xf32>
    %squeeze3A_1020 = vector.shape_cast %slice3A_1019 : vector<100x1xf32> to vector<100xf32>
    %slice3A_1021 = vector.extract_strided_slice %max3A_28 {offsets = [800, 0], sizes = [100, 128], strides = [1, 1]} : vector<1000x128xf32> to vector<100x128xf32>
    %get3A_1022 = arith.constant 0 : index
    %get3A_1023 = arith.constant 8 : index
    %get3A_1024 = arith.constant 0 : index
    %get3A_1025 = vector.load %arg8[%get3A_1022, %get3A_1023, %get3A_1024] : memref<1x10x100xi32, #tpu.memory_space<vmem>>, vector<1x1x100xi32>
    %get3A_1026 = vector.shape_cast %get3A_1025 : vector<1x1x100xi32> to vector<100xi32>
    %lt3A_1027 = arith.constant 100 : i32
    %lt3A_1028 = vector.broadcast %lt3A_1027 : i32 to vector<100xi32>
    %lt3A_1029 = arith.cmpi slt, %get3A_1026, %lt3A_1028 : vector<100xi32>
    %jit3A_1030 = arith.constant -3.000000e+38 : f32
    %broadcast_in_dim3A_1031 = vector.broadcast %jit3A_1030 : f32 to vector<100xf32>
    %select_n3A_1032 = arith.select %lt3A_1029, %squeeze3A_1020, %broadcast_in_dim3A_1031 : vector<100xi1>, vector<100xf32>
    %broadcast_in_dim3A_1033 = vector.shape_cast %select_n3A_1032 : vector<100xf32> to vector<100x1xf32>
    %broadcast_in_dim3A_1034 = vector.shape_cast %select_n3A_1032 : vector<100xf32> to vector<1x100xf32>
    %broadcast_in_dim3A_1035 = vector.shape_cast %get3A_1026 : vector<100xi32> to vector<100x1xi32>
    %broadcast_in_dim3A_1036 = vector.shape_cast %get3A_1026 : vector<100xi32> to vector<1x100xi32>
    %gt3A_1037 = vector.broadcast %broadcast_in_dim3A_1034 : vector<1x100xf32> to vector<100x100xf32>
    %gt3A_1038 = vector.broadcast %broadcast_in_dim3A_1033 : vector<100x1xf32> to vector<100x100xf32>
    %gt3A_1039 = arith.cmpf ogt, %gt3A_1037, %gt3A_1038 : vector<100x100xf32>
    %eq3A_1040 = vector.broadcast %broadcast_in_dim3A_1034 : vector<1x100xf32> to vector<100x100xf32>
    %eq3A_1041 = vector.broadcast %broadcast_in_dim3A_1033 : vector<100x1xf32> to vector<100x100xf32>
    %eq3A_1042 = arith.cmpf oeq, %eq3A_1040, %eq3A_1041 : vector<100x100xf32>
    %lt3A_1043 = vector.broadcast %broadcast_in_dim3A_1036 : vector<1x100xi32> to vector<100x100xi32>
    %lt3A_1044 = vector.broadcast %broadcast_in_dim3A_1035 : vector<100x1xi32> to vector<100x100xi32>
    %lt3A_1045 = arith.cmpi slt, %lt3A_1043, %lt3A_1044 : vector<100x100xi32>
    %and3A_1046 = arith.andi %eq3A_1042, %lt3A_1045 : vector<100x100xi1>
    %or3A_1047 = arith.ori %gt3A_1039, %and3A_1046 : vector<100x100xi1>
    %convert_element_type3A_1048 = arith.extui %or3A_1047 : vector<100x100xi1> to vector<100x100xi32>
    %convert_element_type3A_1049 = arith.sitofp %convert_element_type3A_1048 : vector<100x100xi32> to vector<100x100xf32>
    %reduce_sum3A_1050 = arith.constant dense<0.000000e+00> : vector<100xf32>
    %reduce_sum3A_1051 = vector.multi_reduction <add>, %convert_element_type3A_1049, %reduce_sum3A_1050 [1] : vector<100x100xf32> to vector<100xf32>
    %convert_element_type3A_1052 = arith.fptosi %reduce_sum3A_1051 : vector<100xf32> to vector<100xi32>
    %lt3A_1053 = arith.constant 13 : i32
    %lt3A_1054 = vector.broadcast %lt3A_1053 : i32 to vector<100xi32>
    %lt3A_1055 = arith.cmpi slt, %convert_element_type3A_1052, %lt3A_1054 : vector<100xi32>
    %and3A_1056 = arith.andi %lt3A_1055, %lt3A_1029 : vector<100xi1>
    %jit3A_1057 = arith.constant 0.000000e+00 : f32
    %broadcast_in_dim3A_1058 = vector.broadcast %jit3A_1057 : f32 to vector<100xf32>
    %select_n3A_1059 = arith.select %and3A_1056, %squeeze3A_1020, %broadcast_in_dim3A_1058 : vector<100xi1>, vector<100xf32>
    %broadcast_in_dim3A_1060 = vector.shape_cast %select_n3A_1059 : vector<100xf32> to vector<100x1xf32>
    %mul3A_1061 = vector.broadcast %broadcast_in_dim3A_1060 : vector<100x1xf32> to vector<100x128xf32>
    %mul3A_1062 = arith.mulf %slice3A_1021, %mul3A_1061 : vector<100x128xf32>
    %broadcast_in_dim3A_1063 = vector.shape_cast %and3A_1056 : vector<100xi1> to vector<100x1xi1>
    %jit3A_1064 = arith.constant -3.000000e+38 : f32
    %broadcast_in_dim3A_1065 = vector.shape_cast %broadcast_in_dim3A_1063 : vector<100x1xi1> to vector<100x1xi1>
    %broadcast_in_dim3A_1066 = vector.broadcast %broadcast_in_dim3A_1065 : vector<100x1xi1> to vector<100x128xi1>
    %broadcast_in_dim3A_1067 = vector.broadcast %jit3A_1064 : f32 to vector<100x128xf32>
    %select_n3A_1068 = arith.select %broadcast_in_dim3A_1066, %mul3A_1062, %broadcast_in_dim3A_1067 : vector<100x128xi1>, vector<100x128xf32>
    %reduce_max3A_1069 = arith.constant dense<0xFF800000> : vector<128xf32>
    %reduce_max3A_1070 = vector.multi_reduction <maximumf>, %select_n3A_1068, %reduce_max3A_1069 [0] : vector<100x128xf32> to vector<128xf32>
    %reduce_sum3A_1071 = arith.constant dense<0.000000e+00> : vector<128xf32>
    %reduce_sum3A_1072 = vector.multi_reduction <add>, %mul3A_1062, %reduce_sum3A_1071 [0] : vector<100x128xf32> to vector<128xf32>
    %div3A_1073 = arith.constant 1.300000e+01 : f32
    %div3A_1074 = vector.broadcast %div3A_1073 : f32 to vector<128xf32>
    %div3A_1075 = arith.divf %reduce_sum3A_1072, %div3A_1074 : vector<128xf32>
    %get3A_1076 = arith.constant 0 : index
    %get3A_1077 = arith.constant 8 : index
    %get3A_1078 = arith.constant 0 : index
    %get3A_1079 = vector.load %arg9[%get3A_1076, %get3A_1077, %get3A_1078] : memref<1x10x256xf32, #tpu.memory_space<vmem>>, vector<1x1x256xf32>
    %get3A_1080 = vector.shape_cast %get3A_1079 : vector<1x1x256xf32> to vector<1x256xf32>
    %get3A_1081 = arith.constant 0 : index
    %get3A_1082 = arith.constant 8 : index
    %get3A_1083 = arith.constant 0 : index
    %get3A_1084 = vector.load %arg10[%get3A_1081, %get3A_1082, %get3A_1083] : memref<1x10x256xf32, #tpu.memory_space<vmem>>, vector<1x1x256xf32>
    %get3A_1085 = vector.shape_cast %get3A_1084 : vector<1x1x256xf32> to vector<1x256xf32>
    %add3A_1086 = arith.addf %get3A_1080, %get3A_1085 : vector<1x256xf32>
    %broadcast_in_dim3A_1087 = vector.shape_cast %reduce_max3A_1070 : vector<128xf32> to vector<1x128xf32>
    %broadcast_in_dim3A_1088 = vector.shape_cast %div3A_1075 : vector<128xf32> to vector<1x128xf32>
    %concatenate3A_1089 = tpu.concatenate %broadcast_in_dim3A_1087, %broadcast_in_dim3A_1088 in 1 : vector<1x128xf32>, vector<1x128xf32> -> vector<1x256xf32>
    %add3A_1090 = arith.addf %add3A_1086, %concatenate3A_1089 : vector<1x256xf32>
    %get3A_1091 = arith.constant 0 : index
    %get3A_1092 = arith.constant 0 : index
    %get3A_1093 = vector.load %arg11[%get3A_1091, %get3A_1092] : memref<256x128xf32, #tpu.memory_space<vmem>>, vector<256x128xf32>
    %dot_general3A_1094 = arith.constant dense<0.000000e+00> : vector<1x128xf32>
    %dot_general3A_1095 = tpu.matmul %add3A_1090, %get3A_1093, %dot_general3A_1094 {dimension_numbers = #tpu.dot_dimension_numbers<[1], [0], [0], [1], [0, 0, 1, 1], [], []>, transpose_lhs_hint = false} : vector<1x256xf32>, vector<256x128xf32>, vector<1x128xf32> -> vector<1x128xf32>
    %get3A_1096 = arith.constant 0 : index
    %get3A_1097 = arith.constant 0 : index
    %get3A_1098 = vector.load %arg12[%get3A_1096, %get3A_1097] : memref<1x128xf32, #tpu.memory_space<vmem>>, vector<1x128xf32>
    %add3A_1099 = arith.addf %dot_general3A_1095, %get3A_1098 : vector<1x128xf32>
    %max3A_1100 = arith.constant 0.000000e+00 : f32
    %max3A_1101 = vector.broadcast %max3A_1100 : f32 to vector<1x128xf32>
    %max3A_1102 = arith.maximumf %add3A_1099, %max3A_1101 : vector<1x128xf32>
    %get3A_1103 = arith.constant 0 : index
    %get3A_1104 = arith.constant 0 : index
    %get3A_1105 = vector.load %arg13[%get3A_1103, %get3A_1104] : memref<128x64xf32, #tpu.memory_space<vmem>>, vector<128x64xf32>
    %dot_general3A_1106 = arith.constant dense<0.000000e+00> : vector<1x64xf32>
    %dot_general3A_1107 = tpu.matmul %max3A_1102, %get3A_1105, %dot_general3A_1106 {dimension_numbers = #tpu.dot_dimension_numbers<[1], [0], [0], [1], [0, 0, 1, 1], [], []>, transpose_lhs_hint = false} : vector<1x128xf32>, vector<128x64xf32>, vector<1x64xf32> -> vector<1x64xf32>
    %get3A_1108 = arith.constant 0 : index
    %get3A_1109 = arith.constant 0 : index
    %get3A_1110 = vector.load %arg14[%get3A_1108, %get3A_1109] : memref<1x64xf32, #tpu.memory_space<vmem>>, vector<1x64xf32>
    %add3A_1111 = arith.addf %dot_general3A_1107, %get3A_1110 : vector<1x64xf32>
    %max3A_1112 = arith.constant 0.000000e+00 : f32
    %max3A_1113 = vector.broadcast %max3A_1112 : f32 to vector<1x64xf32>
    %max3A_1114 = arith.maximumf %add3A_1111, %max3A_1113 : vector<1x64xf32>
    %get3A_1115 = arith.constant 0 : index
    %get3A_1116 = arith.constant 0 : index
    %get3A_1117 = vector.load %arg15[%get3A_1115, %get3A_1116] : memref<64x10xf32, #tpu.memory_space<vmem>>, vector<64x10xf32>
    %dot_general3A_1118 = arith.constant dense<0.000000e+00> : vector<1x10xf32>
    %dot_general3A_1119 = tpu.matmul %max3A_1114, %get3A_1117, %dot_general3A_1118 {dimension_numbers = #tpu.dot_dimension_numbers<[1], [0], [0], [1], [0, 0, 1, 1], [], []>, transpose_lhs_hint = false} : vector<1x64xf32>, vector<64x10xf32>, vector<1x10xf32> -> vector<1x10xf32>
    %get3A_1120 = arith.constant 0 : index
    %get3A_1121 = arith.constant 0 : index
    %get3A_1122 = vector.load %arg16[%get3A_1120, %get3A_1121] : memref<1x10xf32, #tpu.memory_space<vmem>>, vector<1x10xf32>
    %add3A_1123 = arith.addf %dot_general3A_1119, %get3A_1122 : vector<1x10xf32>
    %reduce_max3A_1124 = arith.constant dense<0xFF800000> : vector<1xf32>
    %reduce_max3A_1125 = vector.multi_reduction <maximumf>, %add3A_1123, %reduce_max3A_1124 [1] : vector<1x10xf32> to vector<1xf32>
    %broadcast_in_dim3A_1126 = vector.shape_cast %reduce_max3A_1125 : vector<1xf32> to vector<1x1xf32>
    %sub3A_1127 = vector.broadcast %broadcast_in_dim3A_1126 : vector<1x1xf32> to vector<1x10xf32>
    %sub3A_1128 = arith.subf %add3A_1123, %sub3A_1127 : vector<1x10xf32>
    %exp3A_1129 = math.exp %sub3A_1128 : vector<1x10xf32>
    %reduce_sum3A_1130 = arith.constant dense<0.000000e+00> : vector<1xf32>
    %reduce_sum3A_1131 = vector.multi_reduction <add>, %exp3A_1129, %reduce_sum3A_1130 [1] : vector<1x10xf32> to vector<1xf32>
    %broadcast_in_dim3A_1132 = vector.shape_cast %reduce_sum3A_1131 : vector<1xf32> to vector<1x1xf32>
    %log3A_1133 = math.log %broadcast_in_dim3A_1132 : vector<1x1xf32>
    %sub3A_1134 = vector.broadcast %broadcast_in_dim3A_1126 : vector<1x1xf32> to vector<1x10xf32>
    %sub3A_1135 = arith.subf %add3A_1123, %sub3A_1134 : vector<1x10xf32>
    %sub3A_1136 = vector.broadcast %log3A_1133 : vector<1x1xf32> to vector<1x10xf32>
    %sub3A_1137 = arith.subf %sub3A_1135, %sub3A_1136 : vector<1x10xf32>
    %swap3A_1138 = arith.constant 0 : index
    %swap3A_1139 = arith.constant 8 : index
    %swap3A_1140 = arith.constant 0 : index
    %swap3A_1141 = vector.load %arg17[%swap3A_1138, %swap3A_1139, %swap3A_1140] : memref<1x10x10xf32, #tpu.memory_space<vmem>>, vector<1x1x10xf32>
    %swap3A_1142 = vector.shape_cast %swap3A_1141 : vector<1x1x10xf32> to vector<1x10xf32>
    %swap3A_1143 = vector.shape_cast %sub3A_1137 : vector<1x10xf32> to vector<1x1x10xf32>
    tpu.vector_store %arg17[%swap3A_1138, %swap3A_1139, %swap3A_1140], %swap3A_1143 {strides = array<i32>} : memref<1x10x10xf32, #tpu.memory_space<vmem>>, vector<1x1x10xf32>,
    %slice3A_1144 = vector.extract_strided_slice %tanh3A {offsets = [900, 0], sizes = [100, 1], strides = [1, 1]} : vector<1000x1xf32> to vector<100x1xf32>
    %squeeze3A_1145 = vector.shape_cast %slice3A_1144 : vector<100x1xf32> to vector<100xf32>
    %slice3A_1146 = vector.extract_strided_slice %max3A_28 {offsets = [900, 0], sizes = [100, 128], strides = [1, 1]} : vector<1000x128xf32> to vector<100x128xf32>
    %get3A_1147 = arith.constant 0 : index
    %get3A_1148 = arith.constant 9 : index
    %get3A_1149 = arith.constant 0 : index
    %get3A_1150 = vector.load %arg8[%get3A_1147, %get3A_1148, %get3A_1149] : memref<1x10x100xi32, #tpu.memory_space<vmem>>, vector<1x1x100xi32>
    %get3A_1151 = vector.shape_cast %get3A_1150 : vector<1x1x100xi32> to vector<100xi32>
    %lt3A_1152 = arith.constant 100 : i32
    %lt3A_1153 = vector.broadcast %lt3A_1152 : i32 to vector<100xi32>
    %lt3A_1154 = arith.cmpi slt, %get3A_1151, %lt3A_1153 : vector<100xi32>
    %jit3A_1155 = arith.constant -3.000000e+38 : f32
    %broadcast_in_dim3A_1156 = vector.broadcast %jit3A_1155 : f32 to vector<100xf32>
    %select_n3A_1157 = arith.select %lt3A_1154, %squeeze3A_1145, %broadcast_in_dim3A_1156 : vector<100xi1>, vector<100xf32>
    %broadcast_in_dim3A_1158 = vector.shape_cast %select_n3A_1157 : vector<100xf32> to vector<100x1xf32>
    %broadcast_in_dim3A_1159 = vector.shape_cast %select_n3A_1157 : vector<100xf32> to vector<1x100xf32>
    %broadcast_in_dim3A_1160 = vector.shape_cast %get3A_1151 : vector<100xi32> to vector<100x1xi32>
    %broadcast_in_dim3A_1161 = vector.shape_cast %get3A_1151 : vector<100xi32> to vector<1x100xi32>
    %gt3A_1162 = vector.broadcast %broadcast_in_dim3A_1159 : vector<1x100xf32> to vector<100x100xf32>
    %gt3A_1163 = vector.broadcast %broadcast_in_dim3A_1158 : vector<100x1xf32> to vector<100x100xf32>
    %gt3A_1164 = arith.cmpf ogt, %gt3A_1162, %gt3A_1163 : vector<100x100xf32>
    %eq3A_1165 = vector.broadcast %broadcast_in_dim3A_1159 : vector<1x100xf32> to vector<100x100xf32>
    %eq3A_1166 = vector.broadcast %broadcast_in_dim3A_1158 : vector<100x1xf32> to vector<100x100xf32>
    %eq3A_1167 = arith.cmpf oeq, %eq3A_1165, %eq3A_1166 : vector<100x100xf32>
    %lt3A_1168 = vector.broadcast %broadcast_in_dim3A_1161 : vector<1x100xi32> to vector<100x100xi32>
    %lt3A_1169 = vector.broadcast %broadcast_in_dim3A_1160 : vector<100x1xi32> to vector<100x100xi32>
    %lt3A_1170 = arith.cmpi slt, %lt3A_1168, %lt3A_1169 : vector<100x100xi32>
    %and3A_1171 = arith.andi %eq3A_1167, %lt3A_1170 : vector<100x100xi1>
    %or3A_1172 = arith.ori %gt3A_1164, %and3A_1171 : vector<100x100xi1>
    %convert_element_type3A_1173 = arith.extui %or3A_1172 : vector<100x100xi1> to vector<100x100xi32>
    %convert_element_type3A_1174 = arith.sitofp %convert_element_type3A_1173 : vector<100x100xi32> to vector<100x100xf32>
    %reduce_sum3A_1175 = arith.constant dense<0.000000e+00> : vector<100xf32>
    %reduce_sum3A_1176 = vector.multi_reduction <add>, %convert_element_type3A_1174, %reduce_sum3A_1175 [1] : vector<100x100xf32> to vector<100xf32>
    %convert_element_type3A_1177 = arith.fptosi %reduce_sum3A_1176 : vector<100xf32> to vector<100xi32>
    %lt3A_1178 = arith.constant 13 : i32
    %lt3A_1179 = vector.broadcast %lt3A_1178 : i32 to vector<100xi32>
    %lt3A_1180 = arith.cmpi slt, %convert_element_type3A_1177, %lt3A_1179 : vector<100xi32>
    %and3A_1181 = arith.andi %lt3A_1180, %lt3A_1154 : vector<100xi1>
    %jit3A_1182 = arith.constant 0.000000e+00 : f32
    %broadcast_in_dim3A_1183 = vector.broadcast %jit3A_1182 : f32 to vector<100xf32>
    %select_n3A_1184 = arith.select %and3A_1181, %squeeze3A_1145, %broadcast_in_dim3A_1183 : vector<100xi1>, vector<100xf32>
    %broadcast_in_dim3A_1185 = vector.shape_cast %select_n3A_1184 : vector<100xf32> to vector<100x1xf32>
    %mul3A_1186 = vector.broadcast %broadcast_in_dim3A_1185 : vector<100x1xf32> to vector<100x128xf32>
    %mul3A_1187 = arith.mulf %slice3A_1146, %mul3A_1186 : vector<100x128xf32>
    %broadcast_in_dim3A_1188 = vector.shape_cast %and3A_1181 : vector<100xi1> to vector<100x1xi1>
    %jit3A_1189 = arith.constant -3.000000e+38 : f32
    %broadcast_in_dim3A_1190 = vector.shape_cast %broadcast_in_dim3A_1188 : vector<100x1xi1> to vector<100x1xi1>
    %broadcast_in_dim3A_1191 = vector.broadcast %broadcast_in_dim3A_1190 : vector<100x1xi1> to vector<100x128xi1>
    %broadcast_in_dim3A_1192 = vector.broadcast %jit3A_1189 : f32 to vector<100x128xf32>
    %select_n3A_1193 = arith.select %broadcast_in_dim3A_1191, %mul3A_1187, %broadcast_in_dim3A_1192 : vector<100x128xi1>, vector<100x128xf32>
    %reduce_max3A_1194 = arith.constant dense<0xFF800000> : vector<128xf32>
    %reduce_max3A_1195 = vector.multi_reduction <maximumf>, %select_n3A_1193, %reduce_max3A_1194 [0] : vector<100x128xf32> to vector<128xf32>
    %reduce_sum3A_1196 = arith.constant dense<0.000000e+00> : vector<128xf32>
    %reduce_sum3A_1197 = vector.multi_reduction <add>, %mul3A_1187, %reduce_sum3A_1196 [0] : vector<100x128xf32> to vector<128xf32>
    %div3A_1198 = arith.constant 1.300000e+01 : f32
    %div3A_1199 = vector.broadcast %div3A_1198 : f32 to vector<128xf32>
    %div3A_1200 = arith.divf %reduce_sum3A_1197, %div3A_1199 : vector<128xf32>
    %get3A_1201 = arith.constant 0 : index
    %get3A_1202 = arith.constant 9 : index
    %get3A_1203 = arith.constant 0 : index
    %get3A_1204 = vector.load %arg9[%get3A_1201, %get3A_1202, %get3A_1203] : memref<1x10x256xf32, #tpu.memory_space<vmem>>, vector<1x1x256xf32>
    %get3A_1205 = vector.shape_cast %get3A_1204 : vector<1x1x256xf32> to vector<1x256xf32>
    %get3A_1206 = arith.constant 0 : index
    %get3A_1207 = arith.constant 9 : index
    %get3A_1208 = arith.constant 0 : index
    %get3A_1209 = vector.load %arg10[%get3A_1206, %get3A_1207, %get3A_1208] : memref<1x10x256xf32, #tpu.memory_space<vmem>>, vector<1x1x256xf32>
    %get3A_1210 = vector.shape_cast %get3A_1209 : vector<1x1x256xf32> to vector<1x256xf32>
    %add3A_1211 = arith.addf %get3A_1205, %get3A_1210 : vector<1x256xf32>
    %broadcast_in_dim3A_1212 = vector.shape_cast %reduce_max3A_1195 : vector<128xf32> to vector<1x128xf32>
    %broadcast_in_dim3A_1213 = vector.shape_cast %div3A_1200 : vector<128xf32> to vector<1x128xf32>
    %concatenate3A_1214 = tpu.concatenate %broadcast_in_dim3A_1212, %broadcast_in_dim3A_1213 in 1 : vector<1x128xf32>, vector<1x128xf32> -> vector<1x256xf32>
    %add3A_1215 = arith.addf %add3A_1211, %concatenate3A_1214 : vector<1x256xf32>
    %get3A_1216 = arith.constant 0 : index
    %get3A_1217 = arith.constant 0 : index
    %get3A_1218 = vector.load %arg11[%get3A_1216, %get3A_1217] : memref<256x128xf32, #tpu.memory_space<vmem>>, vector<256x128xf32>
    %dot_general3A_1219 = arith.constant dense<0.000000e+00> : vector<1x128xf32>
    %dot_general3A_1220 = tpu.matmul %add3A_1215, %get3A_1218, %dot_general3A_1219 {dimension_numbers = #tpu.dot_dimension_numbers<[1], [0], [0], [1], [0, 0, 1, 1], [], []>, transpose_lhs_hint = false} : vector<1x256xf32>, vector<256x128xf32>, vector<1x128xf32> -> vector<1x128xf32>
    %get3A_1221 = arith.constant 0 : index
    %get3A_1222 = arith.constant 0 : index
    %get3A_1223 = vector.load %arg12[%get3A_1221, %get3A_1222] : memref<1x128xf32, #tpu.memory_space<vmem>>, vector<1x128xf32>
    %add3A_1224 = arith.addf %dot_general3A_1220, %get3A_1223 : vector<1x128xf32>
    %max3A_1225 = arith.constant 0.000000e+00 : f32
    %max3A_1226 = vector.broadcast %max3A_1225 : f32 to vector<1x128xf32>
    %max3A_1227 = arith.maximumf %add3A_1224, %max3A_1226 : vector<1x128xf32>
    %get3A_1228 = arith.constant 0 : index
    %get3A_1229 = arith.constant 0 : index
    %get3A_1230 = vector.load %arg13[%get3A_1228, %get3A_1229] : memref<128x64xf32, #tpu.memory_space<vmem>>, vector<128x64xf32>
    %dot_general3A_1231 = arith.constant dense<0.000000e+00> : vector<1x64xf32>
    %dot_general3A_1232 = tpu.matmul %max3A_1227, %get3A_1230, %dot_general3A_1231 {dimension_numbers = #tpu.dot_dimension_numbers<[1], [0], [0], [1], [0, 0, 1, 1], [], []>, transpose_lhs_hint = false} : vector<1x128xf32>, vector<128x64xf32>, vector<1x64xf32> -> vector<1x64xf32>
    %get3A_1233 = arith.constant 0 : index
    %get3A_1234 = arith.constant 0 : index
    %get3A_1235 = vector.load %arg14[%get3A_1233, %get3A_1234] : memref<1x64xf32, #tpu.memory_space<vmem>>, vector<1x64xf32>
    %add3A_1236 = arith.addf %dot_general3A_1232, %get3A_1235 : vector<1x64xf32>
    %max3A_1237 = arith.constant 0.000000e+00 : f32
    %max3A_1238 = vector.broadcast %max3A_1237 : f32 to vector<1x64xf32>
    %max3A_1239 = arith.maximumf %add3A_1236, %max3A_1238 : vector<1x64xf32>
    %get3A_1240 = arith.constant 0 : index
    %get3A_1241 = arith.constant 0 : index
    %get3A_1242 = vector.load %arg15[%get3A_1240, %get3A_1241] : memref<64x10xf32, #tpu.memory_space<vmem>>, vector<64x10xf32>
    %dot_general3A_1243 = arith.constant dense<0.000000e+00> : vector<1x10xf32>
    %dot_general3A_1244 = tpu.matmul %max3A_1239, %get3A_1242, %dot_general3A_1243 {dimension_numbers = #tpu.dot_dimension_numbers<[1], [0], [0], [1], [0, 0, 1, 1], [], []>, transpose_lhs_hint = false} : vector<1x64xf32>, vector<64x10xf32>, vector<1x10xf32> -> vector<1x10xf32>
    %get3A_1245 = arith.constant 0 : index
    %get3A_1246 = arith.constant 0 : index
    %get3A_1247 = vector.load %arg16[%get3A_1245, %get3A_1246] : memref<1x10xf32, #tpu.memory_space<vmem>>, vector<1x10xf32>
    %add3A_1248 = arith.addf %dot_general3A_1244, %get3A_1247 : vector<1x10xf32>
    %reduce_max3A_1249 = arith.constant dense<0xFF800000> : vector<1xf32>
    %reduce_max3A_1250 = vector.multi_reduction <maximumf>, %add3A_1248, %reduce_max3A_1249 [1] : vector<1x10xf32> to vector<1xf32>
    %broadcast_in_dim3A_1251 = vector.shape_cast %reduce_max3A_1250 : vector<1xf32> to vector<1x1xf32>
    %sub3A_1252 = vector.broadcast %broadcast_in_dim3A_1251 : vector<1x1xf32> to vector<1x10xf32>
    %sub3A_1253 = arith.subf %add3A_1248, %sub3A_1252 : vector<1x10xf32>
    %exp3A_1254 = math.exp %sub3A_1253 : vector<1x10xf32>
    %reduce_sum3A_1255 = arith.constant dense<0.000000e+00> : vector<1xf32>
    %reduce_sum3A_1256 = vector.multi_reduction <add>, %exp3A_1254, %reduce_sum3A_1255 [1] : vector<1x10xf32> to vector<1xf32>
    %broadcast_in_dim3A_1257 = vector.shape_cast %reduce_sum3A_1256 : vector<1xf32> to vector<1x1xf32>
    %log3A_1258 = math.log %broadcast_in_dim3A_1257 : vector<1x1xf32>
    %sub3A_1259 = vector.broadcast %broadcast_in_dim3A_1251 : vector<1x1xf32> to vector<1x10xf32>
    %sub3A_1260 = arith.subf %add3A_1248, %sub3A_1259 : vector<1x10xf32>
    %sub3A_1261 = vector.broadcast %log3A_1258 : vector<1x1xf32> to vector<1x10xf32>
    %sub3A_1262 = arith.subf %sub3A_1260, %sub3A_1261 : vector<1x10xf32>
    %swap3A_1263 = arith.constant 0 : index
    %swap3A_1264 = arith.constant 9 : index
    %swap3A_1265 = arith.constant 0 : index
    %swap3A_1266 = vector.load %arg17[%swap3A_1263, %swap3A_1264, %swap3A_1265] : memref<1x10x10xf32, #tpu.memory_space<vmem>>, vector<1x1x10xf32>
    %swap3A_1267 = vector.shape_cast %swap3A_1266 : vector<1x1x10xf32> to vector<1x10xf32>
    %swap3A_1268 = vector.shape_cast %sub3A_1262 : vector<1x10xf32> to vector<1x1x10xf32>
    tpu.vector_store %arg17[%swap3A_1263, %swap3A_1264, %swap3A_1265], %swap3A_1268 {strides = array<i32>} : memref<1x10x10xf32, #tpu.memory_space<vmem>>, vector<1x1x10xf32>,
    return
  }
  func.func @transform_0(%arg0: i32) -> (i32, i32, i32) {
    %c0_i32 = arith.constant 0 : i32
    %c0_i32_0 = arith.constant 0 : i32
    %c0_i32_1 = arith.constant 0 : i32
    return %c0_i32, %arg0, %c0_i32_0 : i32, i32, i32
  }
  func.func @transform_1(%arg0: i32) -> (i32, i32) {
    %c0_i32 = arith.constant 0 : i32
    %c0_i32_0 = arith.constant 0 : i32
    return %arg0, %c0_i32 : i32, i32
  }
  func.func @transform_2(%arg0: i32) -> (i32, i32) {
    %c0_i32 = arith.constant 0 : i32
    %c0_i32_0 = arith.constant 0 : i32
    %c0_i32_1 = arith.constant 0 : i32
    return %c0_i32, %c0_i32_0 : i32, i32
  }
  func.func @transform_3(%arg0: i32) -> (i32, i32) {
    %c0_i32 = arith.constant 0 : i32
    %c0_i32_0 = arith.constant 0 : i32
    %c0_i32_1 = arith.constant 0 : i32
    return %c0_i32, %c0_i32_0 : i32, i32
  }
  func.func @transform_4(%arg0: i32) -> (i32, i32) {
    %c0_i32 = arith.constant 0 : i32
    %c0_i32_0 = arith.constant 0 : i32
    %c0_i32_1 = arith.constant 0 : i32
    return %c0_i32, %c0_i32_0 : i32, i32
  }
  func.func @transform_5(%arg0: i32) -> (i32, i32) {
    %c0_i32 = arith.constant 0 : i32
    %c0_i32_0 = arith.constant 0 : i32
    %c0_i32_1 = arith.constant 0 : i32
    return %c0_i32, %c0_i32_0 : i32, i32
  }
  func.func @transform_6(%arg0: i32) -> (i32, i32) {
    %c0_i32 = arith.constant 0 : i32
    %c0_i32_0 = arith.constant 0 : i32
    %c0_i32_1 = arith.constant 0 : i32
    return %c0_i32, %c0_i32_0 : i32, i32
  }
  func.func @transform_7(%arg0: i32) -> (i32, i32, i32) {
    %c0_i32 = arith.constant 0 : i32
    %c0_i32_0 = arith.constant 0 : i32
    %c0_i32_1 = arith.constant 0 : i32
    return %arg0, %c0_i32, %c0_i32_0 : i32, i32, i32
  }
  func.func @transform_8(%arg0: i32) -> (i32, i32, i32) {
    %c0_i32 = arith.constant 0 : i32
    %c0_i32_0 = arith.constant 0 : i32
    %c0_i32_1 = arith.constant 0 : i32
    return %arg0, %c0_i32, %c0_i32_0 : i32, i32, i32
  }
  func.func @transform_9(%arg0: i32) -> (i32, i32, i32) {
    %c0_i32 = arith.constant 0 : i32
    %c0_i32_0 = arith.constant 0 : i32
    %c0_i32_1 = arith.constant 0 : i32
    return %arg0, %c0_i32, %c0_i32_0 : i32, i32, i32
  }
  func.func @transform_10(%arg0: i32) -> (i32, i32) {
    %c0_i32 = arith.constant 0 : i32
    %c0_i32_0 = arith.constant 0 : i32
    %c0_i32_1 = arith.constant 0 : i32
    return %c0_i32, %c0_i32_0 : i32, i32
  }
  func.func @transform_11(%arg0: i32) -> (i32, i32) {
    %c0_i32 = arith.constant 0 : i32
    %c0_i32_0 = arith.constant 0 : i32
    %c0_i32_1 = arith.constant 0 : i32
    return %c0_i32, %c0_i32_0 : i32, i32
  }
  func.func @transform_12(%arg0: i32) -> (i32, i32) {
    %c0_i32 = arith.constant 0 : i32
    %c0_i32_0 = arith.constant 0 : i32
    %c0_i32_1 = arith.constant 0 : i32
    return %c0_i32, %c0_i32_0 : i32, i32
  }
  func.func @transform_13(%arg0: i32) -> (i32, i32) {
    %c0_i32 = arith.constant 0 : i32
    %c0_i32_0 = arith.constant 0 : i32
    %c0_i32_1 = arith.constant 0 : i32
    return %c0_i32, %c0_i32_0 : i32, i32
  }
  func.func @transform_14(%arg0: i32) -> (i32, i32) {
    %c0_i32 = arith.constant 0 : i32
    %c0_i32_0 = arith.constant 0 : i32
    %c0_i32_1 = arith.constant 0 : i32
    return %c0_i32, %c0_i32_0 : i32, i32
  }
  func.func @transform_15(%arg0: i32) -> (i32, i32) {
    %c0_i32 = arith.constant 0 : i32
    %c0_i32_0 = arith.constant 0 : i32
    %c0_i32_1 = arith.constant 0 : i32
    return %c0_i32, %c0_i32_0 : i32, i32
  }
  func.func @transform_16(%arg0: i32) -> (i32, i32, i32) {
    %c0_i32 = arith.constant 0 : i32
    %c0_i32_0 = arith.constant 0 : i32
    %c0_i32_1 = arith.constant 0 : i32
    return %arg0, %c0_i32, %c0_i32_0 : i32, i32, i32
  }
}

</mosaic_0001>

<sc_bundles>
// kernel: kernel.11.cloned.1.call-start
scs
__scs_entry_jumppad:
0x0: {  	(pc) =	sbr.rel $0x88, $3  }
0x1: {  	(tag) =	ssettag $0x0;
	lr =	simm.s32 $0x1  }
0x2: {  	[smem:$0x3F8D] =	sst lr;
	_ =	strace $0xD0000000  }
0x3: {  	_ = 	snop  }
0x4: {  	_ = 	snop  }
0x5: {  	_ = 	snop  }
0x6: {  	_ = 	snop  }
0x7: {  	_ = 	snop  }
__scs_overlays_trampoline_lowered:
0x8: {  	[smem:$0x3F9C] =	sst s0  }
0x9: {  	[smem:$0x3F9D] =	sst s1  }
0xa: {  	[smem:$0x3F9E] =	sst s2  }
0xb: {  	[smem:$0x3F9F] =	sst s3  }
0xc: {  	[smem:$0x3FA0] =	sst s4  }
0xd: {  	[smem:$0x3FA1] =	sst s5  }
0xe: {  	[smem:$0x3FA2] =	sst s6  }
0xf: {  	[smem:$0x3FA3] =	sst s7  }
0x10: {  	[smem:$0x3FA4] =	sst s8  }
0x11: {  	[smem:$0x3FA5] =	sst s9;
	s0 =	simm.s32 @!p0 $0x0  }
0x12: {  	s1 =	sld [smem:$0x3F8B];
	s0 =	simm.s32 @p0 $0x1  }
0x13: {  	[smem:$0x3FA6] =	sst s0;
	s0 =	simm.s32 @!p1 $0x0  }
0x14: {  	s2 =	sld [smem:$0x3F8A];
	s0 =	simm.s32 @p1 $0x1  }
0x15: {  	[smem:$0x3FA7] =	sst s0;
	s0 =	simm.s32 @!p2 $0x0  }
0x16: {  	s3 =	sld [smem:$0x3FDB];
	s0 =	simm.s32 @p2 $0x1  }
0x17: {  	s4 =	simm.s32 $0x1BF5;
	[smem:$0x3FA9] =	sst s0  }
0x18: {  	s0 =	sld [smem:$0x3F8C];
	_ =	swait.ge [sflag:s4], $0x0  }
0x19: {  	s7 =	sld [smem:$0x3F8D]  }
0x1a: {  	s8 =	sadd.s32 $0xFFFFE003, lr  }
0x1b: {  	s9 =	sadd.s32 $0xFFFFFEF7, lr;
	s5 =	simm.s32 $0xFFFFFFFF;
	p2 =	slt.u32 s8, $0xFFFFF086  }
0x1c: {  	p1 =	slt.u32 s9, $0xF7A;
	s5 =	simm.s32 @!p2 $0x0  }
0x1d: {  	s5 =	simm.s32 @p1 $0x1;
	p0 =	seq.s32 s7, s2  }
0x1e: {  	s7 =	smul.u32 @!p0 $0xF7A, s2;
	p2 =	seq.s32 @!p0 s5, $0x0  }
0x1f: {  	s9 =	smul.u32 $0xF7A, s1;
	s8 =	simm.s32 @!p0 $0x1BF5;
	p2 =	por !p2, p0  }
0x20: {  	[sflag:s8] =	ssyncset.s32 @!p0 $0xFFFFF086;
	s6 =	sadd.s32 @!p0 s3, s7;
	s7 =	simm.s32 @!p0 $0x108  }
0x21: {  	s3 =	sadd.s32 s3, s9;
	s6 =	sadd.s32 @!p0 $0x88, s6;
	s7 =	simm.s32 @p2 $0x1082  }
0x22: {  	[simem:s7], [sflag:s8] =	dma.local @!p0 [hbm:s6], $0xF7A  }
0x23: {  	s9 =	sor.u32 $0xD0000000, s2;
	s6 =	simm.s32 $0x108;
	_ =	swait.ge @!p0 [sflag:s8], $0x0  }
0x24: {  	s3 =	sadd.s32 $0x88, s3;
	s6 =	simm.s32 @!p1 $0x1082;
	[sflag:s4] =	ssyncset.s32 $0xFFFFF086  }
0x25: {  	[simem:s6], [sflag:s4] =	dma.local [hbm:s3], $0xF7A  }
0x26: {  	[smem:$0x3F8D] =	sst s1;
	(tag) =	ssettag s2;
	_ =	strace s9  }
0x27: {  	s1 =	sld [smem:$0x3F9D]  }
0x28: {  	s2 =	sld [smem:$0x3F9E]  }
0x29: {  	s4 =	sld [smem:$0x3FA0]  }
0x2a: {  	p0 =	seq.s32 s5, $0x0;
	s5 =	sld [smem:$0x3FA1]  }
0x2b: {  	s6 =	sld [smem:$0x3FA2]  }
0x2c: {  	s7 =	sld [smem:$0x3FA3]  }
0x2d: {  	s3 =	simm.s32 $0x108;
	s8 =	sld [smem:$0x3FA4]  }
0x2e: {  	s3 =	simm.s32 @!p0 $0x1082;
	s9 =	sld [smem:$0x3FA5]  }
0x2f: {  	lr =	sadd.s32 s0, s3;
	s0 =	sld [smem:$0x3F9C]  }
0x30: {  	s3 =	sld [smem:$0x3F9F]  }
0x31: {  	[smem:$0x3FA8] =	sst s10  }
0x32: {  	s10 =	sld [smem:$0x3FA6];
	_ =	sdelay $0x3  }
0x33: {  	p0 =	seq.s32 s10, $0x1;
	s10 =	sld [smem:$0x3FA8];
	_ =	sdelay $0x3  }
0x34: {  	[smem:$0x3FA8] =	sst s10  }
0x35: {  	s10 =	sld [smem:$0x3FA7];
	_ =	sdelay $0x3  }
0x36: {  	p1 =	seq.s32 s10, $0x1;
	s10 =	sld [smem:$0x3FA8];
	_ =	sdelay $0x3  }
0x37: {  	[smem:$0x3FA8] =	sst s10  }
0x38: {  	s10 =	sld [smem:$0x3FA9]  }
0x39: {  	_ = 	snop;
	(pc) =	sbr.ind lr, $3  }
0x3a: {  	_ = 	snop  }
0x3b: {  	_ = 	snop  }
0x3c: {  	p2 =	seq.s32 s10, $0x1;
	s10 =	sld [smem:$0x3FA8]  }
0x3d: {  	_ =	shalt  }
0x3e: {  	_ =	shalt  }
0x3f: {  	_ =	shalt  }
0x40: {  	_ =	shalt  }
0x41: {  	_ =	shalt  }
0x42: {  	_ =	shalt  }
0x43: {  	_ =	shalt  }
0x44: {  	_ =	shalt  }
0x45: {  	_ =	shalt  }
0x46: {  	_ =	shalt  }
0x47: {  	_ =	shalt  }
0x48: {  	_ =	shalt  }
0x49: {  	_ =	shalt  }
0x4a: {  	_ =	shalt  }
0x4b: {  	_ =	shalt  }
0x4c: {  	_ =	shalt  }
0x4d: {  	_ =	shalt  }
0x4e: {  	_ =	shalt  }
0x4f: {  	_ =	shalt  }
0x50: {  	_ =	shalt  }
0x51: {  	_ =	shalt  }
0x52: {  	_ =	shalt  }
0x53: {  	_ =	shalt  }
0x54: {  	_ =	shalt  }
0x55: {  	_ =	shalt  }
0x56: {  	_ =	shalt  }
0x57: {  	_ =	shalt  }
0x58: {  	_ =	shalt  }
0x59: {  	_ =	shalt  }
0x5a: {  	_ =	shalt  }
0x5b: {  	_ =	shalt  }
0x5c: {  	_ =	shalt  }
0x5d: {  	_ =	shalt  }
0x5e: {  	_ =	shalt  }
0x5f: {  	_ =	shalt  }
0x60: {  	_ =	shalt  }
0x61: {  	_ =	shalt  }
0x62: {  	_ =	shalt  }
0x63: {  	_ =	shalt  }
0x64: {  	_ =	shalt  }
0x65: {  	_ =	shalt  }
0x66: {  	_ =	shalt  }
0x67: {  	_ =	shalt  }
0x68: {  	_ =	shalt  }
0x69: {  	_ =	shalt  }
0x6a: {  	_ =	shalt  }
0x6b: {  	_ =	shalt  }
0x6c: {  	_ =	shalt  }
0x6d: {  	_ =	shalt  }
0x6e: {  	_ =	shalt  }
0x6f: {  	_ =	shalt  }
0x70: {  	_ =	shalt  }
0x71: {  	_ =	shalt  }
0x72: {  	_ =	shalt  }
0x73: {  	_ =	shalt  }
0x74: {  	_ =	shalt  }
0x75: {  	_ =	shalt  }
0x76: {  	_ =	shalt  }
0x77: {  	_ =	shalt  }
0x78: {  	_ =	shalt  }
0x79: {  	_ =	shalt  }
0x7a: {  	_ =	shalt  }
0x7b: {  	_ =	shalt  }
0x7c: {  	_ =	shalt  }
0x7d: {  	_ =	shalt  }
0x7e: {  	_ =	shalt  }
0x7f: {  	_ =	shalt  }
0x80: {  	_ =	shalt  }
0x81: {  	_ =	shalt  }
0x82: {  	_ =	shalt  }
0x83: {  	_ =	shalt  }
0x84: {  	_ =	shalt  }
0x85: {  	_ =	shalt  }
0x86: {  	_ =	shalt  }
0x87: {  	_ =	shalt  }
.Lfunc_end0:
.L_simem_size_0:
called_computation.1_lowered:
.L_overlay_start_0:
0x88: {  	s2 =	sld [smem:$0x3FD9]  }
0x89: {  	s3 =	sld [smem:$0x3FFE];
	_ =	sdelay $0x1  }
0x8a: {  	s1 =	srdreg.scid  }
0x8b: {  	s0 =	sand.u32 $0x1, s1  }
0x8c: {  	s16 =	sshll.u32 s0, $0xA;
	s2 =	sadd.s32 s3, s2  }
0x8d: {  	s2 =	sadd.s32 s2, s16  }
0x8e: {  	[smem:$0x3FB4] =	sst s2  }
0x8f: {  	_ = 	snop  }
0x90: {  	(tm) =	ssettm $0x1  }
0x91: {  	s17 =	sld [smem:$0x3FFB];
	_ =	sdelay $0x3  }
0x92: {  	_ =	strace s17  }
0x93: {  	s2 =	sld [smem:$0x3FFC];
	_ =	sdelay $0x3  }
0x94: {  	_ =	strace s2  }
0x95: {  	s2 =	sld [smem:$0x3FFD];
	_ =	sdelay $0x3  }
0x96: {  	_ =	strace s2  }
0x97: {  	_ =	strace $0x8FFFFFFF  }
0x98: {  	s18 =	sld [smem:$0x3FDB];
	_ =	sdelay $0x1  }
0x99: {  	s19 =	simm.s32 $_scs_section_size  }
0x9a: {  	s4 =	simm.s32 $_size__tile_overlayer_lowered;
	s5 =	simm.s32 $_tile_overlayer_lowered  }
0x9b: {  	s22 =	simm.s32 $0x1BFF;
	s21 =	sshll.u32 s5, $0x1;
	s2 =	sadd.s32 s19, s18  }
0x9c: {  	s6 =	simm.s32 $0x0;
	s20 =	sshll.u32 s4, $0x1;
	s4 =	sadd.s32 s21, s2  }
0x9d: {  	[timem:s6], [sflag:s22] =	dma.local [hbm:s4], s20  }
0x9e: {  	_ =	swait.ge [sflag:s22], s20  }
0x9f: {  	s3 =	ssub.s32 $0x0, s20;
	[sflag:s22] =	ssyncset.done $0x0  }
0xa0: {  	[sflag:s22] =	ssyncadd.s32 s3;
	_ =	sdelay $0x1  }
0xa1: {  	s23 =	simm.s32 $0x1B8B  }
0xa2: {  	_ =	swait.ge [sflag:s23], $0x1  }
0xa3: {  	[sflag:s23] =	ssyncset.done $0x0  }
0xa4: {  	s25 =	simm.s32 $0x1B8E;
	s24 =	sld [smem:$0x3FFE];
	[sflag:s23] =	ssyncadd.s32 $0xFFFFFFFF  }
0xa5: {  	s26 =	simm.s32 $execute0_lowered;
	[smem:$0x3FD2] =	sst s25  }
0xa6: {  	s4 =	sshll.u32 s26, $0x1;
	_ =	strace $0x80000049;
	[dreg:$0x1] =	wrdreg $0xFFFFFFFF  }
0xa7: {  	s28 =	simm.s32 $_size_execute0_lowered;
	s2 =	sadd.s32 s2, s4;
	[dreg:$0x0] =	wrdreg $0x0  }
0xa8: {  	s4 =	sshll.u32 s28, $0x1;
	[dreg:$0x2] =	wrdreg s2  }
0xa9: {  	[dreg:$0x3] =	wrdreg s4  }
0xaa: {  	[dreg:$0x4] =	wrdreg $0xC0  }
0xab: {  	_ =	task [dreg:s6], $0x5FFFF  }
0xac: {  	[dreg:$0x1] =	wrdreg $0xFFFFFFFF  }
0xad: {  	[dreg:$0x0] =	wrdreg $0x60  }
0xae: {  	[dreg:$0x2] =	wrdreg s24  }
0xaf: {  	[dreg:$0x3] =	wrdreg $0xB1000  }
0xb0: {  	[dreg:$0x4] =	wrdreg $0x9  }
0xb1: {  	_ =	task.clear_ibuf [dreg:s6], $0x5FFFF;
	_ =	strace $0x90000049  }
0xb2: {  	s29 =	simm.s32 $0x9;
	_ =	strace $0x8000004B  }
0xb3: {  	_ =	swait.ge [sflag:s29], $0x1  }
0xb4: {  	[sflag:s29] =	ssyncadd.s32 $0xFFFFFFFF  }
0xb5: {  	_ =	strace $0x9000004B  }
0xb6: {  	_ =	sfence  }
0xb7: {  	s30 =	sld [smem:$0x0];
	_ =	sdelay $0x2  }
0xb8: {  	s31 =	sshll.u32 s1, $0xD;
	s1 =	sshrl.u32 s1, $0x2  }
0xb9: {  	s3 =	sand.u32 $0x4000, s31;
	s1 =	sadd.s32 s1, s30  }
0xba: {  	s0 =	sor.u32 s3, s0;
	s1 =	sshll.u32 s1, $0x11  }
0xbb: {  	s0 =	sor.u32 s1, s0  }
0xbc: {  	s0 =	sadd.s32 $0x8F2B, s0  }
0xbd: {  	[sflag:s0] =	ssyncadd.remote.s32 $0x1  }
0xbe: {  	_ =	sfence.sel $0xFFFF  }
0xbf: {  	[dreg:$0x0] =	wrdreg $0xFFFFFFFF;
	(pc) =	sbr.abs _section_cstart, $3  }
0xc0: {  	[dreg:$0x1] =	wrdreg $0xFFFFFFFF  }
0xc1: {  	_ =	task.clear_ibuf [dreg:s6], $0x2FFFF;
	_ =	strace $0x9FFFFFFF  }
0xc2: {  	(tm) =	ssettm $0x7FFFFFFF  }
0xc3: {  	_ =	shalt  }
tec
execute0_lowered:
.L_overlay_start_1:
0x0: {  	(tag) =	ssettag $0x1  }
0x1: {  	s0 =	srdreg.scid;
	s1 =	rddreg [dreg:$0x0]  }
0x2: {  	s17 =	stileid.u32;
	s2 =	rddreg [dreg:$0x1];
	s18 =	simm.s32 $0x6  }
0x3: {  	s28 =	simm.s32 $0x4;
	s29 =	simm.s32 $0x2;
	s7 =	smul.u32 $0x32000, s17  }
0x4: {  	s30 =	simm.s32 $0x10;
	s31 =	simm.s32 $0xA880;
	s15 =	smul.u32 $0xC800, s17  }
0x5: {  	s0 =	sand.u32 $0x1, s0;
	s10 =	sor.u32 $0x10, s17;
	s16 =	smul.u32 $0x4E20, s17  }
0x6: {  	s3 =	sshll.u32 s17, $0x1;
	s5 =	sadd.s32 $0x3C00, s1;
	s12 =	smul.u32 $0x32000, s10  }
0x7: {  	s6 =	sadd.s32 $0x17800, s1;
	s20 =	sshll.u32 s17, $0x6;
	s14 =	smul.u32 $0x138800, s0  }
0x8: {  	p0 =	sgt.u32 s17, $0x8;
	s4 =	sor.u32 s0, s3;
	s10 =	smul.u32 $0xC800, s10  }
0x9: {  	s3 =	simm.s32 $0x0;
	s11 =	ssub.s32 $0x2, s0;
	s0 =	smul.u32 $0x2710, s0  }
0xa: {  	s4 =	smul.u32 $0x2710, s4;
	[smem:$0x7FF] =	sst s3;
	s13 =	sshrl.u32 s11, $0x1  }
0xb: {  	s7 =	sshrl.u32 s7, $0x2;
	_ =	strace $0x8000004A;
	s11 =	ssub.s32 s11, s13  }
0xc: {  	s19 =	sadd.s32 s7, s2;
	s12 =	sshrl.u32 s12, $0x2;
	s7 =	sor.u32 $0x1C06, s20  }
0xd: {  	s22 =	sadd.s32 s15, s14;
	s10 =	sadd.s32 s14, s10;
	s0 =	sadd.s32 s0, s16  }
0xe: {  	s20 =	simm.s32 $0x80;
	s8 =	sshrl.u32 s4, $0x3;
	s4 =	sadd.s32 $0x19200, s1  }
0xf: {  	s12 =	sadd.s32 s12, s2;
	s23 =	sshrl.u32 s10, $0x3;
	s24 =	sadd.s32 $0x180, s0  }
0x10: {  	s25 =	smax.u32 s11, $0x1;
	s15 =	sadd.s32 $0x100, s0;
	s17 =	sshrl.u32 s19, $0x3  }
0x11: {  	s0 =	simm.s32 $0x5;
	s9 =	sadd.s32 s8, s1;
	s1 =	sadd.s32 $0x40400, s1  }
0x12: {  	[dreg:$0x8] =	wrdreg s25;
	s26 =	sshrl.u32 s24, $0x3;
	s9 =	sadd.s32 $0xDA00, s9  }
0x13: {  	s19 =	sshrl.u32 @!p0 s12, $0x3;
	[dreg:$0x3] =	wrdreg s9;
	s9 =	sadd.s32 s5, s8  }
0x14: {  	s24 =	simm.s32 $0x2800;
	s25 =	simm.s32 $0x3;
	s8 =	sadd.s32 $0x10, s9  }
0x15: {  	s16 =	sadd.s32 s26, s5;
	s21 =	sadd.s32 $0x4E0, s9;
	[dreg:$0x4] =	wrdreg s8  }
0x16: {  	s26 =	simm.s32 $0x1;
	[dreg:$0x5] =	wrdreg s21;
	s8 =	sshrl.u32 s22, $0x3  }
0x17: {  	s21 =	simm.s32 $0x2880;
	s22 =	simm.s32 $0x6880;
	s8 =	sadd.s32 s1, s8  }
0x18: {  	s1 =	sadd.s32 s1, s23;
	s23 =	simm.s32 $0x2780;
	[dreg:$0x6] =	wrdreg s8  }
0x19: {  	[dreg:$0x7] =	wrdreg s1;
	s1 =	simm.s32 $0xA900;
	s8 =	simm.s32 $0x0  }
.LBB2_1:
0x1a: {  	[spmem:s17], [sflag:s7] =	dma.local [hbm:s6], $0x1900  }
0x1b: {  	_ =	swait.ge [sflag:s18], $0x1900  }
0x1c: {  	[sflag:s18] =	ssyncset.done $0x0  }
0x1d: {  	s10 =	simm.s32 @!p0 $0x6;
	[sflag:s18] =	ssyncadd.s32 $0xFFFFE700  }
0x1e: {  	[spmem:s19], [sflag:s7] =	dma.local @!p0 [hbm:s6], $0x1900  }
0x1f: {  	_ =	swait.ge @!p0 [sflag:s10], $0x1900  }
0x20: {  	[sflag:s10] =	ssyncset.done @!p0 $0x0  }
0x21: {  	s14 =	rddreg [dreg:$0x3];
	[sflag:s10] =	ssyncadd.s32 @!p0 $0xFFFFE700  }
0x22: {  	[tilespmem:s3], [sflag:$0x6] =	stream.linear.gather [hbm4b:s14+s3], $0x2710, $0x38;
	[tilespmem:$0x1E980] =	vst v63  }
0x23: {  	_ =	swait.ge [sflag:s18], $0x2710  }
0x24: {  	[sflag:s18] =	ssyncset.done $0x0  }
0x25: {  	[sflag:s18] =	ssyncadd.s32 $0xFFFFD8F0  }
0x26: {  	[bflag:$0x0] =	sbarrier.arrive $0xFFFF  }
0x27: {  	[tilespmem:s21], [sflag:$0x1] =	stream.indirect.gather [hbm4b:s4+s20], $0x80, s3, s20, $0xb8;
	[tilespmem:$0x1E980] =	vst v63  }
0x28: {  	_ = 	snop  }
0x29: {  	[tilespmem:s22], [sflag:$0x2] =	stream.indirect.gather [hbm4b:s4+s20], $0x80, s20, s20, $0xb8;
	[tilespmem:$0x1E980] =	vst v63  }
0x2a: {  	_ = 	snop  }
0x2b: {  	[tilespmem:s23], [sflag:$0x3] =	stream.linear.gather [hbm4b:s9+s3], $0x80, $0x38;
	[tilespmem:$0x1E980] =	vst v63  }
0x2c: {  	s11 =	rddreg [dreg:$0x4]  }
0x2d: {  	[tilespmem:s24], [sflag:$0x4] =	stream.linear.gather [hbm4b:s11+s3], $0x80, $0x38;
	[tilespmem:$0x1E980] =	vst v63  }
0x2e: {  	_ =	swait.ge [sflag:s25], $0x80  }
0x2f: {  	[sflag:s25] =	ssyncset.done $0x0  }
0x30: {  	[sflag:s25] =	ssyncadd.s32 $0xFFFFFF80  }
0x31: {  	_ =	swait.ge [sflag:s26], $0x4000  }
0x32: {  	[sflag:s26] =	ssyncset.done $0x0  }
0x33: {  	[sflag:s26] =	ssyncadd.s32 $0xFFFFC000  }
0x34: {  	[spmem:s2] =	stream.indirect.scatter.add.f32 [tilespmem:s21], [sflag:$0x6], $0x80, s23, s20, $0xb8;
	[tilespmem:$0x1E980] =	vst v63  }
0x35: {  	_ =	swait.ge [sflag:s18], $0x4000  }
0x36: {  	[sflag:s18] =	ssyncset.done $0x0  }
0x37: {  	s12 =	simm.s32 $0x100;
	s11 =	sshrl.u32 s15, $0x3;
	[sflag:s18] =	ssyncadd.s32 $0xFFFFC000  }
0x38: {  	[tilespmem:s21], [sflag:$0x1] =	stream.indirect.gather [hbm4b:s4+s20], $0x80, s12, s20, $0xb8;
	[tilespmem:$0x1E980] =	vst v63  }
0x39: {  	s13 =	sadd.s32 s5, s11  }
0x3a: {  	[tilespmem:s23], [sflag:$0x3] =	stream.linear.gather [hbm4b:s13+s3], $0x80, $0x38;
	[tilespmem:$0x1E980] =	vst v63  }
0x3b: {  	_ =	swait.ge [sflag:s28], $0x80  }
0x3c: {  	[sflag:s28] =	ssyncset.done $0x0  }
0x3d: {  	[sflag:s28] =	ssyncadd.s32 $0xFFFFFF80  }
0x3e: {  	_ =	swait.ge [sflag:s29], $0x4000  }
0x3f: {  	[sflag:s29] =	ssyncset.done $0x0  }
0x40: {  	[sflag:s29] =	ssyncadd.s32 $0xFFFFC000  }
0x41: {  	[spmem:s2] =	stream.indirect.scatter.add.f32 [tilespmem:s22], [sflag:$0x6], $0x80, s24, s20, $0xb8;
	[tilespmem:$0x1E980] =	vst v63  }
0x42: {  	s10 =	simm.s32 $0x20;
	_ =	swait.ge [sflag:s18], $0x4000  }
0x43: {  	s14 =	simm.s32 $0x180;
	s11 =	sadd.s32 $0x100, s15;
	[sflag:s18] =	ssyncset.done $0x0  }
0x44: {  	s12 =	simm.s32 $0x200;
	s13 =	sadd.s32 $0x0, s16;
	[sflag:s18] =	ssyncadd.s32 $0xFFFFC000  }
0x45: {  	[tilespmem:s22], [sflag:$0x2] =	stream.indirect.gather [hbm4b:s4+s20], $0x80, s14, s20, $0xb8;
	[tilespmem:$0x1E980] =	vst v63  }
.LBB2_2:
0x46: {  	[tilespmem:s24], [sflag:$0x4] =	stream.linear.gather [hbm4b:s13+s3], $0x80, $0x38;
	[tilespmem:$0x1E980] =	vst v63  }
0x47: {  	s13 =	smov.u32 s10  }
0x48: {  	p1 =	sne.s32 s10, $0x4A0;
	s10 =	sadd.s32 $0x20, s10;
	_ =	swait.ge [sflag:s25], $0x80  }
0x49: {  	[sflag:s25] =	ssyncset.done $0x0  }
0x4a: {  	[sflag:s25] =	ssyncadd.s32 $0xFFFFFF80  }
0x4b: {  	_ =	swait.ge [sflag:s26], $0x4000  }
0x4c: {  	[sflag:s26] =	ssyncset.done $0x0  }
0x4d: {  	[sflag:s26] =	ssyncadd.s32 $0xFFFFC000  }
0x4e: {  	[spmem:s2] =	stream.indirect.scatter.add.f32 [tilespmem:s21], [sflag:$0x6], $0x80, s23, s20, $0xb8;
	[tilespmem:$0x1E980] =	vst v63  }
0x4f: {  	_ =	swait.ge [sflag:s18], $0x4000  }
0x50: {  	[sflag:s18] =	ssyncset.done $0x0  }
0x51: {  	s14 =	sshrl.u32 s11, $0x3;
	[sflag:s18] =	ssyncadd.s32 $0xFFFFC000  }
0x52: {  	[tilespmem:s21], [sflag:$0x1] =	stream.indirect.gather [hbm4b:s4+s20], $0x80, s12, s20, $0xb8;
	[tilespmem:$0x1E980] =	vst v63  }
0x53: {  	s14 =	sadd.s32 s5, s14  }
0x54: {  	[tilespmem:s23], [sflag:$0x3] =	stream.linear.gather [hbm4b:s14+s3], $0x80, $0x38;
	[tilespmem:$0x1E980] =	vst v63  }
0x55: {  	_ =	swait.ge [sflag:s28], $0x80  }
0x56: {  	[sflag:s28] =	ssyncset.done $0x0  }
0x57: {  	[sflag:s28] =	ssyncadd.s32 $0xFFFFFF80  }
0x58: {  	_ =	swait.ge [sflag:s29], $0x4000  }
0x59: {  	[sflag:s29] =	ssyncset.done $0x0  }
0x5a: {  	[sflag:s29] =	ssyncadd.s32 $0xFFFFC000  }
0x5b: {  	[spmem:s2] =	stream.indirect.scatter.add.f32 [tilespmem:s22], [sflag:$0x6], $0x80, s24, s20, $0xb8;
	[tilespmem:$0x1E980] =	vst v63  }
.Ltmp0:
0x5c: {  	_ =	swait.ge [sflag:s18], $0x4000;
	(pc) =	sbr.rel @p1 .LBB2_2-.Ltmp0, $4  }
0x5d: {  	[sflag:s18] =	ssyncset.done $0x0  }
0x5e: {  	s14 =	sadd.s32 $0x80, s12;
	[sflag:s18] =	ssyncadd.s32 $0xFFFFC000  }
0x5f: {  	[tilespmem:s22], [sflag:$0x2] =	stream.indirect.gather [hbm4b:s4+s20], $0x80, s14, s20, $0xb8;
	[tilespmem:$0x1E980] =	vst v63  }
0x60: {  	s11 =	sadd.s32 $0x100, s11;
	s13 =	sadd.s32 s13, s16;
	s12 =	sadd.s32 $0x100, s12  }
0x61: {  	[tilespmem:s24], [sflag:$0x4] =	stream.linear.gather [hbm4b:s13+s3], $0x80, $0x38;
	[tilespmem:$0x1E980] =	vst v63  }
0x62: {  	_ =	swait.ge [sflag:s25], $0x80  }
0x63: {  	[sflag:s25] =	ssyncset.done $0x0  }
0x64: {  	[sflag:s25] =	ssyncadd.s32 $0xFFFFFF80  }
0x65: {  	_ =	swait.ge [sflag:s26], $0x4000  }
0x66: {  	[sflag:s26] =	ssyncset.done $0x0  }
0x67: {  	[sflag:s26] =	ssyncadd.s32 $0xFFFFC000  }
0x68: {  	[spmem:s2] =	stream.indirect.scatter.add.f32 [tilespmem:s21], [sflag:$0x6], $0x80, s23, s20, $0xb8;
	[tilespmem:$0x1E980] =	vst v63  }
0x69: {  	_ =	swait.ge [sflag:s18], $0x4000  }
0x6a: {  	[sflag:s18] =	ssyncset.done $0x0  }
0x6b: {  	[sflag:s18] =	ssyncadd.s32 $0xFFFFC000  }
0x6c: {  	_ =	swait.ge [sflag:s28], $0x80  }
0x6d: {  	[sflag:s28] =	ssyncset.done $0x0  }
0x6e: {  	[sflag:s28] =	ssyncadd.s32 $0xFFFFFF80  }
0x6f: {  	_ =	swait.ge [sflag:s29], $0x4000  }
0x70: {  	[sflag:s29] =	ssyncset.done $0x0  }
0x71: {  	[sflag:s29] =	ssyncadd.s32 $0xFFFFC000  }
0x72: {  	[spmem:s2] =	stream.indirect.scatter.add.f32 [tilespmem:s22], [sflag:$0x6], $0x80, s24, s20, $0xb8;
	[tilespmem:$0x1E980] =	vst v63  }
0x73: {  	_ =	swait.ge [sflag:s18], $0x4000  }
0x74: {  	[sflag:s18] =	ssyncset.done $0x0  }
0x75: {  	s10 =	simm.s32 $0x2700;
	[sflag:s18] =	ssyncadd.s32 $0xFFFFC000  }
0x76: {  	[tilespmem:s1], [sflag:$0x5] =	stream.indirect.gather [hbm4b:s4+s30], $0x80, s10, s30, $0xb8;
	[tilespmem:$0x1E980] =	vst v63  }
0x77: {  	_ =	swait.ge [sflag:s0], $0x800  }
0x78: {  	[sflag:s0] =	ssyncset.done $0x0  }
0x79: {  	s13 =	rddreg [dreg:$0x5];
	[sflag:s0] =	ssyncadd.s32 $0xFFFFF800  }
0x7a: {  	[tilespmem:s31], [sflag:$0x6] =	stream.linear.gather [hbm4b:s13+s3], $0x10, $0x38;
	[tilespmem:$0x1E980] =	vst v63  }
0x7b: {  	_ =	swait.ge [sflag:s18], $0x10  }
0x7c: {  	[sflag:s18] =	ssyncset.done $0x0  }
0x7d: {  	[sflag:s18] =	ssyncadd.s32 $0xFFFFFFF0  }
0x7e: {  	[spmem:s2] =	stream.indirect.scatter.add.f32 [tilespmem:s1], [sflag:$0x6], $0x80, s31, s30, $0xb8;
	[tilespmem:$0x1E980] =	vst v63  }
0x7f: {  	_ =	swait.ge [sflag:s18], $0x800  }
0x80: {  	[sflag:s18] =	ssyncset.done $0x0  }
0x81: {  	[sflag:s18] =	ssyncadd.s32 $0xFFFFF800  }
0x82: {  	[bflag:$0x0] =	sbarrier.arrive $0xFFFF  }
0x83: {  	s14 =	rddreg [dreg:$0x6]  }
0x84: {  	[hbm:s14], [sflag:s7] =	dma.local [spmem:s17], $0x1900  }
0x85: {  	_ =	swait.ge [sflag:s18], $0x1900  }
0x86: {  	[sflag:s18] =	ssyncset.done $0x0  }
0x87: {  	s10 =	rddreg [dreg:$0x7];
	[sflag:s18] =	ssyncadd.s32 $0xFFFFE700  }
0x88: {  	[hbm:s10], [sflag:s7] =	dma.local @!p0 [spmem:s19], $0x1900  }
0x89: {  	s10 =	simm.s32 @!p0 $0x6  }
0x8a: {  	_ =	swait.ge @!p0 [sflag:s10], $0x1900  }
0x8b: {  	s8 =	sadd.s32 $0x1, s8;
	s11 =	rddreg [dreg:$0x8]  }
0x8c: {  	p1 =	sne.s32 s8, s11  }
.Ltmp1:
0x8d: {  	_ = 	snop;
	(pc) =	sbr.rel @p1 .LBB2_1-.Ltmp1, $3  }
0x8e: {  	_ =	sdelay $0x1  }
0x8f: {  	[sflag:s10] =	ssyncset.done @!p0 $0x0  }
0x90: {  	[sflag:s10] =	ssyncadd.s32 @!p0 $0xFFFFE700  }
0x91: {  	_ =	sfence.sel $0x180000  }
0x92: {  	[bflag:$0x0] =	sbarrier.arrive $0xFFFF  }
0x93: {  	_ =	strace $0x9000004A  }
0x94: {  	s0 =	stileid.u32;
	[bflag:$0x2] =	sbarrier.arrive $0xFFFF  }
0x95: {  	p0 =	sne.s32 s0, $0x0;
	s0 =	rddreg [dreg:$0x2]  }
0x96: {  	s0 =	sadd.s32 @!p0 $0x100000, s0  }
0x97: {  	[sflag:s0] =	ssyncadd.tile.s32 @!p0 $0x1;
	_ =	shalt  }
.Lfunc_end2:
_tile_overlayer_lowered:
.L_overlay_start_2:
0x98: {  	(tag) =	ssettag $0x2  }
0x99: {  	s0 =	rddreg [dreg:$0x0];
	s2 =	stileid.u32  }
0x9a: {  	s1 =	rddreg [dreg:$0x1];
	p0 =	sne.s32 s2, $0x0  }
0x9b: {  	s3 =	rddreg [dreg:$0x2];
	[bflag:$0x3] =	sbarrier.arrive $0xFFFF;
	s2 =	simm.s32 @!p0 $0x1C06  }
0x9c: {  	[timem:s3], [sflag:s2] =	dma.local @!p0 [hbm:s0], s1  }
0x9d: {  	s0 =	simm.s32 @!p0 $0x6  }
0x9e: {  	_ =	swait.ge @!p0 [sflag:s0], s1  }
0x9f: {  	s1 =	ssub.s32 @!p0 $0x0, s1;
	[sflag:s0] =	ssyncset.done @!p0 $0x0  }
0xa0: {  	[sflag:s0] =	ssyncadd.s32 @!p0 s1  }
0xa1: {  	[bflag:$0x3] =	sbarrier.arrive $0xFFFF  }
0xa2: {  	_ =	shalt  }

// kernel: kernel.14.cloned.1.call-start
scs
__scs_entry_jumppad:
0x0: {  	(pc) =	sbr.rel $0x88, $3  }
0x1: {  	(tag) =	ssettag $0x0;
	lr =	simm.s32 $0x1  }
0x2: {  	[smem:$0x3F8D] =	sst lr;
	_ =	strace $0xD0000000  }
0x3: {  	_ = 	snop  }
0x4: {  	_ = 	snop  }
0x5: {  	_ = 	snop  }
0x6: {  	_ = 	snop  }
0x7: {  	_ = 	snop  }
__scs_overlays_trampoline_lowered:
0x8: {  	[smem:$0x3F9C] =	sst s0  }
0x9: {  	[smem:$0x3F9D] =	sst s1  }
0xa: {  	[smem:$0x3F9E] =	sst s2  }
0xb: {  	[smem:$0x3F9F] =	sst s3  }
0xc: {  	[smem:$0x3FA0] =	sst s4  }
0xd: {  	[smem:$0x3FA1] =	sst s5  }
0xe: {  	[smem:$0x3FA2] =	sst s6  }
0xf: {  	[smem:$0x3FA3] =	sst s7  }
0x10: {  	[smem:$0x3FA4] =	sst s8  }
0x11: {  	[smem:$0x3FA5] =	sst s9;
	s0 =	simm.s32 @!p0 $0x0  }
0x12: {  	s1 =	sld [smem:$0x3F8B];
	s0 =	simm.s32 @p0 $0x1  }
0x13: {  	[smem:$0x3FA6] =	sst s0;
	s0 =	simm.s32 @!p1 $0x0  }
0x14: {  	s2 =	sld [smem:$0x3F8A];
	s0 =	simm.s32 @p1 $0x1  }
0x15: {  	[smem:$0x3FA7] =	sst s0;
	s0 =	simm.s32 @!p2 $0x0  }
0x16: {  	s3 =	sld [smem:$0x3FDB];
	s0 =	simm.s32 @p2 $0x1  }
0x17: {  	s4 =	simm.s32 $0x1BF5;
	[smem:$0x3FA9] =	sst s0  }
0x18: {  	s0 =	sld [smem:$0x3F8C];
	_ =	swait.ge [sflag:s4], $0x0  }
0x19: {  	s7 =	sld [smem:$0x3F8D]  }
0x1a: {  	s8 =	sadd.s32 $0xFFFFE003, lr  }
0x1b: {  	s9 =	sadd.s32 $0xFFFFFEF7, lr;
	s5 =	simm.s32 $0xFFFFFFFF;
	p2 =	slt.u32 s8, $0xFFFFF086  }
0x1c: {  	p1 =	slt.u32 s9, $0xF7A;
	s5 =	simm.s32 @!p2 $0x0  }
0x1d: {  	s5 =	simm.s32 @p1 $0x1;
	p0 =	seq.s32 s7, s2  }
0x1e: {  	s7 =	smul.u32 @!p0 $0xF7A, s2;
	p2 =	seq.s32 @!p0 s5, $0x0  }
0x1f: {  	s9 =	smul.u32 $0xF7A, s1;
	s8 =	simm.s32 @!p0 $0x1BF5;
	p2 =	por !p2, p0  }
0x20: {  	[sflag:s8] =	ssyncset.s32 @!p0 $0xFFFFF086;
	s6 =	sadd.s32 @!p0 s3, s7;
	s7 =	simm.s32 @!p0 $0x108  }
0x21: {  	s3 =	sadd.s32 s3, s9;
	s6 =	sadd.s32 @!p0 $0x88, s6;
	s7 =	simm.s32 @p2 $0x1082  }
0x22: {  	[simem:s7], [sflag:s8] =	dma.local @!p0 [hbm:s6], $0xF7A  }
0x23: {  	s9 =	sor.u32 $0xD0000000, s2;
	s6 =	simm.s32 $0x108;
	_ =	swait.ge @!p0 [sflag:s8], $0x0  }
0x24: {  	s3 =	sadd.s32 $0x88, s3;
	s6 =	simm.s32 @!p1 $0x1082;
	[sflag:s4] =	ssyncset.s32 $0xFFFFF086  }
0x25: {  	[simem:s6], [sflag:s4] =	dma.local [hbm:s3], $0xF7A  }
0x26: {  	[smem:$0x3F8D] =	sst s1;
	(tag) =	ssettag s2;
	_ =	strace s9  }
0x27: {  	s1 =	sld [smem:$0x3F9D]  }
0x28: {  	s2 =	sld [smem:$0x3F9E]  }
0x29: {  	s4 =	sld [smem:$0x3FA0]  }
0x2a: {  	p0 =	seq.s32 s5, $0x0;
	s5 =	sld [smem:$0x3FA1]  }
0x2b: {  	s6 =	sld [smem:$0x3FA2]  }
0x2c: {  	s7 =	sld [smem:$0x3FA3]  }
0x2d: {  	s3 =	simm.s32 $0x108;
	s8 =	sld [smem:$0x3FA4]  }
0x2e: {  	s3 =	simm.s32 @!p0 $0x1082;
	s9 =	sld [smem:$0x3FA5]  }
0x2f: {  	lr =	sadd.s32 s0, s3;
	s0 =	sld [smem:$0x3F9C]  }
0x30: {  	s3 =	sld [smem:$0x3F9F]  }
0x31: {  	[smem:$0x3FA8] =	sst s10  }
0x32: {  	s10 =	sld [smem:$0x3FA6];
	_ =	sdelay $0x3  }
0x33: {  	p0 =	seq.s32 s10, $0x1;
	s10 =	sld [smem:$0x3FA8];
	_ =	sdelay $0x3  }
0x34: {  	[smem:$0x3FA8] =	sst s10  }
0x35: {  	s10 =	sld [smem:$0x3FA7];
	_ =	sdelay $0x3  }
0x36: {  	p1 =	seq.s32 s10, $0x1;
	s10 =	sld [smem:$0x3FA8];
	_ =	sdelay $0x3  }
0x37: {  	[smem:$0x3FA8] =	sst s10  }
0x38: {  	s10 =	sld [smem:$0x3FA9]  }
0x39: {  	_ = 	snop;
	(pc) =	sbr.ind lr, $3  }
0x3a: {  	_ = 	snop  }
0x3b: {  	_ = 	snop  }
0x3c: {  	p2 =	seq.s32 s10, $0x1;
	s10 =	sld [smem:$0x3FA8]  }
0x3d: {  	_ =	shalt  }
0x3e: {  	_ =	shalt  }
0x3f: {  	_ =	shalt  }
0x40: {  	_ =	shalt  }
0x41: {  	_ =	shalt  }
0x42: {  	_ =	shalt  }
0x43: {  	_ =	shalt  }
0x44: {  	_ =	shalt  }
0x45: {  	_ =	shalt  }
0x46: {  	_ =	shalt  }
0x47: {  	_ =	shalt  }
0x48: {  	_ =	shalt  }
0x49: {  	_ =	shalt  }
0x4a: {  	_ =	shalt  }
0x4b: {  	_ =	shalt  }
0x4c: {  	_ =	shalt  }
0x4d: {  	_ =	shalt  }
0x4e: {  	_ =	shalt  }
0x4f: {  	_ =	shalt  }
0x50: {  	_ =	shalt  }
0x51: {  	_ =	shalt  }
0x52: {  	_ =	shalt  }
0x53: {  	_ =	shalt  }
0x54: {  	_ =	shalt  }
0x55: {  	_ =	shalt  }
0x56: {  	_ =	shalt  }
0x57: {  	_ =	shalt  }
0x58: {  	_ =	shalt  }
0x59: {  	_ =	shalt  }
0x5a: {  	_ =	shalt  }
0x5b: {  	_ =	shalt  }
0x5c: {  	_ =	shalt  }
0x5d: {  	_ =	shalt  }
0x5e: {  	_ =	shalt  }
0x5f: {  	_ =	shalt  }
0x60: {  	_ =	shalt  }
0x61: {  	_ =	shalt  }
0x62: {  	_ =	shalt  }
0x63: {  	_ =	shalt  }
0x64: {  	_ =	shalt  }
0x65: {  	_ =	shalt  }
0x66: {  	_ =	shalt  }
0x67: {  	_ =	shalt  }
0x68: {  	_ =	shalt  }
0x69: {  	_ =	shalt  }
0x6a: {  	_ =	shalt  }
0x6b: {  	_ =	shalt  }
0x6c: {  	_ =	shalt  }
0x6d: {  	_ =	shalt  }
0x6e: {  	_ =	shalt  }
0x6f: {  	_ =	shalt  }
0x70: {  	_ =	shalt  }
0x71: {  	_ =	shalt  }
0x72: {  	_ =	shalt  }
0x73: {  	_ =	shalt  }
0x74: {  	_ =	shalt  }
0x75: {  	_ =	shalt  }
0x76: {  	_ =	shalt  }
0x77: {  	_ =	shalt  }
0x78: {  	_ =	shalt  }
0x79: {  	_ =	shalt  }
0x7a: {  	_ =	shalt  }
0x7b: {  	_ =	shalt  }
0x7c: {  	_ =	shalt  }
0x7d: {  	_ =	shalt  }
0x7e: {  	_ =	shalt  }
0x7f: {  	_ =	shalt  }
0x80: {  	_ =	shalt  }
0x81: {  	_ =	shalt  }
0x82: {  	_ =	shalt  }
0x83: {  	_ =	shalt  }
0x84: {  	_ =	shalt  }
0x85: {  	_ =	shalt  }
0x86: {  	_ =	shalt  }
0x87: {  	_ =	shalt  }
.Lfunc_end0:
.L_simem_size_0:
called_computation.2_lowered:
.L_overlay_start_0:
0x88: {  	s2 =	sld [smem:$0x3FD9]  }
0x89: {  	s3 =	sld [smem:$0x3FFE];
	_ =	sdelay $0x1  }
0x8a: {  	s1 =	srdreg.scid  }
0x8b: {  	s0 =	sand.u32 $0x1, s1  }
0x8c: {  	s16 =	sshll.u32 s0, $0xA;
	s2 =	sadd.s32 s3, s2  }
0x8d: {  	s2 =	sadd.s32 s2, s16  }
0x8e: {  	[smem:$0x3FB4] =	sst s2  }
0x8f: {  	_ = 	snop  }
0x90: {  	(tm) =	ssettm $0x1  }
0x91: {  	s17 =	sld [smem:$0x3FFB];
	_ =	sdelay $0x3  }
0x92: {  	_ =	strace s17  }
0x93: {  	s2 =	sld [smem:$0x3FFC];
	_ =	sdelay $0x3  }
0x94: {  	_ =	strace s2  }
0x95: {  	s2 =	sld [smem:$0x3FFD];
	_ =	sdelay $0x3  }
0x96: {  	_ =	strace s2  }
0x97: {  	_ =	strace $0x8FFFFFFF  }
0x98: {  	s18 =	sld [smem:$0x3FDB];
	_ =	sdelay $0x1  }
0x99: {  	s19 =	simm.s32 $_scs_section_size  }
0x9a: {  	s4 =	simm.s32 $_size__tile_overlayer_lowered;
	s5 =	simm.s32 $_tile_overlayer_lowered  }
0x9b: {  	s22 =	simm.s32 $0x1BFF;
	s21 =	sshll.u32 s5, $0x1;
	s2 =	sadd.s32 s19, s18  }
0x9c: {  	s6 =	simm.s32 $0x0;
	s20 =	sshll.u32 s4, $0x1;
	s4 =	sadd.s32 s21, s2  }
0x9d: {  	[timem:s6], [sflag:s22] =	dma.local [hbm:s4], s20  }
0x9e: {  	_ =	swait.ge [sflag:s22], s20  }
0x9f: {  	s3 =	ssub.s32 $0x0, s20;
	[sflag:s22] =	ssyncset.done $0x0  }
0xa0: {  	[sflag:s22] =	ssyncadd.s32 s3;
	_ =	sdelay $0x1  }
0xa1: {  	s23 =	simm.s32 $0x1B8B  }
0xa2: {  	_ =	swait.ge [sflag:s23], $0x1  }
0xa3: {  	[sflag:s23] =	ssyncset.done $0x0  }
0xa4: {  	s25 =	simm.s32 $0x1B8E;
	s24 =	sld [smem:$0x3FFE];
	[sflag:s23] =	ssyncadd.s32 $0xFFFFFFFF  }
0xa5: {  	s26 =	simm.s32 $execute0_lowered;
	[smem:$0x3FD2] =	sst s25  }
0xa6: {  	s4 =	sshll.u32 s26, $0x1;
	_ =	strace $0x8000004C;
	[dreg:$0x1] =	wrdreg $0xFFFFFFFF  }
0xa7: {  	s28 =	simm.s32 $_size_execute0_lowered;
	s2 =	sadd.s32 s2, s4;
	[dreg:$0x0] =	wrdreg $0x0  }
0xa8: {  	s4 =	sshll.u32 s28, $0x1;
	[dreg:$0x2] =	wrdreg s2  }
0xa9: {  	[dreg:$0x3] =	wrdreg s4  }
0xaa: {  	[dreg:$0x4] =	wrdreg $0xC0  }
0xab: {  	_ =	task [dreg:s6], $0x5FFFF  }
0xac: {  	[dreg:$0x1] =	wrdreg $0xFFFFFFFF  }
0xad: {  	[dreg:$0x0] =	wrdreg $0x60  }
0xae: {  	[dreg:$0x2] =	wrdreg s24  }
0xaf: {  	[dreg:$0x3] =	wrdreg $0xB1000  }
0xb0: {  	[dreg:$0x4] =	wrdreg $0x9  }
0xb1: {  	_ =	task.clear_ibuf [dreg:s6], $0x5FFFF;
	_ =	strace $0x9000004C  }
0xb2: {  	s29 =	simm.s32 $0x9;
	_ =	strace $0x8000004E  }
0xb3: {  	_ =	swait.ge [sflag:s29], $0x1  }
0xb4: {  	[sflag:s29] =	ssyncadd.s32 $0xFFFFFFFF  }
0xb5: {  	_ =	strace $0x9000004E  }
0xb6: {  	_ =	sfence  }
0xb7: {  	s30 =	sld [smem:$0x0];
	_ =	sdelay $0x2  }
0xb8: {  	s31 =	sshll.u32 s1, $0xD;
	s1 =	sshrl.u32 s1, $0x2  }
0xb9: {  	s3 =	sand.u32 $0x4000, s31;
	s1 =	sadd.s32 s1, s30  }
0xba: {  	s0 =	sor.u32 s3, s0;
	s1 =	sshll.u32 s1, $0x11  }
0xbb: {  	s0 =	sor.u32 s1, s0  }
0xbc: {  	s0 =	sadd.s32 $0x8F2B, s0  }
0xbd: {  	[sflag:s0] =	ssyncadd.remote.s32 $0x1  }
0xbe: {  	_ =	sfence.sel $0xFFFF  }
0xbf: {  	[dreg:$0x0] =	wrdreg $0xFFFFFFFF;
	(pc) =	sbr.abs _section_cstart, $3  }
0xc0: {  	[dreg:$0x1] =	wrdreg $0xFFFFFFFF  }
0xc1: {  	_ =	task.clear_ibuf [dreg:s6], $0x2FFFF;
	_ =	strace $0x9FFFFFFF  }
0xc2: {  	(tm) =	ssettm $0x7FFFFFFF  }
0xc3: {  	_ =	shalt  }
tec
execute0_lowered:
.L_overlay_start_1:
0x0: {  	(tag) =	ssettag $0x1  }
0x1: {  	s0 =	srdreg.scid;
	s1 =	rddreg [dreg:$0x0]  }
0x2: {  	s17 =	stileid.u32;
	s2 =	rddreg [dreg:$0x1];
	s18 =	simm.s32 $0x6  }
0x3: {  	s28 =	simm.s32 $0x4;
	s29 =	simm.s32 $0x2;
	s7 =	smul.u32 $0x32000, s17  }
0x4: {  	s30 =	simm.s32 $0x10;
	s31 =	simm.s32 $0xA880;
	s15 =	smul.u32 $0xC800, s17  }
0x5: {  	s0 =	sand.u32 $0x1, s0;
	s10 =	sor.u32 $0x10, s17;
	s16 =	smul.u32 $0x4E20, s17  }
0x6: {  	s3 =	sshll.u32 s17, $0x1;
	s5 =	sadd.s32 $0x3C00, s1;
	s12 =	smul.u32 $0x32000, s10  }
0x7: {  	s6 =	sadd.s32 $0x17800, s1;
	s20 =	sshll.u32 s17, $0x6;
	s14 =	smul.u32 $0x138800, s0  }
0x8: {  	p0 =	sgt.u32 s17, $0x8;
	s4 =	sor.u32 s0, s3;
	s10 =	smul.u32 $0xC800, s10  }
0x9: {  	s3 =	simm.s32 $0x0;
	s11 =	ssub.s32 $0x2, s0;
	s0 =	smul.u32 $0x2710, s0  }
0xa: {  	s4 =	smul.u32 $0x2710, s4;
	[smem:$0x7FF] =	sst s3;
	s13 =	sshrl.u32 s11, $0x1  }
0xb: {  	s7 =	sshrl.u32 s7, $0x2;
	_ =	strace $0x8000004D;
	s11 =	ssub.s32 s11, s13  }
0xc: {  	s19 =	sadd.s32 s7, s2;
	s12 =	sshrl.u32 s12, $0x2;
	s7 =	sor.u32 $0x1C06, s20  }
0xd: {  	s22 =	sadd.s32 s15, s14;
	s10 =	sadd.s32 s14, s10;
	s0 =	sadd.s32 s0, s16  }
0xe: {  	s20 =	simm.s32 $0x80;
	s8 =	sshrl.u32 s4, $0x3;
	s4 =	sadd.s32 $0x19200, s1  }
0xf: {  	s12 =	sadd.s32 s12, s2;
	s23 =	sshrl.u32 s10, $0x3;
	s24 =	sadd.s32 $0x180, s0  }
0x10: {  	s25 =	smax.u32 s11, $0x1;
	s15 =	sadd.s32 $0x100, s0;
	s17 =	sshrl.u32 s19, $0x3  }
0x11: {  	s0 =	simm.s32 $0x5;
	s9 =	sadd.s32 s8, s1;
	s1 =	sadd.s32 $0x40400, s1  }
0x12: {  	[dreg:$0x8] =	wrdreg s25;
	s26 =	sshrl.u32 s24, $0x3;
	s9 =	sadd.s32 $0xDA00, s9  }
0x13: {  	s19 =	sshrl.u32 @!p0 s12, $0x3;
	[dreg:$0x3] =	wrdreg s9;
	s9 =	sadd.s32 s5, s8  }
0x14: {  	s24 =	simm.s32 $0x2800;
	s25 =	simm.s32 $0x3;
	s8 =	sadd.s32 $0x10, s9  }
0x15: {  	s16 =	sadd.s32 s26, s5;
	s21 =	sadd.s32 $0x4E0, s9;
	[dreg:$0x4] =	wrdreg s8  }
0x16: {  	s26 =	simm.s32 $0x1;
	[dreg:$0x5] =	wrdreg s21;
	s8 =	sshrl.u32 s22, $0x3  }
0x17: {  	s21 =	simm.s32 $0x2880;
	s22 =	simm.s32 $0x6880;
	s8 =	sadd.s32 s1, s8  }
0x18: {  	s1 =	sadd.s32 s1, s23;
	s23 =	simm.s32 $0x2780;
	[dreg:$0x6] =	wrdreg s8  }
0x19: {  	[dreg:$0x7] =	wrdreg s1;
	s1 =	simm.s32 $0xA900;
	s8 =	simm.s32 $0x0  }
.LBB2_1:
0x1a: {  	[spmem:s17], [sflag:s7] =	dma.local [hbm:s6], $0x1900  }
0x1b: {  	_ =	swait.ge [sflag:s18], $0x1900  }
0x1c: {  	[sflag:s18] =	ssyncset.done $0x0  }
0x1d: {  	s10 =	simm.s32 @!p0 $0x6;
	[sflag:s18] =	ssyncadd.s32 $0xFFFFE700  }
0x1e: {  	[spmem:s19], [sflag:s7] =	dma.local @!p0 [hbm:s6], $0x1900  }
0x1f: {  	_ =	swait.ge @!p0 [sflag:s10], $0x1900  }
0x20: {  	[sflag:s10] =	ssyncset.done @!p0 $0x0  }
0x21: {  	s14 =	rddreg [dreg:$0x3];
	[sflag:s10] =	ssyncadd.s32 @!p0 $0xFFFFE700  }
0x22: {  	[tilespmem:s3], [sflag:$0x6] =	stream.linear.gather [hbm4b:s14+s3], $0x2710, $0x38;
	[tilespmem:$0x1E980] =	vst v63  }
0x23: {  	_ =	swait.ge [sflag:s18], $0x2710  }
0x24: {  	[sflag:s18] =	ssyncset.done $0x0  }
0x25: {  	[sflag:s18] =	ssyncadd.s32 $0xFFFFD8F0  }
0x26: {  	[bflag:$0x0] =	sbarrier.arrive $0xFFFF  }
0x27: {  	[tilespmem:s21], [sflag:$0x1] =	stream.indirect.gather [hbm4b:s4+s20], $0x80, s3, s20, $0xb8;
	[tilespmem:$0x1E980] =	vst v63  }
0x28: {  	_ = 	snop  }
0x29: {  	[tilespmem:s22], [sflag:$0x2] =	stream.indirect.gather [hbm4b:s4+s20], $0x80, s20, s20, $0xb8;
	[tilespmem:$0x1E980] =	vst v63  }
0x2a: {  	_ = 	snop  }
0x2b: {  	[tilespmem:s23], [sflag:$0x3] =	stream.linear.gather [hbm4b:s9+s3], $0x80, $0x38;
	[tilespmem:$0x1E980] =	vst v63  }
0x2c: {  	s11 =	rddreg [dreg:$0x4]  }
0x2d: {  	[tilespmem:s24], [sflag:$0x4] =	stream.linear.gather [hbm4b:s11+s3], $0x80, $0x38;
	[tilespmem:$0x1E980] =	vst v63  }
0x2e: {  	_ =	swait.ge [sflag:s25], $0x80  }
0x2f: {  	[sflag:s25] =	ssyncset.done $0x0  }
0x30: {  	[sflag:s25] =	ssyncadd.s32 $0xFFFFFF80  }
0x31: {  	_ =	swait.ge [sflag:s26], $0x4000  }
0x32: {  	[sflag:s26] =	ssyncset.done $0x0  }
0x33: {  	[sflag:s26] =	ssyncadd.s32 $0xFFFFC000  }
0x34: {  	[spmem:s2] =	stream.indirect.scatter.add.f32 [tilespmem:s21], [sflag:$0x6], $0x80, s23, s20, $0xb8;
	[tilespmem:$0x1E980] =	vst v63  }
0x35: {  	_ =	swait.ge [sflag:s18], $0x4000  }
0x36: {  	[sflag:s18] =	ssyncset.done $0x0  }
0x37: {  	s12 =	simm.s32 $0x100;
	s11 =	sshrl.u32 s15, $0x3;
	[sflag:s18] =	ssyncadd.s32 $0xFFFFC000  }
0x38: {  	[tilespmem:s21], [sflag:$0x1] =	stream.indirect.gather [hbm4b:s4+s20], $0x80, s12, s20, $0xb8;
	[tilespmem:$0x1E980] =	vst v63  }
0x39: {  	s13 =	sadd.s32 s5, s11  }
0x3a: {  	[tilespmem:s23], [sflag:$0x3] =	stream.linear.gather [hbm4b:s13+s3], $0x80, $0x38;
	[tilespmem:$0x1E980] =	vst v63  }
0x3b: {  	_ =	swait.ge [sflag:s28], $0x80  }
0x3c: {  	[sflag:s28] =	ssyncset.done $0x0  }
0x3d: {  	[sflag:s28] =	ssyncadd.s32 $0xFFFFFF80  }
0x3e: {  	_ =	swait.ge [sflag:s29], $0x4000  }
0x3f: {  	[sflag:s29] =	ssyncset.done $0x0  }
0x40: {  	[sflag:s29] =	ssyncadd.s32 $0xFFFFC000  }
0x41: {  	[spmem:s2] =	stream.indirect.scatter.add.f32 [tilespmem:s22], [sflag:$0x6], $0x80, s24, s20, $0xb8;
	[tilespmem:$0x1E980] =	vst v63  }
0x42: {  	s10 =	simm.s32 $0x20;
	_ =	swait.ge [sflag:s18], $0x4000  }
0x43: {  	s14 =	simm.s32 $0x180;
	s11 =	sadd.s32 $0x100, s15;
	[sflag:s18] =	ssyncset.done $0x0  }
0x44: {  	s12 =	simm.s32 $0x200;
	s13 =	sadd.s32 $0x0, s16;
	[sflag:s18] =	ssyncadd.s32 $0xFFFFC000  }
0x45: {  	[tilespmem:s22], [sflag:$0x2] =	stream.indirect.gather [hbm4b:s4+s20], $0x80, s14, s20, $0xb8;
	[tilespmem:$0x1E980] =	vst v63  }
.LBB2_2:
0x46: {  	[tilespmem:s24], [sflag:$0x4] =	stream.linear.gather [hbm4b:s13+s3], $0x80, $0x38;
	[tilespmem:$0x1E980] =	vst v63  }
0x47: {  	s13 =	smov.u32 s10  }
0x48: {  	p1 =	sne.s32 s10, $0x4A0;
	s10 =	sadd.s32 $0x20, s10;
	_ =	swait.ge [sflag:s25], $0x80  }
0x49: {  	[sflag:s25] =	ssyncset.done $0x0  }
0x4a: {  	[sflag:s25] =	ssyncadd.s32 $0xFFFFFF80  }
0x4b: {  	_ =	swait.ge [sflag:s26], $0x4000  }
0x4c: {  	[sflag:s26] =	ssyncset.done $0x0  }
0x4d: {  	[sflag:s26] =	ssyncadd.s32 $0xFFFFC000  }
0x4e: {  	[spmem:s2] =	stream.indirect.scatter.add.f32 [tilespmem:s21], [sflag:$0x6], $0x80, s23, s20, $0xb8;
	[tilespmem:$0x1E980] =	vst v63  }
0x4f: {  	_ =	swait.ge [sflag:s18], $0x4000  }
0x50: {  	[sflag:s18] =	ssyncset.done $0x0  }
0x51: {  	s14 =	sshrl.u32 s11, $0x3;
	[sflag:s18] =	ssyncadd.s32 $0xFFFFC000  }
0x52: {  	[tilespmem:s21], [sflag:$0x1] =	stream.indirect.gather [hbm4b:s4+s20], $0x80, s12, s20, $0xb8;
	[tilespmem:$0x1E980] =	vst v63  }
0x53: {  	s14 =	sadd.s32 s5, s14  }
0x54: {  	[tilespmem:s23], [sflag:$0x3] =	stream.linear.gather [hbm4b:s14+s3], $0x80, $0x38;
	[tilespmem:$0x1E980] =	vst v63  }
0x55: {  	_ =	swait.ge [sflag:s28], $0x80  }
0x56: {  	[sflag:s28] =	ssyncset.done $0x0  }
0x57: {  	[sflag:s28] =	ssyncadd.s32 $0xFFFFFF80  }
0x58: {  	_ =	swait.ge [sflag:s29], $0x4000  }
0x59: {  	[sflag:s29] =	ssyncset.done $0x0  }
0x5a: {  	[sflag:s29] =	ssyncadd.s32 $0xFFFFC000  }
0x5b: {  	[spmem:s2] =	stream.indirect.scatter.add.f32 [tilespmem:s22], [sflag:$0x6], $0x80, s24, s20, $0xb8;
	[tilespmem:$0x1E980] =	vst v63  }
.Ltmp0:
0x5c: {  	_ =	swait.ge [sflag:s18], $0x4000;
	(pc) =	sbr.rel @p1 .LBB2_2-.Ltmp0, $4  }
0x5d: {  	[sflag:s18] =	ssyncset.done $0x0  }
0x5e: {  	s14 =	sadd.s32 $0x80, s12;
	[sflag:s18] =	ssyncadd.s32 $0xFFFFC000  }
0x5f: {  	[tilespmem:s22], [sflag:$0x2] =	stream.indirect.gather [hbm4b:s4+s20], $0x80, s14, s20, $0xb8;
	[tilespmem:$0x1E980] =	vst v63  }
0x60: {  	s11 =	sadd.s32 $0x100, s11;
	s13 =	sadd.s32 s13, s16;
	s12 =	sadd.s32 $0x100, s12  }
0x61: {  	[tilespmem:s24], [sflag:$0x4] =	stream.linear.gather [hbm4b:s13+s3], $0x80, $0x38;
	[tilespmem:$0x1E980] =	vst v63  }
0x62: {  	_ =	swait.ge [sflag:s25], $0x80  }
0x63: {  	[sflag:s25] =	ssyncset.done $0x0  }
0x64: {  	[sflag:s25] =	ssyncadd.s32 $0xFFFFFF80  }
0x65: {  	_ =	swait.ge [sflag:s26], $0x4000  }
0x66: {  	[sflag:s26] =	ssyncset.done $0x0  }
0x67: {  	[sflag:s26] =	ssyncadd.s32 $0xFFFFC000  }
0x68: {  	[spmem:s2] =	stream.indirect.scatter.add.f32 [tilespmem:s21], [sflag:$0x6], $0x80, s23, s20, $0xb8;
	[tilespmem:$0x1E980] =	vst v63  }
0x69: {  	_ =	swait.ge [sflag:s18], $0x4000  }
0x6a: {  	[sflag:s18] =	ssyncset.done $0x0  }
0x6b: {  	[sflag:s18] =	ssyncadd.s32 $0xFFFFC000  }
0x6c: {  	_ =	swait.ge [sflag:s28], $0x80  }
0x6d: {  	[sflag:s28] =	ssyncset.done $0x0  }
0x6e: {  	[sflag:s28] =	ssyncadd.s32 $0xFFFFFF80  }
0x6f: {  	_ =	swait.ge [sflag:s29], $0x4000  }
0x70: {  	[sflag:s29] =	ssyncset.done $0x0  }
0x71: {  	[sflag:s29] =	ssyncadd.s32 $0xFFFFC000  }
0x72: {  	[spmem:s2] =	stream.indirect.scatter.add.f32 [tilespmem:s22], [sflag:$0x6], $0x80, s24, s20, $0xb8;
	[tilespmem:$0x1E980] =	vst v63  }
0x73: {  	_ =	swait.ge [sflag:s18], $0x4000  }
0x74: {  	[sflag:s18] =	ssyncset.done $0x0  }
0x75: {  	s10 =	simm.s32 $0x2700;
	[sflag:s18] =	ssyncadd.s32 $0xFFFFC000  }
0x76: {  	[tilespmem:s1], [sflag:$0x5] =	stream.indirect.gather [hbm4b:s4+s30], $0x80, s10, s30, $0xb8;
	[tilespmem:$0x1E980] =	vst v63  }
0x77: {  	_ =	swait.ge [sflag:s0], $0x800  }
0x78: {  	[sflag:s0] =	ssyncset.done $0x0  }
0x79: {  	s13 =	rddreg [dreg:$0x5];
	[sflag:s0] =	ssyncadd.s32 $0xFFFFF800  }
0x7a: {  	[tilespmem:s31], [sflag:$0x6] =	stream.linear.gather [hbm4b:s13+s3], $0x10, $0x38;
	[tilespmem:$0x1E980] =	vst v63  }
0x7b: {  	_ =	swait.ge [sflag:s18], $0x10  }
0x7c: {  	[sflag:s18] =	ssyncset.done $0x0  }
0x7d: {  	[sflag:s18] =	ssyncadd.s32 $0xFFFFFFF0  }
0x7e: {  	[spmem:s2] =	stream.indirect.scatter.add.f32 [tilespmem:s1], [sflag:$0x6], $0x80, s31, s30, $0xb8;
	[tilespmem:$0x1E980] =	vst v63  }
0x7f: {  	_ =	swait.ge [sflag:s18], $0x800  }
0x80: {  	[sflag:s18] =	ssyncset.done $0x0  }
0x81: {  	[sflag:s18] =	ssyncadd.s32 $0xFFFFF800  }
0x82: {  	[bflag:$0x0] =	sbarrier.arrive $0xFFFF  }
0x83: {  	s14 =	rddreg [dreg:$0x6]  }
0x84: {  	[hbm:s14], [sflag:s7] =	dma.local [spmem:s17], $0x1900  }
0x85: {  	_ =	swait.ge [sflag:s18], $0x1900  }
0x86: {  	[sflag:s18] =	ssyncset.done $0x0  }
0x87: {  	s10 =	rddreg [dreg:$0x7];
	[sflag:s18] =	ssyncadd.s32 $0xFFFFE700  }
0x88: {  	[hbm:s10], [sflag:s7] =	dma.local @!p0 [spmem:s19], $0x1900  }
0x89: {  	s10 =	simm.s32 @!p0 $0x6  }
0x8a: {  	_ =	swait.ge @!p0 [sflag:s10], $0x1900  }
0x8b: {  	s8 =	sadd.s32 $0x1, s8;
	s11 =	rddreg [dreg:$0x8]  }
0x8c: {  	p1 =	sne.s32 s8, s11  }
.Ltmp1:
0x8d: {  	_ = 	snop;
	(pc) =	sbr.rel @p1 .LBB2_1-.Ltmp1, $3  }
0x8e: {  	_ =	sdelay $0x1  }
0x8f: {  	[sflag:s10] =	ssyncset.done @!p0 $0x0  }
0x90: {  	[sflag:s10] =	ssyncadd.s32 @!p0 $0xFFFFE700  }
0x91: {  	_ =	sfence.sel $0x180000  }
0x92: {  	[bflag:$0x0] =	sbarrier.arrive $0xFFFF  }
0x93: {  	_ =	strace $0x9000004D  }
0x94: {  	s0 =	stileid.u32;
	[bflag:$0x2] =	sbarrier.arrive $0xFFFF  }
0x95: {  	p0 =	sne.s32 s0, $0x0;
	s0 =	rddreg [dreg:$0x2]  }
0x96: {  	s0 =	sadd.s32 @!p0 $0x100000, s0  }
0x97: {  	[sflag:s0] =	ssyncadd.tile.s32 @!p0 $0x1;
	_ =	shalt  }
.Lfunc_end2:
_tile_overlayer_lowered:
.L_overlay_start_2:
0x98: {  	(tag) =	ssettag $0x2  }
0x99: {  	s0 =	rddreg [dreg:$0x0];
	s2 =	stileid.u32  }
0x9a: {  	s1 =	rddreg [dreg:$0x1];
	p0 =	sne.s32 s2, $0x0  }
0x9b: {  	s3 =	rddreg [dreg:$0x2];
	[bflag:$0x3] =	sbarrier.arrive $0xFFFF;
	s2 =	simm.s32 @!p0 $0x1C06  }
0x9c: {  	[timem:s3], [sflag:s2] =	dma.local @!p0 [hbm:s0], s1  }
0x9d: {  	s0 =	simm.s32 @!p0 $0x6  }
0x9e: {  	_ =	swait.ge @!p0 [sflag:s0], s1  }
0x9f: {  	s1 =	ssub.s32 @!p0 $0x0, s1;
	[sflag:s0] =	ssyncset.done @!p0 $0x0  }
0xa0: {  	[sflag:s0] =	ssyncadd.s32 @!p0 s1  }
0xa1: {  	[bflag:$0x3] =	sbarrier.arrive $0xFFFF  }
0xa2: {  	_ =	shalt  }

// kernel: kernel.8.cloned.1.call-start
scs
__scs_entry_jumppad:
0x0: {  	(pc) =	sbr.rel $0x88, $3  }
0x1: {  	(tag) =	ssettag $0x0;
	lr =	simm.s32 $0x1  }
0x2: {  	[smem:$0x3F8D] =	sst lr;
	_ =	strace $0xD0000000  }
0x3: {  	_ = 	snop  }
0x4: {  	_ = 	snop  }
0x5: {  	_ = 	snop  }
0x6: {  	_ = 	snop  }
0x7: {  	_ = 	snop  }
__scs_overlays_trampoline_lowered:
0x8: {  	[smem:$0x3F9C] =	sst s0  }
0x9: {  	[smem:$0x3F9D] =	sst s1  }
0xa: {  	[smem:$0x3F9E] =	sst s2  }
0xb: {  	[smem:$0x3F9F] =	sst s3  }
0xc: {  	[smem:$0x3FA0] =	sst s4  }
0xd: {  	[smem:$0x3FA1] =	sst s5  }
0xe: {  	[smem:$0x3FA2] =	sst s6  }
0xf: {  	[smem:$0x3FA3] =	sst s7  }
0x10: {  	[smem:$0x3FA4] =	sst s8  }
0x11: {  	[smem:$0x3FA5] =	sst s9;
	s0 =	simm.s32 @!p0 $0x0  }
0x12: {  	s1 =	sld [smem:$0x3F8B];
	s0 =	simm.s32 @p0 $0x1  }
0x13: {  	[smem:$0x3FA6] =	sst s0;
	s0 =	simm.s32 @!p1 $0x0  }
0x14: {  	s2 =	sld [smem:$0x3F8A];
	s0 =	simm.s32 @p1 $0x1  }
0x15: {  	[smem:$0x3FA7] =	sst s0;
	s0 =	simm.s32 @!p2 $0x0  }
0x16: {  	s3 =	sld [smem:$0x3FDB];
	s0 =	simm.s32 @p2 $0x1  }
0x17: {  	s4 =	simm.s32 $0x1BF5;
	[smem:$0x3FA9] =	sst s0  }
0x18: {  	s0 =	sld [smem:$0x3F8C];
	_ =	swait.ge [sflag:s4], $0x0  }
0x19: {  	s7 =	sld [smem:$0x3F8D]  }
0x1a: {  	s8 =	sadd.s32 $0xFFFFE003, lr  }
0x1b: {  	s9 =	sadd.s32 $0xFFFFFEF7, lr;
	s5 =	simm.s32 $0xFFFFFFFF;
	p2 =	slt.u32 s8, $0xFFFFF086  }
0x1c: {  	p1 =	slt.u32 s9, $0xF7A;
	s5 =	simm.s32 @!p2 $0x0  }
0x1d: {  	s5 =	simm.s32 @p1 $0x1;
	p0 =	seq.s32 s7, s2  }
0x1e: {  	s7 =	smul.u32 @!p0 $0xF7A, s2;
	p2 =	seq.s32 @!p0 s5, $0x0  }
0x1f: {  	s9 =	smul.u32 $0xF7A, s1;
	s8 =	simm.s32 @!p0 $0x1BF5;
	p2 =	por !p2, p0  }
0x20: {  	[sflag:s8] =	ssyncset.s32 @!p0 $0xFFFFF086;
	s6 =	sadd.s32 @!p0 s3, s7;
	s7 =	simm.s32 @!p0 $0x108  }
0x21: {  	s3 =	sadd.s32 s3, s9;
	s6 =	sadd.s32 @!p0 $0x88, s6;
	s7 =	simm.s32 @p2 $0x1082  }
0x22: {  	[simem:s7], [sflag:s8] =	dma.local @!p0 [hbm:s6], $0xF7A  }
0x23: {  	s9 =	sor.u32 $0xD0000000, s2;
	s6 =	simm.s32 $0x108;
	_ =	swait.ge @!p0 [sflag:s8], $0x0  }
0x24: {  	s3 =	sadd.s32 $0x88, s3;
	s6 =	simm.s32 @!p1 $0x1082;
	[sflag:s4] =	ssyncset.s32 $0xFFFFF086  }
0x25: {  	[simem:s6], [sflag:s4] =	dma.local [hbm:s3], $0xF7A  }
0x26: {  	[smem:$0x3F8D] =	sst s1;
	(tag) =	ssettag s2;
	_ =	strace s9  }
0x27: {  	s1 =	sld [smem:$0x3F9D]  }
0x28: {  	s2 =	sld [smem:$0x3F9E]  }
0x29: {  	s4 =	sld [smem:$0x3FA0]  }
0x2a: {  	p0 =	seq.s32 s5, $0x0;
	s5 =	sld [smem:$0x3FA1]  }
0x2b: {  	s6 =	sld [smem:$0x3FA2]  }
0x2c: {  	s7 =	sld [smem:$0x3FA3]  }
0x2d: {  	s3 =	simm.s32 $0x108;
	s8 =	sld [smem:$0x3FA4]  }
0x2e: {  	s3 =	simm.s32 @!p0 $0x1082;
	s9 =	sld [smem:$0x3FA5]  }
0x2f: {  	lr =	sadd.s32 s0, s3;
	s0 =	sld [smem:$0x3F9C]  }
0x30: {  	s3 =	sld [smem:$0x3F9F]  }
0x31: {  	[smem:$0x3FA8] =	sst s10  }
0x32: {  	s10 =	sld [smem:$0x3FA6];
	_ =	sdelay $0x3  }
0x33: {  	p0 =	seq.s32 s10, $0x1;
	s10 =	sld [smem:$0x3FA8];
	_ =	sdelay $0x3  }
0x34: {  	[smem:$0x3FA8] =	sst s10  }
0x35: {  	s10 =	sld [smem:$0x3FA7];
	_ =	sdelay $0x3  }
0x36: {  	p1 =	seq.s32 s10, $0x1;
	s10 =	sld [smem:$0x3FA8];
	_ =	sdelay $0x3  }
0x37: {  	[smem:$0x3FA8] =	sst s10  }
0x38: {  	s10 =	sld [smem:$0x3FA9]  }
0x39: {  	_ = 	snop;
	(pc) =	sbr.ind lr, $3  }
0x3a: {  	_ = 	snop  }
0x3b: {  	_ = 	snop  }
0x3c: {  	p2 =	seq.s32 s10, $0x1;
	s10 =	sld [smem:$0x3FA8]  }
0x3d: {  	_ =	shalt  }
0x3e: {  	_ =	shalt  }
0x3f: {  	_ =	shalt  }
0x40: {  	_ =	shalt  }
0x41: {  	_ =	shalt  }
0x42: {  	_ =	shalt  }
0x43: {  	_ =	shalt  }
0x44: {  	_ =	shalt  }
0x45: {  	_ =	shalt  }
0x46: {  	_ =	shalt  }
0x47: {  	_ =	shalt  }
0x48: {  	_ =	shalt  }
0x49: {  	_ =	shalt  }
0x4a: {  	_ =	shalt  }
0x4b: {  	_ =	shalt  }
0x4c: {  	_ =	shalt  }
0x4d: {  	_ =	shalt  }
0x4e: {  	_ =	shalt  }
0x4f: {  	_ =	shalt  }
0x50: {  	_ =	shalt  }
0x51: {  	_ =	shalt  }
0x52: {  	_ =	shalt  }
0x53: {  	_ =	shalt  }
0x54: {  	_ =	shalt  }
0x55: {  	_ =	shalt  }
0x56: {  	_ =	shalt  }
0x57: {  	_ =	shalt  }
0x58: {  	_ =	shalt  }
0x59: {  	_ =	shalt  }
0x5a: {  	_ =	shalt  }
0x5b: {  	_ =	shalt  }
0x5c: {  	_ =	shalt  }
0x5d: {  	_ =	shalt  }
0x5e: {  	_ =	shalt  }
0x5f: {  	_ =	shalt  }
0x60: {  	_ =	shalt  }
0x61: {  	_ =	shalt  }
0x62: {  	_ =	shalt  }
0x63: {  	_ =	shalt  }
0x64: {  	_ =	shalt  }
0x65: {  	_ =	shalt  }
0x66: {  	_ =	shalt  }
0x67: {  	_ =	shalt  }
0x68: {  	_ =	shalt  }
0x69: {  	_ =	shalt  }
0x6a: {  	_ =	shalt  }
0x6b: {  	_ =	shalt  }
0x6c: {  	_ =	shalt  }
0x6d: {  	_ =	shalt  }
0x6e: {  	_ =	shalt  }
0x6f: {  	_ =	shalt  }
0x70: {  	_ =	shalt  }
0x71: {  	_ =	shalt  }
0x72: {  	_ =	shalt  }
0x73: {  	_ =	shalt  }
0x74: {  	_ =	shalt  }
0x75: {  	_ =	shalt  }
0x76: {  	_ =	shalt  }
0x77: {  	_ =	shalt  }
0x78: {  	_ =	shalt  }
0x79: {  	_ =	shalt  }
0x7a: {  	_ =	shalt  }
0x7b: {  	_ =	shalt  }
0x7c: {  	_ =	shalt  }
0x7d: {  	_ =	shalt  }
0x7e: {  	_ =	shalt  }
0x7f: {  	_ =	shalt  }
0x80: {  	_ =	shalt  }
0x81: {  	_ =	shalt  }
0x82: {  	_ =	shalt  }
0x83: {  	_ =	shalt  }
0x84: {  	_ =	shalt  }
0x85: {  	_ =	shalt  }
0x86: {  	_ =	shalt  }
0x87: {  	_ =	shalt  }
.Lfunc_end0:
.L_simem_size_0:
called_computation_lowered:
.L_overlay_start_0:
0x88: {  	s2 =	sld [smem:$0x3FD9]  }
0x89: {  	s3 =	sld [smem:$0x3FFE];
	_ =	sdelay $0x1  }
0x8a: {  	s1 =	srdreg.scid  }
0x8b: {  	s0 =	sand.u32 $0x1, s1  }
0x8c: {  	s17 =	sshll.u32 s0, $0xA;
	s2 =	sadd.s32 s3, s2  }
0x8d: {  	s2 =	sadd.s32 s2, s17  }
0x8e: {  	[smem:$0x3FB4] =	sst s2  }
0x8f: {  	_ = 	snop  }
0x90: {  	s2 =	sld [smem:$0x3FC9];
	(tm) =	ssettm $0x1  }
0x91: {  	s18 =	sld [smem:$0x3FFB];
	_ =	sdelay $0x3  }
0x92: {  	_ =	strace s18  }
0x93: {  	s3 =	sld [smem:$0x3FFC];
	_ =	sdelay $0x3  }
0x94: {  	_ =	strace s3  }
0x95: {  	s3 =	sld [smem:$0x3FFD];
	_ =	sdelay $0x3  }
0x96: {  	_ =	strace s3  }
0x97: {  	_ =	strace $0x8FFFFFFF  }
0x98: {  	s19 =	sld [smem:$0x3FDB];
	_ =	sdelay $0x1  }
0x99: {  	s4 =	simm.s32 $_scs_section_size  }
0x9a: {  	s5 =	simm.s32 $_size__tile_overlayer_lowered;
	s6 =	simm.s32 $_tile_overlayer_lowered  }
0x9b: {  	s22 =	simm.s32 $0x1BFF;
	s21 =	sshll.u32 s6, $0x1;
	s3 =	sadd.s32 s4, s19  }
0x9c: {  	s7 =	simm.s32 $0x0;
	s20 =	sshll.u32 s5, $0x1;
	s5 =	sadd.s32 s21, s3  }
0x9d: {  	[timem:s7], [sflag:s22] =	dma.local [hbm:s5], s20  }
0x9e: {  	_ =	swait.ge [sflag:s22], s20  }
0x9f: {  	s4 =	ssub.s32 $0x0, s20;
	[sflag:s22] =	ssyncset.done $0x0  }
0xa0: {  	[sflag:s22] =	ssyncadd.s32 s4;
	_ =	sdelay $0x1  }
0xa1: {  	s23 =	simm.s32 $0x1B8B  }
0xa2: {  	_ =	swait.ge [sflag:s23], $0x1  }
0xa3: {  	[sflag:s23] =	ssyncset.done $0x0  }
0xa4: {  	s25 =	simm.s32 $0x1B8E;
	s24 =	sld [smem:$0x3FFE];
	[sflag:s23] =	ssyncadd.s32 $0xFFFFFFFF  }
0xa5: {  	s26 =	simm.s32 $execute0_lowered;
	[smem:$0x3FD2] =	sst s25  }
0xa6: {  	s5 =	sshll.u32 s26, $0x1;
	_ =	strace $0x80000046;
	[dreg:$0x1] =	wrdreg $0xFFFFFFFF  }
0xa7: {  	s28 =	simm.s32 $_size_execute0_lowered;
	s3 =	sadd.s32 s3, s5;
	[dreg:$0x0] =	wrdreg $0x0  }
0xa8: {  	s5 =	sshll.u32 s28, $0x1;
	[dreg:$0x2] =	wrdreg s3  }
0xa9: {  	[dreg:$0x3] =	wrdreg s5  }
0xaa: {  	[dreg:$0x4] =	wrdreg $0xC0  }
0xab: {  	_ =	task [dreg:s7], $0x5FFFF  }
0xac: {  	[dreg:$0x1] =	wrdreg $0xFFFFFFFF  }
0xad: {  	[dreg:$0x0] =	wrdreg $0x60  }
0xae: {  	[dreg:$0x2] =	wrdreg s2  }
0xaf: {  	[dreg:$0x3] =	wrdreg s24  }
0xb0: {  	[dreg:$0x4] =	wrdreg $0xB1000  }
0xb1: {  	[dreg:$0x5] =	wrdreg $0x9  }
0xb2: {  	_ =	task.clear_ibuf [dreg:s7], $0x6FFFF;
	_ =	strace $0x90000046  }
0xb3: {  	s29 =	simm.s32 $0x9;
	_ =	strace $0x80000048  }
0xb4: {  	_ =	swait.ge [sflag:s29], $0x1  }
0xb5: {  	[sflag:s29] =	ssyncadd.s32 $0xFFFFFFFF  }
0xb6: {  	_ =	strace $0x90000048  }
0xb7: {  	_ =	sfence  }
0xb8: {  	s30 =	sld [smem:$0x0];
	_ =	sdelay $0x2  }
0xb9: {  	s31 =	sshll.u32 s1, $0xD;
	s1 =	sshrl.u32 s1, $0x2  }
0xba: {  	s3 =	sand.u32 $0x4000, s31;
	s1 =	sadd.s32 s1, s30  }
0xbb: {  	s0 =	sor.u32 s3, s0;
	s1 =	sshll.u32 s1, $0x11  }
0xbc: {  	s0 =	sor.u32 s1, s0  }
0xbd: {  	s0 =	sadd.s32 $0x8F2B, s0  }
0xbe: {  	[sflag:s0] =	ssyncadd.remote.s32 $0x1  }
0xbf: {  	_ =	sfence.sel $0xFFFF  }
0xc0: {  	[dreg:$0x0] =	wrdreg $0xFFFFFFFF;
	(pc) =	sbr.abs _section_cstart, $3  }
0xc1: {  	[dreg:$0x1] =	wrdreg $0xFFFFFFFF  }
0xc2: {  	_ =	task.clear_ibuf [dreg:s7], $0x2FFFF;
	_ =	strace $0x9FFFFFFF  }
0xc3: {  	(tm) =	ssettm $0x7FFFFFFF  }
tec
execute0_lowered:
.L_overlay_start_1:
0x0: {  	(tag) =	ssettag $0x1  }
0x1: {  	s1 =	rddreg [dreg:$0x0]  }
0x2: {  	s0 =	srdreg.scid;
	s7 =	rddreg [dreg:$0x1]  }
0x3: {  	s18 =	stileid.u32;
	s3 =	rddreg [dreg:$0x2]  }
0x4: {  	s4 =	simm.s32 $0x0;
	s28 =	simm.s32 $0x4;
	s29 =	simm.s32 $0x2  }
0x5: {  	s30 =	simm.s32 $0x10;
	s31 =	simm.s32 $0xA880;
	s0 =	sand.u32 $0x1, s0  }
0x6: {  	s2 =	sshll.u32 s18, $0x1;
	[smem:$0x7FF] =	sst s4;
	s5 =	sadd.s32 $0x3C00, s7  }
0x7: {  	s6 =	sadd.s32 $0x17800, s7;
	s9 =	smul.u32 $0x32000, s18;
	s10 =	sor.u32 $0x10, s18  }
0x8: {  	s11 =	sadd.s32 $0x19200, s7;
	s16 =	sshll.u32 s18, $0x6;
	s12 =	smul.u32 $0x32000, s10  }
0x9: {  	p0 =	sgt.u32 s18, $0x8;
	s2 =	sor.u32 s0, s2;
	s14 =	smul.u32 $0x138800, s0  }
0xa: {  	_ =	strace $0x80000047;
	s15 =	ssub.s32 $0x2, s0;
	s10 =	smul.u32 $0xC800, s10  }
0xb: {  	s0 =	smul.u32 $0x2710, s0;
	s13 =	sshrl.u32 s15, $0x1;
	s9 =	sshrl.u32 s9, $0x2  }
0xc: {  	s2 =	smul.u32 $0x2710, s2;
	s13 =	ssub.s32 s15, s13;
	s17 =	sadd.s32 s9, s3  }
0xd: {  	s15 =	smul.u32 $0xC800, s18;
	s19 =	sshrl.u32 s12, $0x2;
	s22 =	sadd.s32 s14, s10  }
0xe: {  	s2 =	sshrl.u32 s2, $0x3;
	s12 =	sadd.s32 s19, s3;
	s23 =	sshrl.u32 s22, $0x3  }
0xf: {  	s25 =	smax.u32 s13, $0x1;
	s17 =	sshrl.u32 s17, $0x3;
	s22 =	simm.s32 $0x6880  }
0x10: {  	s8 =	sadd.s32 s2, s7;
	s7 =	sor.u32 $0x1C06, s16;
	s16 =	smul.u32 $0x4E20, s18  }
0x11: {  	s9 =	sadd.s32 s5, s2;
	[dreg:$0x9] =	wrdreg s25;
	s8 =	sadd.s32 $0xDA00, s8  }
0x12: {  	s21 =	sadd.s32 s15, s14;
	s2 =	sadd.s32 $0x10, s9;
	[dreg:$0x4] =	wrdreg s8  }
0x13: {  	s18 =	simm.s32 $0x6;
	s20 =	sadd.s32 $0x4E0, s9;
	[dreg:$0x5] =	wrdreg s2  }
0x14: {  	s19 =	sshrl.u32 @!p0 s12, $0x3;
	s25 =	simm.s32 $0x3;
	[dreg:$0x6] =	wrdreg s20  }
0x15: {  	s2 =	sshrl.u32 s21, $0x3;
	s0 =	sadd.s32 s0, s16;
	s20 =	simm.s32 $0x80  }
0x16: {  	s21 =	simm.s32 $0x2880;
	s8 =	simm.s32 $0x0;
	s2 =	sadd.s32 s11, s2  }
0x17: {  	s24 =	sadd.s32 $0x180, s0;
	s15 =	sadd.s32 $0x100, s0;
	s0 =	simm.s32 $0x5  }
0x18: {  	[dreg:$0x7] =	wrdreg s2;
	s2 =	sadd.s32 s11, s23;
	s26 =	sshrl.u32 s24, $0x3  }
0x19: {  	s23 =	simm.s32 $0x2780;
	s24 =	simm.s32 $0x2800;
	[dreg:$0x8] =	wrdreg s2  }
0x1a: {  	s16 =	sadd.s32 s26, s5;
	s26 =	simm.s32 $0x1;
	s2 =	simm.s32 $0xA900  }
.LBB2_1:
0x1b: {  	[spmem:s17], [sflag:s7] =	dma.local [hbm:s6], $0x1900  }
0x1c: {  	_ =	swait.ge [sflag:s18], $0x1900  }
0x1d: {  	[sflag:s18] =	ssyncset.done $0x0  }
0x1e: {  	s10 =	simm.s32 @!p0 $0x6;
	[sflag:s18] =	ssyncadd.s32 $0xFFFFE700  }
0x1f: {  	[spmem:s19], [sflag:s7] =	dma.local @!p0 [hbm:s6], $0x1900  }
0x20: {  	_ =	swait.ge @!p0 [sflag:s10], $0x1900  }
0x21: {  	[sflag:s10] =	ssyncset.done @!p0 $0x0  }
0x22: {  	s14 =	rddreg [dreg:$0x4];
	[sflag:s10] =	ssyncadd.s32 @!p0 $0xFFFFE700  }
0x23: {  	[tilespmem:s4], [sflag:$0x6] =	stream.linear.gather [hbm4b:s14+s4], $0x2710, $0x38;
	[tilespmem:$0x1E980] =	vst v63  }
0x24: {  	_ =	swait.ge [sflag:s18], $0x2710  }
0x25: {  	[sflag:s18] =	ssyncset.done $0x0  }
0x26: {  	[sflag:s18] =	ssyncadd.s32 $0xFFFFD8F0  }
0x27: {  	[bflag:$0x0] =	sbarrier.arrive $0xFFFF  }
0x28: {  	[tilespmem:s21], [sflag:$0x1] =	stream.indirect.gather [hbm4b:s1+s20], $0x80, s4, s20, $0xb8;
	[tilespmem:$0x1E980] =	vst v63  }
0x29: {  	_ = 	snop  }
0x2a: {  	[tilespmem:s22], [sflag:$0x2] =	stream.indirect.gather [hbm4b:s1+s20], $0x80, s20, s20, $0xb8;
	[tilespmem:$0x1E980] =	vst v63  }
0x2b: {  	_ = 	snop  }
0x2c: {  	[tilespmem:s23], [sflag:$0x3] =	stream.linear.gather [hbm4b:s9+s4], $0x80, $0x38;
	[tilespmem:$0x1E980] =	vst v63  }
0x2d: {  	s11 =	rddreg [dreg:$0x5]  }
0x2e: {  	[tilespmem:s24], [sflag:$0x4] =	stream.linear.gather [hbm4b:s11+s4], $0x80, $0x38;
	[tilespmem:$0x1E980] =	vst v63  }
0x2f: {  	_ =	swait.ge [sflag:s25], $0x80  }
0x30: {  	[sflag:s25] =	ssyncset.done $0x0  }
0x31: {  	[sflag:s25] =	ssyncadd.s32 $0xFFFFFF80  }
0x32: {  	_ =	swait.ge [sflag:s26], $0x4000  }
0x33: {  	[sflag:s26] =	ssyncset.done $0x0  }
0x34: {  	[sflag:s26] =	ssyncadd.s32 $0xFFFFC000  }
0x35: {  	[spmem:s3] =	stream.indirect.scatter.add.f32 [tilespmem:s21], [sflag:$0x6], $0x80, s23, s20, $0xb8;
	[tilespmem:$0x1E980] =	vst v63  }
0x36: {  	_ =	swait.ge [sflag:s18], $0x4000  }
0x37: {  	[sflag:s18] =	ssyncset.done $0x0  }
0x38: {  	s12 =	simm.s32 $0x100;
	s11 =	sshrl.u32 s15, $0x3;
	[sflag:s18] =	ssyncadd.s32 $0xFFFFC000  }
0x39: {  	[tilespmem:s21], [sflag:$0x1] =	stream.indirect.gather [hbm4b:s1+s20], $0x80, s12, s20, $0xb8;
	[tilespmem:$0x1E980] =	vst v63  }
0x3a: {  	s13 =	sadd.s32 s5, s11  }
0x3b: {  	[tilespmem:s23], [sflag:$0x3] =	stream.linear.gather [hbm4b:s13+s4], $0x80, $0x38;
	[tilespmem:$0x1E980] =	vst v63  }
0x3c: {  	_ =	swait.ge [sflag:s28], $0x80  }
0x3d: {  	[sflag:s28] =	ssyncset.done $0x0  }
0x3e: {  	[sflag:s28] =	ssyncadd.s32 $0xFFFFFF80  }
0x3f: {  	_ =	swait.ge [sflag:s29], $0x4000  }
0x40: {  	[sflag:s29] =	ssyncset.done $0x0  }
0x41: {  	[sflag:s29] =	ssyncadd.s32 $0xFFFFC000  }
0x42: {  	[spmem:s3] =	stream.indirect.scatter.add.f32 [tilespmem:s22], [sflag:$0x6], $0x80, s24, s20, $0xb8;
	[tilespmem:$0x1E980] =	vst v63  }
0x43: {  	s10 =	simm.s32 $0x20;
	_ =	swait.ge [sflag:s18], $0x4000  }
0x44: {  	s14 =	simm.s32 $0x180;
	s11 =	sadd.s32 $0x100, s15;
	[sflag:s18] =	ssyncset.done $0x0  }
0x45: {  	s12 =	simm.s32 $0x200;
	s13 =	sadd.s32 $0x0, s16;
	[sflag:s18] =	ssyncadd.s32 $0xFFFFC000  }
0x46: {  	[tilespmem:s22], [sflag:$0x2] =	stream.indirect.gather [hbm4b:s1+s20], $0x80, s14, s20, $0xb8;
	[tilespmem:$0x1E980] =	vst v63  }
.LBB2_2:
0x47: {  	[tilespmem:s24], [sflag:$0x4] =	stream.linear.gather [hbm4b:s13+s4], $0x80, $0x38;
	[tilespmem:$0x1E980] =	vst v63  }
0x48: {  	s13 =	smov.u32 s10  }
0x49: {  	p1 =	sne.s32 s10, $0x4A0;
	s10 =	sadd.s32 $0x20, s10;
	_ =	swait.ge [sflag:s25], $0x80  }
0x4a: {  	[sflag:s25] =	ssyncset.done $0x0  }
0x4b: {  	[sflag:s25] =	ssyncadd.s32 $0xFFFFFF80  }
0x4c: {  	_ =	swait.ge [sflag:s26], $0x4000  }
0x4d: {  	[sflag:s26] =	ssyncset.done $0x0  }
0x4e: {  	[sflag:s26] =	ssyncadd.s32 $0xFFFFC000  }
0x4f: {  	[spmem:s3] =	stream.indirect.scatter.add.f32 [tilespmem:s21], [sflag:$0x6], $0x80, s23, s20, $0xb8;
	[tilespmem:$0x1E980] =	vst v63  }
0x50: {  	_ =	swait.ge [sflag:s18], $0x4000  }
0x51: {  	[sflag:s18] =	ssyncset.done $0x0  }
0x52: {  	s14 =	sshrl.u32 s11, $0x3;
	[sflag:s18] =	ssyncadd.s32 $0xFFFFC000  }
0x53: {  	[tilespmem:s21], [sflag:$0x1] =	stream.indirect.gather [hbm4b:s1+s20], $0x80, s12, s20, $0xb8;
	[tilespmem:$0x1E980] =	vst v63  }
0x54: {  	s14 =	sadd.s32 s5, s14  }
0x55: {  	[tilespmem:s23], [sflag:$0x3] =	stream.linear.gather [hbm4b:s14+s4], $0x80, $0x38;
	[tilespmem:$0x1E980] =	vst v63  }
0x56: {  	_ =	swait.ge [sflag:s28], $0x80  }
0x57: {  	[sflag:s28] =	ssyncset.done $0x0  }
0x58: {  	[sflag:s28] =	ssyncadd.s32 $0xFFFFFF80  }
0x59: {  	_ =	swait.ge [sflag:s29], $0x4000  }
0x5a: {  	[sflag:s29] =	ssyncset.done $0x0  }
0x5b: {  	[sflag:s29] =	ssyncadd.s32 $0xFFFFC000  }
0x5c: {  	[spmem:s3] =	stream.indirect.scatter.add.f32 [tilespmem:s22], [sflag:$0x6], $0x80, s24, s20, $0xb8;
	[tilespmem:$0x1E980] =	vst v63  }
.Ltmp0:
0x5d: {  	_ =	swait.ge [sflag:s18], $0x4000;
	(pc) =	sbr.rel @p1 .LBB2_2-.Ltmp0, $4  }
0x5e: {  	[sflag:s18] =	ssyncset.done $0x0  }
0x5f: {  	s14 =	sadd.s32 $0x80, s12;
	[sflag:s18] =	ssyncadd.s32 $0xFFFFC000  }
0x60: {  	[tilespmem:s22], [sflag:$0x2] =	stream.indirect.gather [hbm4b:s1+s20], $0x80, s14, s20, $0xb8;
	[tilespmem:$0x1E980] =	vst v63  }
0x61: {  	s11 =	sadd.s32 $0x100, s11;
	s13 =	sadd.s32 s13, s16;
	s12 =	sadd.s32 $0x100, s12  }
0x62: {  	[tilespmem:s24], [sflag:$0x4] =	stream.linear.gather [hbm4b:s13+s4], $0x80, $0x38;
	[tilespmem:$0x1E980] =	vst v63  }
0x63: {  	_ =	swait.ge [sflag:s25], $0x80  }
0x64: {  	[sflag:s25] =	ssyncset.done $0x0  }
0x65: {  	[sflag:s25] =	ssyncadd.s32 $0xFFFFFF80  }
0x66: {  	_ =	swait.ge [sflag:s26], $0x4000  }
0x67: {  	[sflag:s26] =	ssyncset.done $0x0  }
0x68: {  	[sflag:s26] =	ssyncadd.s32 $0xFFFFC000  }
0x69: {  	[spmem:s3] =	stream.indirect.scatter.add.f32 [tilespmem:s21], [sflag:$0x6], $0x80, s23, s20, $0xb8;
	[tilespmem:$0x1E980] =	vst v63  }
0x6a: {  	_ =	swait.ge [sflag:s18], $0x4000  }
0x6b: {  	[sflag:s18] =	ssyncset.done $0x0  }
0x6c: {  	[sflag:s18] =	ssyncadd.s32 $0xFFFFC000  }
0x6d: {  	_ =	swait.ge [sflag:s28], $0x80  }
0x6e: {  	[sflag:s28] =	ssyncset.done $0x0  }
0x6f: {  	[sflag:s28] =	ssyncadd.s32 $0xFFFFFF80  }
0x70: {  	_ =	swait.ge [sflag:s29], $0x4000  }
0x71: {  	[sflag:s29] =	ssyncset.done $0x0  }
0x72: {  	[sflag:s29] =	ssyncadd.s32 $0xFFFFC000  }
0x73: {  	[spmem:s3] =	stream.indirect.scatter.add.f32 [tilespmem:s22], [sflag:$0x6], $0x80, s24, s20, $0xb8;
	[tilespmem:$0x1E980] =	vst v63  }
0x74: {  	_ =	swait.ge [sflag:s18], $0x4000  }
0x75: {  	[sflag:s18] =	ssyncset.done $0x0  }
0x76: {  	s10 =	simm.s32 $0x2700;
	[sflag:s18] =	ssyncadd.s32 $0xFFFFC000  }
0x77: {  	[tilespmem:s2], [sflag:$0x5] =	stream.indirect.gather [hbm4b:s1+s30], $0x80, s10, s30, $0xb8;
	[tilespmem:$0x1E980] =	vst v63  }
0x78: {  	_ =	swait.ge [sflag:s0], $0x800  }
0x79: {  	[sflag:s0] =	ssyncset.done $0x0  }
0x7a: {  	s13 =	rddreg [dreg:$0x6];
	[sflag:s0] =	ssyncadd.s32 $0xFFFFF800  }
0x7b: {  	[tilespmem:s31], [sflag:$0x6] =	stream.linear.gather [hbm4b:s13+s4], $0x10, $0x38;
	[tilespmem:$0x1E980] =	vst v63  }
0x7c: {  	_ =	swait.ge [sflag:s18], $0x10  }
0x7d: {  	[sflag:s18] =	ssyncset.done $0x0  }
0x7e: {  	[sflag:s18] =	ssyncadd.s32 $0xFFFFFFF0  }
0x7f: {  	[spmem:s3] =	stream.indirect.scatter.add.f32 [tilespmem:s2], [sflag:$0x6], $0x80, s31, s30, $0xb8;
	[tilespmem:$0x1E980] =	vst v63  }
0x80: {  	_ =	swait.ge [sflag:s18], $0x800  }
0x81: {  	[sflag:s18] =	ssyncset.done $0x0  }
0x82: {  	[sflag:s18] =	ssyncadd.s32 $0xFFFFF800  }
0x83: {  	[bflag:$0x0] =	sbarrier.arrive $0xFFFF  }
0x84: {  	s14 =	rddreg [dreg:$0x7]  }
0x85: {  	[hbm:s14], [sflag:s7] =	dma.local [spmem:s17], $0x1900  }
0x86: {  	_ =	swait.ge [sflag:s18], $0x1900  }
0x87: {  	[sflag:s18] =	ssyncset.done $0x0  }
0x88: {  	s10 =	rddreg [dreg:$0x8];
	[sflag:s18] =	ssyncadd.s32 $0xFFFFE700  }
0x89: {  	[hbm:s10], [sflag:s7] =	dma.local @!p0 [spmem:s19], $0x1900  }
0x8a: {  	s10 =	simm.s32 @!p0 $0x6  }
0x8b: {  	_ =	swait.ge @!p0 [sflag:s10], $0x1900  }
0x8c: {  	s8 =	sadd.s32 $0x1, s8;
	s11 =	rddreg [dreg:$0x9]  }
0x8d: {  	p1 =	sne.s32 s8, s11  }
.Ltmp1:
0x8e: {  	_ = 	snop;
	(pc) =	sbr.rel @p1 .LBB2_1-.Ltmp1, $3  }
0x8f: {  	_ =	sdelay $0x1  }
0x90: {  	[sflag:s10] =	ssyncset.done @!p0 $0x0  }
0x91: {  	[sflag:s10] =	ssyncadd.s32 @!p0 $0xFFFFE700  }
0x92: {  	_ =	sfence.sel $0x180000  }
0x93: {  	[bflag:$0x0] =	sbarrier.arrive $0xFFFF  }
0x94: {  	_ =	strace $0x90000047  }
0x95: {  	s0 =	stileid.u32;
	[bflag:$0x2] =	sbarrier.arrive $0xFFFF  }
0x96: {  	p0 =	sne.s32 s0, $0x0;
	s0 =	rddreg [dreg:$0x3]  }
0x97: {  	s0 =	sadd.s32 @!p0 $0x100000, s0  }
0x98: {  	[sflag:s0] =	ssyncadd.tile.s32 @!p0 $0x1;
	_ =	shalt  }
.Lfunc_end2:
_tile_overlayer_lowered:
.L_overlay_start_2:
0x99: {  	(tag) =	ssettag $0x2  }
0x9a: {  	s0 =	rddreg [dreg:$0x0];
	s2 =	stileid.u32  }
0x9b: {  	s1 =	rddreg [dreg:$0x1];
	p0 =	sne.s32 s2, $0x0  }
0x9c: {  	s3 =	rddreg [dreg:$0x2];
	[bflag:$0x3] =	sbarrier.arrive $0xFFFF;
	s2 =	simm.s32 @!p0 $0x1C06  }
0x9d: {  	[timem:s3], [sflag:s2] =	dma.local @!p0 [hbm:s0], s1  }
0x9e: {  	s0 =	simm.s32 @!p0 $0x6  }
0x9f: {  	_ =	swait.ge @!p0 [sflag:s0], s1  }
0xa0: {  	s1 =	ssub.s32 @!p0 $0x0, s1;
	[sflag:s0] =	ssyncset.done @!p0 $0x0  }
0xa1: {  	[sflag:s0] =	ssyncadd.s32 @!p0 s1  }
0xa2: {  	[bflag:$0x3] =	sbarrier.arrive $0xFFFF  }
0xa3: {  	_ =	shalt  }

</sc_bundles>
